<compile_context>
chip_gen: v7x
topology: tpu7x:2x2x1
jax: 0.10.2.dev20260603
libtpu: 0.0.44.dev20260713+nightly
codegen_flags: <defaults>
</compile_context>

<pallas_src>
import functools

import jax
import jax.numpy as jnp
from jax import lax
from jax.experimental import pallas as pl
from jax.experimental.pallas import tpu as pltpu
from jax.experimental.pallas import tpu_sc as plsc

_LANES = 16


@functools.cache
def _pos_add_call(B, L, D):
  info = plsc.get_sparse_core_info()
  NC, NS = info.num_cores, info.num_subcores
  NW = NC * NS
  LW = L // NW
  C = min(LW, 8)
  NCHUNK = LW // C
  NV = C * D // _LANES
  NCOL = D // _LANES
  mesh = plsc.VectorSubcoreMesh(core_axis_name="c", subcore_axis_name="s")

  @functools.partial(
      pl.kernel,
      out_type=jax.ShapeDtypeStruct((B, L, D), jnp.float32),
      mesh=mesh,
      scratch_types=[
          [pltpu.VMEM((C, D), jnp.float32)] * 2,
          [[pltpu.VMEM((C, D), jnp.float32)] * 3 for _ in range(B)],
          [pltpu.SemaphoreType.DMA] * 2,
          [[pltpu.SemaphoreType.DMA] * 3 for _ in range(B)],
          [[pltpu.SemaphoreType.DMA] * 3 for _ in range(B)],
      ],
  )
  def k(x_hbm, pos_hbm, out_hbm, pos_v, xb_v, sp, sl, ss):
    wid = lax.axis_index("s") * NC + lax.axis_index("c")
    lbase = wid * LW

    def row(lc):
      return pl.multiple_of(lbase + lc * C, C)

    def pos_load(lc):
      return pltpu.async_copy(pos_hbm.at[pl.ds(row(lc), C)], pos_v[lc % 2],
                              sp[lc % 2])

    def x_load(lc, b):
      return pltpu.async_copy(x_hbm.at[b, pl.ds(row(lc), C)],
                              xb_v[b][lc % 3], sl[b][lc % 3])

    def x_store(lc, b):
      return pltpu.async_copy(xb_v[b][lc % 3],
                              out_hbm.at[b, pl.ds(row(lc), C)],
                              ss[b][lc % 3])

    pos_d = [None] * NCHUNK
    loads = [[None] * B for _ in range(NCHUNK)]
    stores = [[None] * B for _ in range(NCHUNK)]
    pos_d[0] = pos_load(0)
    for b in range(B):
      loads[0][b] = x_load(0, b)
    if NCHUNK > 1:
      pos_d[1] = pos_load(1)
      for b in range(B):
        loads[1][b] = x_load(1, b)

    for lc in range(NCHUNK):
      pos_d[lc].wait()
      for b in range(B):
        loads[lc][b].wait()
      bufs = [xb_v[b][lc % 3] for b in range(B)]
      pos = pos_v[lc % 2]

      @plsc.parallel_loop(0, NV, unroll=4)
      def _(i, _bufs=bufs, _pos=pos):
        r = i // NCOL
        s = pl.ds((i % NCOL) * _LANES, _LANES)
        p = _pos[r, s]
        for _b in _bufs:
          _b[r, s] = _b[r, s] + p

      for b in range(B):
        stores[lc][b] = x_store(lc, b)
      if lc + 2 < NCHUNK:
        pos_d[lc + 2] = pos_load(lc + 2)
        for b in range(B):
          if lc >= 1:
            stores[lc - 1][b].wait()
          loads[lc + 2][b] = x_load(lc + 2, b)

    for lc in range(max(0, NCHUNK - 3), NCHUNK):
      for b in range(B):
        if stores[lc][b] is not None:
          stores[lc][b].wait()

  return k


def kernel(x, pos_table):
  B, L, D = x.shape
  return _pos_add_call(B, L, D)(x, pos_table[:L])

# --- scband reference (transcript-rebuilt; emitter-appended) ---
"""Pipeline reference for scband-positional-encoding-10067403342137 (READ-ONLY COPY).

The authoritative reference and input builder live on the scoring server;
editing this copy changes nothing except your own understanding.
"""

import jax, jax.numpy as jnp
import numpy as np

D_MODEL = 1024
MAX_LEN = 2048
B, L = 4, 2048

def setup_inputs(seed: int = 0) -> dict:
    key = jax.random.key(seed)
    k1, k2 = jax.random.split(key)
    x = jax.random.normal(k1, (B, L, D_MODEL), dtype=jnp.float32)
    # nn.Embedding default init: N(0, 1)
    pos_table = jax.random.normal(k2, (MAX_LEN, D_MODEL), dtype=jnp.float32)
    return {"x": x, "pos_table": pos_table}

def reference(x, pos_table):
    Bv, Lv, Dv = x.shape
    positions = jnp.arange(Lv)  # [L]
    pos_emb = jnp.take(pos_table, positions, axis=0)  # [L, D]
    pos_emb = jnp.broadcast_to(pos_emb[None, :, :], (Bv, Lv, Dv))
    return x + pos_emb

if __name__ == "__main__":
    import jax
    _d = setup_inputs()
    print(jax.jit(kernel)(*tuple(_d.values())))

</pallas_src>

<mosaic_0001>
#map = affine_map<(d0, d1) -> (0, 0, 0)>
#map1 = affine_map<(d0, d1) -> (0, 0)>
module attributes {stable_mosaic.version = 14 : i64} {
  func.func @k(%arg0: i32, %arg1: i32, %arg2: memref<4x2048x1024xf32, #tpu.memory_space<hbm>>, %arg3: memref<2048x1024xf32, #tpu.memory_space<hbm>>, %arg4: memref<4x2048x1024xf32, #tpu.memory_space<hbm>>, %arg5: memref<8x1024xf32, #tpu.memory_space<vmem>>, %arg6: memref<8x1024xf32, #tpu.memory_space<vmem>>, %arg7: memref<8x1024xf32, #tpu.memory_space<vmem>>, %arg8: memref<8x1024xf32, #tpu.memory_space<vmem>>, %arg9: memref<8x1024xf32, #tpu.memory_space<vmem>>, %arg10: memref<8x1024xf32, #tpu.memory_space<vmem>>, %arg11: memref<8x1024xf32, #tpu.memory_space<vmem>>, %arg12: memref<8x1024xf32, #tpu.memory_space<vmem>>, %arg13: memref<8x1024xf32, #tpu.memory_space<vmem>>, %arg14: memref<8x1024xf32, #tpu.memory_space<vmem>>, %arg15: memref<8x1024xf32, #tpu.memory_space<vmem>>, %arg16: memref<8x1024xf32, #tpu.memory_space<vmem>>, %arg17: memref<8x1024xf32, #tpu.memory_space<vmem>>, %arg18: memref<8x1024xf32, #tpu.memory_space<vmem>>, %arg19: memref<!tpu.dma_semaphore, #tpu.memory_space<semaphore_mem>>, %arg20: memref<!tpu.dma_semaphore, #tpu.memory_space<semaphore_mem>>, %arg21: memref<!tpu.dma_semaphore, #tpu.memory_space<semaphore_mem>>, %arg22: memref<!tpu.dma_semaphore, #tpu.memory_space<semaphore_mem>>, %arg23: memref<!tpu.dma_semaphore, #tpu.memory_space<semaphore_mem>>, %arg24: memref<!tpu.dma_semaphore, #tpu.memory_space<semaphore_mem>>, %arg25: memref<!tpu.dma_semaphore, #tpu.memory_space<semaphore_mem>>, %arg26: memref<!tpu.dma_semaphore, #tpu.memory_space<semaphore_mem>>, %arg27: memref<!tpu.dma_semaphore, #tpu.memory_space<semaphore_mem>>, %arg28: memref<!tpu.dma_semaphore, #tpu.memory_space<semaphore_mem>>, %arg29: memref<!tpu.dma_semaphore, #tpu.memory_space<semaphore_mem>>, %arg30: memref<!tpu.dma_semaphore, #tpu.memory_space<semaphore_mem>>, %arg31: memref<!tpu.dma_semaphore, #tpu.memory_space<semaphore_mem>>, %arg32: memref<!tpu.dma_semaphore, #tpu.memory_space<semaphore_mem>>, %arg33: memref<!tpu.dma_semaphore, #tpu.memory_space<semaphore_mem>>, %arg34: memref<!tpu.dma_semaphore, #tpu.memory_space<semaphore_mem>>, %arg35: memref<!tpu.dma_semaphore, #tpu.memory_space<semaphore_mem>>, %arg36: memref<!tpu.dma_semaphore, #tpu.memory_space<semaphore_mem>>, %arg37: memref<!tpu.dma_semaphore, #tpu.memory_space<semaphore_mem>>, %arg38: memref<!tpu.dma_semaphore, #tpu.memory_space<semaphore_mem>>, %arg39: memref<!tpu.dma_semaphore, #tpu.memory_space<semaphore_mem>>, %arg40: memref<!tpu.dma_semaphore, #tpu.memory_space<semaphore_mem>>, %arg41: memref<!tpu.dma_semaphore, #tpu.memory_space<semaphore_mem>>, %arg42: memref<!tpu.dma_semaphore, #tpu.memory_space<semaphore_mem>>, %arg43: memref<!tpu.dma_semaphore, #tpu.memory_space<semaphore_mem>>, %arg44: memref<!tpu.dma_semaphore, #tpu.memory_space<semaphore_mem>>) attributes {dimension_semantics = [#tpu.dimension_semantics<core_parallel>, #tpu.dimension_semantics<subcore_parallel>], iteration_bounds = array<i64: 2, 16>, scalar_prefetch = 0 : i64, scratch_operands = 40 : i64, tpu.core_type = #tpu.core_type<sc_vector_subcore>, window_params = [{transform_indices = #map}, {transform_indices = #map1}, {transform_indices = #map}]} {
    %mul3A = arith.constant 2 : i32
    %mul3A_0 = arith.muli %arg1, %mul3A : i32
    %add3A = arith.addi %mul3A_0, %arg0 : i32
    %mul3A_1 = arith.constant 64 : i32
    %mul3A_2 = arith.muli %add3A, %mul3A_1 : i32
    %add3A_3 = arith.constant 0 : i32
    %add3A_4 = arith.addi %mul3A_2, %add3A_3 : i32
    %multiple_of3A = tpu.assume_multiple %add3A_4, 8 : i32
    %dma_start3A = arith.constant 0 : i32
    %dma_start3A_5 = tpu.memref_slice %arg3[%multiple_of3A, %dma_start3A] : memref<2048x1024xf32, #tpu.memory_space<hbm>> -> memref<8x1024xf32, #tpu.memory_space<hbm>>
    %dma_start3A_6 = arith.constant 0 : i32
    %dma_start3A_7 = tpu.memref_slice %arg3[%multiple_of3A, %dma_start3A_6] : memref<2048x1024xf32, #tpu.memory_space<hbm>> -> memref<8x1024xf32, #tpu.memory_space<hbm>>
    tpu.enqueue_dma source(%dma_start3A_7 : memref<8x1024xf32, #tpu.memory_space<hbm>>) target(%arg5 : memref<8x1024xf32, #tpu.memory_space<vmem>>) target_semaphore(%arg19 : memref<!tpu.dma_semaphore, #tpu.memory_space<semaphore_mem>>)
    %add3A_8 = arith.constant 0 : i32
    %add3A_9 = arith.addi %mul3A_2, %add3A_8 : i32
    %multiple_of3A_10 = tpu.assume_multiple %add3A_9, 8 : i32
    %dma_start3A_11 = arith.constant 0 : i32
    %dma_start3A_12 = arith.constant 0 : i32
    %dma_start3A_13 = tpu.memref_slice %arg2[%dma_start3A_11, %multiple_of3A_10, %dma_start3A_12] : memref<4x2048x1024xf32, #tpu.memory_space<hbm>> -> memref<1x8x1024xf32, #tpu.memory_space<hbm>>
    %dma_start3A_14 = tpu.memref_squeeze %dma_start3A_13 : memref<1x8x1024xf32, #tpu.memory_space<hbm>> -> memref<8x1024xf32, #tpu.memory_space<hbm>>
    %dma_start3A_15 = arith.constant 0 : i32
    %dma_start3A_16 = tpu.memref_slice %arg2[%dma_start3A_11, %multiple_of3A_10, %dma_start3A_15] : memref<4x2048x1024xf32, #tpu.memory_space<hbm>> -> memref<1x8x1024xf32, #tpu.memory_space<hbm>>
    %dma_start3A_17 = tpu.memref_squeeze %dma_start3A_16 : memref<1x8x1024xf32, #tpu.memory_space<hbm>> -> memref<8x1024xf32, #tpu.memory_space<hbm>>
    tpu.enqueue_dma source(%dma_start3A_17 : memref<8x1024xf32, #tpu.memory_space<hbm>>) target(%arg7 : memref<8x1024xf32, #tpu.memory_space<vmem>>) target_semaphore(%arg21 : memref<!tpu.dma_semaphore, #tpu.memory_space<semaphore_mem>>)
    %add3A_18 = arith.constant 0 : i32
    %add3A_19 = arith.addi %mul3A_2, %add3A_18 : i32
    %multiple_of3A_20 = tpu.assume_multiple %add3A_19, 8 : i32
    %dma_start3A_21 = arith.constant 1 : i32
    %dma_start3A_22 = arith.constant 0 : i32
    %dma_start3A_23 = tpu.memref_slice %arg2[%dma_start3A_21, %multiple_of3A_20, %dma_start3A_22] : memref<4x2048x1024xf32, #tpu.memory_space<hbm>> -> memref<1x8x1024xf32, #tpu.memory_space<hbm>>
    %dma_start3A_24 = tpu.memref_squeeze %dma_start3A_23 : memref<1x8x1024xf32, #tpu.memory_space<hbm>> -> memref<8x1024xf32, #tpu.memory_space<hbm>>
    %dma_start3A_25 = arith.constant 0 : i32
    %dma_start3A_26 = tpu.memref_slice %arg2[%dma_start3A_21, %multiple_of3A_20, %dma_start3A_25] : memref<4x2048x1024xf32, #tpu.memory_space<hbm>> -> memref<1x8x1024xf32, #tpu.memory_space<hbm>>
    %dma_start3A_27 = tpu.memref_squeeze %dma_start3A_26 : memref<1x8x1024xf32, #tpu.memory_space<hbm>> -> memref<8x1024xf32, #tpu.memory_space<hbm>>
    tpu.enqueue_dma source(%dma_start3A_27 : memref<8x1024xf32, #tpu.memory_space<hbm>>) target(%arg10 : memref<8x1024xf32, #tpu.memory_space<vmem>>) target_semaphore(%arg24 : memref<!tpu.dma_semaphore, #tpu.memory_space<semaphore_mem>>)
    %add3A_28 = arith.constant 0 : i32
    %add3A_29 = arith.addi %mul3A_2, %add3A_28 : i32
    %multiple_of3A_30 = tpu.assume_multiple %add3A_29, 8 : i32
    %dma_start3A_31 = arith.constant 2 : i32
    %dma_start3A_32 = arith.constant 0 : i32
    %dma_start3A_33 = tpu.memref_slice %arg2[%dma_start3A_31, %multiple_of3A_30, %dma_start3A_32] : memref<4x2048x1024xf32, #tpu.memory_space<hbm>> -> memref<1x8x1024xf32, #tpu.memory_space<hbm>>
    %dma_start3A_34 = tpu.memref_squeeze %dma_start3A_33 : memref<1x8x1024xf32, #tpu.memory_space<hbm>> -> memref<8x1024xf32, #tpu.memory_space<hbm>>
    %dma_start3A_35 = arith.constant 0 : i32
    %dma_start3A_36 = tpu.memref_slice %arg2[%dma_start3A_31, %multiple_of3A_30, %dma_start3A_35] : memref<4x2048x1024xf32, #tpu.memory_space<hbm>> -> memref<1x8x1024xf32, #tpu.memory_space<hbm>>
    %dma_start3A_37 = tpu.memref_squeeze %dma_start3A_36 : memref<1x8x1024xf32, #tpu.memory_space<hbm>> -> memref<8x1024xf32, #tpu.memory_space<hbm>>
    tpu.enqueue_dma source(%dma_start3A_37 : memref<8x1024xf32, #tpu.memory_space<hbm>>) target(%arg13 : memref<8x1024xf32, #tpu.memory_space<vmem>>) target_semaphore(%arg27 : memref<!tpu.dma_semaphore, #tpu.memory_space<semaphore_mem>>)
    %add3A_38 = arith.constant 0 : i32
    %add3A_39 = arith.addi %mul3A_2, %add3A_38 : i32
    %multiple_of3A_40 = tpu.assume_multiple %add3A_39, 8 : i32
    %dma_start3A_41 = arith.constant 3 : i32
    %dma_start3A_42 = arith.constant 0 : i32
    %dma_start3A_43 = tpu.memref_slice %arg2[%dma_start3A_41, %multiple_of3A_40, %dma_start3A_42] : memref<4x2048x1024xf32, #tpu.memory_space<hbm>> -> memref<1x8x1024xf32, #tpu.memory_space<hbm>>
    %dma_start3A_44 = tpu.memref_squeeze %dma_start3A_43 : memref<1x8x1024xf32, #tpu.memory_space<hbm>> -> memref<8x1024xf32, #tpu.memory_space<hbm>>
    %dma_start3A_45 = arith.constant 0 : i32
    %dma_start3A_46 = tpu.memref_slice %arg2[%dma_start3A_41, %multiple_of3A_40, %dma_start3A_45] : memref<4x2048x1024xf32, #tpu.memory_space<hbm>> -> memref<1x8x1024xf32, #tpu.memory_space<hbm>>
    %dma_start3A_47 = tpu.memref_squeeze %dma_start3A_46 : memref<1x8x1024xf32, #tpu.memory_space<hbm>> -> memref<8x1024xf32, #tpu.memory_space<hbm>>
    tpu.enqueue_dma source(%dma_start3A_47 : memref<8x1024xf32, #tpu.memory_space<hbm>>) target(%arg16 : memref<8x1024xf32, #tpu.memory_space<vmem>>) target_semaphore(%arg30 : memref<!tpu.dma_semaphore, #tpu.memory_space<semaphore_mem>>)
    %add3A_48 = arith.constant 8 : i32
    %add3A_49 = arith.addi %mul3A_2, %add3A_48 : i32
    %multiple_of3A_50 = tpu.assume_multiple %add3A_49, 8 : i32
    %dma_start3A_51 = arith.constant 0 : i32
    %dma_start3A_52 = tpu.memref_slice %arg3[%multiple_of3A_50, %dma_start3A_51] : memref<2048x1024xf32, #tpu.memory_space<hbm>> -> memref<8x1024xf32, #tpu.memory_space<hbm>>
    %dma_start3A_53 = arith.constant 0 : i32
    %dma_start3A_54 = tpu.memref_slice %arg3[%multiple_of3A_50, %dma_start3A_53] : memref<2048x1024xf32, #tpu.memory_space<hbm>> -> memref<8x1024xf32, #tpu.memory_space<hbm>>
    tpu.enqueue_dma source(%dma_start3A_54 : memref<8x1024xf32, #tpu.memory_space<hbm>>) target(%arg6 : memref<8x1024xf32, #tpu.memory_space<vmem>>) target_semaphore(%arg20 : memref<!tpu.dma_semaphore, #tpu.memory_space<semaphore_mem>>)
    %add3A_55 = arith.constant 8 : i32
    %add3A_56 = arith.addi %mul3A_2, %add3A_55 : i32
    %multiple_of3A_57 = tpu.assume_multiple %add3A_56, 8 : i32
    %dma_start3A_58 = arith.constant 0 : i32
    %dma_start3A_59 = arith.constant 0 : i32
    %dma_start3A_60 = tpu.memref_slice %arg2[%dma_start3A_58, %multiple_of3A_57, %dma_start3A_59] : memref<4x2048x1024xf32, #tpu.memory_space<hbm>> -> memref<1x8x1024xf32, #tpu.memory_space<hbm>>
    %dma_start3A_61 = tpu.memref_squeeze %dma_start3A_60 : memref<1x8x1024xf32, #tpu.memory_space<hbm>> -> memref<8x1024xf32, #tpu.memory_space<hbm>>
    %dma_start3A_62 = arith.constant 0 : i32
    %dma_start3A_63 = tpu.memref_slice %arg2[%dma_start3A_58, %multiple_of3A_57, %dma_start3A_62] : memref<4x2048x1024xf32, #tpu.memory_space<hbm>> -> memref<1x8x1024xf32, #tpu.memory_space<hbm>>
    %dma_start3A_64 = tpu.memref_squeeze %dma_start3A_63 : memref<1x8x1024xf32, #tpu.memory_space<hbm>> -> memref<8x1024xf32, #tpu.memory_space<hbm>>
    tpu.enqueue_dma source(%dma_start3A_64 : memref<8x1024xf32, #tpu.memory_space<hbm>>) target(%arg8 : memref<8x1024xf32, #tpu.memory_space<vmem>>) target_semaphore(%arg22 : memref<!tpu.dma_semaphore, #tpu.memory_space<semaphore_mem>>)
    %add3A_65 = arith.constant 8 : i32
    %add3A_66 = arith.addi %mul3A_2, %add3A_65 : i32
    %multiple_of3A_67 = tpu.assume_multiple %add3A_66, 8 : i32
    %dma_start3A_68 = arith.constant 1 : i32
    %dma_start3A_69 = arith.constant 0 : i32
    %dma_start3A_70 = tpu.memref_slice %arg2[%dma_start3A_68, %multiple_of3A_67, %dma_start3A_69] : memref<4x2048x1024xf32, #tpu.memory_space<hbm>> -> memref<1x8x1024xf32, #tpu.memory_space<hbm>>
    %dma_start3A_71 = tpu.memref_squeeze %dma_start3A_70 : memref<1x8x1024xf32, #tpu.memory_space<hbm>> -> memref<8x1024xf32, #tpu.memory_space<hbm>>
    %dma_start3A_72 = arith.constant 0 : i32
    %dma_start3A_73 = tpu.memref_slice %arg2[%dma_start3A_68, %multiple_of3A_67, %dma_start3A_72] : memref<4x2048x1024xf32, #tpu.memory_space<hbm>> -> memref<1x8x1024xf32, #tpu.memory_space<hbm>>
    %dma_start3A_74 = tpu.memref_squeeze %dma_start3A_73 : memref<1x8x1024xf32, #tpu.memory_space<hbm>> -> memref<8x1024xf32, #tpu.memory_space<hbm>>
    tpu.enqueue_dma source(%dma_start3A_74 : memref<8x1024xf32, #tpu.memory_space<hbm>>) target(%arg11 : memref<8x1024xf32, #tpu.memory_space<vmem>>) target_semaphore(%arg25 : memref<!tpu.dma_semaphore, #tpu.memory_space<semaphore_mem>>)
    %add3A_75 = arith.constant 8 : i32
    %add3A_76 = arith.addi %mul3A_2, %add3A_75 : i32
    %multiple_of3A_77 = tpu.assume_multiple %add3A_76, 8 : i32
    %dma_start3A_78 = arith.constant 2 : i32
    %dma_start3A_79 = arith.constant 0 : i32
    %dma_start3A_80 = tpu.memref_slice %arg2[%dma_start3A_78, %multiple_of3A_77, %dma_start3A_79] : memref<4x2048x1024xf32, #tpu.memory_space<hbm>> -> memref<1x8x1024xf32, #tpu.memory_space<hbm>>
    %dma_start3A_81 = tpu.memref_squeeze %dma_start3A_80 : memref<1x8x1024xf32, #tpu.memory_space<hbm>> -> memref<8x1024xf32, #tpu.memory_space<hbm>>
    %dma_start3A_82 = arith.constant 0 : i32
    %dma_start3A_83 = tpu.memref_slice %arg2[%dma_start3A_78, %multiple_of3A_77, %dma_start3A_82] : memref<4x2048x1024xf32, #tpu.memory_space<hbm>> -> memref<1x8x1024xf32, #tpu.memory_space<hbm>>
    %dma_start3A_84 = tpu.memref_squeeze %dma_start3A_83 : memref<1x8x1024xf32, #tpu.memory_space<hbm>> -> memref<8x1024xf32, #tpu.memory_space<hbm>>
    tpu.enqueue_dma source(%dma_start3A_84 : memref<8x1024xf32, #tpu.memory_space<hbm>>) target(%arg14 : memref<8x1024xf32, #tpu.memory_space<vmem>>) target_semaphore(%arg28 : memref<!tpu.dma_semaphore, #tpu.memory_space<semaphore_mem>>)
    %add3A_85 = arith.constant 8 : i32
    %add3A_86 = arith.addi %mul3A_2, %add3A_85 : i32
    %multiple_of3A_87 = tpu.assume_multiple %add3A_86, 8 : i32
    %dma_start3A_88 = arith.constant 3 : i32
    %dma_start3A_89 = arith.constant 0 : i32
    %dma_start3A_90 = tpu.memref_slice %arg2[%dma_start3A_88, %multiple_of3A_87, %dma_start3A_89] : memref<4x2048x1024xf32, #tpu.memory_space<hbm>> -> memref<1x8x1024xf32, #tpu.memory_space<hbm>>
    %dma_start3A_91 = tpu.memref_squeeze %dma_start3A_90 : memref<1x8x1024xf32, #tpu.memory_space<hbm>> -> memref<8x1024xf32, #tpu.memory_space<hbm>>
    %dma_start3A_92 = arith.constant 0 : i32
    %dma_start3A_93 = tpu.memref_slice %arg2[%dma_start3A_88, %multiple_of3A_87, %dma_start3A_92] : memref<4x2048x1024xf32, #tpu.memory_space<hbm>> -> memref<1x8x1024xf32, #tpu.memory_space<hbm>>
    %dma_start3A_94 = tpu.memref_squeeze %dma_start3A_93 : memref<1x8x1024xf32, #tpu.memory_space<hbm>> -> memref<8x1024xf32, #tpu.memory_space<hbm>>
    tpu.enqueue_dma source(%dma_start3A_94 : memref<8x1024xf32, #tpu.memory_space<hbm>>) target(%arg17 : memref<8x1024xf32, #tpu.memory_space<vmem>>) target_semaphore(%arg31 : memref<!tpu.dma_semaphore, #tpu.memory_space<semaphore_mem>>)
    %dma_wait3A = arith.constant 0 : i32
    %dma_wait3A_95 = tpu.memref_slice %arg3[%multiple_of3A, %dma_wait3A] : memref<2048x1024xf32, #tpu.memory_space<hbm>> -> memref<8x1024xf32, #tpu.memory_space<hbm>>
    %dma_wait3A_96 = arith.constant 0 : i32
    %dma_wait3A_97 = tpu.memref_slice %arg3[%multiple_of3A, %dma_wait3A_96] : memref<2048x1024xf32, #tpu.memory_space<hbm>> -> memref<8x1024xf32, #tpu.memory_space<hbm>>
    tpu.wait_dma2 semaphore(%arg19 : memref<!tpu.dma_semaphore, #tpu.memory_space<semaphore_mem>>) src(%dma_wait3A_97 : memref<8x1024xf32, #tpu.memory_space<hbm>>) dst(%arg5 : memref<8x1024xf32, #tpu.memory_space<vmem>>)
    %dma_wait3A_98 = arith.constant 0 : i32
    %dma_wait3A_99 = arith.constant 0 : i32
    %dma_wait3A_100 = tpu.memref_slice %arg2[%dma_wait3A_98, %multiple_of3A_10, %dma_wait3A_99] : memref<4x2048x1024xf32, #tpu.memory_space<hbm>> -> memref<1x8x1024xf32, #tpu.memory_space<hbm>>
    %dma_wait3A_101 = tpu.memref_squeeze %dma_wait3A_100 : memref<1x8x1024xf32, #tpu.memory_space<hbm>> -> memref<8x1024xf32, #tpu.memory_space<hbm>>
    %dma_wait3A_102 = arith.constant 0 : i32
    %dma_wait3A_103 = tpu.memref_slice %arg2[%dma_wait3A_98, %multiple_of3A_10, %dma_wait3A_102] : memref<4x2048x1024xf32, #tpu.memory_space<hbm>> -> memref<1x8x1024xf32, #tpu.memory_space<hbm>>
    %dma_wait3A_104 = tpu.memref_squeeze %dma_wait3A_103 : memref<1x8x1024xf32, #tpu.memory_space<hbm>> -> memref<8x1024xf32, #tpu.memory_space<hbm>>
    tpu.wait_dma2 semaphore(%arg21 : memref<!tpu.dma_semaphore, #tpu.memory_space<semaphore_mem>>) src(%dma_wait3A_104 : memref<8x1024xf32, #tpu.memory_space<hbm>>) dst(%arg7 : memref<8x1024xf32, #tpu.memory_space<vmem>>)
    %dma_wait3A_105 = arith.constant 1 : i32
    %dma_wait3A_106 = arith.constant 0 : i32
    %dma_wait3A_107 = tpu.memref_slice %arg2[%dma_wait3A_105, %multiple_of3A_20, %dma_wait3A_106] : memref<4x2048x1024xf32, #tpu.memory_space<hbm>> -> memref<1x8x1024xf32, #tpu.memory_space<hbm>>
    %dma_wait3A_108 = tpu.memref_squeeze %dma_wait3A_107 : memref<1x8x1024xf32, #tpu.memory_space<hbm>> -> memref<8x1024xf32, #tpu.memory_space<hbm>>
    %dma_wait3A_109 = arith.constant 0 : i32
    %dma_wait3A_110 = tpu.memref_slice %arg2[%dma_wait3A_105, %multiple_of3A_20, %dma_wait3A_109] : memref<4x2048x1024xf32, #tpu.memory_space<hbm>> -> memref<1x8x1024xf32, #tpu.memory_space<hbm>>
    %dma_wait3A_111 = tpu.memref_squeeze %dma_wait3A_110 : memref<1x8x1024xf32, #tpu.memory_space<hbm>> -> memref<8x1024xf32, #tpu.memory_space<hbm>>
    tpu.wait_dma2 semaphore(%arg24 : memref<!tpu.dma_semaphore, #tpu.memory_space<semaphore_mem>>) src(%dma_wait3A_111 : memref<8x1024xf32, #tpu.memory_space<hbm>>) dst(%arg10 : memref<8x1024xf32, #tpu.memory_space<vmem>>)
    %dma_wait3A_112 = arith.constant 2 : i32
    %dma_wait3A_113 = arith.constant 0 : i32
    %dma_wait3A_114 = tpu.memref_slice %arg2[%dma_wait3A_112, %multiple_of3A_30, %dma_wait3A_113] : memref<4x2048x1024xf32, #tpu.memory_space<hbm>> -> memref<1x8x1024xf32, #tpu.memory_space<hbm>>
    %dma_wait3A_115 = tpu.memref_squeeze %dma_wait3A_114 : memref<1x8x1024xf32, #tpu.memory_space<hbm>> -> memref<8x1024xf32, #tpu.memory_space<hbm>>
    %dma_wait3A_116 = arith.constant 0 : i32
    %dma_wait3A_117 = tpu.memref_slice %arg2[%dma_wait3A_112, %multiple_of3A_30, %dma_wait3A_116] : memref<4x2048x1024xf32, #tpu.memory_space<hbm>> -> memref<1x8x1024xf32, #tpu.memory_space<hbm>>
    %dma_wait3A_118 = tpu.memref_squeeze %dma_wait3A_117 : memref<1x8x1024xf32, #tpu.memory_space<hbm>> -> memref<8x1024xf32, #tpu.memory_space<hbm>>
    tpu.wait_dma2 semaphore(%arg27 : memref<!tpu.dma_semaphore, #tpu.memory_space<semaphore_mem>>) src(%dma_wait3A_118 : memref<8x1024xf32, #tpu.memory_space<hbm>>) dst(%arg13 : memref<8x1024xf32, #tpu.memory_space<vmem>>)
    %dma_wait3A_119 = arith.constant 3 : i32
    %dma_wait3A_120 = arith.constant 0 : i32
    %dma_wait3A_121 = tpu.memref_slice %arg2[%dma_wait3A_119, %multiple_of3A_40, %dma_wait3A_120] : memref<4x2048x1024xf32, #tpu.memory_space<hbm>> -> memref<1x8x1024xf32, #tpu.memory_space<hbm>>
    %dma_wait3A_122 = tpu.memref_squeeze %dma_wait3A_121 : memref<1x8x1024xf32, #tpu.memory_space<hbm>> -> memref<8x1024xf32, #tpu.memory_space<hbm>>
    %dma_wait3A_123 = arith.constant 0 : i32
    %dma_wait3A_124 = tpu.memref_slice %arg2[%dma_wait3A_119, %multiple_of3A_40, %dma_wait3A_123] : memref<4x2048x1024xf32, #tpu.memory_space<hbm>> -> memref<1x8x1024xf32, #tpu.memory_space<hbm>>
    %dma_wait3A_125 = tpu.memref_squeeze %dma_wait3A_124 : memref<1x8x1024xf32, #tpu.memory_space<hbm>> -> memref<8x1024xf32, #tpu.memory_space<hbm>>
    tpu.wait_dma2 semaphore(%arg30 : memref<!tpu.dma_semaphore, #tpu.memory_space<semaphore_mem>>) src(%dma_wait3A_125 : memref<8x1024xf32, #tpu.memory_space<hbm>>) dst(%arg16 : memref<8x1024xf32, #tpu.memory_space<vmem>>)
    %parallel_loop3A = arith.constant 0 : i32
    %parallel_loop3A_126 = arith.constant 512 : i32
    %parallel_loop3A_127 = arith.constant 1 : i32
    scf.for %parallel_loop3A_1199 = %parallel_loop3A to %parallel_loop3A_126 step %parallel_loop3A_127  : i32 {
      %parallel_loop3A_1200 = arith.constant 64 : i32
      %parallel_loop3A_1201 = arith.divsi %parallel_loop3A_1199, %parallel_loop3A_1200 : i32
      %parallel_loop3A_1202 = arith.constant 0 : i32
      %parallel_loop3A_1203 = arith.cmpi sgt, %parallel_loop3A_1199, %parallel_loop3A_1202 : i32
      %parallel_loop3A_1204 = arith.extui %parallel_loop3A_1203 : i1 to i32
      %parallel_loop3A_1205 = arith.constant 0 : i32
      %parallel_loop3A_1206 = arith.cmpi slt, %parallel_loop3A_1199, %parallel_loop3A_1205 : i32
      %parallel_loop3A_1207 = arith.extui %parallel_loop3A_1206 : i1 to i32
      %parallel_loop3A_1208 = arith.subi %parallel_loop3A_1204, %parallel_loop3A_1207 : i32
      %parallel_loop3A_1209 = arith.constant 0 : i32
      %parallel_loop3A_1210 = arith.cmpi sgt, %parallel_loop3A_1200, %parallel_loop3A_1209 : i32
      %parallel_loop3A_1211 = arith.extui %parallel_loop3A_1210 : i1 to i32
      %parallel_loop3A_1212 = arith.constant 0 : i32
      %parallel_loop3A_1213 = arith.cmpi slt, %parallel_loop3A_1200, %parallel_loop3A_1212 : i32
      %parallel_loop3A_1214 = arith.extui %parallel_loop3A_1213 : i1 to i32
      %parallel_loop3A_1215 = arith.subi %parallel_loop3A_1211, %parallel_loop3A_1214 : i32
      %parallel_loop3A_1216 = arith.cmpi ne, %parallel_loop3A_1208, %parallel_loop3A_1215 : i32
      %parallel_loop3A_1217 = arith.remsi %parallel_loop3A_1199, %parallel_loop3A_1200 : i32
      %parallel_loop3A_1218 = arith.constant 0 : i32
      %parallel_loop3A_1219 = arith.cmpi ne, %parallel_loop3A_1217, %parallel_loop3A_1218 : i32
      %parallel_loop3A_1220 = arith.andi %parallel_loop3A_1216, %parallel_loop3A_1219 : i1
      %parallel_loop3A_1221 = arith.constant 1 : i32
      %parallel_loop3A_1222 = arith.subi %parallel_loop3A_1201, %parallel_loop3A_1221 : i32
      %parallel_loop3A_1223 = arith.select %parallel_loop3A_1220, %parallel_loop3A_1222, %parallel_loop3A_1201 : i32
      %parallel_loop3A_1224 = arith.constant 64 : i32
      %parallel_loop3A_1225 = arith.constant 0 : i32
      %parallel_loop3A_1226 = arith.cmpi eq, %parallel_loop3A_1224, %parallel_loop3A_1225 : i32
      %parallel_loop3A_1227 = arith.constant 1 : i32
      %parallel_loop3A_1228 = arith.select %parallel_loop3A_1226, %parallel_loop3A_1227, %parallel_loop3A_1224 : i32
      %parallel_loop3A_1229 = arith.remsi %parallel_loop3A_1199, %parallel_loop3A_1228 : i32
      %parallel_loop3A_1230 = arith.constant 0 : i32
      %parallel_loop3A_1231 = arith.cmpi ne, %parallel_loop3A_1229, %parallel_loop3A_1230 : i32
      %parallel_loop3A_1232 = arith.constant 0 : i32
      %parallel_loop3A_1233 = arith.cmpi slt, %parallel_loop3A_1229, %parallel_loop3A_1232 : i32
      %parallel_loop3A_1234 = arith.constant 0 : i32
      %parallel_loop3A_1235 = arith.cmpi slt, %parallel_loop3A_1228, %parallel_loop3A_1234 : i32
      %parallel_loop3A_1236 = arith.xori %parallel_loop3A_1233, %parallel_loop3A_1235 : i1
      %parallel_loop3A_1237 = arith.andi %parallel_loop3A_1236, %parallel_loop3A_1231 : i1
      %parallel_loop3A_1238 = arith.addi %parallel_loop3A_1229, %parallel_loop3A_1228 : i32
      %parallel_loop3A_1239 = arith.select %parallel_loop3A_1237, %parallel_loop3A_1238, %parallel_loop3A_1229 : i32
      %parallel_loop3A_1240 = arith.constant 16 : i32
      %parallel_loop3A_1241 = arith.muli %parallel_loop3A_1239, %parallel_loop3A_1240 : i32
      %parallel_loop3A_1242 = arith.index_cast %parallel_loop3A_1223 : i32 to index
      %parallel_loop3A_1243 = arith.index_cast %parallel_loop3A_1241 : i32 to index
      %parallel_loop3A_1244 = tpu.vector_load %arg5[%parallel_loop3A_1242, %parallel_loop3A_1243] {strides = array<i32>} : memref<8x1024xf32, #tpu.memory_space<vmem>>, vector<1x16xf32>,
      %parallel_loop3A_1245 = vector.shape_cast %parallel_loop3A_1244 : vector<1x16xf32> to vector<16xf32>
      %parallel_loop3A_1246 = arith.index_cast %parallel_loop3A_1223 : i32 to index
      %parallel_loop3A_1247 = arith.index_cast %parallel_loop3A_1241 : i32 to index
      %parallel_loop3A_1248 = tpu.vector_load %arg7[%parallel_loop3A_1246, %parallel_loop3A_1247] {strides = array<i32>} : memref<8x1024xf32, #tpu.memory_space<vmem>>, vector<1x16xf32>,
      %parallel_loop3A_1249 = vector.shape_cast %parallel_loop3A_1248 : vector<1x16xf32> to vector<16xf32>
      %parallel_loop3A_1250 = arith.addf %parallel_loop3A_1249, %parallel_loop3A_1245 : vector<16xf32>
      %parallel_loop3A_1251 = arith.index_cast %parallel_loop3A_1223 : i32 to index
      %parallel_loop3A_1252 = arith.index_cast %parallel_loop3A_1241 : i32 to index
      %parallel_loop3A_1253 = tpu.vector_load %arg7[%parallel_loop3A_1251, %parallel_loop3A_1252] {strides = array<i32>} : memref<8x1024xf32, #tpu.memory_space<vmem>>, vector<1x16xf32>,
      %parallel_loop3A_1254 = vector.shape_cast %parallel_loop3A_1253 : vector<1x16xf32> to vector<16xf32>
      %parallel_loop3A_1255 = vector.shape_cast %parallel_loop3A_1250 : vector<16xf32> to vector<1x16xf32>
      tpu.vector_store %arg7[%parallel_loop3A_1251, %parallel_loop3A_1252], %parallel_loop3A_1255 {strides = array<i32>} : memref<8x1024xf32, #tpu.memory_space<vmem>>, vector<1x16xf32>,
      %parallel_loop3A_1256 = arith.index_cast %parallel_loop3A_1223 : i32 to index
      %parallel_loop3A_1257 = arith.index_cast %parallel_loop3A_1241 : i32 to index
      %parallel_loop3A_1258 = tpu.vector_load %arg10[%parallel_loop3A_1256, %parallel_loop3A_1257] {strides = array<i32>} : memref<8x1024xf32, #tpu.memory_space<vmem>>, vector<1x16xf32>,
      %parallel_loop3A_1259 = vector.shape_cast %parallel_loop3A_1258 : vector<1x16xf32> to vector<16xf32>
      %parallel_loop3A_1260 = arith.addf %parallel_loop3A_1259, %parallel_loop3A_1245 : vector<16xf32>
      %parallel_loop3A_1261 = arith.index_cast %parallel_loop3A_1223 : i32 to index
      %parallel_loop3A_1262 = arith.index_cast %parallel_loop3A_1241 : i32 to index
      %parallel_loop3A_1263 = tpu.vector_load %arg10[%parallel_loop3A_1261, %parallel_loop3A_1262] {strides = array<i32>} : memref<8x1024xf32, #tpu.memory_space<vmem>>, vector<1x16xf32>,
      %parallel_loop3A_1264 = vector.shape_cast %parallel_loop3A_1263 : vector<1x16xf32> to vector<16xf32>
      %parallel_loop3A_1265 = vector.shape_cast %parallel_loop3A_1260 : vector<16xf32> to vector<1x16xf32>
      tpu.vector_store %arg10[%parallel_loop3A_1261, %parallel_loop3A_1262], %parallel_loop3A_1265 {strides = array<i32>} : memref<8x1024xf32, #tpu.memory_space<vmem>>, vector<1x16xf32>,
      %parallel_loop3A_1266 = arith.index_cast %parallel_loop3A_1223 : i32 to index
      %parallel_loop3A_1267 = arith.index_cast %parallel_loop3A_1241 : i32 to index
      %parallel_loop3A_1268 = tpu.vector_load %arg13[%parallel_loop3A_1266, %parallel_loop3A_1267] {strides = array<i32>} : memref<8x1024xf32, #tpu.memory_space<vmem>>, vector<1x16xf32>,
      %parallel_loop3A_1269 = vector.shape_cast %parallel_loop3A_1268 : vector<1x16xf32> to vector<16xf32>
      %parallel_loop3A_1270 = arith.addf %parallel_loop3A_1269, %parallel_loop3A_1245 : vector<16xf32>
      %parallel_loop3A_1271 = arith.index_cast %parallel_loop3A_1223 : i32 to index
      %parallel_loop3A_1272 = arith.index_cast %parallel_loop3A_1241 : i32 to index
      %parallel_loop3A_1273 = tpu.vector_load %arg13[%parallel_loop3A_1271, %parallel_loop3A_1272] {strides = array<i32>} : memref<8x1024xf32, #tpu.memory_space<vmem>>, vector<1x16xf32>,
      %parallel_loop3A_1274 = vector.shape_cast %parallel_loop3A_1273 : vector<1x16xf32> to vector<16xf32>
      %parallel_loop3A_1275 = vector.shape_cast %parallel_loop3A_1270 : vector<16xf32> to vector<1x16xf32>
      tpu.vector_store %arg13[%parallel_loop3A_1271, %parallel_loop3A_1272], %parallel_loop3A_1275 {strides = array<i32>} : memref<8x1024xf32, #tpu.memory_space<vmem>>, vector<1x16xf32>,
      %parallel_loop3A_1276 = arith.index_cast %parallel_loop3A_1223 : i32 to index
      %parallel_loop3A_1277 = arith.index_cast %parallel_loop3A_1241 : i32 to index
      %parallel_loop3A_1278 = tpu.vector_load %arg16[%parallel_loop3A_1276, %parallel_loop3A_1277] {strides = array<i32>} : memref<8x1024xf32, #tpu.memory_space<vmem>>, vector<1x16xf32>,
      %parallel_loop3A_1279 = vector.shape_cast %parallel_loop3A_1278 : vector<1x16xf32> to vector<16xf32>
      %parallel_loop3A_1280 = arith.addf %parallel_loop3A_1279, %parallel_loop3A_1245 : vector<16xf32>
      %parallel_loop3A_1281 = arith.index_cast %parallel_loop3A_1223 : i32 to index
      %parallel_loop3A_1282 = arith.index_cast %parallel_loop3A_1241 : i32 to index
      %parallel_loop3A_1283 = tpu.vector_load %arg16[%parallel_loop3A_1281, %parallel_loop3A_1282] {strides = array<i32>} : memref<8x1024xf32, #tpu.memory_space<vmem>>, vector<1x16xf32>,
      %parallel_loop3A_1284 = vector.shape_cast %parallel_loop3A_1283 : vector<1x16xf32> to vector<16xf32>
      %parallel_loop3A_1285 = vector.shape_cast %parallel_loop3A_1280 : vector<16xf32> to vector<1x16xf32>
      tpu.vector_store %arg16[%parallel_loop3A_1281, %parallel_loop3A_1282], %parallel_loop3A_1285 {strides = array<i32>} : memref<8x1024xf32, #tpu.memory_space<vmem>>, vector<1x16xf32>,
    } {sc.loop_unroll_factor = 4 : i64, sc.parallel_access}
    %add3A_128 = arith.constant 0 : i32
    %add3A_129 = arith.addi %mul3A_2, %add3A_128 : i32
    %multiple_of3A_130 = tpu.assume_multiple %add3A_129, 8 : i32
    %dma_start3A_131 = arith.constant 0 : i32
    %dma_start3A_132 = arith.constant 0 : i32
    %dma_start3A_133 = tpu.memref_slice %arg4[%dma_start3A_131, %multiple_of3A_130, %dma_start3A_132] : memref<4x2048x1024xf32, #tpu.memory_space<hbm>> -> memref<1x8x1024xf32, #tpu.memory_space<hbm>>
    %dma_start3A_134 = tpu.memref_squeeze %dma_start3A_133 : memref<1x8x1024xf32, #tpu.memory_space<hbm>> -> memref<8x1024xf32, #tpu.memory_space<hbm>>
    %dma_start3A_135 = arith.constant 0 : i32
    %dma_start3A_136 = tpu.memref_slice %arg4[%dma_start3A_131, %multiple_of3A_130, %dma_start3A_135] : memref<4x2048x1024xf32, #tpu.memory_space<hbm>> -> memref<1x8x1024xf32, #tpu.memory_space<hbm>>
    %dma_start3A_137 = tpu.memref_squeeze %dma_start3A_136 : memref<1x8x1024xf32, #tpu.memory_space<hbm>> -> memref<8x1024xf32, #tpu.memory_space<hbm>>
    tpu.enqueue_dma source(%arg7 : memref<8x1024xf32, #tpu.memory_space<vmem>>) target(%dma_start3A_137 : memref<8x1024xf32, #tpu.memory_space<hbm>>) target_semaphore(%arg33 : memref<!tpu.dma_semaphore, #tpu.memory_space<semaphore_mem>>)
    %add3A_138 = arith.constant 0 : i32
    %add3A_139 = arith.addi %mul3A_2, %add3A_138 : i32
    %multiple_of3A_140 = tpu.assume_multiple %add3A_139, 8 : i32
    %dma_start3A_141 = arith.constant 1 : i32
    %dma_start3A_142 = arith.constant 0 : i32
    %dma_start3A_143 = tpu.memref_slice %arg4[%dma_start3A_141, %multiple_of3A_140, %dma_start3A_142] : memref<4x2048x1024xf32, #tpu.memory_space<hbm>> -> memref<1x8x1024xf32, #tpu.memory_space<hbm>>
    %dma_start3A_144 = tpu.memref_squeeze %dma_start3A_143 : memref<1x8x1024xf32, #tpu.memory_space<hbm>> -> memref<8x1024xf32, #tpu.memory_space<hbm>>
    %dma_start3A_145 = arith.constant 0 : i32
    %dma_start3A_146 = tpu.memref_slice %arg4[%dma_start3A_141, %multiple_of3A_140, %dma_start3A_145] : memref<4x2048x1024xf32, #tpu.memory_space<hbm>> -> memref<1x8x1024xf32, #tpu.memory_space<hbm>>
    %dma_start3A_147 = tpu.memref_squeeze %dma_start3A_146 : memref<1x8x1024xf32, #tpu.memory_space<hbm>> -> memref<8x1024xf32, #tpu.memory_space<hbm>>
    tpu.enqueue_dma source(%arg10 : memref<8x1024xf32, #tpu.memory_space<vmem>>) target(%dma_start3A_147 : memref<8x1024xf32, #tpu.memory_space<hbm>>) target_semaphore(%arg36 : memref<!tpu.dma_semaphore, #tpu.memory_space<semaphore_mem>>)
    %add3A_148 = arith.constant 0 : i32
    %add3A_149 = arith.addi %mul3A_2, %add3A_148 : i32
    %multiple_of3A_150 = tpu.assume_multiple %add3A_149, 8 : i32
    %dma_start3A_151 = arith.constant 2 : i32
    %dma_start3A_152 = arith.constant 0 : i32
    %dma_start3A_153 = tpu.memref_slice %arg4[%dma_start3A_151, %multiple_of3A_150, %dma_start3A_152] : memref<4x2048x1024xf32, #tpu.memory_space<hbm>> -> memref<1x8x1024xf32, #tpu.memory_space<hbm>>
    %dma_start3A_154 = tpu.memref_squeeze %dma_start3A_153 : memref<1x8x1024xf32, #tpu.memory_space<hbm>> -> memref<8x1024xf32, #tpu.memory_space<hbm>>
    %dma_start3A_155 = arith.constant 0 : i32
    %dma_start3A_156 = tpu.memref_slice %arg4[%dma_start3A_151, %multiple_of3A_150, %dma_start3A_155] : memref<4x2048x1024xf32, #tpu.memory_space<hbm>> -> memref<1x8x1024xf32, #tpu.memory_space<hbm>>
    %dma_start3A_157 = tpu.memref_squeeze %dma_start3A_156 : memref<1x8x1024xf32, #tpu.memory_space<hbm>> -> memref<8x1024xf32, #tpu.memory_space<hbm>>
    tpu.enqueue_dma source(%arg13 : memref<8x1024xf32, #tpu.memory_space<vmem>>) target(%dma_start3A_157 : memref<8x1024xf32, #tpu.memory_space<hbm>>) target_semaphore(%arg39 : memref<!tpu.dma_semaphore, #tpu.memory_space<semaphore_mem>>)
    %add3A_158 = arith.constant 0 : i32
    %add3A_159 = arith.addi %mul3A_2, %add3A_158 : i32
    %multiple_of3A_160 = tpu.assume_multiple %add3A_159, 8 : i32
    %dma_start3A_161 = arith.constant 3 : i32
    %dma_start3A_162 = arith.constant 0 : i32
    %dma_start3A_163 = tpu.memref_slice %arg4[%dma_start3A_161, %multiple_of3A_160, %dma_start3A_162] : memref<4x2048x1024xf32, #tpu.memory_space<hbm>> -> memref<1x8x1024xf32, #tpu.memory_space<hbm>>
    %dma_start3A_164 = tpu.memref_squeeze %dma_start3A_163 : memref<1x8x1024xf32, #tpu.memory_space<hbm>> -> memref<8x1024xf32, #tpu.memory_space<hbm>>
    %dma_start3A_165 = arith.constant 0 : i32
    %dma_start3A_166 = tpu.memref_slice %arg4[%dma_start3A_161, %multiple_of3A_160, %dma_start3A_165] : memref<4x2048x1024xf32, #tpu.memory_space<hbm>> -> memref<1x8x1024xf32, #tpu.memory_space<hbm>>
    %dma_start3A_167 = tpu.memref_squeeze %dma_start3A_166 : memref<1x8x1024xf32, #tpu.memory_space<hbm>> -> memref<8x1024xf32, #tpu.memory_space<hbm>>
    tpu.enqueue_dma source(%arg16 : memref<8x1024xf32, #tpu.memory_space<vmem>>) target(%dma_start3A_167 : memref<8x1024xf32, #tpu.memory_space<hbm>>) target_semaphore(%arg42 : memref<!tpu.dma_semaphore, #tpu.memory_space<semaphore_mem>>)
    %add3A_168 = arith.constant 16 : i32
    %add3A_169 = arith.addi %mul3A_2, %add3A_168 : i32
    %multiple_of3A_170 = tpu.assume_multiple %add3A_169, 8 : i32
    %dma_start3A_171 = arith.constant 0 : i32
    %dma_start3A_172 = tpu.memref_slice %arg3[%multiple_of3A_170, %dma_start3A_171] : memref<2048x1024xf32, #tpu.memory_space<hbm>> -> memref<8x1024xf32, #tpu.memory_space<hbm>>
    %dma_start3A_173 = arith.constant 0 : i32
    %dma_start3A_174 = tpu.memref_slice %arg3[%multiple_of3A_170, %dma_start3A_173] : memref<2048x1024xf32, #tpu.memory_space<hbm>> -> memref<8x1024xf32, #tpu.memory_space<hbm>>
    tpu.enqueue_dma source(%dma_start3A_174 : memref<8x1024xf32, #tpu.memory_space<hbm>>) target(%arg5 : memref<8x1024xf32, #tpu.memory_space<vmem>>) target_semaphore(%arg19 : memref<!tpu.dma_semaphore, #tpu.memory_space<semaphore_mem>>)
    %add3A_175 = arith.constant 16 : i32
    %add3A_176 = arith.addi %mul3A_2, %add3A_175 : i32
    %multiple_of3A_177 = tpu.assume_multiple %add3A_176, 8 : i32
    %dma_start3A_178 = arith.constant 0 : i32
    %dma_start3A_179 = arith.constant 0 : i32
    %dma_start3A_180 = tpu.memref_slice %arg2[%dma_start3A_178, %multiple_of3A_177, %dma_start3A_179] : memref<4x2048x1024xf32, #tpu.memory_space<hbm>> -> memref<1x8x1024xf32, #tpu.memory_space<hbm>>
    %dma_start3A_181 = tpu.memref_squeeze %dma_start3A_180 : memref<1x8x1024xf32, #tpu.memory_space<hbm>> -> memref<8x1024xf32, #tpu.memory_space<hbm>>
    %dma_start3A_182 = arith.constant 0 : i32
    %dma_start3A_183 = tpu.memref_slice %arg2[%dma_start3A_178, %multiple_of3A_177, %dma_start3A_182] : memref<4x2048x1024xf32, #tpu.memory_space<hbm>> -> memref<1x8x1024xf32, #tpu.memory_space<hbm>>
    %dma_start3A_184 = tpu.memref_squeeze %dma_start3A_183 : memref<1x8x1024xf32, #tpu.memory_space<hbm>> -> memref<8x1024xf32, #tpu.memory_space<hbm>>
    tpu.enqueue_dma source(%dma_start3A_184 : memref<8x1024xf32, #tpu.memory_space<hbm>>) target(%arg9 : memref<8x1024xf32, #tpu.memory_space<vmem>>) target_semaphore(%arg23 : memref<!tpu.dma_semaphore, #tpu.memory_space<semaphore_mem>>)
    %add3A_185 = arith.constant 16 : i32
    %add3A_186 = arith.addi %mul3A_2, %add3A_185 : i32
    %multiple_of3A_187 = tpu.assume_multiple %add3A_186, 8 : i32
    %dma_start3A_188 = arith.constant 1 : i32
    %dma_start3A_189 = arith.constant 0 : i32
    %dma_start3A_190 = tpu.memref_slice %arg2[%dma_start3A_188, %multiple_of3A_187, %dma_start3A_189] : memref<4x2048x1024xf32, #tpu.memory_space<hbm>> -> memref<1x8x1024xf32, #tpu.memory_space<hbm>>
    %dma_start3A_191 = tpu.memref_squeeze %dma_start3A_190 : memref<1x8x1024xf32, #tpu.memory_space<hbm>> -> memref<8x1024xf32, #tpu.memory_space<hbm>>
    %dma_start3A_192 = arith.constant 0 : i32
    %dma_start3A_193 = tpu.memref_slice %arg2[%dma_start3A_188, %multiple_of3A_187, %dma_start3A_192] : memref<4x2048x1024xf32, #tpu.memory_space<hbm>> -> memref<1x8x1024xf32, #tpu.memory_space<hbm>>
    %dma_start3A_194 = tpu.memref_squeeze %dma_start3A_193 : memref<1x8x1024xf32, #tpu.memory_space<hbm>> -> memref<8x1024xf32, #tpu.memory_space<hbm>>
    tpu.enqueue_dma source(%dma_start3A_194 : memref<8x1024xf32, #tpu.memory_space<hbm>>) target(%arg12 : memref<8x1024xf32, #tpu.memory_space<vmem>>) target_semaphore(%arg26 : memref<!tpu.dma_semaphore, #tpu.memory_space<semaphore_mem>>)
    %add3A_195 = arith.constant 16 : i32
    %add3A_196 = arith.addi %mul3A_2, %add3A_195 : i32
    %multiple_of3A_197 = tpu.assume_multiple %add3A_196, 8 : i32
    %dma_start3A_198 = arith.constant 2 : i32
    %dma_start3A_199 = arith.constant 0 : i32
    %dma_start3A_200 = tpu.memref_slice %arg2[%dma_start3A_198, %multiple_of3A_197, %dma_start3A_199] : memref<4x2048x1024xf32, #tpu.memory_space<hbm>> -> memref<1x8x1024xf32, #tpu.memory_space<hbm>>
    %dma_start3A_201 = tpu.memref_squeeze %dma_start3A_200 : memref<1x8x1024xf32, #tpu.memory_space<hbm>> -> memref<8x1024xf32, #tpu.memory_space<hbm>>
    %dma_start3A_202 = arith.constant 0 : i32
    %dma_start3A_203 = tpu.memref_slice %arg2[%dma_start3A_198, %multiple_of3A_197, %dma_start3A_202] : memref<4x2048x1024xf32, #tpu.memory_space<hbm>> -> memref<1x8x1024xf32, #tpu.memory_space<hbm>>
    %dma_start3A_204 = tpu.memref_squeeze %dma_start3A_203 : memref<1x8x1024xf32, #tpu.memory_space<hbm>> -> memref<8x1024xf32, #tpu.memory_space<hbm>>
    tpu.enqueue_dma source(%dma_start3A_204 : memref<8x1024xf32, #tpu.memory_space<hbm>>) target(%arg15 : memref<8x1024xf32, #tpu.memory_space<vmem>>) target_semaphore(%arg29 : memref<!tpu.dma_semaphore, #tpu.memory_space<semaphore_mem>>)
    %add3A_205 = arith.constant 16 : i32
    %add3A_206 = arith.addi %mul3A_2, %add3A_205 : i32
    %multiple_of3A_207 = tpu.assume_multiple %add3A_206, 8 : i32
    %dma_start3A_208 = arith.constant 3 : i32
    %dma_start3A_209 = arith.constant 0 : i32
    %dma_start3A_210 = tpu.memref_slice %arg2[%dma_start3A_208, %multiple_of3A_207, %dma_start3A_209] : memref<4x2048x1024xf32, #tpu.memory_space<hbm>> -> memref<1x8x1024xf32, #tpu.memory_space<hbm>>
    %dma_start3A_211 = tpu.memref_squeeze %dma_start3A_210 : memref<1x8x1024xf32, #tpu.memory_space<hbm>> -> memref<8x1024xf32, #tpu.memory_space<hbm>>
    %dma_start3A_212 = arith.constant 0 : i32
    %dma_start3A_213 = tpu.memref_slice %arg2[%dma_start3A_208, %multiple_of3A_207, %dma_start3A_212] : memref<4x2048x1024xf32, #tpu.memory_space<hbm>> -> memref<1x8x1024xf32, #tpu.memory_space<hbm>>
    %dma_start3A_214 = tpu.memref_squeeze %dma_start3A_213 : memref<1x8x1024xf32, #tpu.memory_space<hbm>> -> memref<8x1024xf32, #tpu.memory_space<hbm>>
    tpu.enqueue_dma source(%dma_start3A_214 : memref<8x1024xf32, #tpu.memory_space<hbm>>) target(%arg18 : memref<8x1024xf32, #tpu.memory_space<vmem>>) target_semaphore(%arg32 : memref<!tpu.dma_semaphore, #tpu.memory_space<semaphore_mem>>)
    %dma_wait3A_215 = arith.constant 0 : i32
    %dma_wait3A_216 = tpu.memref_slice %arg3[%multiple_of3A_50, %dma_wait3A_215] : memref<2048x1024xf32, #tpu.memory_space<hbm>> -> memref<8x1024xf32, #tpu.memory_space<hbm>>
    %dma_wait3A_217 = arith.constant 0 : i32
    %dma_wait3A_218 = tpu.memref_slice %arg3[%multiple_of3A_50, %dma_wait3A_217] : memref<2048x1024xf32, #tpu.memory_space<hbm>> -> memref<8x1024xf32, #tpu.memory_space<hbm>>
    tpu.wait_dma2 semaphore(%arg20 : memref<!tpu.dma_semaphore, #tpu.memory_space<semaphore_mem>>) src(%dma_wait3A_218 : memref<8x1024xf32, #tpu.memory_space<hbm>>) dst(%arg6 : memref<8x1024xf32, #tpu.memory_space<vmem>>)
    %dma_wait3A_219 = arith.constant 0 : i32
    %dma_wait3A_220 = arith.constant 0 : i32
    %dma_wait3A_221 = tpu.memref_slice %arg2[%dma_wait3A_219, %multiple_of3A_57, %dma_wait3A_220] : memref<4x2048x1024xf32, #tpu.memory_space<hbm>> -> memref<1x8x1024xf32, #tpu.memory_space<hbm>>
    %dma_wait3A_222 = tpu.memref_squeeze %dma_wait3A_221 : memref<1x8x1024xf32, #tpu.memory_space<hbm>> -> memref<8x1024xf32, #tpu.memory_space<hbm>>
    %dma_wait3A_223 = arith.constant 0 : i32
    %dma_wait3A_224 = tpu.memref_slice %arg2[%dma_wait3A_219, %multiple_of3A_57, %dma_wait3A_223] : memref<4x2048x1024xf32, #tpu.memory_space<hbm>> -> memref<1x8x1024xf32, #tpu.memory_space<hbm>>
    %dma_wait3A_225 = tpu.memref_squeeze %dma_wait3A_224 : memref<1x8x1024xf32, #tpu.memory_space<hbm>> -> memref<8x1024xf32, #tpu.memory_space<hbm>>
    tpu.wait_dma2 semaphore(%arg22 : memref<!tpu.dma_semaphore, #tpu.memory_space<semaphore_mem>>) src(%dma_wait3A_225 : memref<8x1024xf32, #tpu.memory_space<hbm>>) dst(%arg8 : memref<8x1024xf32, #tpu.memory_space<vmem>>)
    %dma_wait3A_226 = arith.constant 1 : i32
    %dma_wait3A_227 = arith.constant 0 : i32
    %dma_wait3A_228 = tpu.memref_slice %arg2[%dma_wait3A_226, %multiple_of3A_67, %dma_wait3A_227] : memref<4x2048x1024xf32, #tpu.memory_space<hbm>> -> memref<1x8x1024xf32, #tpu.memory_space<hbm>>
    %dma_wait3A_229 = tpu.memref_squeeze %dma_wait3A_228 : memref<1x8x1024xf32, #tpu.memory_space<hbm>> -> memref<8x1024xf32, #tpu.memory_space<hbm>>
    %dma_wait3A_230 = arith.constant 0 : i32
    %dma_wait3A_231 = tpu.memref_slice %arg2[%dma_wait3A_226, %multiple_of3A_67, %dma_wait3A_230] : memref<4x2048x1024xf32, #tpu.memory_space<hbm>> -> memref<1x8x1024xf32, #tpu.memory_space<hbm>>
    %dma_wait3A_232 = tpu.memref_squeeze %dma_wait3A_231 : memref<1x8x1024xf32, #tpu.memory_space<hbm>> -> memref<8x1024xf32, #tpu.memory_space<hbm>>
    tpu.wait_dma2 semaphore(%arg25 : memref<!tpu.dma_semaphore, #tpu.memory_space<semaphore_mem>>) src(%dma_wait3A_232 : memref<8x1024xf32, #tpu.memory_space<hbm>>) dst(%arg11 : memref<8x1024xf32, #tpu.memory_space<vmem>>)
    %dma_wait3A_233 = arith.constant 2 : i32
    %dma_wait3A_234 = arith.constant 0 : i32
    %dma_wait3A_235 = tpu.memref_slice %arg2[%dma_wait3A_233, %multiple_of3A_77, %dma_wait3A_234] : memref<4x2048x1024xf32, #tpu.memory_space<hbm>> -> memref<1x8x1024xf32, #tpu.memory_space<hbm>>
    %dma_wait3A_236 = tpu.memref_squeeze %dma_wait3A_235 : memref<1x8x1024xf32, #tpu.memory_space<hbm>> -> memref<8x1024xf32, #tpu.memory_space<hbm>>
    %dma_wait3A_237 = arith.constant 0 : i32
    %dma_wait3A_238 = tpu.memref_slice %arg2[%dma_wait3A_233, %multiple_of3A_77, %dma_wait3A_237] : memref<4x2048x1024xf32, #tpu.memory_space<hbm>> -> memref<1x8x1024xf32, #tpu.memory_space<hbm>>
    %dma_wait3A_239 = tpu.memref_squeeze %dma_wait3A_238 : memref<1x8x1024xf32, #tpu.memory_space<hbm>> -> memref<8x1024xf32, #tpu.memory_space<hbm>>
    tpu.wait_dma2 semaphore(%arg28 : memref<!tpu.dma_semaphore, #tpu.memory_space<semaphore_mem>>) src(%dma_wait3A_239 : memref<8x1024xf32, #tpu.memory_space<hbm>>) dst(%arg14 : memref<8x1024xf32, #tpu.memory_space<vmem>>)
    %dma_wait3A_240 = arith.constant 3 : i32
    %dma_wait3A_241 = arith.constant 0 : i32
    %dma_wait3A_242 = tpu.memref_slice %arg2[%dma_wait3A_240, %multiple_of3A_87, %dma_wait3A_241] : memref<4x2048x1024xf32, #tpu.memory_space<hbm>> -> memref<1x8x1024xf32, #tpu.memory_space<hbm>>
    %dma_wait3A_243 = tpu.memref_squeeze %dma_wait3A_242 : memref<1x8x1024xf32, #tpu.memory_space<hbm>> -> memref<8x1024xf32, #tpu.memory_space<hbm>>
    %dma_wait3A_244 = arith.constant 0 : i32
    %dma_wait3A_245 = tpu.memref_slice %arg2[%dma_wait3A_240, %multiple_of3A_87, %dma_wait3A_244] : memref<4x2048x1024xf32, #tpu.memory_space<hbm>> -> memref<1x8x1024xf32, #tpu.memory_space<hbm>>
    %dma_wait3A_246 = tpu.memref_squeeze %dma_wait3A_245 : memref<1x8x1024xf32, #tpu.memory_space<hbm>> -> memref<8x1024xf32, #tpu.memory_space<hbm>>
    tpu.wait_dma2 semaphore(%arg31 : memref<!tpu.dma_semaphore, #tpu.memory_space<semaphore_mem>>) src(%dma_wait3A_246 : memref<8x1024xf32, #tpu.memory_space<hbm>>) dst(%arg17 : memref<8x1024xf32, #tpu.memory_space<vmem>>)
    %parallel_loop3A_247 = arith.constant 0 : i32
    %parallel_loop3A_248 = arith.constant 512 : i32
    %parallel_loop3A_249 = arith.constant 1 : i32
    scf.for %parallel_loop3A_1199 = %parallel_loop3A_247 to %parallel_loop3A_248 step %parallel_loop3A_249  : i32 {
      %parallel_loop3A_1200 = arith.constant 64 : i32
      %parallel_loop3A_1201 = arith.divsi %parallel_loop3A_1199, %parallel_loop3A_1200 : i32
      %parallel_loop3A_1202 = arith.constant 0 : i32
      %parallel_loop3A_1203 = arith.cmpi sgt, %parallel_loop3A_1199, %parallel_loop3A_1202 : i32
      %parallel_loop3A_1204 = arith.extui %parallel_loop3A_1203 : i1 to i32
      %parallel_loop3A_1205 = arith.constant 0 : i32
      %parallel_loop3A_1206 = arith.cmpi slt, %parallel_loop3A_1199, %parallel_loop3A_1205 : i32
      %parallel_loop3A_1207 = arith.extui %parallel_loop3A_1206 : i1 to i32
      %parallel_loop3A_1208 = arith.subi %parallel_loop3A_1204, %parallel_loop3A_1207 : i32
      %parallel_loop3A_1209 = arith.constant 0 : i32
      %parallel_loop3A_1210 = arith.cmpi sgt, %parallel_loop3A_1200, %parallel_loop3A_1209 : i32
      %parallel_loop3A_1211 = arith.extui %parallel_loop3A_1210 : i1 to i32
      %parallel_loop3A_1212 = arith.constant 0 : i32
      %parallel_loop3A_1213 = arith.cmpi slt, %parallel_loop3A_1200, %parallel_loop3A_1212 : i32
      %parallel_loop3A_1214 = arith.extui %parallel_loop3A_1213 : i1 to i32
      %parallel_loop3A_1215 = arith.subi %parallel_loop3A_1211, %parallel_loop3A_1214 : i32
      %parallel_loop3A_1216 = arith.cmpi ne, %parallel_loop3A_1208, %parallel_loop3A_1215 : i32
      %parallel_loop3A_1217 = arith.remsi %parallel_loop3A_1199, %parallel_loop3A_1200 : i32
      %parallel_loop3A_1218 = arith.constant 0 : i32
      %parallel_loop3A_1219 = arith.cmpi ne, %parallel_loop3A_1217, %parallel_loop3A_1218 : i32
      %parallel_loop3A_1220 = arith.andi %parallel_loop3A_1216, %parallel_loop3A_1219 : i1
      %parallel_loop3A_1221 = arith.constant 1 : i32
      %parallel_loop3A_1222 = arith.subi %parallel_loop3A_1201, %parallel_loop3A_1221 : i32
      %parallel_loop3A_1223 = arith.select %parallel_loop3A_1220, %parallel_loop3A_1222, %parallel_loop3A_1201 : i32
      %parallel_loop3A_1224 = arith.constant 64 : i32
      %parallel_loop3A_1225 = arith.constant 0 : i32
      %parallel_loop3A_1226 = arith.cmpi eq, %parallel_loop3A_1224, %parallel_loop3A_1225 : i32
      %parallel_loop3A_1227 = arith.constant 1 : i32
      %parallel_loop3A_1228 = arith.select %parallel_loop3A_1226, %parallel_loop3A_1227, %parallel_loop3A_1224 : i32
      %parallel_loop3A_1229 = arith.remsi %parallel_loop3A_1199, %parallel_loop3A_1228 : i32
      %parallel_loop3A_1230 = arith.constant 0 : i32
      %parallel_loop3A_1231 = arith.cmpi ne, %parallel_loop3A_1229, %parallel_loop3A_1230 : i32
      %parallel_loop3A_1232 = arith.constant 0 : i32
      %parallel_loop3A_1233 = arith.cmpi slt, %parallel_loop3A_1229, %parallel_loop3A_1232 : i32
      %parallel_loop3A_1234 = arith.constant 0 : i32
      %parallel_loop3A_1235 = arith.cmpi slt, %parallel_loop3A_1228, %parallel_loop3A_1234 : i32
      %parallel_loop3A_1236 = arith.xori %parallel_loop3A_1233, %parallel_loop3A_1235 : i1
      %parallel_loop3A_1237 = arith.andi %parallel_loop3A_1236, %parallel_loop3A_1231 : i1
      %parallel_loop3A_1238 = arith.addi %parallel_loop3A_1229, %parallel_loop3A_1228 : i32
      %parallel_loop3A_1239 = arith.select %parallel_loop3A_1237, %parallel_loop3A_1238, %parallel_loop3A_1229 : i32
      %parallel_loop3A_1240 = arith.constant 16 : i32
      %parallel_loop3A_1241 = arith.muli %parallel_loop3A_1239, %parallel_loop3A_1240 : i32
      %parallel_loop3A_1242 = arith.index_cast %parallel_loop3A_1223 : i32 to index
      %parallel_loop3A_1243 = arith.index_cast %parallel_loop3A_1241 : i32 to index
      %parallel_loop3A_1244 = tpu.vector_load %arg6[%parallel_loop3A_1242, %parallel_loop3A_1243] {strides = array<i32>} : memref<8x1024xf32, #tpu.memory_space<vmem>>, vector<1x16xf32>,
      %parallel_loop3A_1245 = vector.shape_cast %parallel_loop3A_1244 : vector<1x16xf32> to vector<16xf32>
      %parallel_loop3A_1246 = arith.index_cast %parallel_loop3A_1223 : i32 to index
      %parallel_loop3A_1247 = arith.index_cast %parallel_loop3A_1241 : i32 to index
      %parallel_loop3A_1248 = tpu.vector_load %arg8[%parallel_loop3A_1246, %parallel_loop3A_1247] {strides = array<i32>} : memref<8x1024xf32, #tpu.memory_space<vmem>>, vector<1x16xf32>,
      %parallel_loop3A_1249 = vector.shape_cast %parallel_loop3A_1248 : vector<1x16xf32> to vector<16xf32>
      %parallel_loop3A_1250 = arith.addf %parallel_loop3A_1249, %parallel_loop3A_1245 : vector<16xf32>
      %parallel_loop3A_1251 = arith.index_cast %parallel_loop3A_1223 : i32 to index
      %parallel_loop3A_1252 = arith.index_cast %parallel_loop3A_1241 : i32 to index
      %parallel_loop3A_1253 = tpu.vector_load %arg8[%parallel_loop3A_1251, %parallel_loop3A_1252] {strides = array<i32>} : memref<8x1024xf32, #tpu.memory_space<vmem>>, vector<1x16xf32>,
      %parallel_loop3A_1254 = vector.shape_cast %parallel_loop3A_1253 : vector<1x16xf32> to vector<16xf32>
      %parallel_loop3A_1255 = vector.shape_cast %parallel_loop3A_1250 : vector<16xf32> to vector<1x16xf32>
      tpu.vector_store %arg8[%parallel_loop3A_1251, %parallel_loop3A_1252], %parallel_loop3A_1255 {strides = array<i32>} : memref<8x1024xf32, #tpu.memory_space<vmem>>, vector<1x16xf32>,
      %parallel_loop3A_1256 = arith.index_cast %parallel_loop3A_1223 : i32 to index
      %parallel_loop3A_1257 = arith.index_cast %parallel_loop3A_1241 : i32 to index
      %parallel_loop3A_1258 = tpu.vector_load %arg11[%parallel_loop3A_1256, %parallel_loop3A_1257] {strides = array<i32>} : memref<8x1024xf32, #tpu.memory_space<vmem>>, vector<1x16xf32>,
      %parallel_loop3A_1259 = vector.shape_cast %parallel_loop3A_1258 : vector<1x16xf32> to vector<16xf32>
      %parallel_loop3A_1260 = arith.addf %parallel_loop3A_1259, %parallel_loop3A_1245 : vector<16xf32>
      %parallel_loop3A_1261 = arith.index_cast %parallel_loop3A_1223 : i32 to index
      %parallel_loop3A_1262 = arith.index_cast %parallel_loop3A_1241 : i32 to index
      %parallel_loop3A_1263 = tpu.vector_load %arg11[%parallel_loop3A_1261, %parallel_loop3A_1262] {strides = array<i32>} : memref<8x1024xf32, #tpu.memory_space<vmem>>, vector<1x16xf32>,
      %parallel_loop3A_1264 = vector.shape_cast %parallel_loop3A_1263 : vector<1x16xf32> to vector<16xf32>
      %parallel_loop3A_1265 = vector.shape_cast %parallel_loop3A_1260 : vector<16xf32> to vector<1x16xf32>
      tpu.vector_store %arg11[%parallel_loop3A_1261, %parallel_loop3A_1262], %parallel_loop3A_1265 {strides = array<i32>} : memref<8x1024xf32, #tpu.memory_space<vmem>>, vector<1x16xf32>,
      %parallel_loop3A_1266 = arith.index_cast %parallel_loop3A_1223 : i32 to index
      %parallel_loop3A_1267 = arith.index_cast %parallel_loop3A_1241 : i32 to index
      %parallel_loop3A_1268 = tpu.vector_load %arg14[%parallel_loop3A_1266, %parallel_loop3A_1267] {strides = array<i32>} : memref<8x1024xf32, #tpu.memory_space<vmem>>, vector<1x16xf32>,
      %parallel_loop3A_1269 = vector.shape_cast %parallel_loop3A_1268 : vector<1x16xf32> to vector<16xf32>
      %parallel_loop3A_1270 = arith.addf %parallel_loop3A_1269, %parallel_loop3A_1245 : vector<16xf32>
      %parallel_loop3A_1271 = arith.index_cast %parallel_loop3A_1223 : i32 to index
      %parallel_loop3A_1272 = arith.index_cast %parallel_loop3A_1241 : i32 to index
      %parallel_loop3A_1273 = tpu.vector_load %arg14[%parallel_loop3A_1271, %parallel_loop3A_1272] {strides = array<i32>} : memref<8x1024xf32, #tpu.memory_space<vmem>>, vector<1x16xf32>,
      %parallel_loop3A_1274 = vector.shape_cast %parallel_loop3A_1273 : vector<1x16xf32> to vector<16xf32>
      %parallel_loop3A_1275 = vector.shape_cast %parallel_loop3A_1270 : vector<16xf32> to vector<1x16xf32>
      tpu.vector_store %arg14[%parallel_loop3A_1271, %parallel_loop3A_1272], %parallel_loop3A_1275 {strides = array<i32>} : memref<8x1024xf32, #tpu.memory_space<vmem>>, vector<1x16xf32>,
      %parallel_loop3A_1276 = arith.index_cast %parallel_loop3A_1223 : i32 to index
      %parallel_loop3A_1277 = arith.index_cast %parallel_loop3A_1241 : i32 to index
      %parallel_loop3A_1278 = tpu.vector_load %arg17[%parallel_loop3A_1276, %parallel_loop3A_1277] {strides = array<i32>} : memref<8x1024xf32, #tpu.memory_space<vmem>>, vector<1x16xf32>,
      %parallel_loop3A_1279 = vector.shape_cast %parallel_loop3A_1278 : vector<1x16xf32> to vector<16xf32>
      %parallel_loop3A_1280 = arith.addf %parallel_loop3A_1279, %parallel_loop3A_1245 : vector<16xf32>
      %parallel_loop3A_1281 = arith.index_cast %parallel_loop3A_1223 : i32 to index
      %parallel_loop3A_1282 = arith.index_cast %parallel_loop3A_1241 : i32 to index
      %parallel_loop3A_1283 = tpu.vector_load %arg17[%parallel_loop3A_1281, %parallel_loop3A_1282] {strides = array<i32>} : memref<8x1024xf32, #tpu.memory_space<vmem>>, vector<1x16xf32>,
      %parallel_loop3A_1284 = vector.shape_cast %parallel_loop3A_1283 : vector<1x16xf32> to vector<16xf32>
      %parallel_loop3A_1285 = vector.shape_cast %parallel_loop3A_1280 : vector<16xf32> to vector<1x16xf32>
      tpu.vector_store %arg17[%parallel_loop3A_1281, %parallel_loop3A_1282], %parallel_loop3A_1285 {strides = array<i32>} : memref<8x1024xf32, #tpu.memory_space<vmem>>, vector<1x16xf32>,
    } {sc.loop_unroll_factor = 4 : i64, sc.parallel_access}
    %add3A_250 = arith.constant 8 : i32
    %add3A_251 = arith.addi %mul3A_2, %add3A_250 : i32
    %multiple_of3A_252 = tpu.assume_multiple %add3A_251, 8 : i32
    %dma_start3A_253 = arith.constant 0 : i32
    %dma_start3A_254 = arith.constant 0 : i32
    %dma_start3A_255 = tpu.memref_slice %arg4[%dma_start3A_253, %multiple_of3A_252, %dma_start3A_254] : memref<4x2048x1024xf32, #tpu.memory_space<hbm>> -> memref<1x8x1024xf32, #tpu.memory_space<hbm>>
    %dma_start3A_256 = tpu.memref_squeeze %dma_start3A_255 : memref<1x8x1024xf32, #tpu.memory_space<hbm>> -> memref<8x1024xf32, #tpu.memory_space<hbm>>
    %dma_start3A_257 = arith.constant 0 : i32
    %dma_start3A_258 = tpu.memref_slice %arg4[%dma_start3A_253, %multiple_of3A_252, %dma_start3A_257] : memref<4x2048x1024xf32, #tpu.memory_space<hbm>> -> memref<1x8x1024xf32, #tpu.memory_space<hbm>>
    %dma_start3A_259 = tpu.memref_squeeze %dma_start3A_258 : memref<1x8x1024xf32, #tpu.memory_space<hbm>> -> memref<8x1024xf32, #tpu.memory_space<hbm>>
    tpu.enqueue_dma source(%arg8 : memref<8x1024xf32, #tpu.memory_space<vmem>>) target(%dma_start3A_259 : memref<8x1024xf32, #tpu.memory_space<hbm>>) target_semaphore(%arg34 : memref<!tpu.dma_semaphore, #tpu.memory_space<semaphore_mem>>)
    %add3A_260 = arith.constant 8 : i32
    %add3A_261 = arith.addi %mul3A_2, %add3A_260 : i32
    %multiple_of3A_262 = tpu.assume_multiple %add3A_261, 8 : i32
    %dma_start3A_263 = arith.constant 1 : i32
    %dma_start3A_264 = arith.constant 0 : i32
    %dma_start3A_265 = tpu.memref_slice %arg4[%dma_start3A_263, %multiple_of3A_262, %dma_start3A_264] : memref<4x2048x1024xf32, #tpu.memory_space<hbm>> -> memref<1x8x1024xf32, #tpu.memory_space<hbm>>
    %dma_start3A_266 = tpu.memref_squeeze %dma_start3A_265 : memref<1x8x1024xf32, #tpu.memory_space<hbm>> -> memref<8x1024xf32, #tpu.memory_space<hbm>>
    %dma_start3A_267 = arith.constant 0 : i32
    %dma_start3A_268 = tpu.memref_slice %arg4[%dma_start3A_263, %multiple_of3A_262, %dma_start3A_267] : memref<4x2048x1024xf32, #tpu.memory_space<hbm>> -> memref<1x8x1024xf32, #tpu.memory_space<hbm>>
    %dma_start3A_269 = tpu.memref_squeeze %dma_start3A_268 : memref<1x8x1024xf32, #tpu.memory_space<hbm>> -> memref<8x1024xf32, #tpu.memory_space<hbm>>
    tpu.enqueue_dma source(%arg11 : memref<8x1024xf32, #tpu.memory_space<vmem>>) target(%dma_start3A_269 : memref<8x1024xf32, #tpu.memory_space<hbm>>) target_semaphore(%arg37 : memref<!tpu.dma_semaphore, #tpu.memory_space<semaphore_mem>>)
    %add3A_270 = arith.constant 8 : i32
    %add3A_271 = arith.addi %mul3A_2, %add3A_270 : i32
    %multiple_of3A_272 = tpu.assume_multiple %add3A_271, 8 : i32
    %dma_start3A_273 = arith.constant 2 : i32
    %dma_start3A_274 = arith.constant 0 : i32
    %dma_start3A_275 = tpu.memref_slice %arg4[%dma_start3A_273, %multiple_of3A_272, %dma_start3A_274] : memref<4x2048x1024xf32, #tpu.memory_space<hbm>> -> memref<1x8x1024xf32, #tpu.memory_space<hbm>>
    %dma_start3A_276 = tpu.memref_squeeze %dma_start3A_275 : memref<1x8x1024xf32, #tpu.memory_space<hbm>> -> memref<8x1024xf32, #tpu.memory_space<hbm>>
    %dma_start3A_277 = arith.constant 0 : i32
    %dma_start3A_278 = tpu.memref_slice %arg4[%dma_start3A_273, %multiple_of3A_272, %dma_start3A_277] : memref<4x2048x1024xf32, #tpu.memory_space<hbm>> -> memref<1x8x1024xf32, #tpu.memory_space<hbm>>
    %dma_start3A_279 = tpu.memref_squeeze %dma_start3A_278 : memref<1x8x1024xf32, #tpu.memory_space<hbm>> -> memref<8x1024xf32, #tpu.memory_space<hbm>>
    tpu.enqueue_dma source(%arg14 : memref<8x1024xf32, #tpu.memory_space<vmem>>) target(%dma_start3A_279 : memref<8x1024xf32, #tpu.memory_space<hbm>>) target_semaphore(%arg40 : memref<!tpu.dma_semaphore, #tpu.memory_space<semaphore_mem>>)
    %add3A_280 = arith.constant 8 : i32
    %add3A_281 = arith.addi %mul3A_2, %add3A_280 : i32
    %multiple_of3A_282 = tpu.assume_multiple %add3A_281, 8 : i32
    %dma_start3A_283 = arith.constant 3 : i32
    %dma_start3A_284 = arith.constant 0 : i32
    %dma_start3A_285 = tpu.memref_slice %arg4[%dma_start3A_283, %multiple_of3A_282, %dma_start3A_284] : memref<4x2048x1024xf32, #tpu.memory_space<hbm>> -> memref<1x8x1024xf32, #tpu.memory_space<hbm>>
    %dma_start3A_286 = tpu.memref_squeeze %dma_start3A_285 : memref<1x8x1024xf32, #tpu.memory_space<hbm>> -> memref<8x1024xf32, #tpu.memory_space<hbm>>
    %dma_start3A_287 = arith.constant 0 : i32
    %dma_start3A_288 = tpu.memref_slice %arg4[%dma_start3A_283, %multiple_of3A_282, %dma_start3A_287] : memref<4x2048x1024xf32, #tpu.memory_space<hbm>> -> memref<1x8x1024xf32, #tpu.memory_space<hbm>>
    %dma_start3A_289 = tpu.memref_squeeze %dma_start3A_288 : memref<1x8x1024xf32, #tpu.memory_space<hbm>> -> memref<8x1024xf32, #tpu.memory_space<hbm>>
    tpu.enqueue_dma source(%arg17 : memref<8x1024xf32, #tpu.memory_space<vmem>>) target(%dma_start3A_289 : memref<8x1024xf32, #tpu.memory_space<hbm>>) target_semaphore(%arg43 : memref<!tpu.dma_semaphore, #tpu.memory_space<semaphore_mem>>)
    %add3A_290 = arith.constant 24 : i32
    %add3A_291 = arith.addi %mul3A_2, %add3A_290 : i32
    %multiple_of3A_292 = tpu.assume_multiple %add3A_291, 8 : i32
    %dma_start3A_293 = arith.constant 0 : i32
    %dma_start3A_294 = tpu.memref_slice %arg3[%multiple_of3A_292, %dma_start3A_293] : memref<2048x1024xf32, #tpu.memory_space<hbm>> -> memref<8x1024xf32, #tpu.memory_space<hbm>>
    %dma_start3A_295 = arith.constant 0 : i32
    %dma_start3A_296 = tpu.memref_slice %arg3[%multiple_of3A_292, %dma_start3A_295] : memref<2048x1024xf32, #tpu.memory_space<hbm>> -> memref<8x1024xf32, #tpu.memory_space<hbm>>
    tpu.enqueue_dma source(%dma_start3A_296 : memref<8x1024xf32, #tpu.memory_space<hbm>>) target(%arg6 : memref<8x1024xf32, #tpu.memory_space<vmem>>) target_semaphore(%arg20 : memref<!tpu.dma_semaphore, #tpu.memory_space<semaphore_mem>>)
    %dma_wait3A_297 = arith.constant 0 : i32
    %dma_wait3A_298 = arith.constant 0 : i32
    %dma_wait3A_299 = tpu.memref_slice %arg4[%dma_wait3A_297, %multiple_of3A_130, %dma_wait3A_298] : memref<4x2048x1024xf32, #tpu.memory_space<hbm>> -> memref<1x8x1024xf32, #tpu.memory_space<hbm>>
    %dma_wait3A_300 = tpu.memref_squeeze %dma_wait3A_299 : memref<1x8x1024xf32, #tpu.memory_space<hbm>> -> memref<8x1024xf32, #tpu.memory_space<hbm>>
    %dma_wait3A_301 = arith.constant 0 : i32
    %dma_wait3A_302 = tpu.memref_slice %arg4[%dma_wait3A_297, %multiple_of3A_130, %dma_wait3A_301] : memref<4x2048x1024xf32, #tpu.memory_space<hbm>> -> memref<1x8x1024xf32, #tpu.memory_space<hbm>>
    %dma_wait3A_303 = tpu.memref_squeeze %dma_wait3A_302 : memref<1x8x1024xf32, #tpu.memory_space<hbm>> -> memref<8x1024xf32, #tpu.memory_space<hbm>>
    tpu.wait_dma2 semaphore(%arg33 : memref<!tpu.dma_semaphore, #tpu.memory_space<semaphore_mem>>) src(%arg7 : memref<8x1024xf32, #tpu.memory_space<vmem>>) dst(%dma_wait3A_303 : memref<8x1024xf32, #tpu.memory_space<hbm>>)
    %add3A_304 = arith.constant 24 : i32
    %add3A_305 = arith.addi %mul3A_2, %add3A_304 : i32
    %multiple_of3A_306 = tpu.assume_multiple %add3A_305, 8 : i32
    %dma_start3A_307 = arith.constant 0 : i32
    %dma_start3A_308 = arith.constant 0 : i32
    %dma_start3A_309 = tpu.memref_slice %arg2[%dma_start3A_307, %multiple_of3A_306, %dma_start3A_308] : memref<4x2048x1024xf32, #tpu.memory_space<hbm>> -> memref<1x8x1024xf32, #tpu.memory_space<hbm>>
    %dma_start3A_310 = tpu.memref_squeeze %dma_start3A_309 : memref<1x8x1024xf32, #tpu.memory_space<hbm>> -> memref<8x1024xf32, #tpu.memory_space<hbm>>
    %dma_start3A_311 = arith.constant 0 : i32
    %dma_start3A_312 = tpu.memref_slice %arg2[%dma_start3A_307, %multiple_of3A_306, %dma_start3A_311] : memref<4x2048x1024xf32, #tpu.memory_space<hbm>> -> memref<1x8x1024xf32, #tpu.memory_space<hbm>>
    %dma_start3A_313 = tpu.memref_squeeze %dma_start3A_312 : memref<1x8x1024xf32, #tpu.memory_space<hbm>> -> memref<8x1024xf32, #tpu.memory_space<hbm>>
    tpu.enqueue_dma source(%dma_start3A_313 : memref<8x1024xf32, #tpu.memory_space<hbm>>) target(%arg7 : memref<8x1024xf32, #tpu.memory_space<vmem>>) target_semaphore(%arg21 : memref<!tpu.dma_semaphore, #tpu.memory_space<semaphore_mem>>)
    %dma_wait3A_314 = arith.constant 1 : i32
    %dma_wait3A_315 = arith.constant 0 : i32
    %dma_wait3A_316 = tpu.memref_slice %arg4[%dma_wait3A_314, %multiple_of3A_140, %dma_wait3A_315] : memref<4x2048x1024xf32, #tpu.memory_space<hbm>> -> memref<1x8x1024xf32, #tpu.memory_space<hbm>>
    %dma_wait3A_317 = tpu.memref_squeeze %dma_wait3A_316 : memref<1x8x1024xf32, #tpu.memory_space<hbm>> -> memref<8x1024xf32, #tpu.memory_space<hbm>>
    %dma_wait3A_318 = arith.constant 0 : i32
    %dma_wait3A_319 = tpu.memref_slice %arg4[%dma_wait3A_314, %multiple_of3A_140, %dma_wait3A_318] : memref<4x2048x1024xf32, #tpu.memory_space<hbm>> -> memref<1x8x1024xf32, #tpu.memory_space<hbm>>
    %dma_wait3A_320 = tpu.memref_squeeze %dma_wait3A_319 : memref<1x8x1024xf32, #tpu.memory_space<hbm>> -> memref<8x1024xf32, #tpu.memory_space<hbm>>
    tpu.wait_dma2 semaphore(%arg36 : memref<!tpu.dma_semaphore, #tpu.memory_space<semaphore_mem>>) src(%arg10 : memref<8x1024xf32, #tpu.memory_space<vmem>>) dst(%dma_wait3A_320 : memref<8x1024xf32, #tpu.memory_space<hbm>>)
    %add3A_321 = arith.constant 24 : i32
    %add3A_322 = arith.addi %mul3A_2, %add3A_321 : i32
    %multiple_of3A_323 = tpu.assume_multiple %add3A_322, 8 : i32
    %dma_start3A_324 = arith.constant 1 : i32
    %dma_start3A_325 = arith.constant 0 : i32
    %dma_start3A_326 = tpu.memref_slice %arg2[%dma_start3A_324, %multiple_of3A_323, %dma_start3A_325] : memref<4x2048x1024xf32, #tpu.memory_space<hbm>> -> memref<1x8x1024xf32, #tpu.memory_space<hbm>>
    %dma_start3A_327 = tpu.memref_squeeze %dma_start3A_326 : memref<1x8x1024xf32, #tpu.memory_space<hbm>> -> memref<8x1024xf32, #tpu.memory_space<hbm>>
    %dma_start3A_328 = arith.constant 0 : i32
    %dma_start3A_329 = tpu.memref_slice %arg2[%dma_start3A_324, %multiple_of3A_323, %dma_start3A_328] : memref<4x2048x1024xf32, #tpu.memory_space<hbm>> -> memref<1x8x1024xf32, #tpu.memory_space<hbm>>
    %dma_start3A_330 = tpu.memref_squeeze %dma_start3A_329 : memref<1x8x1024xf32, #tpu.memory_space<hbm>> -> memref<8x1024xf32, #tpu.memory_space<hbm>>
    tpu.enqueue_dma source(%dma_start3A_330 : memref<8x1024xf32, #tpu.memory_space<hbm>>) target(%arg10 : memref<8x1024xf32, #tpu.memory_space<vmem>>) target_semaphore(%arg24 : memref<!tpu.dma_semaphore, #tpu.memory_space<semaphore_mem>>)
    %dma_wait3A_331 = arith.constant 2 : i32
    %dma_wait3A_332 = arith.constant 0 : i32
    %dma_wait3A_333 = tpu.memref_slice %arg4[%dma_wait3A_331, %multiple_of3A_150, %dma_wait3A_332] : memref<4x2048x1024xf32, #tpu.memory_space<hbm>> -> memref<1x8x1024xf32, #tpu.memory_space<hbm>>
    %dma_wait3A_334 = tpu.memref_squeeze %dma_wait3A_333 : memref<1x8x1024xf32, #tpu.memory_space<hbm>> -> memref<8x1024xf32, #tpu.memory_space<hbm>>
    %dma_wait3A_335 = arith.constant 0 : i32
    %dma_wait3A_336 = tpu.memref_slice %arg4[%dma_wait3A_331, %multiple_of3A_150, %dma_wait3A_335] : memref<4x2048x1024xf32, #tpu.memory_space<hbm>> -> memref<1x8x1024xf32, #tpu.memory_space<hbm>>
    %dma_wait3A_337 = tpu.memref_squeeze %dma_wait3A_336 : memref<1x8x1024xf32, #tpu.memory_space<hbm>> -> memref<8x1024xf32, #tpu.memory_space<hbm>>
    tpu.wait_dma2 semaphore(%arg39 : memref<!tpu.dma_semaphore, #tpu.memory_space<semaphore_mem>>) src(%arg13 : memref<8x1024xf32, #tpu.memory_space<vmem>>) dst(%dma_wait3A_337 : memref<8x1024xf32, #tpu.memory_space<hbm>>)
    %add3A_338 = arith.constant 24 : i32
    %add3A_339 = arith.addi %mul3A_2, %add3A_338 : i32
    %multiple_of3A_340 = tpu.assume_multiple %add3A_339, 8 : i32
    %dma_start3A_341 = arith.constant 2 : i32
    %dma_start3A_342 = arith.constant 0 : i32
    %dma_start3A_343 = tpu.memref_slice %arg2[%dma_start3A_341, %multiple_of3A_340, %dma_start3A_342] : memref<4x2048x1024xf32, #tpu.memory_space<hbm>> -> memref<1x8x1024xf32, #tpu.memory_space<hbm>>
    %dma_start3A_344 = tpu.memref_squeeze %dma_start3A_343 : memref<1x8x1024xf32, #tpu.memory_space<hbm>> -> memref<8x1024xf32, #tpu.memory_space<hbm>>
    %dma_start3A_345 = arith.constant 0 : i32
    %dma_start3A_346 = tpu.memref_slice %arg2[%dma_start3A_341, %multiple_of3A_340, %dma_start3A_345] : memref<4x2048x1024xf32, #tpu.memory_space<hbm>> -> memref<1x8x1024xf32, #tpu.memory_space<hbm>>
    %dma_start3A_347 = tpu.memref_squeeze %dma_start3A_346 : memref<1x8x1024xf32, #tpu.memory_space<hbm>> -> memref<8x1024xf32, #tpu.memory_space<hbm>>
    tpu.enqueue_dma source(%dma_start3A_347 : memref<8x1024xf32, #tpu.memory_space<hbm>>) target(%arg13 : memref<8x1024xf32, #tpu.memory_space<vmem>>) target_semaphore(%arg27 : memref<!tpu.dma_semaphore, #tpu.memory_space<semaphore_mem>>)
    %dma_wait3A_348 = arith.constant 3 : i32
    %dma_wait3A_349 = arith.constant 0 : i32
    %dma_wait3A_350 = tpu.memref_slice %arg4[%dma_wait3A_348, %multiple_of3A_160, %dma_wait3A_349] : memref<4x2048x1024xf32, #tpu.memory_space<hbm>> -> memref<1x8x1024xf32, #tpu.memory_space<hbm>>
    %dma_wait3A_351 = tpu.memref_squeeze %dma_wait3A_350 : memref<1x8x1024xf32, #tpu.memory_space<hbm>> -> memref<8x1024xf32, #tpu.memory_space<hbm>>
    %dma_wait3A_352 = arith.constant 0 : i32
    %dma_wait3A_353 = tpu.memref_slice %arg4[%dma_wait3A_348, %multiple_of3A_160, %dma_wait3A_352] : memref<4x2048x1024xf32, #tpu.memory_space<hbm>> -> memref<1x8x1024xf32, #tpu.memory_space<hbm>>
    %dma_wait3A_354 = tpu.memref_squeeze %dma_wait3A_353 : memref<1x8x1024xf32, #tpu.memory_space<hbm>> -> memref<8x1024xf32, #tpu.memory_space<hbm>>
    tpu.wait_dma2 semaphore(%arg42 : memref<!tpu.dma_semaphore, #tpu.memory_space<semaphore_mem>>) src(%arg16 : memref<8x1024xf32, #tpu.memory_space<vmem>>) dst(%dma_wait3A_354 : memref<8x1024xf32, #tpu.memory_space<hbm>>)
    %add3A_355 = arith.constant 24 : i32
    %add3A_356 = arith.addi %mul3A_2, %add3A_355 : i32
    %multiple_of3A_357 = tpu.assume_multiple %add3A_356, 8 : i32
    %dma_start3A_358 = arith.constant 3 : i32
    %dma_start3A_359 = arith.constant 0 : i32
    %dma_start3A_360 = tpu.memref_slice %arg2[%dma_start3A_358, %multiple_of3A_357, %dma_start3A_359] : memref<4x2048x1024xf32, #tpu.memory_space<hbm>> -> memref<1x8x1024xf32, #tpu.memory_space<hbm>>
    %dma_start3A_361 = tpu.memref_squeeze %dma_start3A_360 : memref<1x8x1024xf32, #tpu.memory_space<hbm>> -> memref<8x1024xf32, #tpu.memory_space<hbm>>
    %dma_start3A_362 = arith.constant 0 : i32
    %dma_start3A_363 = tpu.memref_slice %arg2[%dma_start3A_358, %multiple_of3A_357, %dma_start3A_362] : memref<4x2048x1024xf32, #tpu.memory_space<hbm>> -> memref<1x8x1024xf32, #tpu.memory_space<hbm>>
    %dma_start3A_364 = tpu.memref_squeeze %dma_start3A_363 : memref<1x8x1024xf32, #tpu.memory_space<hbm>> -> memref<8x1024xf32, #tpu.memory_space<hbm>>
    tpu.enqueue_dma source(%dma_start3A_364 : memref<8x1024xf32, #tpu.memory_space<hbm>>) target(%arg16 : memref<8x1024xf32, #tpu.memory_space<vmem>>) target_semaphore(%arg30 : memref<!tpu.dma_semaphore, #tpu.memory_space<semaphore_mem>>)
    %dma_wait3A_365 = arith.constant 0 : i32
    %dma_wait3A_366 = tpu.memref_slice %arg3[%multiple_of3A_170, %dma_wait3A_365] : memref<2048x1024xf32, #tpu.memory_space<hbm>> -> memref<8x1024xf32, #tpu.memory_space<hbm>>
    %dma_wait3A_367 = arith.constant 0 : i32
    %dma_wait3A_368 = tpu.memref_slice %arg3[%multiple_of3A_170, %dma_wait3A_367] : memref<2048x1024xf32, #tpu.memory_space<hbm>> -> memref<8x1024xf32, #tpu.memory_space<hbm>>
    tpu.wait_dma2 semaphore(%arg19 : memref<!tpu.dma_semaphore, #tpu.memory_space<semaphore_mem>>) src(%dma_wait3A_368 : memref<8x1024xf32, #tpu.memory_space<hbm>>) dst(%arg5 : memref<8x1024xf32, #tpu.memory_space<vmem>>)
    %dma_wait3A_369 = arith.constant 0 : i32
    %dma_wait3A_370 = arith.constant 0 : i32
    %dma_wait3A_371 = tpu.memref_slice %arg2[%dma_wait3A_369, %multiple_of3A_177, %dma_wait3A_370] : memref<4x2048x1024xf32, #tpu.memory_space<hbm>> -> memref<1x8x1024xf32, #tpu.memory_space<hbm>>
    %dma_wait3A_372 = tpu.memref_squeeze %dma_wait3A_371 : memref<1x8x1024xf32, #tpu.memory_space<hbm>> -> memref<8x1024xf32, #tpu.memory_space<hbm>>
    %dma_wait3A_373 = arith.constant 0 : i32
    %dma_wait3A_374 = tpu.memref_slice %arg2[%dma_wait3A_369, %multiple_of3A_177, %dma_wait3A_373] : memref<4x2048x1024xf32, #tpu.memory_space<hbm>> -> memref<1x8x1024xf32, #tpu.memory_space<hbm>>
    %dma_wait3A_375 = tpu.memref_squeeze %dma_wait3A_374 : memref<1x8x1024xf32, #tpu.memory_space<hbm>> -> memref<8x1024xf32, #tpu.memory_space<hbm>>
    tpu.wait_dma2 semaphore(%arg23 : memref<!tpu.dma_semaphore, #tpu.memory_space<semaphore_mem>>) src(%dma_wait3A_375 : memref<8x1024xf32, #tpu.memory_space<hbm>>) dst(%arg9 : memref<8x1024xf32, #tpu.memory_space<vmem>>)
    %dma_wait3A_376 = arith.constant 1 : i32
    %dma_wait3A_377 = arith.constant 0 : i32
    %dma_wait3A_378 = tpu.memref_slice %arg2[%dma_wait3A_376, %multiple_of3A_187, %dma_wait3A_377] : memref<4x2048x1024xf32, #tpu.memory_space<hbm>> -> memref<1x8x1024xf32, #tpu.memory_space<hbm>>
    %dma_wait3A_379 = tpu.memref_squeeze %dma_wait3A_378 : memref<1x8x1024xf32, #tpu.memory_space<hbm>> -> memref<8x1024xf32, #tpu.memory_space<hbm>>
    %dma_wait3A_380 = arith.constant 0 : i32
    %dma_wait3A_381 = tpu.memref_slice %arg2[%dma_wait3A_376, %multiple_of3A_187, %dma_wait3A_380] : memref<4x2048x1024xf32, #tpu.memory_space<hbm>> -> memref<1x8x1024xf32, #tpu.memory_space<hbm>>
    %dma_wait3A_382 = tpu.memref_squeeze %dma_wait3A_381 : memref<1x8x1024xf32, #tpu.memory_space<hbm>> -> memref<8x1024xf32, #tpu.memory_space<hbm>>
    tpu.wait_dma2 semaphore(%arg26 : memref<!tpu.dma_semaphore, #tpu.memory_space<semaphore_mem>>) src(%dma_wait3A_382 : memref<8x1024xf32, #tpu.memory_space<hbm>>) dst(%arg12 : memref<8x1024xf32, #tpu.memory_space<vmem>>)
    %dma_wait3A_383 = arith.constant 2 : i32
    %dma_wait3A_384 = arith.constant 0 : i32
    %dma_wait3A_385 = tpu.memref_slice %arg2[%dma_wait3A_383, %multiple_of3A_197, %dma_wait3A_384] : memref<4x2048x1024xf32, #tpu.memory_space<hbm>> -> memref<1x8x1024xf32, #tpu.memory_space<hbm>>
    %dma_wait3A_386 = tpu.memref_squeeze %dma_wait3A_385 : memref<1x8x1024xf32, #tpu.memory_space<hbm>> -> memref<8x1024xf32, #tpu.memory_space<hbm>>
    %dma_wait3A_387 = arith.constant 0 : i32
    %dma_wait3A_388 = tpu.memref_slice %arg2[%dma_wait3A_383, %multiple_of3A_197, %dma_wait3A_387] : memref<4x2048x1024xf32, #tpu.memory_space<hbm>> -> memref<1x8x1024xf32, #tpu.memory_space<hbm>>
    %dma_wait3A_389 = tpu.memref_squeeze %dma_wait3A_388 : memref<1x8x1024xf32, #tpu.memory_space<hbm>> -> memref<8x1024xf32, #tpu.memory_space<hbm>>
    tpu.wait_dma2 semaphore(%arg29 : memref<!tpu.dma_semaphore, #tpu.memory_space<semaphore_mem>>) src(%dma_wait3A_389 : memref<8x1024xf32, #tpu.memory_space<hbm>>) dst(%arg15 : memref<8x1024xf32, #tpu.memory_space<vmem>>)
    %dma_wait3A_390 = arith.constant 3 : i32
    %dma_wait3A_391 = arith.constant 0 : i32
    %dma_wait3A_392 = tpu.memref_slice %arg2[%dma_wait3A_390, %multiple_of3A_207, %dma_wait3A_391] : memref<4x2048x1024xf32, #tpu.memory_space<hbm>> -> memref<1x8x1024xf32, #tpu.memory_space<hbm>>
    %dma_wait3A_393 = tpu.memref_squeeze %dma_wait3A_392 : memref<1x8x1024xf32, #tpu.memory_space<hbm>> -> memref<8x1024xf32, #tpu.memory_space<hbm>>
    %dma_wait3A_394 = arith.constant 0 : i32
    %dma_wait3A_395 = tpu.memref_slice %arg2[%dma_wait3A_390, %multiple_of3A_207, %dma_wait3A_394] : memref<4x2048x1024xf32, #tpu.memory_space<hbm>> -> memref<1x8x1024xf32, #tpu.memory_space<hbm>>
    %dma_wait3A_396 = tpu.memref_squeeze %dma_wait3A_395 : memref<1x8x1024xf32, #tpu.memory_space<hbm>> -> memref<8x1024xf32, #tpu.memory_space<hbm>>
    tpu.wait_dma2 semaphore(%arg32 : memref<!tpu.dma_semaphore, #tpu.memory_space<semaphore_mem>>) src(%dma_wait3A_396 : memref<8x1024xf32, #tpu.memory_space<hbm>>) dst(%arg18 : memref<8x1024xf32, #tpu.memory_space<vmem>>)
    %parallel_loop3A_397 = arith.constant 0 : i32
    %parallel_loop3A_398 = arith.constant 512 : i32
    %parallel_loop3A_399 = arith.constant 1 : i32
    scf.for %parallel_loop3A_1199 = %parallel_loop3A_397 to %parallel_loop3A_398 step %parallel_loop3A_399  : i32 {
      %parallel_loop3A_1200 = arith.constant 64 : i32
      %parallel_loop3A_1201 = arith.divsi %parallel_loop3A_1199, %parallel_loop3A_1200 : i32
      %parallel_loop3A_1202 = arith.constant 0 : i32
      %parallel_loop3A_1203 = arith.cmpi sgt, %parallel_loop3A_1199, %parallel_loop3A_1202 : i32
      %parallel_loop3A_1204 = arith.extui %parallel_loop3A_1203 : i1 to i32
      %parallel_loop3A_1205 = arith.constant 0 : i32
      %parallel_loop3A_1206 = arith.cmpi slt, %parallel_loop3A_1199, %parallel_loop3A_1205 : i32
      %parallel_loop3A_1207 = arith.extui %parallel_loop3A_1206 : i1 to i32
      %parallel_loop3A_1208 = arith.subi %parallel_loop3A_1204, %parallel_loop3A_1207 : i32
      %parallel_loop3A_1209 = arith.constant 0 : i32
      %parallel_loop3A_1210 = arith.cmpi sgt, %parallel_loop3A_1200, %parallel_loop3A_1209 : i32
      %parallel_loop3A_1211 = arith.extui %parallel_loop3A_1210 : i1 to i32
      %parallel_loop3A_1212 = arith.constant 0 : i32
      %parallel_loop3A_1213 = arith.cmpi slt, %parallel_loop3A_1200, %parallel_loop3A_1212 : i32
      %parallel_loop3A_1214 = arith.extui %parallel_loop3A_1213 : i1 to i32
      %parallel_loop3A_1215 = arith.subi %parallel_loop3A_1211, %parallel_loop3A_1214 : i32
      %parallel_loop3A_1216 = arith.cmpi ne, %parallel_loop3A_1208, %parallel_loop3A_1215 : i32
      %parallel_loop3A_1217 = arith.remsi %parallel_loop3A_1199, %parallel_loop3A_1200 : i32
      %parallel_loop3A_1218 = arith.constant 0 : i32
      %parallel_loop3A_1219 = arith.cmpi ne, %parallel_loop3A_1217, %parallel_loop3A_1218 : i32
      %parallel_loop3A_1220 = arith.andi %parallel_loop3A_1216, %parallel_loop3A_1219 : i1
      %parallel_loop3A_1221 = arith.constant 1 : i32
      %parallel_loop3A_1222 = arith.subi %parallel_loop3A_1201, %parallel_loop3A_1221 : i32
      %parallel_loop3A_1223 = arith.select %parallel_loop3A_1220, %parallel_loop3A_1222, %parallel_loop3A_1201 : i32
      %parallel_loop3A_1224 = arith.constant 64 : i32
      %parallel_loop3A_1225 = arith.constant 0 : i32
      %parallel_loop3A_1226 = arith.cmpi eq, %parallel_loop3A_1224, %parallel_loop3A_1225 : i32
      %parallel_loop3A_1227 = arith.constant 1 : i32
      %parallel_loop3A_1228 = arith.select %parallel_loop3A_1226, %parallel_loop3A_1227, %parallel_loop3A_1224 : i32
      %parallel_loop3A_1229 = arith.remsi %parallel_loop3A_1199, %parallel_loop3A_1228 : i32
      %parallel_loop3A_1230 = arith.constant 0 : i32
      %parallel_loop3A_1231 = arith.cmpi ne, %parallel_loop3A_1229, %parallel_loop3A_1230 : i32
      %parallel_loop3A_1232 = arith.constant 0 : i32
      %parallel_loop3A_1233 = arith.cmpi slt, %parallel_loop3A_1229, %parallel_loop3A_1232 : i32
      %parallel_loop3A_1234 = arith.constant 0 : i32
      %parallel_loop3A_1235 = arith.cmpi slt, %parallel_loop3A_1228, %parallel_loop3A_1234 : i32
      %parallel_loop3A_1236 = arith.xori %parallel_loop3A_1233, %parallel_loop3A_1235 : i1
      %parallel_loop3A_1237 = arith.andi %parallel_loop3A_1236, %parallel_loop3A_1231 : i1
      %parallel_loop3A_1238 = arith.addi %parallel_loop3A_1229, %parallel_loop3A_1228 : i32
      %parallel_loop3A_1239 = arith.select %parallel_loop3A_1237, %parallel_loop3A_1238, %parallel_loop3A_1229 : i32
      %parallel_loop3A_1240 = arith.constant 16 : i32
      %parallel_loop3A_1241 = arith.muli %parallel_loop3A_1239, %parallel_loop3A_1240 : i32
      %parallel_loop3A_1242 = arith.index_cast %parallel_loop3A_1223 : i32 to index
      %parallel_loop3A_1243 = arith.index_cast %parallel_loop3A_1241 : i32 to index
      %parallel_loop3A_1244 = tpu.vector_load %arg5[%parallel_loop3A_1242, %parallel_loop3A_1243] {strides = array<i32>} : memref<8x1024xf32, #tpu.memory_space<vmem>>, vector<1x16xf32>,
      %parallel_loop3A_1245 = vector.shape_cast %parallel_loop3A_1244 : vector<1x16xf32> to vector<16xf32>
      %parallel_loop3A_1246 = arith.index_cast %parallel_loop3A_1223 : i32 to index
      %parallel_loop3A_1247 = arith.index_cast %parallel_loop3A_1241 : i32 to index
      %parallel_loop3A_1248 = tpu.vector_load %arg9[%parallel_loop3A_1246, %parallel_loop3A_1247] {strides = array<i32>} : memref<8x1024xf32, #tpu.memory_space<vmem>>, vector<1x16xf32>,
      %parallel_loop3A_1249 = vector.shape_cast %parallel_loop3A_1248 : vector<1x16xf32> to vector<16xf32>
      %parallel_loop3A_1250 = arith.addf %parallel_loop3A_1249, %parallel_loop3A_1245 : vector<16xf32>
      %parallel_loop3A_1251 = arith.index_cast %parallel_loop3A_1223 : i32 to index
      %parallel_loop3A_1252 = arith.index_cast %parallel_loop3A_1241 : i32 to index
      %parallel_loop3A_1253 = tpu.vector_load %arg9[%parallel_loop3A_1251, %parallel_loop3A_1252] {strides = array<i32>} : memref<8x1024xf32, #tpu.memory_space<vmem>>, vector<1x16xf32>,
      %parallel_loop3A_1254 = vector.shape_cast %parallel_loop3A_1253 : vector<1x16xf32> to vector<16xf32>
      %parallel_loop3A_1255 = vector.shape_cast %parallel_loop3A_1250 : vector<16xf32> to vector<1x16xf32>
      tpu.vector_store %arg9[%parallel_loop3A_1251, %parallel_loop3A_1252], %parallel_loop3A_1255 {strides = array<i32>} : memref<8x1024xf32, #tpu.memory_space<vmem>>, vector<1x16xf32>,
      %parallel_loop3A_1256 = arith.index_cast %parallel_loop3A_1223 : i32 to index
      %parallel_loop3A_1257 = arith.index_cast %parallel_loop3A_1241 : i32 to index
      %parallel_loop3A_1258 = tpu.vector_load %arg12[%parallel_loop3A_1256, %parallel_loop3A_1257] {strides = array<i32>} : memref<8x1024xf32, #tpu.memory_space<vmem>>, vector<1x16xf32>,
      %parallel_loop3A_1259 = vector.shape_cast %parallel_loop3A_1258 : vector<1x16xf32> to vector<16xf32>
      %parallel_loop3A_1260 = arith.addf %parallel_loop3A_1259, %parallel_loop3A_1245 : vector<16xf32>
      %parallel_loop3A_1261 = arith.index_cast %parallel_loop3A_1223 : i32 to index
      %parallel_loop3A_1262 = arith.index_cast %parallel_loop3A_1241 : i32 to index
      %parallel_loop3A_1263 = tpu.vector_load %arg12[%parallel_loop3A_1261, %parallel_loop3A_1262] {strides = array<i32>} : memref<8x1024xf32, #tpu.memory_space<vmem>>, vector<1x16xf32>,
      %parallel_loop3A_1264 = vector.shape_cast %parallel_loop3A_1263 : vector<1x16xf32> to vector<16xf32>
      %parallel_loop3A_1265 = vector.shape_cast %parallel_loop3A_1260 : vector<16xf32> to vector<1x16xf32>
      tpu.vector_store %arg12[%parallel_loop3A_1261, %parallel_loop3A_1262], %parallel_loop3A_1265 {strides = array<i32>} : memref<8x1024xf32, #tpu.memory_space<vmem>>, vector<1x16xf32>,
      %parallel_loop3A_1266 = arith.index_cast %parallel_loop3A_1223 : i32 to index
      %parallel_loop3A_1267 = arith.index_cast %parallel_loop3A_1241 : i32 to index
      %parallel_loop3A_1268 = tpu.vector_load %arg15[%parallel_loop3A_1266, %parallel_loop3A_1267] {strides = array<i32>} : memref<8x1024xf32, #tpu.memory_space<vmem>>, vector<1x16xf32>,
      %parallel_loop3A_1269 = vector.shape_cast %parallel_loop3A_1268 : vector<1x16xf32> to vector<16xf32>
      %parallel_loop3A_1270 = arith.addf %parallel_loop3A_1269, %parallel_loop3A_1245 : vector<16xf32>
      %parallel_loop3A_1271 = arith.index_cast %parallel_loop3A_1223 : i32 to index
      %parallel_loop3A_1272 = arith.index_cast %parallel_loop3A_1241 : i32 to index
      %parallel_loop3A_1273 = tpu.vector_load %arg15[%parallel_loop3A_1271, %parallel_loop3A_1272] {strides = array<i32>} : memref<8x1024xf32, #tpu.memory_space<vmem>>, vector<1x16xf32>,
      %parallel_loop3A_1274 = vector.shape_cast %parallel_loop3A_1273 : vector<1x16xf32> to vector<16xf32>
      %parallel_loop3A_1275 = vector.shape_cast %parallel_loop3A_1270 : vector<16xf32> to vector<1x16xf32>
      tpu.vector_store %arg15[%parallel_loop3A_1271, %parallel_loop3A_1272], %parallel_loop3A_1275 {strides = array<i32>} : memref<8x1024xf32, #tpu.memory_space<vmem>>, vector<1x16xf32>,
      %parallel_loop3A_1276 = arith.index_cast %parallel_loop3A_1223 : i32 to index
      %parallel_loop3A_1277 = arith.index_cast %parallel_loop3A_1241 : i32 to index
      %parallel_loop3A_1278 = tpu.vector_load %arg18[%parallel_loop3A_1276, %parallel_loop3A_1277] {strides = array<i32>} : memref<8x1024xf32, #tpu.memory_space<vmem>>, vector<1x16xf32>,
      %parallel_loop3A_1279 = vector.shape_cast %parallel_loop3A_1278 : vector<1x16xf32> to vector<16xf32>
      %parallel_loop3A_1280 = arith.addf %parallel_loop3A_1279, %parallel_loop3A_1245 : vector<16xf32>
      %parallel_loop3A_1281 = arith.index_cast %parallel_loop3A_1223 : i32 to index
      %parallel_loop3A_1282 = arith.index_cast %parallel_loop3A_1241 : i32 to index
      %parallel_loop3A_1283 = tpu.vector_load %arg18[%parallel_loop3A_1281, %parallel_loop3A_1282] {strides = array<i32>} : memref<8x1024xf32, #tpu.memory_space<vmem>>, vector<1x16xf32>,
      %parallel_loop3A_1284 = vector.shape_cast %parallel_loop3A_1283 : vector<1x16xf32> to vector<16xf32>
      %parallel_loop3A_1285 = vector.shape_cast %parallel_loop3A_1280 : vector<16xf32> to vector<1x16xf32>
      tpu.vector_store %arg18[%parallel_loop3A_1281, %parallel_loop3A_1282], %parallel_loop3A_1285 {strides = array<i32>} : memref<8x1024xf32, #tpu.memory_space<vmem>>, vector<1x16xf32>,
    } {sc.loop_unroll_factor = 4 : i64, sc.parallel_access}
    %add3A_400 = arith.constant 16 : i32
    %add3A_401 = arith.addi %mul3A_2, %add3A_400 : i32
    %multiple_of3A_402 = tpu.assume_multiple %add3A_401, 8 : i32
    %dma_start3A_403 = arith.constant 0 : i32
    %dma_start3A_404 = arith.constant 0 : i32
    %dma_start3A_405 = tpu.memref_slice %arg4[%dma_start3A_403, %multiple_of3A_402, %dma_start3A_404] : memref<4x2048x1024xf32, #tpu.memory_space<hbm>> -> memref<1x8x1024xf32, #tpu.memory_space<hbm>>
    %dma_start3A_406 = tpu.memref_squeeze %dma_start3A_405 : memref<1x8x1024xf32, #tpu.memory_space<hbm>> -> memref<8x1024xf32, #tpu.memory_space<hbm>>
    %dma_start3A_407 = arith.constant 0 : i32
    %dma_start3A_408 = tpu.memref_slice %arg4[%dma_start3A_403, %multiple_of3A_402, %dma_start3A_407] : memref<4x2048x1024xf32, #tpu.memory_space<hbm>> -> memref<1x8x1024xf32, #tpu.memory_space<hbm>>
    %dma_start3A_409 = tpu.memref_squeeze %dma_start3A_408 : memref<1x8x1024xf32, #tpu.memory_space<hbm>> -> memref<8x1024xf32, #tpu.memory_space<hbm>>
    tpu.enqueue_dma source(%arg9 : memref<8x1024xf32, #tpu.memory_space<vmem>>) target(%dma_start3A_409 : memref<8x1024xf32, #tpu.memory_space<hbm>>) target_semaphore(%arg35 : memref<!tpu.dma_semaphore, #tpu.memory_space<semaphore_mem>>)
    %add3A_410 = arith.constant 16 : i32
    %add3A_411 = arith.addi %mul3A_2, %add3A_410 : i32
    %multiple_of3A_412 = tpu.assume_multiple %add3A_411, 8 : i32
    %dma_start3A_413 = arith.constant 1 : i32
    %dma_start3A_414 = arith.constant 0 : i32
    %dma_start3A_415 = tpu.memref_slice %arg4[%dma_start3A_413, %multiple_of3A_412, %dma_start3A_414] : memref<4x2048x1024xf32, #tpu.memory_space<hbm>> -> memref<1x8x1024xf32, #tpu.memory_space<hbm>>
    %dma_start3A_416 = tpu.memref_squeeze %dma_start3A_415 : memref<1x8x1024xf32, #tpu.memory_space<hbm>> -> memref<8x1024xf32, #tpu.memory_space<hbm>>
    %dma_start3A_417 = arith.constant 0 : i32
    %dma_start3A_418 = tpu.memref_slice %arg4[%dma_start3A_413, %multiple_of3A_412, %dma_start3A_417] : memref<4x2048x1024xf32, #tpu.memory_space<hbm>> -> memref<1x8x1024xf32, #tpu.memory_space<hbm>>
    %dma_start3A_419 = tpu.memref_squeeze %dma_start3A_418 : memref<1x8x1024xf32, #tpu.memory_space<hbm>> -> memref<8x1024xf32, #tpu.memory_space<hbm>>
    tpu.enqueue_dma source(%arg12 : memref<8x1024xf32, #tpu.memory_space<vmem>>) target(%dma_start3A_419 : memref<8x1024xf32, #tpu.memory_space<hbm>>) target_semaphore(%arg38 : memref<!tpu.dma_semaphore, #tpu.memory_space<semaphore_mem>>)
    %add3A_420 = arith.constant 16 : i32
    %add3A_421 = arith.addi %mul3A_2, %add3A_420 : i32
    %multiple_of3A_422 = tpu.assume_multiple %add3A_421, 8 : i32
    %dma_start3A_423 = arith.constant 2 : i32
    %dma_start3A_424 = arith.constant 0 : i32
    %dma_start3A_425 = tpu.memref_slice %arg4[%dma_start3A_423, %multiple_of3A_422, %dma_start3A_424] : memref<4x2048x1024xf32, #tpu.memory_space<hbm>> -> memref<1x8x1024xf32, #tpu.memory_space<hbm>>
    %dma_start3A_426 = tpu.memref_squeeze %dma_start3A_425 : memref<1x8x1024xf32, #tpu.memory_space<hbm>> -> memref<8x1024xf32, #tpu.memory_space<hbm>>
    %dma_start3A_427 = arith.constant 0 : i32
    %dma_start3A_428 = tpu.memref_slice %arg4[%dma_start3A_423, %multiple_of3A_422, %dma_start3A_427] : memref<4x2048x1024xf32, #tpu.memory_space<hbm>> -> memref<1x8x1024xf32, #tpu.memory_space<hbm>>
    %dma_start3A_429 = tpu.memref_squeeze %dma_start3A_428 : memref<1x8x1024xf32, #tpu.memory_space<hbm>> -> memref<8x1024xf32, #tpu.memory_space<hbm>>
    tpu.enqueue_dma source(%arg15 : memref<8x1024xf32, #tpu.memory_space<vmem>>) target(%dma_start3A_429 : memref<8x1024xf32, #tpu.memory_space<hbm>>) target_semaphore(%arg41 : memref<!tpu.dma_semaphore, #tpu.memory_space<semaphore_mem>>)
    %add3A_430 = arith.constant 16 : i32
    %add3A_431 = arith.addi %mul3A_2, %add3A_430 : i32
    %multiple_of3A_432 = tpu.assume_multiple %add3A_431, 8 : i32
    %dma_start3A_433 = arith.constant 3 : i32
    %dma_start3A_434 = arith.constant 0 : i32
    %dma_start3A_435 = tpu.memref_slice %arg4[%dma_start3A_433, %multiple_of3A_432, %dma_start3A_434] : memref<4x2048x1024xf32, #tpu.memory_space<hbm>> -> memref<1x8x1024xf32, #tpu.memory_space<hbm>>
    %dma_start3A_436 = tpu.memref_squeeze %dma_start3A_435 : memref<1x8x1024xf32, #tpu.memory_space<hbm>> -> memref<8x1024xf32, #tpu.memory_space<hbm>>
    %dma_start3A_437 = arith.constant 0 : i32
    %dma_start3A_438 = tpu.memref_slice %arg4[%dma_start3A_433, %multiple_of3A_432, %dma_start3A_437] : memref<4x2048x1024xf32, #tpu.memory_space<hbm>> -> memref<1x8x1024xf32, #tpu.memory_space<hbm>>
    %dma_start3A_439 = tpu.memref_squeeze %dma_start3A_438 : memref<1x8x1024xf32, #tpu.memory_space<hbm>> -> memref<8x1024xf32, #tpu.memory_space<hbm>>
    tpu.enqueue_dma source(%arg18 : memref<8x1024xf32, #tpu.memory_space<vmem>>) target(%dma_start3A_439 : memref<8x1024xf32, #tpu.memory_space<hbm>>) target_semaphore(%arg44 : memref<!tpu.dma_semaphore, #tpu.memory_space<semaphore_mem>>)
    %add3A_440 = arith.constant 32 : i32
    %add3A_441 = arith.addi %mul3A_2, %add3A_440 : i32
    %multiple_of3A_442 = tpu.assume_multiple %add3A_441, 8 : i32
    %dma_start3A_443 = arith.constant 0 : i32
    %dma_start3A_444 = tpu.memref_slice %arg3[%multiple_of3A_442, %dma_start3A_443] : memref<2048x1024xf32, #tpu.memory_space<hbm>> -> memref<8x1024xf32, #tpu.memory_space<hbm>>
    %dma_start3A_445 = arith.constant 0 : i32
    %dma_start3A_446 = tpu.memref_slice %arg3[%multiple_of3A_442, %dma_start3A_445] : memref<2048x1024xf32, #tpu.memory_space<hbm>> -> memref<8x1024xf32, #tpu.memory_space<hbm>>
    tpu.enqueue_dma source(%dma_start3A_446 : memref<8x1024xf32, #tpu.memory_space<hbm>>) target(%arg5 : memref<8x1024xf32, #tpu.memory_space<vmem>>) target_semaphore(%arg19 : memref<!tpu.dma_semaphore, #tpu.memory_space<semaphore_mem>>)
    %dma_wait3A_447 = arith.constant 0 : i32
    %dma_wait3A_448 = arith.constant 0 : i32
    %dma_wait3A_449 = tpu.memref_slice %arg4[%dma_wait3A_447, %multiple_of3A_252, %dma_wait3A_448] : memref<4x2048x1024xf32, #tpu.memory_space<hbm>> -> memref<1x8x1024xf32, #tpu.memory_space<hbm>>
    %dma_wait3A_450 = tpu.memref_squeeze %dma_wait3A_449 : memref<1x8x1024xf32, #tpu.memory_space<hbm>> -> memref<8x1024xf32, #tpu.memory_space<hbm>>
    %dma_wait3A_451 = arith.constant 0 : i32
    %dma_wait3A_452 = tpu.memref_slice %arg4[%dma_wait3A_447, %multiple_of3A_252, %dma_wait3A_451] : memref<4x2048x1024xf32, #tpu.memory_space<hbm>> -> memref<1x8x1024xf32, #tpu.memory_space<hbm>>
    %dma_wait3A_453 = tpu.memref_squeeze %dma_wait3A_452 : memref<1x8x1024xf32, #tpu.memory_space<hbm>> -> memref<8x1024xf32, #tpu.memory_space<hbm>>
    tpu.wait_dma2 semaphore(%arg34 : memref<!tpu.dma_semaphore, #tpu.memory_space<semaphore_mem>>) src(%arg8 : memref<8x1024xf32, #tpu.memory_space<vmem>>) dst(%dma_wait3A_453 : memref<8x1024xf32, #tpu.memory_space<hbm>>)
    %add3A_454 = arith.constant 32 : i32
    %add3A_455 = arith.addi %mul3A_2, %add3A_454 : i32
    %multiple_of3A_456 = tpu.assume_multiple %add3A_455, 8 : i32
    %dma_start3A_457 = arith.constant 0 : i32
    %dma_start3A_458 = arith.constant 0 : i32
    %dma_start3A_459 = tpu.memref_slice %arg2[%dma_start3A_457, %multiple_of3A_456, %dma_start3A_458] : memref<4x2048x1024xf32, #tpu.memory_space<hbm>> -> memref<1x8x1024xf32, #tpu.memory_space<hbm>>
    %dma_start3A_460 = tpu.memref_squeeze %dma_start3A_459 : memref<1x8x1024xf32, #tpu.memory_space<hbm>> -> memref<8x1024xf32, #tpu.memory_space<hbm>>
    %dma_start3A_461 = arith.constant 0 : i32
    %dma_start3A_462 = tpu.memref_slice %arg2[%dma_start3A_457, %multiple_of3A_456, %dma_start3A_461] : memref<4x2048x1024xf32, #tpu.memory_space<hbm>> -> memref<1x8x1024xf32, #tpu.memory_space<hbm>>
    %dma_start3A_463 = tpu.memref_squeeze %dma_start3A_462 : memref<1x8x1024xf32, #tpu.memory_space<hbm>> -> memref<8x1024xf32, #tpu.memory_space<hbm>>
    tpu.enqueue_dma source(%dma_start3A_463 : memref<8x1024xf32, #tpu.memory_space<hbm>>) target(%arg8 : memref<8x1024xf32, #tpu.memory_space<vmem>>) target_semaphore(%arg22 : memref<!tpu.dma_semaphore, #tpu.memory_space<semaphore_mem>>)
    %dma_wait3A_464 = arith.constant 1 : i32
    %dma_wait3A_465 = arith.constant 0 : i32
    %dma_wait3A_466 = tpu.memref_slice %arg4[%dma_wait3A_464, %multiple_of3A_262, %dma_wait3A_465] : memref<4x2048x1024xf32, #tpu.memory_space<hbm>> -> memref<1x8x1024xf32, #tpu.memory_space<hbm>>
    %dma_wait3A_467 = tpu.memref_squeeze %dma_wait3A_466 : memref<1x8x1024xf32, #tpu.memory_space<hbm>> -> memref<8x1024xf32, #tpu.memory_space<hbm>>
    %dma_wait3A_468 = arith.constant 0 : i32
    %dma_wait3A_469 = tpu.memref_slice %arg4[%dma_wait3A_464, %multiple_of3A_262, %dma_wait3A_468] : memref<4x2048x1024xf32, #tpu.memory_space<hbm>> -> memref<1x8x1024xf32, #tpu.memory_space<hbm>>
    %dma_wait3A_470 = tpu.memref_squeeze %dma_wait3A_469 : memref<1x8x1024xf32, #tpu.memory_space<hbm>> -> memref<8x1024xf32, #tpu.memory_space<hbm>>
    tpu.wait_dma2 semaphore(%arg37 : memref<!tpu.dma_semaphore, #tpu.memory_space<semaphore_mem>>) src(%arg11 : memref<8x1024xf32, #tpu.memory_space<vmem>>) dst(%dma_wait3A_470 : memref<8x1024xf32, #tpu.memory_space<hbm>>)
    %add3A_471 = arith.constant 32 : i32
    %add3A_472 = arith.addi %mul3A_2, %add3A_471 : i32
    %multiple_of3A_473 = tpu.assume_multiple %add3A_472, 8 : i32
    %dma_start3A_474 = arith.constant 1 : i32
    %dma_start3A_475 = arith.constant 0 : i32
    %dma_start3A_476 = tpu.memref_slice %arg2[%dma_start3A_474, %multiple_of3A_473, %dma_start3A_475] : memref<4x2048x1024xf32, #tpu.memory_space<hbm>> -> memref<1x8x1024xf32, #tpu.memory_space<hbm>>
    %dma_start3A_477 = tpu.memref_squeeze %dma_start3A_476 : memref<1x8x1024xf32, #tpu.memory_space<hbm>> -> memref<8x1024xf32, #tpu.memory_space<hbm>>
    %dma_start3A_478 = arith.constant 0 : i32
    %dma_start3A_479 = tpu.memref_slice %arg2[%dma_start3A_474, %multiple_of3A_473, %dma_start3A_478] : memref<4x2048x1024xf32, #tpu.memory_space<hbm>> -> memref<1x8x1024xf32, #tpu.memory_space<hbm>>
    %dma_start3A_480 = tpu.memref_squeeze %dma_start3A_479 : memref<1x8x1024xf32, #tpu.memory_space<hbm>> -> memref<8x1024xf32, #tpu.memory_space<hbm>>
    tpu.enqueue_dma source(%dma_start3A_480 : memref<8x1024xf32, #tpu.memory_space<hbm>>) target(%arg11 : memref<8x1024xf32, #tpu.memory_space<vmem>>) target_semaphore(%arg25 : memref<!tpu.dma_semaphore, #tpu.memory_space<semaphore_mem>>)
    %dma_wait3A_481 = arith.constant 2 : i32
    %dma_wait3A_482 = arith.constant 0 : i32
    %dma_wait3A_483 = tpu.memref_slice %arg4[%dma_wait3A_481, %multiple_of3A_272, %dma_wait3A_482] : memref<4x2048x1024xf32, #tpu.memory_space<hbm>> -> memref<1x8x1024xf32, #tpu.memory_space<hbm>>
    %dma_wait3A_484 = tpu.memref_squeeze %dma_wait3A_483 : memref<1x8x1024xf32, #tpu.memory_space<hbm>> -> memref<8x1024xf32, #tpu.memory_space<hbm>>
    %dma_wait3A_485 = arith.constant 0 : i32
    %dma_wait3A_486 = tpu.memref_slice %arg4[%dma_wait3A_481, %multiple_of3A_272, %dma_wait3A_485] : memref<4x2048x1024xf32, #tpu.memory_space<hbm>> -> memref<1x8x1024xf32, #tpu.memory_space<hbm>>
    %dma_wait3A_487 = tpu.memref_squeeze %dma_wait3A_486 : memref<1x8x1024xf32, #tpu.memory_space<hbm>> -> memref<8x1024xf32, #tpu.memory_space<hbm>>
    tpu.wait_dma2 semaphore(%arg40 : memref<!tpu.dma_semaphore, #tpu.memory_space<semaphore_mem>>) src(%arg14 : memref<8x1024xf32, #tpu.memory_space<vmem>>) dst(%dma_wait3A_487 : memref<8x1024xf32, #tpu.memory_space<hbm>>)
    %add3A_488 = arith.constant 32 : i32
    %add3A_489 = arith.addi %mul3A_2, %add3A_488 : i32
    %multiple_of3A_490 = tpu.assume_multiple %add3A_489, 8 : i32
    %dma_start3A_491 = arith.constant 2 : i32
    %dma_start3A_492 = arith.constant 0 : i32
    %dma_start3A_493 = tpu.memref_slice %arg2[%dma_start3A_491, %multiple_of3A_490, %dma_start3A_492] : memref<4x2048x1024xf32, #tpu.memory_space<hbm>> -> memref<1x8x1024xf32, #tpu.memory_space<hbm>>
    %dma_start3A_494 = tpu.memref_squeeze %dma_start3A_493 : memref<1x8x1024xf32, #tpu.memory_space<hbm>> -> memref<8x1024xf32, #tpu.memory_space<hbm>>
    %dma_start3A_495 = arith.constant 0 : i32
    %dma_start3A_496 = tpu.memref_slice %arg2[%dma_start3A_491, %multiple_of3A_490, %dma_start3A_495] : memref<4x2048x1024xf32, #tpu.memory_space<hbm>> -> memref<1x8x1024xf32, #tpu.memory_space<hbm>>
    %dma_start3A_497 = tpu.memref_squeeze %dma_start3A_496 : memref<1x8x1024xf32, #tpu.memory_space<hbm>> -> memref<8x1024xf32, #tpu.memory_space<hbm>>
    tpu.enqueue_dma source(%dma_start3A_497 : memref<8x1024xf32, #tpu.memory_space<hbm>>) target(%arg14 : memref<8x1024xf32, #tpu.memory_space<vmem>>) target_semaphore(%arg28 : memref<!tpu.dma_semaphore, #tpu.memory_space<semaphore_mem>>)
    %dma_wait3A_498 = arith.constant 3 : i32
    %dma_wait3A_499 = arith.constant 0 : i32
    %dma_wait3A_500 = tpu.memref_slice %arg4[%dma_wait3A_498, %multiple_of3A_282, %dma_wait3A_499] : memref<4x2048x1024xf32, #tpu.memory_space<hbm>> -> memref<1x8x1024xf32, #tpu.memory_space<hbm>>
    %dma_wait3A_501 = tpu.memref_squeeze %dma_wait3A_500 : memref<1x8x1024xf32, #tpu.memory_space<hbm>> -> memref<8x1024xf32, #tpu.memory_space<hbm>>
    %dma_wait3A_502 = arith.constant 0 : i32
    %dma_wait3A_503 = tpu.memref_slice %arg4[%dma_wait3A_498, %multiple_of3A_282, %dma_wait3A_502] : memref<4x2048x1024xf32, #tpu.memory_space<hbm>> -> memref<1x8x1024xf32, #tpu.memory_space<hbm>>
    %dma_wait3A_504 = tpu.memref_squeeze %dma_wait3A_503 : memref<1x8x1024xf32, #tpu.memory_space<hbm>> -> memref<8x1024xf32, #tpu.memory_space<hbm>>
    tpu.wait_dma2 semaphore(%arg43 : memref<!tpu.dma_semaphore, #tpu.memory_space<semaphore_mem>>) src(%arg17 : memref<8x1024xf32, #tpu.memory_space<vmem>>) dst(%dma_wait3A_504 : memref<8x1024xf32, #tpu.memory_space<hbm>>)
    %add3A_505 = arith.constant 32 : i32
    %add3A_506 = arith.addi %mul3A_2, %add3A_505 : i32
    %multiple_of3A_507 = tpu.assume_multiple %add3A_506, 8 : i32
    %dma_start3A_508 = arith.constant 3 : i32
    %dma_start3A_509 = arith.constant 0 : i32
    %dma_start3A_510 = tpu.memref_slice %arg2[%dma_start3A_508, %multiple_of3A_507, %dma_start3A_509] : memref<4x2048x1024xf32, #tpu.memory_space<hbm>> -> memref<1x8x1024xf32, #tpu.memory_space<hbm>>
    %dma_start3A_511 = tpu.memref_squeeze %dma_start3A_510 : memref<1x8x1024xf32, #tpu.memory_space<hbm>> -> memref<8x1024xf32, #tpu.memory_space<hbm>>
    %dma_start3A_512 = arith.constant 0 : i32
    %dma_start3A_513 = tpu.memref_slice %arg2[%dma_start3A_508, %multiple_of3A_507, %dma_start3A_512] : memref<4x2048x1024xf32, #tpu.memory_space<hbm>> -> memref<1x8x1024xf32, #tpu.memory_space<hbm>>
    %dma_start3A_514 = tpu.memref_squeeze %dma_start3A_513 : memref<1x8x1024xf32, #tpu.memory_space<hbm>> -> memref<8x1024xf32, #tpu.memory_space<hbm>>
    tpu.enqueue_dma source(%dma_start3A_514 : memref<8x1024xf32, #tpu.memory_space<hbm>>) target(%arg17 : memref<8x1024xf32, #tpu.memory_space<vmem>>) target_semaphore(%arg31 : memref<!tpu.dma_semaphore, #tpu.memory_space<semaphore_mem>>)
    %dma_wait3A_515 = arith.constant 0 : i32
    %dma_wait3A_516 = tpu.memref_slice %arg3[%multiple_of3A_292, %dma_wait3A_515] : memref<2048x1024xf32, #tpu.memory_space<hbm>> -> memref<8x1024xf32, #tpu.memory_space<hbm>>
    %dma_wait3A_517 = arith.constant 0 : i32
    %dma_wait3A_518 = tpu.memref_slice %arg3[%multiple_of3A_292, %dma_wait3A_517] : memref<2048x1024xf32, #tpu.memory_space<hbm>> -> memref<8x1024xf32, #tpu.memory_space<hbm>>
    tpu.wait_dma2 semaphore(%arg20 : memref<!tpu.dma_semaphore, #tpu.memory_space<semaphore_mem>>) src(%dma_wait3A_518 : memref<8x1024xf32, #tpu.memory_space<hbm>>) dst(%arg6 : memref<8x1024xf32, #tpu.memory_space<vmem>>)
    %dma_wait3A_519 = arith.constant 0 : i32
    %dma_wait3A_520 = arith.constant 0 : i32
    %dma_wait3A_521 = tpu.memref_slice %arg2[%dma_wait3A_519, %multiple_of3A_306, %dma_wait3A_520] : memref<4x2048x1024xf32, #tpu.memory_space<hbm>> -> memref<1x8x1024xf32, #tpu.memory_space<hbm>>
    %dma_wait3A_522 = tpu.memref_squeeze %dma_wait3A_521 : memref<1x8x1024xf32, #tpu.memory_space<hbm>> -> memref<8x1024xf32, #tpu.memory_space<hbm>>
    %dma_wait3A_523 = arith.constant 0 : i32
    %dma_wait3A_524 = tpu.memref_slice %arg2[%dma_wait3A_519, %multiple_of3A_306, %dma_wait3A_523] : memref<4x2048x1024xf32, #tpu.memory_space<hbm>> -> memref<1x8x1024xf32, #tpu.memory_space<hbm>>
    %dma_wait3A_525 = tpu.memref_squeeze %dma_wait3A_524 : memref<1x8x1024xf32, #tpu.memory_space<hbm>> -> memref<8x1024xf32, #tpu.memory_space<hbm>>
    tpu.wait_dma2 semaphore(%arg21 : memref<!tpu.dma_semaphore, #tpu.memory_space<semaphore_mem>>) src(%dma_wait3A_525 : memref<8x1024xf32, #tpu.memory_space<hbm>>) dst(%arg7 : memref<8x1024xf32, #tpu.memory_space<vmem>>)
    %dma_wait3A_526 = arith.constant 1 : i32
    %dma_wait3A_527 = arith.constant 0 : i32
    %dma_wait3A_528 = tpu.memref_slice %arg2[%dma_wait3A_526, %multiple_of3A_323, %dma_wait3A_527] : memref<4x2048x1024xf32, #tpu.memory_space<hbm>> -> memref<1x8x1024xf32, #tpu.memory_space<hbm>>
    %dma_wait3A_529 = tpu.memref_squeeze %dma_wait3A_528 : memref<1x8x1024xf32, #tpu.memory_space<hbm>> -> memref<8x1024xf32, #tpu.memory_space<hbm>>
    %dma_wait3A_530 = arith.constant 0 : i32
    %dma_wait3A_531 = tpu.memref_slice %arg2[%dma_wait3A_526, %multiple_of3A_323, %dma_wait3A_530] : memref<4x2048x1024xf32, #tpu.memory_space<hbm>> -> memref<1x8x1024xf32, #tpu.memory_space<hbm>>
    %dma_wait3A_532 = tpu.memref_squeeze %dma_wait3A_531 : memref<1x8x1024xf32, #tpu.memory_space<hbm>> -> memref<8x1024xf32, #tpu.memory_space<hbm>>
    tpu.wait_dma2 semaphore(%arg24 : memref<!tpu.dma_semaphore, #tpu.memory_space<semaphore_mem>>) src(%dma_wait3A_532 : memref<8x1024xf32, #tpu.memory_space<hbm>>) dst(%arg10 : memref<8x1024xf32, #tpu.memory_space<vmem>>)
    %dma_wait3A_533 = arith.constant 2 : i32
    %dma_wait3A_534 = arith.constant 0 : i32
    %dma_wait3A_535 = tpu.memref_slice %arg2[%dma_wait3A_533, %multiple_of3A_340, %dma_wait3A_534] : memref<4x2048x1024xf32, #tpu.memory_space<hbm>> -> memref<1x8x1024xf32, #tpu.memory_space<hbm>>
    %dma_wait3A_536 = tpu.memref_squeeze %dma_wait3A_535 : memref<1x8x1024xf32, #tpu.memory_space<hbm>> -> memref<8x1024xf32, #tpu.memory_space<hbm>>
    %dma_wait3A_537 = arith.constant 0 : i32
    %dma_wait3A_538 = tpu.memref_slice %arg2[%dma_wait3A_533, %multiple_of3A_340, %dma_wait3A_537] : memref<4x2048x1024xf32, #tpu.memory_space<hbm>> -> memref<1x8x1024xf32, #tpu.memory_space<hbm>>
    %dma_wait3A_539 = tpu.memref_squeeze %dma_wait3A_538 : memref<1x8x1024xf32, #tpu.memory_space<hbm>> -> memref<8x1024xf32, #tpu.memory_space<hbm>>
    tpu.wait_dma2 semaphore(%arg27 : memref<!tpu.dma_semaphore, #tpu.memory_space<semaphore_mem>>) src(%dma_wait3A_539 : memref<8x1024xf32, #tpu.memory_space<hbm>>) dst(%arg13 : memref<8x1024xf32, #tpu.memory_space<vmem>>)
    %dma_wait3A_540 = arith.constant 3 : i32
    %dma_wait3A_541 = arith.constant 0 : i32
    %dma_wait3A_542 = tpu.memref_slice %arg2[%dma_wait3A_540, %multiple_of3A_357, %dma_wait3A_541] : memref<4x2048x1024xf32, #tpu.memory_space<hbm>> -> memref<1x8x1024xf32, #tpu.memory_space<hbm>>
    %dma_wait3A_543 = tpu.memref_squeeze %dma_wait3A_542 : memref<1x8x1024xf32, #tpu.memory_space<hbm>> -> memref<8x1024xf32, #tpu.memory_space<hbm>>
    %dma_wait3A_544 = arith.constant 0 : i32
    %dma_wait3A_545 = tpu.memref_slice %arg2[%dma_wait3A_540, %multiple_of3A_357, %dma_wait3A_544] : memref<4x2048x1024xf32, #tpu.memory_space<hbm>> -> memref<1x8x1024xf32, #tpu.memory_space<hbm>>
    %dma_wait3A_546 = tpu.memref_squeeze %dma_wait3A_545 : memref<1x8x1024xf32, #tpu.memory_space<hbm>> -> memref<8x1024xf32, #tpu.memory_space<hbm>>
    tpu.wait_dma2 semaphore(%arg30 : memref<!tpu.dma_semaphore, #tpu.memory_space<semaphore_mem>>) src(%dma_wait3A_546 : memref<8x1024xf32, #tpu.memory_space<hbm>>) dst(%arg16 : memref<8x1024xf32, #tpu.memory_space<vmem>>)
    %parallel_loop3A_547 = arith.constant 0 : i32
    %parallel_loop3A_548 = arith.constant 512 : i32
    %parallel_loop3A_549 = arith.constant 1 : i32
    scf.for %parallel_loop3A_1199 = %parallel_loop3A_547 to %parallel_loop3A_548 step %parallel_loop3A_549  : i32 {
      %parallel_loop3A_1200 = arith.constant 64 : i32
      %parallel_loop3A_1201 = arith.divsi %parallel_loop3A_1199, %parallel_loop3A_1200 : i32
      %parallel_loop3A_1202 = arith.constant 0 : i32
      %parallel_loop3A_1203 = arith.cmpi sgt, %parallel_loop3A_1199, %parallel_loop3A_1202 : i32
      %parallel_loop3A_1204 = arith.extui %parallel_loop3A_1203 : i1 to i32
      %parallel_loop3A_1205 = arith.constant 0 : i32
      %parallel_loop3A_1206 = arith.cmpi slt, %parallel_loop3A_1199, %parallel_loop3A_1205 : i32
      %parallel_loop3A_1207 = arith.extui %parallel_loop3A_1206 : i1 to i32
      %parallel_loop3A_1208 = arith.subi %parallel_loop3A_1204, %parallel_loop3A_1207 : i32
      %parallel_loop3A_1209 = arith.constant 0 : i32
      %parallel_loop3A_1210 = arith.cmpi sgt, %parallel_loop3A_1200, %parallel_loop3A_1209 : i32
      %parallel_loop3A_1211 = arith.extui %parallel_loop3A_1210 : i1 to i32
      %parallel_loop3A_1212 = arith.constant 0 : i32
      %parallel_loop3A_1213 = arith.cmpi slt, %parallel_loop3A_1200, %parallel_loop3A_1212 : i32
      %parallel_loop3A_1214 = arith.extui %parallel_loop3A_1213 : i1 to i32
      %parallel_loop3A_1215 = arith.subi %parallel_loop3A_1211, %parallel_loop3A_1214 : i32
      %parallel_loop3A_1216 = arith.cmpi ne, %parallel_loop3A_1208, %parallel_loop3A_1215 : i32
      %parallel_loop3A_1217 = arith.remsi %parallel_loop3A_1199, %parallel_loop3A_1200 : i32
      %parallel_loop3A_1218 = arith.constant 0 : i32
      %parallel_loop3A_1219 = arith.cmpi ne, %parallel_loop3A_1217, %parallel_loop3A_1218 : i32
      %parallel_loop3A_1220 = arith.andi %parallel_loop3A_1216, %parallel_loop3A_1219 : i1
      %parallel_loop3A_1221 = arith.constant 1 : i32
      %parallel_loop3A_1222 = arith.subi %parallel_loop3A_1201, %parallel_loop3A_1221 : i32
      %parallel_loop3A_1223 = arith.select %parallel_loop3A_1220, %parallel_loop3A_1222, %parallel_loop3A_1201 : i32
      %parallel_loop3A_1224 = arith.constant 64 : i32
      %parallel_loop3A_1225 = arith.constant 0 : i32
      %parallel_loop3A_1226 = arith.cmpi eq, %parallel_loop3A_1224, %parallel_loop3A_1225 : i32
      %parallel_loop3A_1227 = arith.constant 1 : i32
      %parallel_loop3A_1228 = arith.select %parallel_loop3A_1226, %parallel_loop3A_1227, %parallel_loop3A_1224 : i32
      %parallel_loop3A_1229 = arith.remsi %parallel_loop3A_1199, %parallel_loop3A_1228 : i32
      %parallel_loop3A_1230 = arith.constant 0 : i32
      %parallel_loop3A_1231 = arith.cmpi ne, %parallel_loop3A_1229, %parallel_loop3A_1230 : i32
      %parallel_loop3A_1232 = arith.constant 0 : i32
      %parallel_loop3A_1233 = arith.cmpi slt, %parallel_loop3A_1229, %parallel_loop3A_1232 : i32
      %parallel_loop3A_1234 = arith.constant 0 : i32
      %parallel_loop3A_1235 = arith.cmpi slt, %parallel_loop3A_1228, %parallel_loop3A_1234 : i32
      %parallel_loop3A_1236 = arith.xori %parallel_loop3A_1233, %parallel_loop3A_1235 : i1
      %parallel_loop3A_1237 = arith.andi %parallel_loop3A_1236, %parallel_loop3A_1231 : i1
      %parallel_loop3A_1238 = arith.addi %parallel_loop3A_1229, %parallel_loop3A_1228 : i32
      %parallel_loop3A_1239 = arith.select %parallel_loop3A_1237, %parallel_loop3A_1238, %parallel_loop3A_1229 : i32
      %parallel_loop3A_1240 = arith.constant 16 : i32
      %parallel_loop3A_1241 = arith.muli %parallel_loop3A_1239, %parallel_loop3A_1240 : i32
      %parallel_loop3A_1242 = arith.index_cast %parallel_loop3A_1223 : i32 to index
      %parallel_loop3A_1243 = arith.index_cast %parallel_loop3A_1241 : i32 to index
      %parallel_loop3A_1244 = tpu.vector_load %arg6[%parallel_loop3A_1242, %parallel_loop3A_1243] {strides = array<i32>} : memref<8x1024xf32, #tpu.memory_space<vmem>>, vector<1x16xf32>,
      %parallel_loop3A_1245 = vector.shape_cast %parallel_loop3A_1244 : vector<1x16xf32> to vector<16xf32>
      %parallel_loop3A_1246 = arith.index_cast %parallel_loop3A_1223 : i32 to index
      %parallel_loop3A_1247 = arith.index_cast %parallel_loop3A_1241 : i32 to index
      %parallel_loop3A_1248 = tpu.vector_load %arg7[%parallel_loop3A_1246, %parallel_loop3A_1247] {strides = array<i32>} : memref<8x1024xf32, #tpu.memory_space<vmem>>, vector<1x16xf32>,
      %parallel_loop3A_1249 = vector.shape_cast %parallel_loop3A_1248 : vector<1x16xf32> to vector<16xf32>
      %parallel_loop3A_1250 = arith.addf %parallel_loop3A_1249, %parallel_loop3A_1245 : vector<16xf32>
      %parallel_loop3A_1251 = arith.index_cast %parallel_loop3A_1223 : i32 to index
      %parallel_loop3A_1252 = arith.index_cast %parallel_loop3A_1241 : i32 to index
      %parallel_loop3A_1253 = tpu.vector_load %arg7[%parallel_loop3A_1251, %parallel_loop3A_1252] {strides = array<i32>} : memref<8x1024xf32, #tpu.memory_space<vmem>>, vector<1x16xf32>,
      %parallel_loop3A_1254 = vector.shape_cast %parallel_loop3A_1253 : vector<1x16xf32> to vector<16xf32>
      %parallel_loop3A_1255 = vector.shape_cast %parallel_loop3A_1250 : vector<16xf32> to vector<1x16xf32>
      tpu.vector_store %arg7[%parallel_loop3A_1251, %parallel_loop3A_1252], %parallel_loop3A_1255 {strides = array<i32>} : memref<8x1024xf32, #tpu.memory_space<vmem>>, vector<1x16xf32>,
      %parallel_loop3A_1256 = arith.index_cast %parallel_loop3A_1223 : i32 to index
      %parallel_loop3A_1257 = arith.index_cast %parallel_loop3A_1241 : i32 to index
      %parallel_loop3A_1258 = tpu.vector_load %arg10[%parallel_loop3A_1256, %parallel_loop3A_1257] {strides = array<i32>} : memref<8x1024xf32, #tpu.memory_space<vmem>>, vector<1x16xf32>,
      %parallel_loop3A_1259 = vector.shape_cast %parallel_loop3A_1258 : vector<1x16xf32> to vector<16xf32>
      %parallel_loop3A_1260 = arith.addf %parallel_loop3A_1259, %parallel_loop3A_1245 : vector<16xf32>
      %parallel_loop3A_1261 = arith.index_cast %parallel_loop3A_1223 : i32 to index
      %parallel_loop3A_1262 = arith.index_cast %parallel_loop3A_1241 : i32 to index
      %parallel_loop3A_1263 = tpu.vector_load %arg10[%parallel_loop3A_1261, %parallel_loop3A_1262] {strides = array<i32>} : memref<8x1024xf32, #tpu.memory_space<vmem>>, vector<1x16xf32>,
      %parallel_loop3A_1264 = vector.shape_cast %parallel_loop3A_1263 : vector<1x16xf32> to vector<16xf32>
      %parallel_loop3A_1265 = vector.shape_cast %parallel_loop3A_1260 : vector<16xf32> to vector<1x16xf32>
      tpu.vector_store %arg10[%parallel_loop3A_1261, %parallel_loop3A_1262], %parallel_loop3A_1265 {strides = array<i32>} : memref<8x1024xf32, #tpu.memory_space<vmem>>, vector<1x16xf32>,
      %parallel_loop3A_1266 = arith.index_cast %parallel_loop3A_1223 : i32 to index
      %parallel_loop3A_1267 = arith.index_cast %parallel_loop3A_1241 : i32 to index
      %parallel_loop3A_1268 = tpu.vector_load %arg13[%parallel_loop3A_1266, %parallel_loop3A_1267] {strides = array<i32>} : memref<8x1024xf32, #tpu.memory_space<vmem>>, vector<1x16xf32>,
      %parallel_loop3A_1269 = vector.shape_cast %parallel_loop3A_1268 : vector<1x16xf32> to vector<16xf32>
      %parallel_loop3A_1270 = arith.addf %parallel_loop3A_1269, %parallel_loop3A_1245 : vector<16xf32>
      %parallel_loop3A_1271 = arith.index_cast %parallel_loop3A_1223 : i32 to index
      %parallel_loop3A_1272 = arith.index_cast %parallel_loop3A_1241 : i32 to index
      %parallel_loop3A_1273 = tpu.vector_load %arg13[%parallel_loop3A_1271, %parallel_loop3A_1272] {strides = array<i32>} : memref<8x1024xf32, #tpu.memory_space<vmem>>, vector<1x16xf32>,
      %parallel_loop3A_1274 = vector.shape_cast %parallel_loop3A_1273 : vector<1x16xf32> to vector<16xf32>
      %parallel_loop3A_1275 = vector.shape_cast %parallel_loop3A_1270 : vector<16xf32> to vector<1x16xf32>
      tpu.vector_store %arg13[%parallel_loop3A_1271, %parallel_loop3A_1272], %parallel_loop3A_1275 {strides = array<i32>} : memref<8x1024xf32, #tpu.memory_space<vmem>>, vector<1x16xf32>,
      %parallel_loop3A_1276 = arith.index_cast %parallel_loop3A_1223 : i32 to index
      %parallel_loop3A_1277 = arith.index_cast %parallel_loop3A_1241 : i32 to index
      %parallel_loop3A_1278 = tpu.vector_load %arg16[%parallel_loop3A_1276, %parallel_loop3A_1277] {strides = array<i32>} : memref<8x1024xf32, #tpu.memory_space<vmem>>, vector<1x16xf32>,
      %parallel_loop3A_1279 = vector.shape_cast %parallel_loop3A_1278 : vector<1x16xf32> to vector<16xf32>
      %parallel_loop3A_1280 = arith.addf %parallel_loop3A_1279, %parallel_loop3A_1245 : vector<16xf32>
      %parallel_loop3A_1281 = arith.index_cast %parallel_loop3A_1223 : i32 to index
      %parallel_loop3A_1282 = arith.index_cast %parallel_loop3A_1241 : i32 to index
      %parallel_loop3A_1283 = tpu.vector_load %arg16[%parallel_loop3A_1281, %parallel_loop3A_1282] {strides = array<i32>} : memref<8x1024xf32, #tpu.memory_space<vmem>>, vector<1x16xf32>,
      %parallel_loop3A_1284 = vector.shape_cast %parallel_loop3A_1283 : vector<1x16xf32> to vector<16xf32>
      %parallel_loop3A_1285 = vector.shape_cast %parallel_loop3A_1280 : vector<16xf32> to vector<1x16xf32>
      tpu.vector_store %arg16[%parallel_loop3A_1281, %parallel_loop3A_1282], %parallel_loop3A_1285 {strides = array<i32>} : memref<8x1024xf32, #tpu.memory_space<vmem>>, vector<1x16xf32>,
    } {sc.loop_unroll_factor = 4 : i64, sc.parallel_access}
    %add3A_550 = arith.constant 24 : i32
    %add3A_551 = arith.addi %mul3A_2, %add3A_550 : i32
    %multiple_of3A_552 = tpu.assume_multiple %add3A_551, 8 : i32
    %dma_start3A_553 = arith.constant 0 : i32
    %dma_start3A_554 = arith.constant 0 : i32
    %dma_start3A_555 = tpu.memref_slice %arg4[%dma_start3A_553, %multiple_of3A_552, %dma_start3A_554] : memref<4x2048x1024xf32, #tpu.memory_space<hbm>> -> memref<1x8x1024xf32, #tpu.memory_space<hbm>>
    %dma_start3A_556 = tpu.memref_squeeze %dma_start3A_555 : memref<1x8x1024xf32, #tpu.memory_space<hbm>> -> memref<8x1024xf32, #tpu.memory_space<hbm>>
    %dma_start3A_557 = arith.constant 0 : i32
    %dma_start3A_558 = tpu.memref_slice %arg4[%dma_start3A_553, %multiple_of3A_552, %dma_start3A_557] : memref<4x2048x1024xf32, #tpu.memory_space<hbm>> -> memref<1x8x1024xf32, #tpu.memory_space<hbm>>
    %dma_start3A_559 = tpu.memref_squeeze %dma_start3A_558 : memref<1x8x1024xf32, #tpu.memory_space<hbm>> -> memref<8x1024xf32, #tpu.memory_space<hbm>>
    tpu.enqueue_dma source(%arg7 : memref<8x1024xf32, #tpu.memory_space<vmem>>) target(%dma_start3A_559 : memref<8x1024xf32, #tpu.memory_space<hbm>>) target_semaphore(%arg33 : memref<!tpu.dma_semaphore, #tpu.memory_space<semaphore_mem>>)
    %add3A_560 = arith.constant 24 : i32
    %add3A_561 = arith.addi %mul3A_2, %add3A_560 : i32
    %multiple_of3A_562 = tpu.assume_multiple %add3A_561, 8 : i32
    %dma_start3A_563 = arith.constant 1 : i32
    %dma_start3A_564 = arith.constant 0 : i32
    %dma_start3A_565 = tpu.memref_slice %arg4[%dma_start3A_563, %multiple_of3A_562, %dma_start3A_564] : memref<4x2048x1024xf32, #tpu.memory_space<hbm>> -> memref<1x8x1024xf32, #tpu.memory_space<hbm>>
    %dma_start3A_566 = tpu.memref_squeeze %dma_start3A_565 : memref<1x8x1024xf32, #tpu.memory_space<hbm>> -> memref<8x1024xf32, #tpu.memory_space<hbm>>
    %dma_start3A_567 = arith.constant 0 : i32
    %dma_start3A_568 = tpu.memref_slice %arg4[%dma_start3A_563, %multiple_of3A_562, %dma_start3A_567] : memref<4x2048x1024xf32, #tpu.memory_space<hbm>> -> memref<1x8x1024xf32, #tpu.memory_space<hbm>>
    %dma_start3A_569 = tpu.memref_squeeze %dma_start3A_568 : memref<1x8x1024xf32, #tpu.memory_space<hbm>> -> memref<8x1024xf32, #tpu.memory_space<hbm>>
    tpu.enqueue_dma source(%arg10 : memref<8x1024xf32, #tpu.memory_space<vmem>>) target(%dma_start3A_569 : memref<8x1024xf32, #tpu.memory_space<hbm>>) target_semaphore(%arg36 : memref<!tpu.dma_semaphore, #tpu.memory_space<semaphore_mem>>)
    %add3A_570 = arith.constant 24 : i32
    %add3A_571 = arith.addi %mul3A_2, %add3A_570 : i32
    %multiple_of3A_572 = tpu.assume_multiple %add3A_571, 8 : i32
    %dma_start3A_573 = arith.constant 2 : i32
    %dma_start3A_574 = arith.constant 0 : i32
    %dma_start3A_575 = tpu.memref_slice %arg4[%dma_start3A_573, %multiple_of3A_572, %dma_start3A_574] : memref<4x2048x1024xf32, #tpu.memory_space<hbm>> -> memref<1x8x1024xf32, #tpu.memory_space<hbm>>
    %dma_start3A_576 = tpu.memref_squeeze %dma_start3A_575 : memref<1x8x1024xf32, #tpu.memory_space<hbm>> -> memref<8x1024xf32, #tpu.memory_space<hbm>>
    %dma_start3A_577 = arith.constant 0 : i32
    %dma_start3A_578 = tpu.memref_slice %arg4[%dma_start3A_573, %multiple_of3A_572, %dma_start3A_577] : memref<4x2048x1024xf32, #tpu.memory_space<hbm>> -> memref<1x8x1024xf32, #tpu.memory_space<hbm>>
    %dma_start3A_579 = tpu.memref_squeeze %dma_start3A_578 : memref<1x8x1024xf32, #tpu.memory_space<hbm>> -> memref<8x1024xf32, #tpu.memory_space<hbm>>
    tpu.enqueue_dma source(%arg13 : memref<8x1024xf32, #tpu.memory_space<vmem>>) target(%dma_start3A_579 : memref<8x1024xf32, #tpu.memory_space<hbm>>) target_semaphore(%arg39 : memref<!tpu.dma_semaphore, #tpu.memory_space<semaphore_mem>>)
    %add3A_580 = arith.constant 24 : i32
    %add3A_581 = arith.addi %mul3A_2, %add3A_580 : i32
    %multiple_of3A_582 = tpu.assume_multiple %add3A_581, 8 : i32
    %dma_start3A_583 = arith.constant 3 : i32
    %dma_start3A_584 = arith.constant 0 : i32
    %dma_start3A_585 = tpu.memref_slice %arg4[%dma_start3A_583, %multiple_of3A_582, %dma_start3A_584] : memref<4x2048x1024xf32, #tpu.memory_space<hbm>> -> memref<1x8x1024xf32, #tpu.memory_space<hbm>>
    %dma_start3A_586 = tpu.memref_squeeze %dma_start3A_585 : memref<1x8x1024xf32, #tpu.memory_space<hbm>> -> memref<8x1024xf32, #tpu.memory_space<hbm>>
    %dma_start3A_587 = arith.constant 0 : i32
    %dma_start3A_588 = tpu.memref_slice %arg4[%dma_start3A_583, %multiple_of3A_582, %dma_start3A_587] : memref<4x2048x1024xf32, #tpu.memory_space<hbm>> -> memref<1x8x1024xf32, #tpu.memory_space<hbm>>
    %dma_start3A_589 = tpu.memref_squeeze %dma_start3A_588 : memref<1x8x1024xf32, #tpu.memory_space<hbm>> -> memref<8x1024xf32, #tpu.memory_space<hbm>>
    tpu.enqueue_dma source(%arg16 : memref<8x1024xf32, #tpu.memory_space<vmem>>) target(%dma_start3A_589 : memref<8x1024xf32, #tpu.memory_space<hbm>>) target_semaphore(%arg42 : memref<!tpu.dma_semaphore, #tpu.memory_space<semaphore_mem>>)
    %add3A_590 = arith.constant 40 : i32
    %add3A_591 = arith.addi %mul3A_2, %add3A_590 : i32
    %multiple_of3A_592 = tpu.assume_multiple %add3A_591, 8 : i32
    %dma_start3A_593 = arith.constant 0 : i32
    %dma_start3A_594 = tpu.memref_slice %arg3[%multiple_of3A_592, %dma_start3A_593] : memref<2048x1024xf32, #tpu.memory_space<hbm>> -> memref<8x1024xf32, #tpu.memory_space<hbm>>
    %dma_start3A_595 = arith.constant 0 : i32
    %dma_start3A_596 = tpu.memref_slice %arg3[%multiple_of3A_592, %dma_start3A_595] : memref<2048x1024xf32, #tpu.memory_space<hbm>> -> memref<8x1024xf32, #tpu.memory_space<hbm>>
    tpu.enqueue_dma source(%dma_start3A_596 : memref<8x1024xf32, #tpu.memory_space<hbm>>) target(%arg6 : memref<8x1024xf32, #tpu.memory_space<vmem>>) target_semaphore(%arg20 : memref<!tpu.dma_semaphore, #tpu.memory_space<semaphore_mem>>)
    %dma_wait3A_597 = arith.constant 0 : i32
    %dma_wait3A_598 = arith.constant 0 : i32
    %dma_wait3A_599 = tpu.memref_slice %arg4[%dma_wait3A_597, %multiple_of3A_402, %dma_wait3A_598] : memref<4x2048x1024xf32, #tpu.memory_space<hbm>> -> memref<1x8x1024xf32, #tpu.memory_space<hbm>>
    %dma_wait3A_600 = tpu.memref_squeeze %dma_wait3A_599 : memref<1x8x1024xf32, #tpu.memory_space<hbm>> -> memref<8x1024xf32, #tpu.memory_space<hbm>>
    %dma_wait3A_601 = arith.constant 0 : i32
    %dma_wait3A_602 = tpu.memref_slice %arg4[%dma_wait3A_597, %multiple_of3A_402, %dma_wait3A_601] : memref<4x2048x1024xf32, #tpu.memory_space<hbm>> -> memref<1x8x1024xf32, #tpu.memory_space<hbm>>
    %dma_wait3A_603 = tpu.memref_squeeze %dma_wait3A_602 : memref<1x8x1024xf32, #tpu.memory_space<hbm>> -> memref<8x1024xf32, #tpu.memory_space<hbm>>
    tpu.wait_dma2 semaphore(%arg35 : memref<!tpu.dma_semaphore, #tpu.memory_space<semaphore_mem>>) src(%arg9 : memref<8x1024xf32, #tpu.memory_space<vmem>>) dst(%dma_wait3A_603 : memref<8x1024xf32, #tpu.memory_space<hbm>>)
    %add3A_604 = arith.constant 40 : i32
    %add3A_605 = arith.addi %mul3A_2, %add3A_604 : i32
    %multiple_of3A_606 = tpu.assume_multiple %add3A_605, 8 : i32
    %dma_start3A_607 = arith.constant 0 : i32
    %dma_start3A_608 = arith.constant 0 : i32
    %dma_start3A_609 = tpu.memref_slice %arg2[%dma_start3A_607, %multiple_of3A_606, %dma_start3A_608] : memref<4x2048x1024xf32, #tpu.memory_space<hbm>> -> memref<1x8x1024xf32, #tpu.memory_space<hbm>>
    %dma_start3A_610 = tpu.memref_squeeze %dma_start3A_609 : memref<1x8x1024xf32, #tpu.memory_space<hbm>> -> memref<8x1024xf32, #tpu.memory_space<hbm>>
    %dma_start3A_611 = arith.constant 0 : i32
    %dma_start3A_612 = tpu.memref_slice %arg2[%dma_start3A_607, %multiple_of3A_606, %dma_start3A_611] : memref<4x2048x1024xf32, #tpu.memory_space<hbm>> -> memref<1x8x1024xf32, #tpu.memory_space<hbm>>
    %dma_start3A_613 = tpu.memref_squeeze %dma_start3A_612 : memref<1x8x1024xf32, #tpu.memory_space<hbm>> -> memref<8x1024xf32, #tpu.memory_space<hbm>>
    tpu.enqueue_dma source(%dma_start3A_613 : memref<8x1024xf32, #tpu.memory_space<hbm>>) target(%arg9 : memref<8x1024xf32, #tpu.memory_space<vmem>>) target_semaphore(%arg23 : memref<!tpu.dma_semaphore, #tpu.memory_space<semaphore_mem>>)
    %dma_wait3A_614 = arith.constant 1 : i32
    %dma_wait3A_615 = arith.constant 0 : i32
    %dma_wait3A_616 = tpu.memref_slice %arg4[%dma_wait3A_614, %multiple_of3A_412, %dma_wait3A_615] : memref<4x2048x1024xf32, #tpu.memory_space<hbm>> -> memref<1x8x1024xf32, #tpu.memory_space<hbm>>
    %dma_wait3A_617 = tpu.memref_squeeze %dma_wait3A_616 : memref<1x8x1024xf32, #tpu.memory_space<hbm>> -> memref<8x1024xf32, #tpu.memory_space<hbm>>
    %dma_wait3A_618 = arith.constant 0 : i32
    %dma_wait3A_619 = tpu.memref_slice %arg4[%dma_wait3A_614, %multiple_of3A_412, %dma_wait3A_618] : memref<4x2048x1024xf32, #tpu.memory_space<hbm>> -> memref<1x8x1024xf32, #tpu.memory_space<hbm>>
    %dma_wait3A_620 = tpu.memref_squeeze %dma_wait3A_619 : memref<1x8x1024xf32, #tpu.memory_space<hbm>> -> memref<8x1024xf32, #tpu.memory_space<hbm>>
    tpu.wait_dma2 semaphore(%arg38 : memref<!tpu.dma_semaphore, #tpu.memory_space<semaphore_mem>>) src(%arg12 : memref<8x1024xf32, #tpu.memory_space<vmem>>) dst(%dma_wait3A_620 : memref<8x1024xf32, #tpu.memory_space<hbm>>)
    %add3A_621 = arith.constant 40 : i32
    %add3A_622 = arith.addi %mul3A_2, %add3A_621 : i32
    %multiple_of3A_623 = tpu.assume_multiple %add3A_622, 8 : i32
    %dma_start3A_624 = arith.constant 1 : i32
    %dma_start3A_625 = arith.constant 0 : i32
    %dma_start3A_626 = tpu.memref_slice %arg2[%dma_start3A_624, %multiple_of3A_623, %dma_start3A_625] : memref<4x2048x1024xf32, #tpu.memory_space<hbm>> -> memref<1x8x1024xf32, #tpu.memory_space<hbm>>
    %dma_start3A_627 = tpu.memref_squeeze %dma_start3A_626 : memref<1x8x1024xf32, #tpu.memory_space<hbm>> -> memref<8x1024xf32, #tpu.memory_space<hbm>>
    %dma_start3A_628 = arith.constant 0 : i32
    %dma_start3A_629 = tpu.memref_slice %arg2[%dma_start3A_624, %multiple_of3A_623, %dma_start3A_628] : memref<4x2048x1024xf32, #tpu.memory_space<hbm>> -> memref<1x8x1024xf32, #tpu.memory_space<hbm>>
    %dma_start3A_630 = tpu.memref_squeeze %dma_start3A_629 : memref<1x8x1024xf32, #tpu.memory_space<hbm>> -> memref<8x1024xf32, #tpu.memory_space<hbm>>
    tpu.enqueue_dma source(%dma_start3A_630 : memref<8x1024xf32, #tpu.memory_space<hbm>>) target(%arg12 : memref<8x1024xf32, #tpu.memory_space<vmem>>) target_semaphore(%arg26 : memref<!tpu.dma_semaphore, #tpu.memory_space<semaphore_mem>>)
    %dma_wait3A_631 = arith.constant 2 : i32
    %dma_wait3A_632 = arith.constant 0 : i32
    %dma_wait3A_633 = tpu.memref_slice %arg4[%dma_wait3A_631, %multiple_of3A_422, %dma_wait3A_632] : memref<4x2048x1024xf32, #tpu.memory_space<hbm>> -> memref<1x8x1024xf32, #tpu.memory_space<hbm>>
    %dma_wait3A_634 = tpu.memref_squeeze %dma_wait3A_633 : memref<1x8x1024xf32, #tpu.memory_space<hbm>> -> memref<8x1024xf32, #tpu.memory_space<hbm>>
    %dma_wait3A_635 = arith.constant 0 : i32
    %dma_wait3A_636 = tpu.memref_slice %arg4[%dma_wait3A_631, %multiple_of3A_422, %dma_wait3A_635] : memref<4x2048x1024xf32, #tpu.memory_space<hbm>> -> memref<1x8x1024xf32, #tpu.memory_space<hbm>>
    %dma_wait3A_637 = tpu.memref_squeeze %dma_wait3A_636 : memref<1x8x1024xf32, #tpu.memory_space<hbm>> -> memref<8x1024xf32, #tpu.memory_space<hbm>>
    tpu.wait_dma2 semaphore(%arg41 : memref<!tpu.dma_semaphore, #tpu.memory_space<semaphore_mem>>) src(%arg15 : memref<8x1024xf32, #tpu.memory_space<vmem>>) dst(%dma_wait3A_637 : memref<8x1024xf32, #tpu.memory_space<hbm>>)
    %add3A_638 = arith.constant 40 : i32
    %add3A_639 = arith.addi %mul3A_2, %add3A_638 : i32
    %multiple_of3A_640 = tpu.assume_multiple %add3A_639, 8 : i32
    %dma_start3A_641 = arith.constant 2 : i32
    %dma_start3A_642 = arith.constant 0 : i32
    %dma_start3A_643 = tpu.memref_slice %arg2[%dma_start3A_641, %multiple_of3A_640, %dma_start3A_642] : memref<4x2048x1024xf32, #tpu.memory_space<hbm>> -> memref<1x8x1024xf32, #tpu.memory_space<hbm>>
    %dma_start3A_644 = tpu.memref_squeeze %dma_start3A_643 : memref<1x8x1024xf32, #tpu.memory_space<hbm>> -> memref<8x1024xf32, #tpu.memory_space<hbm>>
    %dma_start3A_645 = arith.constant 0 : i32
    %dma_start3A_646 = tpu.memref_slice %arg2[%dma_start3A_641, %multiple_of3A_640, %dma_start3A_645] : memref<4x2048x1024xf32, #tpu.memory_space<hbm>> -> memref<1x8x1024xf32, #tpu.memory_space<hbm>>
    %dma_start3A_647 = tpu.memref_squeeze %dma_start3A_646 : memref<1x8x1024xf32, #tpu.memory_space<hbm>> -> memref<8x1024xf32, #tpu.memory_space<hbm>>
    tpu.enqueue_dma source(%dma_start3A_647 : memref<8x1024xf32, #tpu.memory_space<hbm>>) target(%arg15 : memref<8x1024xf32, #tpu.memory_space<vmem>>) target_semaphore(%arg29 : memref<!tpu.dma_semaphore, #tpu.memory_space<semaphore_mem>>)
    %dma_wait3A_648 = arith.constant 3 : i32
    %dma_wait3A_649 = arith.constant 0 : i32
    %dma_wait3A_650 = tpu.memref_slice %arg4[%dma_wait3A_648, %multiple_of3A_432, %dma_wait3A_649] : memref<4x2048x1024xf32, #tpu.memory_space<hbm>> -> memref<1x8x1024xf32, #tpu.memory_space<hbm>>
    %dma_wait3A_651 = tpu.memref_squeeze %dma_wait3A_650 : memref<1x8x1024xf32, #tpu.memory_space<hbm>> -> memref<8x1024xf32, #tpu.memory_space<hbm>>
    %dma_wait3A_652 = arith.constant 0 : i32
    %dma_wait3A_653 = tpu.memref_slice %arg4[%dma_wait3A_648, %multiple_of3A_432, %dma_wait3A_652] : memref<4x2048x1024xf32, #tpu.memory_space<hbm>> -> memref<1x8x1024xf32, #tpu.memory_space<hbm>>
    %dma_wait3A_654 = tpu.memref_squeeze %dma_wait3A_653 : memref<1x8x1024xf32, #tpu.memory_space<hbm>> -> memref<8x1024xf32, #tpu.memory_space<hbm>>
    tpu.wait_dma2 semaphore(%arg44 : memref<!tpu.dma_semaphore, #tpu.memory_space<semaphore_mem>>) src(%arg18 : memref<8x1024xf32, #tpu.memory_space<vmem>>) dst(%dma_wait3A_654 : memref<8x1024xf32, #tpu.memory_space<hbm>>)
    %add3A_655 = arith.constant 40 : i32
    %add3A_656 = arith.addi %mul3A_2, %add3A_655 : i32
    %multiple_of3A_657 = tpu.assume_multiple %add3A_656, 8 : i32
    %dma_start3A_658 = arith.constant 3 : i32
    %dma_start3A_659 = arith.constant 0 : i32
    %dma_start3A_660 = tpu.memref_slice %arg2[%dma_start3A_658, %multiple_of3A_657, %dma_start3A_659] : memref<4x2048x1024xf32, #tpu.memory_space<hbm>> -> memref<1x8x1024xf32, #tpu.memory_space<hbm>>
    %dma_start3A_661 = tpu.memref_squeeze %dma_start3A_660 : memref<1x8x1024xf32, #tpu.memory_space<hbm>> -> memref<8x1024xf32, #tpu.memory_space<hbm>>
    %dma_start3A_662 = arith.constant 0 : i32
    %dma_start3A_663 = tpu.memref_slice %arg2[%dma_start3A_658, %multiple_of3A_657, %dma_start3A_662] : memref<4x2048x1024xf32, #tpu.memory_space<hbm>> -> memref<1x8x1024xf32, #tpu.memory_space<hbm>>
    %dma_start3A_664 = tpu.memref_squeeze %dma_start3A_663 : memref<1x8x1024xf32, #tpu.memory_space<hbm>> -> memref<8x1024xf32, #tpu.memory_space<hbm>>
    tpu.enqueue_dma source(%dma_start3A_664 : memref<8x1024xf32, #tpu.memory_space<hbm>>) target(%arg18 : memref<8x1024xf32, #tpu.memory_space<vmem>>) target_semaphore(%arg32 : memref<!tpu.dma_semaphore, #tpu.memory_space<semaphore_mem>>)
    %dma_wait3A_665 = arith.constant 0 : i32
    %dma_wait3A_666 = tpu.memref_slice %arg3[%multiple_of3A_442, %dma_wait3A_665] : memref<2048x1024xf32, #tpu.memory_space<hbm>> -> memref<8x1024xf32, #tpu.memory_space<hbm>>
    %dma_wait3A_667 = arith.constant 0 : i32
    %dma_wait3A_668 = tpu.memref_slice %arg3[%multiple_of3A_442, %dma_wait3A_667] : memref<2048x1024xf32, #tpu.memory_space<hbm>> -> memref<8x1024xf32, #tpu.memory_space<hbm>>
    tpu.wait_dma2 semaphore(%arg19 : memref<!tpu.dma_semaphore, #tpu.memory_space<semaphore_mem>>) src(%dma_wait3A_668 : memref<8x1024xf32, #tpu.memory_space<hbm>>) dst(%arg5 : memref<8x1024xf32, #tpu.memory_space<vmem>>)
    %dma_wait3A_669 = arith.constant 0 : i32
    %dma_wait3A_670 = arith.constant 0 : i32
    %dma_wait3A_671 = tpu.memref_slice %arg2[%dma_wait3A_669, %multiple_of3A_456, %dma_wait3A_670] : memref<4x2048x1024xf32, #tpu.memory_space<hbm>> -> memref<1x8x1024xf32, #tpu.memory_space<hbm>>
    %dma_wait3A_672 = tpu.memref_squeeze %dma_wait3A_671 : memref<1x8x1024xf32, #tpu.memory_space<hbm>> -> memref<8x1024xf32, #tpu.memory_space<hbm>>
    %dma_wait3A_673 = arith.constant 0 : i32
    %dma_wait3A_674 = tpu.memref_slice %arg2[%dma_wait3A_669, %multiple_of3A_456, %dma_wait3A_673] : memref<4x2048x1024xf32, #tpu.memory_space<hbm>> -> memref<1x8x1024xf32, #tpu.memory_space<hbm>>
    %dma_wait3A_675 = tpu.memref_squeeze %dma_wait3A_674 : memref<1x8x1024xf32, #tpu.memory_space<hbm>> -> memref<8x1024xf32, #tpu.memory_space<hbm>>
    tpu.wait_dma2 semaphore(%arg22 : memref<!tpu.dma_semaphore, #tpu.memory_space<semaphore_mem>>) src(%dma_wait3A_675 : memref<8x1024xf32, #tpu.memory_space<hbm>>) dst(%arg8 : memref<8x1024xf32, #tpu.memory_space<vmem>>)
    %dma_wait3A_676 = arith.constant 1 : i32
    %dma_wait3A_677 = arith.constant 0 : i32
    %dma_wait3A_678 = tpu.memref_slice %arg2[%dma_wait3A_676, %multiple_of3A_473, %dma_wait3A_677] : memref<4x2048x1024xf32, #tpu.memory_space<hbm>> -> memref<1x8x1024xf32, #tpu.memory_space<hbm>>
    %dma_wait3A_679 = tpu.memref_squeeze %dma_wait3A_678 : memref<1x8x1024xf32, #tpu.memory_space<hbm>> -> memref<8x1024xf32, #tpu.memory_space<hbm>>
    %dma_wait3A_680 = arith.constant 0 : i32
    %dma_wait3A_681 = tpu.memref_slice %arg2[%dma_wait3A_676, %multiple_of3A_473, %dma_wait3A_680] : memref<4x2048x1024xf32, #tpu.memory_space<hbm>> -> memref<1x8x1024xf32, #tpu.memory_space<hbm>>
    %dma_wait3A_682 = tpu.memref_squeeze %dma_wait3A_681 : memref<1x8x1024xf32, #tpu.memory_space<hbm>> -> memref<8x1024xf32, #tpu.memory_space<hbm>>
    tpu.wait_dma2 semaphore(%arg25 : memref<!tpu.dma_semaphore, #tpu.memory_space<semaphore_mem>>) src(%dma_wait3A_682 : memref<8x1024xf32, #tpu.memory_space<hbm>>) dst(%arg11 : memref<8x1024xf32, #tpu.memory_space<vmem>>)
    %dma_wait3A_683 = arith.constant 2 : i32
    %dma_wait3A_684 = arith.constant 0 : i32
    %dma_wait3A_685 = tpu.memref_slice %arg2[%dma_wait3A_683, %multiple_of3A_490, %dma_wait3A_684] : memref<4x2048x1024xf32, #tpu.memory_space<hbm>> -> memref<1x8x1024xf32, #tpu.memory_space<hbm>>
    %dma_wait3A_686 = tpu.memref_squeeze %dma_wait3A_685 : memref<1x8x1024xf32, #tpu.memory_space<hbm>> -> memref<8x1024xf32, #tpu.memory_space<hbm>>
    %dma_wait3A_687 = arith.constant 0 : i32
    %dma_wait3A_688 = tpu.memref_slice %arg2[%dma_wait3A_683, %multiple_of3A_490, %dma_wait3A_687] : memref<4x2048x1024xf32, #tpu.memory_space<hbm>> -> memref<1x8x1024xf32, #tpu.memory_space<hbm>>
    %dma_wait3A_689 = tpu.memref_squeeze %dma_wait3A_688 : memref<1x8x1024xf32, #tpu.memory_space<hbm>> -> memref<8x1024xf32, #tpu.memory_space<hbm>>
    tpu.wait_dma2 semaphore(%arg28 : memref<!tpu.dma_semaphore, #tpu.memory_space<semaphore_mem>>) src(%dma_wait3A_689 : memref<8x1024xf32, #tpu.memory_space<hbm>>) dst(%arg14 : memref<8x1024xf32, #tpu.memory_space<vmem>>)
    %dma_wait3A_690 = arith.constant 3 : i32
    %dma_wait3A_691 = arith.constant 0 : i32
    %dma_wait3A_692 = tpu.memref_slice %arg2[%dma_wait3A_690, %multiple_of3A_507, %dma_wait3A_691] : memref<4x2048x1024xf32, #tpu.memory_space<hbm>> -> memref<1x8x1024xf32, #tpu.memory_space<hbm>>
    %dma_wait3A_693 = tpu.memref_squeeze %dma_wait3A_692 : memref<1x8x1024xf32, #tpu.memory_space<hbm>> -> memref<8x1024xf32, #tpu.memory_space<hbm>>
    %dma_wait3A_694 = arith.constant 0 : i32
    %dma_wait3A_695 = tpu.memref_slice %arg2[%dma_wait3A_690, %multiple_of3A_507, %dma_wait3A_694] : memref<4x2048x1024xf32, #tpu.memory_space<hbm>> -> memref<1x8x1024xf32, #tpu.memory_space<hbm>>
    %dma_wait3A_696 = tpu.memref_squeeze %dma_wait3A_695 : memref<1x8x1024xf32, #tpu.memory_space<hbm>> -> memref<8x1024xf32, #tpu.memory_space<hbm>>
    tpu.wait_dma2 semaphore(%arg31 : memref<!tpu.dma_semaphore, #tpu.memory_space<semaphore_mem>>) src(%dma_wait3A_696 : memref<8x1024xf32, #tpu.memory_space<hbm>>) dst(%arg17 : memref<8x1024xf32, #tpu.memory_space<vmem>>)
    %parallel_loop3A_697 = arith.constant 0 : i32
    %parallel_loop3A_698 = arith.constant 512 : i32
    %parallel_loop3A_699 = arith.constant 1 : i32
    scf.for %parallel_loop3A_1199 = %parallel_loop3A_697 to %parallel_loop3A_698 step %parallel_loop3A_699  : i32 {
      %parallel_loop3A_1200 = arith.constant 64 : i32
      %parallel_loop3A_1201 = arith.divsi %parallel_loop3A_1199, %parallel_loop3A_1200 : i32
      %parallel_loop3A_1202 = arith.constant 0 : i32
      %parallel_loop3A_1203 = arith.cmpi sgt, %parallel_loop3A_1199, %parallel_loop3A_1202 : i32
      %parallel_loop3A_1204 = arith.extui %parallel_loop3A_1203 : i1 to i32
      %parallel_loop3A_1205 = arith.constant 0 : i32
      %parallel_loop3A_1206 = arith.cmpi slt, %parallel_loop3A_1199, %parallel_loop3A_1205 : i32
      %parallel_loop3A_1207 = arith.extui %parallel_loop3A_1206 : i1 to i32
      %parallel_loop3A_1208 = arith.subi %parallel_loop3A_1204, %parallel_loop3A_1207 : i32
      %parallel_loop3A_1209 = arith.constant 0 : i32
      %parallel_loop3A_1210 = arith.cmpi sgt, %parallel_loop3A_1200, %parallel_loop3A_1209 : i32
      %parallel_loop3A_1211 = arith.extui %parallel_loop3A_1210 : i1 to i32
      %parallel_loop3A_1212 = arith.constant 0 : i32
      %parallel_loop3A_1213 = arith.cmpi slt, %parallel_loop3A_1200, %parallel_loop3A_1212 : i32
      %parallel_loop3A_1214 = arith.extui %parallel_loop3A_1213 : i1 to i32
      %parallel_loop3A_1215 = arith.subi %parallel_loop3A_1211, %parallel_loop3A_1214 : i32
      %parallel_loop3A_1216 = arith.cmpi ne, %parallel_loop3A_1208, %parallel_loop3A_1215 : i32
      %parallel_loop3A_1217 = arith.remsi %parallel_loop3A_1199, %parallel_loop3A_1200 : i32
      %parallel_loop3A_1218 = arith.constant 0 : i32
      %parallel_loop3A_1219 = arith.cmpi ne, %parallel_loop3A_1217, %parallel_loop3A_1218 : i32
      %parallel_loop3A_1220 = arith.andi %parallel_loop3A_1216, %parallel_loop3A_1219 : i1
      %parallel_loop3A_1221 = arith.constant 1 : i32
      %parallel_loop3A_1222 = arith.subi %parallel_loop3A_1201, %parallel_loop3A_1221 : i32
      %parallel_loop3A_1223 = arith.select %parallel_loop3A_1220, %parallel_loop3A_1222, %parallel_loop3A_1201 : i32
      %parallel_loop3A_1224 = arith.constant 64 : i32
      %parallel_loop3A_1225 = arith.constant 0 : i32
      %parallel_loop3A_1226 = arith.cmpi eq, %parallel_loop3A_1224, %parallel_loop3A_1225 : i32
      %parallel_loop3A_1227 = arith.constant 1 : i32
      %parallel_loop3A_1228 = arith.select %parallel_loop3A_1226, %parallel_loop3A_1227, %parallel_loop3A_1224 : i32
      %parallel_loop3A_1229 = arith.remsi %parallel_loop3A_1199, %parallel_loop3A_1228 : i32
      %parallel_loop3A_1230 = arith.constant 0 : i32
      %parallel_loop3A_1231 = arith.cmpi ne, %parallel_loop3A_1229, %parallel_loop3A_1230 : i32
      %parallel_loop3A_1232 = arith.constant 0 : i32
      %parallel_loop3A_1233 = arith.cmpi slt, %parallel_loop3A_1229, %parallel_loop3A_1232 : i32
      %parallel_loop3A_1234 = arith.constant 0 : i32
      %parallel_loop3A_1235 = arith.cmpi slt, %parallel_loop3A_1228, %parallel_loop3A_1234 : i32
      %parallel_loop3A_1236 = arith.xori %parallel_loop3A_1233, %parallel_loop3A_1235 : i1
      %parallel_loop3A_1237 = arith.andi %parallel_loop3A_1236, %parallel_loop3A_1231 : i1
      %parallel_loop3A_1238 = arith.addi %parallel_loop3A_1229, %parallel_loop3A_1228 : i32
      %parallel_loop3A_1239 = arith.select %parallel_loop3A_1237, %parallel_loop3A_1238, %parallel_loop3A_1229 : i32
      %parallel_loop3A_1240 = arith.constant 16 : i32
      %parallel_loop3A_1241 = arith.muli %parallel_loop3A_1239, %parallel_loop3A_1240 : i32
      %parallel_loop3A_1242 = arith.index_cast %parallel_loop3A_1223 : i32 to index
      %parallel_loop3A_1243 = arith.index_cast %parallel_loop3A_1241 : i32 to index
      %parallel_loop3A_1244 = tpu.vector_load %arg5[%parallel_loop3A_1242, %parallel_loop3A_1243] {strides = array<i32>} : memref<8x1024xf32, #tpu.memory_space<vmem>>, vector<1x16xf32>,
      %parallel_loop3A_1245 = vector.shape_cast %parallel_loop3A_1244 : vector<1x16xf32> to vector<16xf32>
      %parallel_loop3A_1246 = arith.index_cast %parallel_loop3A_1223 : i32 to index
      %parallel_loop3A_1247 = arith.index_cast %parallel_loop3A_1241 : i32 to index
      %parallel_loop3A_1248 = tpu.vector_load %arg8[%parallel_loop3A_1246, %parallel_loop3A_1247] {strides = array<i32>} : memref<8x1024xf32, #tpu.memory_space<vmem>>, vector<1x16xf32>,
      %parallel_loop3A_1249 = vector.shape_cast %parallel_loop3A_1248 : vector<1x16xf32> to vector<16xf32>
      %parallel_loop3A_1250 = arith.addf %parallel_loop3A_1249, %parallel_loop3A_1245 : vector<16xf32>
      %parallel_loop3A_1251 = arith.index_cast %parallel_loop3A_1223 : i32 to index
      %parallel_loop3A_1252 = arith.index_cast %parallel_loop3A_1241 : i32 to index
      %parallel_loop3A_1253 = tpu.vector_load %arg8[%parallel_loop3A_1251, %parallel_loop3A_1252] {strides = array<i32>} : memref<8x1024xf32, #tpu.memory_space<vmem>>, vector<1x16xf32>,
      %parallel_loop3A_1254 = vector.shape_cast %parallel_loop3A_1253 : vector<1x16xf32> to vector<16xf32>
      %parallel_loop3A_1255 = vector.shape_cast %parallel_loop3A_1250 : vector<16xf32> to vector<1x16xf32>
      tpu.vector_store %arg8[%parallel_loop3A_1251, %parallel_loop3A_1252], %parallel_loop3A_1255 {strides = array<i32>} : memref<8x1024xf32, #tpu.memory_space<vmem>>, vector<1x16xf32>,
      %parallel_loop3A_1256 = arith.index_cast %parallel_loop3A_1223 : i32 to index
      %parallel_loop3A_1257 = arith.index_cast %parallel_loop3A_1241 : i32 to index
      %parallel_loop3A_1258 = tpu.vector_load %arg11[%parallel_loop3A_1256, %parallel_loop3A_1257] {strides = array<i32>} : memref<8x1024xf32, #tpu.memory_space<vmem>>, vector<1x16xf32>,
      %parallel_loop3A_1259 = vector.shape_cast %parallel_loop3A_1258 : vector<1x16xf32> to vector<16xf32>
      %parallel_loop3A_1260 = arith.addf %parallel_loop3A_1259, %parallel_loop3A_1245 : vector<16xf32>
      %parallel_loop3A_1261 = arith.index_cast %parallel_loop3A_1223 : i32 to index
      %parallel_loop3A_1262 = arith.index_cast %parallel_loop3A_1241 : i32 to index
      %parallel_loop3A_1263 = tpu.vector_load %arg11[%parallel_loop3A_1261, %parallel_loop3A_1262] {strides = array<i32>} : memref<8x1024xf32, #tpu.memory_space<vmem>>, vector<1x16xf32>,
      %parallel_loop3A_1264 = vector.shape_cast %parallel_loop3A_1263 : vector<1x16xf32> to vector<16xf32>
      %parallel_loop3A_1265 = vector.shape_cast %parallel_loop3A_1260 : vector<16xf32> to vector<1x16xf32>
      tpu.vector_store %arg11[%parallel_loop3A_1261, %parallel_loop3A_1262], %parallel_loop3A_1265 {strides = array<i32>} : memref<8x1024xf32, #tpu.memory_space<vmem>>, vector<1x16xf32>,
      %parallel_loop3A_1266 = arith.index_cast %parallel_loop3A_1223 : i32 to index
      %parallel_loop3A_1267 = arith.index_cast %parallel_loop3A_1241 : i32 to index
      %parallel_loop3A_1268 = tpu.vector_load %arg14[%parallel_loop3A_1266, %parallel_loop3A_1267] {strides = array<i32>} : memref<8x1024xf32, #tpu.memory_space<vmem>>, vector<1x16xf32>,
      %parallel_loop3A_1269 = vector.shape_cast %parallel_loop3A_1268 : vector<1x16xf32> to vector<16xf32>
      %parallel_loop3A_1270 = arith.addf %parallel_loop3A_1269, %parallel_loop3A_1245 : vector<16xf32>
      %parallel_loop3A_1271 = arith.index_cast %parallel_loop3A_1223 : i32 to index
      %parallel_loop3A_1272 = arith.index_cast %parallel_loop3A_1241 : i32 to index
      %parallel_loop3A_1273 = tpu.vector_load %arg14[%parallel_loop3A_1271, %parallel_loop3A_1272] {strides = array<i32>} : memref<8x1024xf32, #tpu.memory_space<vmem>>, vector<1x16xf32>,
      %parallel_loop3A_1274 = vector.shape_cast %parallel_loop3A_1273 : vector<1x16xf32> to vector<16xf32>
      %parallel_loop3A_1275 = vector.shape_cast %parallel_loop3A_1270 : vector<16xf32> to vector<1x16xf32>
      tpu.vector_store %arg14[%parallel_loop3A_1271, %parallel_loop3A_1272], %parallel_loop3A_1275 {strides = array<i32>} : memref<8x1024xf32, #tpu.memory_space<vmem>>, vector<1x16xf32>,
      %parallel_loop3A_1276 = arith.index_cast %parallel_loop3A_1223 : i32 to index
      %parallel_loop3A_1277 = arith.index_cast %parallel_loop3A_1241 : i32 to index
      %parallel_loop3A_1278 = tpu.vector_load %arg17[%parallel_loop3A_1276, %parallel_loop3A_1277] {strides = array<i32>} : memref<8x1024xf32, #tpu.memory_space<vmem>>, vector<1x16xf32>,
      %parallel_loop3A_1279 = vector.shape_cast %parallel_loop3A_1278 : vector<1x16xf32> to vector<16xf32>
      %parallel_loop3A_1280 = arith.addf %parallel_loop3A_1279, %parallel_loop3A_1245 : vector<16xf32>
      %parallel_loop3A_1281 = arith.index_cast %parallel_loop3A_1223 : i32 to index
      %parallel_loop3A_1282 = arith.index_cast %parallel_loop3A_1241 : i32 to index
      %parallel_loop3A_1283 = tpu.vector_load %arg17[%parallel_loop3A_1281, %parallel_loop3A_1282] {strides = array<i32>} : memref<8x1024xf32, #tpu.memory_space<vmem>>, vector<1x16xf32>,
      %parallel_loop3A_1284 = vector.shape_cast %parallel_loop3A_1283 : vector<1x16xf32> to vector<16xf32>
      %parallel_loop3A_1285 = vector.shape_cast %parallel_loop3A_1280 : vector<16xf32> to vector<1x16xf32>
      tpu.vector_store %arg17[%parallel_loop3A_1281, %parallel_loop3A_1282], %parallel_loop3A_1285 {strides = array<i32>} : memref<8x1024xf32, #tpu.memory_space<vmem>>, vector<1x16xf32>,
    } {sc.loop_unroll_factor = 4 : i64, sc.parallel_access}
    %add3A_700 = arith.constant 32 : i32
    %add3A_701 = arith.addi %mul3A_2, %add3A_700 : i32
    %multiple_of3A_702 = tpu.assume_multiple %add3A_701, 8 : i32
    %dma_start3A_703 = arith.constant 0 : i32
    %dma_start3A_704 = arith.constant 0 : i32
    %dma_start3A_705 = tpu.memref_slice %arg4[%dma_start3A_703, %multiple_of3A_702, %dma_start3A_704] : memref<4x2048x1024xf32, #tpu.memory_space<hbm>> -> memref<1x8x1024xf32, #tpu.memory_space<hbm>>
    %dma_start3A_706 = tpu.memref_squeeze %dma_start3A_705 : memref<1x8x1024xf32, #tpu.memory_space<hbm>> -> memref<8x1024xf32, #tpu.memory_space<hbm>>
    %dma_start3A_707 = arith.constant 0 : i32
    %dma_start3A_708 = tpu.memref_slice %arg4[%dma_start3A_703, %multiple_of3A_702, %dma_start3A_707] : memref<4x2048x1024xf32, #tpu.memory_space<hbm>> -> memref<1x8x1024xf32, #tpu.memory_space<hbm>>
    %dma_start3A_709 = tpu.memref_squeeze %dma_start3A_708 : memref<1x8x1024xf32, #tpu.memory_space<hbm>> -> memref<8x1024xf32, #tpu.memory_space<hbm>>
    tpu.enqueue_dma source(%arg8 : memref<8x1024xf32, #tpu.memory_space<vmem>>) target(%dma_start3A_709 : memref<8x1024xf32, #tpu.memory_space<hbm>>) target_semaphore(%arg34 : memref<!tpu.dma_semaphore, #tpu.memory_space<semaphore_mem>>)
    %add3A_710 = arith.constant 32 : i32
    %add3A_711 = arith.addi %mul3A_2, %add3A_710 : i32
    %multiple_of3A_712 = tpu.assume_multiple %add3A_711, 8 : i32
    %dma_start3A_713 = arith.constant 1 : i32
    %dma_start3A_714 = arith.constant 0 : i32
    %dma_start3A_715 = tpu.memref_slice %arg4[%dma_start3A_713, %multiple_of3A_712, %dma_start3A_714] : memref<4x2048x1024xf32, #tpu.memory_space<hbm>> -> memref<1x8x1024xf32, #tpu.memory_space<hbm>>
    %dma_start3A_716 = tpu.memref_squeeze %dma_start3A_715 : memref<1x8x1024xf32, #tpu.memory_space<hbm>> -> memref<8x1024xf32, #tpu.memory_space<hbm>>
    %dma_start3A_717 = arith.constant 0 : i32
    %dma_start3A_718 = tpu.memref_slice %arg4[%dma_start3A_713, %multiple_of3A_712, %dma_start3A_717] : memref<4x2048x1024xf32, #tpu.memory_space<hbm>> -> memref<1x8x1024xf32, #tpu.memory_space<hbm>>
    %dma_start3A_719 = tpu.memref_squeeze %dma_start3A_718 : memref<1x8x1024xf32, #tpu.memory_space<hbm>> -> memref<8x1024xf32, #tpu.memory_space<hbm>>
    tpu.enqueue_dma source(%arg11 : memref<8x1024xf32, #tpu.memory_space<vmem>>) target(%dma_start3A_719 : memref<8x1024xf32, #tpu.memory_space<hbm>>) target_semaphore(%arg37 : memref<!tpu.dma_semaphore, #tpu.memory_space<semaphore_mem>>)
    %add3A_720 = arith.constant 32 : i32
    %add3A_721 = arith.addi %mul3A_2, %add3A_720 : i32
    %multiple_of3A_722 = tpu.assume_multiple %add3A_721, 8 : i32
    %dma_start3A_723 = arith.constant 2 : i32
    %dma_start3A_724 = arith.constant 0 : i32
    %dma_start3A_725 = tpu.memref_slice %arg4[%dma_start3A_723, %multiple_of3A_722, %dma_start3A_724] : memref<4x2048x1024xf32, #tpu.memory_space<hbm>> -> memref<1x8x1024xf32, #tpu.memory_space<hbm>>
    %dma_start3A_726 = tpu.memref_squeeze %dma_start3A_725 : memref<1x8x1024xf32, #tpu.memory_space<hbm>> -> memref<8x1024xf32, #tpu.memory_space<hbm>>
    %dma_start3A_727 = arith.constant 0 : i32
    %dma_start3A_728 = tpu.memref_slice %arg4[%dma_start3A_723, %multiple_of3A_722, %dma_start3A_727] : memref<4x2048x1024xf32, #tpu.memory_space<hbm>> -> memref<1x8x1024xf32, #tpu.memory_space<hbm>>
    %dma_start3A_729 = tpu.memref_squeeze %dma_start3A_728 : memref<1x8x1024xf32, #tpu.memory_space<hbm>> -> memref<8x1024xf32, #tpu.memory_space<hbm>>
    tpu.enqueue_dma source(%arg14 : memref<8x1024xf32, #tpu.memory_space<vmem>>) target(%dma_start3A_729 : memref<8x1024xf32, #tpu.memory_space<hbm>>) target_semaphore(%arg40 : memref<!tpu.dma_semaphore, #tpu.memory_space<semaphore_mem>>)
    %add3A_730 = arith.constant 32 : i32
    %add3A_731 = arith.addi %mul3A_2, %add3A_730 : i32
    %multiple_of3A_732 = tpu.assume_multiple %add3A_731, 8 : i32
    %dma_start3A_733 = arith.constant 3 : i32
    %dma_start3A_734 = arith.constant 0 : i32
    %dma_start3A_735 = tpu.memref_slice %arg4[%dma_start3A_733, %multiple_of3A_732, %dma_start3A_734] : memref<4x2048x1024xf32, #tpu.memory_space<hbm>> -> memref<1x8x1024xf32, #tpu.memory_space<hbm>>
    %dma_start3A_736 = tpu.memref_squeeze %dma_start3A_735 : memref<1x8x1024xf32, #tpu.memory_space<hbm>> -> memref<8x1024xf32, #tpu.memory_space<hbm>>
    %dma_start3A_737 = arith.constant 0 : i32
    %dma_start3A_738 = tpu.memref_slice %arg4[%dma_start3A_733, %multiple_of3A_732, %dma_start3A_737] : memref<4x2048x1024xf32, #tpu.memory_space<hbm>> -> memref<1x8x1024xf32, #tpu.memory_space<hbm>>
    %dma_start3A_739 = tpu.memref_squeeze %dma_start3A_738 : memref<1x8x1024xf32, #tpu.memory_space<hbm>> -> memref<8x1024xf32, #tpu.memory_space<hbm>>
    tpu.enqueue_dma source(%arg17 : memref<8x1024xf32, #tpu.memory_space<vmem>>) target(%dma_start3A_739 : memref<8x1024xf32, #tpu.memory_space<hbm>>) target_semaphore(%arg43 : memref<!tpu.dma_semaphore, #tpu.memory_space<semaphore_mem>>)
    %add3A_740 = arith.constant 48 : i32
    %add3A_741 = arith.addi %mul3A_2, %add3A_740 : i32
    %multiple_of3A_742 = tpu.assume_multiple %add3A_741, 8 : i32
    %dma_start3A_743 = arith.constant 0 : i32
    %dma_start3A_744 = tpu.memref_slice %arg3[%multiple_of3A_742, %dma_start3A_743] : memref<2048x1024xf32, #tpu.memory_space<hbm>> -> memref<8x1024xf32, #tpu.memory_space<hbm>>
    %dma_start3A_745 = arith.constant 0 : i32
    %dma_start3A_746 = tpu.memref_slice %arg3[%multiple_of3A_742, %dma_start3A_745] : memref<2048x1024xf32, #tpu.memory_space<hbm>> -> memref<8x1024xf32, #tpu.memory_space<hbm>>
    tpu.enqueue_dma source(%dma_start3A_746 : memref<8x1024xf32, #tpu.memory_space<hbm>>) target(%arg5 : memref<8x1024xf32, #tpu.memory_space<vmem>>) target_semaphore(%arg19 : memref<!tpu.dma_semaphore, #tpu.memory_space<semaphore_mem>>)
    %dma_wait3A_747 = arith.constant 0 : i32
    %dma_wait3A_748 = arith.constant 0 : i32
    %dma_wait3A_749 = tpu.memref_slice %arg4[%dma_wait3A_747, %multiple_of3A_552, %dma_wait3A_748] : memref<4x2048x1024xf32, #tpu.memory_space<hbm>> -> memref<1x8x1024xf32, #tpu.memory_space<hbm>>
    %dma_wait3A_750 = tpu.memref_squeeze %dma_wait3A_749 : memref<1x8x1024xf32, #tpu.memory_space<hbm>> -> memref<8x1024xf32, #tpu.memory_space<hbm>>
    %dma_wait3A_751 = arith.constant 0 : i32
    %dma_wait3A_752 = tpu.memref_slice %arg4[%dma_wait3A_747, %multiple_of3A_552, %dma_wait3A_751] : memref<4x2048x1024xf32, #tpu.memory_space<hbm>> -> memref<1x8x1024xf32, #tpu.memory_space<hbm>>
    %dma_wait3A_753 = tpu.memref_squeeze %dma_wait3A_752 : memref<1x8x1024xf32, #tpu.memory_space<hbm>> -> memref<8x1024xf32, #tpu.memory_space<hbm>>
    tpu.wait_dma2 semaphore(%arg33 : memref<!tpu.dma_semaphore, #tpu.memory_space<semaphore_mem>>) src(%arg7 : memref<8x1024xf32, #tpu.memory_space<vmem>>) dst(%dma_wait3A_753 : memref<8x1024xf32, #tpu.memory_space<hbm>>)
    %add3A_754 = arith.constant 48 : i32
    %add3A_755 = arith.addi %mul3A_2, %add3A_754 : i32
    %multiple_of3A_756 = tpu.assume_multiple %add3A_755, 8 : i32
    %dma_start3A_757 = arith.constant 0 : i32
    %dma_start3A_758 = arith.constant 0 : i32
    %dma_start3A_759 = tpu.memref_slice %arg2[%dma_start3A_757, %multiple_of3A_756, %dma_start3A_758] : memref<4x2048x1024xf32, #tpu.memory_space<hbm>> -> memref<1x8x1024xf32, #tpu.memory_space<hbm>>
    %dma_start3A_760 = tpu.memref_squeeze %dma_start3A_759 : memref<1x8x1024xf32, #tpu.memory_space<hbm>> -> memref<8x1024xf32, #tpu.memory_space<hbm>>
    %dma_start3A_761 = arith.constant 0 : i32
    %dma_start3A_762 = tpu.memref_slice %arg2[%dma_start3A_757, %multiple_of3A_756, %dma_start3A_761] : memref<4x2048x1024xf32, #tpu.memory_space<hbm>> -> memref<1x8x1024xf32, #tpu.memory_space<hbm>>
    %dma_start3A_763 = tpu.memref_squeeze %dma_start3A_762 : memref<1x8x1024xf32, #tpu.memory_space<hbm>> -> memref<8x1024xf32, #tpu.memory_space<hbm>>
    tpu.enqueue_dma source(%dma_start3A_763 : memref<8x1024xf32, #tpu.memory_space<hbm>>) target(%arg7 : memref<8x1024xf32, #tpu.memory_space<vmem>>) target_semaphore(%arg21 : memref<!tpu.dma_semaphore, #tpu.memory_space<semaphore_mem>>)
    %dma_wait3A_764 = arith.constant 1 : i32
    %dma_wait3A_765 = arith.constant 0 : i32
    %dma_wait3A_766 = tpu.memref_slice %arg4[%dma_wait3A_764, %multiple_of3A_562, %dma_wait3A_765] : memref<4x2048x1024xf32, #tpu.memory_space<hbm>> -> memref<1x8x1024xf32, #tpu.memory_space<hbm>>
    %dma_wait3A_767 = tpu.memref_squeeze %dma_wait3A_766 : memref<1x8x1024xf32, #tpu.memory_space<hbm>> -> memref<8x1024xf32, #tpu.memory_space<hbm>>
    %dma_wait3A_768 = arith.constant 0 : i32
    %dma_wait3A_769 = tpu.memref_slice %arg4[%dma_wait3A_764, %multiple_of3A_562, %dma_wait3A_768] : memref<4x2048x1024xf32, #tpu.memory_space<hbm>> -> memref<1x8x1024xf32, #tpu.memory_space<hbm>>
    %dma_wait3A_770 = tpu.memref_squeeze %dma_wait3A_769 : memref<1x8x1024xf32, #tpu.memory_space<hbm>> -> memref<8x1024xf32, #tpu.memory_space<hbm>>
    tpu.wait_dma2 semaphore(%arg36 : memref<!tpu.dma_semaphore, #tpu.memory_space<semaphore_mem>>) src(%arg10 : memref<8x1024xf32, #tpu.memory_space<vmem>>) dst(%dma_wait3A_770 : memref<8x1024xf32, #tpu.memory_space<hbm>>)
    %add3A_771 = arith.constant 48 : i32
    %add3A_772 = arith.addi %mul3A_2, %add3A_771 : i32
    %multiple_of3A_773 = tpu.assume_multiple %add3A_772, 8 : i32
    %dma_start3A_774 = arith.constant 1 : i32
    %dma_start3A_775 = arith.constant 0 : i32
    %dma_start3A_776 = tpu.memref_slice %arg2[%dma_start3A_774, %multiple_of3A_773, %dma_start3A_775] : memref<4x2048x1024xf32, #tpu.memory_space<hbm>> -> memref<1x8x1024xf32, #tpu.memory_space<hbm>>
    %dma_start3A_777 = tpu.memref_squeeze %dma_start3A_776 : memref<1x8x1024xf32, #tpu.memory_space<hbm>> -> memref<8x1024xf32, #tpu.memory_space<hbm>>
    %dma_start3A_778 = arith.constant 0 : i32
    %dma_start3A_779 = tpu.memref_slice %arg2[%dma_start3A_774, %multiple_of3A_773, %dma_start3A_778] : memref<4x2048x1024xf32, #tpu.memory_space<hbm>> -> memref<1x8x1024xf32, #tpu.memory_space<hbm>>
    %dma_start3A_780 = tpu.memref_squeeze %dma_start3A_779 : memref<1x8x1024xf32, #tpu.memory_space<hbm>> -> memref<8x1024xf32, #tpu.memory_space<hbm>>
    tpu.enqueue_dma source(%dma_start3A_780 : memref<8x1024xf32, #tpu.memory_space<hbm>>) target(%arg10 : memref<8x1024xf32, #tpu.memory_space<vmem>>) target_semaphore(%arg24 : memref<!tpu.dma_semaphore, #tpu.memory_space<semaphore_mem>>)
    %dma_wait3A_781 = arith.constant 2 : i32
    %dma_wait3A_782 = arith.constant 0 : i32
    %dma_wait3A_783 = tpu.memref_slice %arg4[%dma_wait3A_781, %multiple_of3A_572, %dma_wait3A_782] : memref<4x2048x1024xf32, #tpu.memory_space<hbm>> -> memref<1x8x1024xf32, #tpu.memory_space<hbm>>
    %dma_wait3A_784 = tpu.memref_squeeze %dma_wait3A_783 : memref<1x8x1024xf32, #tpu.memory_space<hbm>> -> memref<8x1024xf32, #tpu.memory_space<hbm>>
    %dma_wait3A_785 = arith.constant 0 : i32
    %dma_wait3A_786 = tpu.memref_slice %arg4[%dma_wait3A_781, %multiple_of3A_572, %dma_wait3A_785] : memref<4x2048x1024xf32, #tpu.memory_space<hbm>> -> memref<1x8x1024xf32, #tpu.memory_space<hbm>>
    %dma_wait3A_787 = tpu.memref_squeeze %dma_wait3A_786 : memref<1x8x1024xf32, #tpu.memory_space<hbm>> -> memref<8x1024xf32, #tpu.memory_space<hbm>>
    tpu.wait_dma2 semaphore(%arg39 : memref<!tpu.dma_semaphore, #tpu.memory_space<semaphore_mem>>) src(%arg13 : memref<8x1024xf32, #tpu.memory_space<vmem>>) dst(%dma_wait3A_787 : memref<8x1024xf32, #tpu.memory_space<hbm>>)
    %add3A_788 = arith.constant 48 : i32
    %add3A_789 = arith.addi %mul3A_2, %add3A_788 : i32
    %multiple_of3A_790 = tpu.assume_multiple %add3A_789, 8 : i32
    %dma_start3A_791 = arith.constant 2 : i32
    %dma_start3A_792 = arith.constant 0 : i32
    %dma_start3A_793 = tpu.memref_slice %arg2[%dma_start3A_791, %multiple_of3A_790, %dma_start3A_792] : memref<4x2048x1024xf32, #tpu.memory_space<hbm>> -> memref<1x8x1024xf32, #tpu.memory_space<hbm>>
    %dma_start3A_794 = tpu.memref_squeeze %dma_start3A_793 : memref<1x8x1024xf32, #tpu.memory_space<hbm>> -> memref<8x1024xf32, #tpu.memory_space<hbm>>
    %dma_start3A_795 = arith.constant 0 : i32
    %dma_start3A_796 = tpu.memref_slice %arg2[%dma_start3A_791, %multiple_of3A_790, %dma_start3A_795] : memref<4x2048x1024xf32, #tpu.memory_space<hbm>> -> memref<1x8x1024xf32, #tpu.memory_space<hbm>>
    %dma_start3A_797 = tpu.memref_squeeze %dma_start3A_796 : memref<1x8x1024xf32, #tpu.memory_space<hbm>> -> memref<8x1024xf32, #tpu.memory_space<hbm>>
    tpu.enqueue_dma source(%dma_start3A_797 : memref<8x1024xf32, #tpu.memory_space<hbm>>) target(%arg13 : memref<8x1024xf32, #tpu.memory_space<vmem>>) target_semaphore(%arg27 : memref<!tpu.dma_semaphore, #tpu.memory_space<semaphore_mem>>)
    %dma_wait3A_798 = arith.constant 3 : i32
    %dma_wait3A_799 = arith.constant 0 : i32
    %dma_wait3A_800 = tpu.memref_slice %arg4[%dma_wait3A_798, %multiple_of3A_582, %dma_wait3A_799] : memref<4x2048x1024xf32, #tpu.memory_space<hbm>> -> memref<1x8x1024xf32, #tpu.memory_space<hbm>>
    %dma_wait3A_801 = tpu.memref_squeeze %dma_wait3A_800 : memref<1x8x1024xf32, #tpu.memory_space<hbm>> -> memref<8x1024xf32, #tpu.memory_space<hbm>>
    %dma_wait3A_802 = arith.constant 0 : i32
    %dma_wait3A_803 = tpu.memref_slice %arg4[%dma_wait3A_798, %multiple_of3A_582, %dma_wait3A_802] : memref<4x2048x1024xf32, #tpu.memory_space<hbm>> -> memref<1x8x1024xf32, #tpu.memory_space<hbm>>
    %dma_wait3A_804 = tpu.memref_squeeze %dma_wait3A_803 : memref<1x8x1024xf32, #tpu.memory_space<hbm>> -> memref<8x1024xf32, #tpu.memory_space<hbm>>
    tpu.wait_dma2 semaphore(%arg42 : memref<!tpu.dma_semaphore, #tpu.memory_space<semaphore_mem>>) src(%arg16 : memref<8x1024xf32, #tpu.memory_space<vmem>>) dst(%dma_wait3A_804 : memref<8x1024xf32, #tpu.memory_space<hbm>>)
    %add3A_805 = arith.constant 48 : i32
    %add3A_806 = arith.addi %mul3A_2, %add3A_805 : i32
    %multiple_of3A_807 = tpu.assume_multiple %add3A_806, 8 : i32
    %dma_start3A_808 = arith.constant 3 : i32
    %dma_start3A_809 = arith.constant 0 : i32
    %dma_start3A_810 = tpu.memref_slice %arg2[%dma_start3A_808, %multiple_of3A_807, %dma_start3A_809] : memref<4x2048x1024xf32, #tpu.memory_space<hbm>> -> memref<1x8x1024xf32, #tpu.memory_space<hbm>>
    %dma_start3A_811 = tpu.memref_squeeze %dma_start3A_810 : memref<1x8x1024xf32, #tpu.memory_space<hbm>> -> memref<8x1024xf32, #tpu.memory_space<hbm>>
    %dma_start3A_812 = arith.constant 0 : i32
    %dma_start3A_813 = tpu.memref_slice %arg2[%dma_start3A_808, %multiple_of3A_807, %dma_start3A_812] : memref<4x2048x1024xf32, #tpu.memory_space<hbm>> -> memref<1x8x1024xf32, #tpu.memory_space<hbm>>
    %dma_start3A_814 = tpu.memref_squeeze %dma_start3A_813 : memref<1x8x1024xf32, #tpu.memory_space<hbm>> -> memref<8x1024xf32, #tpu.memory_space<hbm>>
    tpu.enqueue_dma source(%dma_start3A_814 : memref<8x1024xf32, #tpu.memory_space<hbm>>) target(%arg16 : memref<8x1024xf32, #tpu.memory_space<vmem>>) target_semaphore(%arg30 : memref<!tpu.dma_semaphore, #tpu.memory_space<semaphore_mem>>)
    %dma_wait3A_815 = arith.constant 0 : i32
    %dma_wait3A_816 = tpu.memref_slice %arg3[%multiple_of3A_592, %dma_wait3A_815] : memref<2048x1024xf32, #tpu.memory_space<hbm>> -> memref<8x1024xf32, #tpu.memory_space<hbm>>
    %dma_wait3A_817 = arith.constant 0 : i32
    %dma_wait3A_818 = tpu.memref_slice %arg3[%multiple_of3A_592, %dma_wait3A_817] : memref<2048x1024xf32, #tpu.memory_space<hbm>> -> memref<8x1024xf32, #tpu.memory_space<hbm>>
    tpu.wait_dma2 semaphore(%arg20 : memref<!tpu.dma_semaphore, #tpu.memory_space<semaphore_mem>>) src(%dma_wait3A_818 : memref<8x1024xf32, #tpu.memory_space<hbm>>) dst(%arg6 : memref<8x1024xf32, #tpu.memory_space<vmem>>)
    %dma_wait3A_819 = arith.constant 0 : i32
    %dma_wait3A_820 = arith.constant 0 : i32
    %dma_wait3A_821 = tpu.memref_slice %arg2[%dma_wait3A_819, %multiple_of3A_606, %dma_wait3A_820] : memref<4x2048x1024xf32, #tpu.memory_space<hbm>> -> memref<1x8x1024xf32, #tpu.memory_space<hbm>>
    %dma_wait3A_822 = tpu.memref_squeeze %dma_wait3A_821 : memref<1x8x1024xf32, #tpu.memory_space<hbm>> -> memref<8x1024xf32, #tpu.memory_space<hbm>>
    %dma_wait3A_823 = arith.constant 0 : i32
    %dma_wait3A_824 = tpu.memref_slice %arg2[%dma_wait3A_819, %multiple_of3A_606, %dma_wait3A_823] : memref<4x2048x1024xf32, #tpu.memory_space<hbm>> -> memref<1x8x1024xf32, #tpu.memory_space<hbm>>
    %dma_wait3A_825 = tpu.memref_squeeze %dma_wait3A_824 : memref<1x8x1024xf32, #tpu.memory_space<hbm>> -> memref<8x1024xf32, #tpu.memory_space<hbm>>
    tpu.wait_dma2 semaphore(%arg23 : memref<!tpu.dma_semaphore, #tpu.memory_space<semaphore_mem>>) src(%dma_wait3A_825 : memref<8x1024xf32, #tpu.memory_space<hbm>>) dst(%arg9 : memref<8x1024xf32, #tpu.memory_space<vmem>>)
    %dma_wait3A_826 = arith.constant 1 : i32
    %dma_wait3A_827 = arith.constant 0 : i32
    %dma_wait3A_828 = tpu.memref_slice %arg2[%dma_wait3A_826, %multiple_of3A_623, %dma_wait3A_827] : memref<4x2048x1024xf32, #tpu.memory_space<hbm>> -> memref<1x8x1024xf32, #tpu.memory_space<hbm>>
    %dma_wait3A_829 = tpu.memref_squeeze %dma_wait3A_828 : memref<1x8x1024xf32, #tpu.memory_space<hbm>> -> memref<8x1024xf32, #tpu.memory_space<hbm>>
    %dma_wait3A_830 = arith.constant 0 : i32
    %dma_wait3A_831 = tpu.memref_slice %arg2[%dma_wait3A_826, %multiple_of3A_623, %dma_wait3A_830] : memref<4x2048x1024xf32, #tpu.memory_space<hbm>> -> memref<1x8x1024xf32, #tpu.memory_space<hbm>>
    %dma_wait3A_832 = tpu.memref_squeeze %dma_wait3A_831 : memref<1x8x1024xf32, #tpu.memory_space<hbm>> -> memref<8x1024xf32, #tpu.memory_space<hbm>>
    tpu.wait_dma2 semaphore(%arg26 : memref<!tpu.dma_semaphore, #tpu.memory_space<semaphore_mem>>) src(%dma_wait3A_832 : memref<8x1024xf32, #tpu.memory_space<hbm>>) dst(%arg12 : memref<8x1024xf32, #tpu.memory_space<vmem>>)
    %dma_wait3A_833 = arith.constant 2 : i32
    %dma_wait3A_834 = arith.constant 0 : i32
    %dma_wait3A_835 = tpu.memref_slice %arg2[%dma_wait3A_833, %multiple_of3A_640, %dma_wait3A_834] : memref<4x2048x1024xf32, #tpu.memory_space<hbm>> -> memref<1x8x1024xf32, #tpu.memory_space<hbm>>
    %dma_wait3A_836 = tpu.memref_squeeze %dma_wait3A_835 : memref<1x8x1024xf32, #tpu.memory_space<hbm>> -> memref<8x1024xf32, #tpu.memory_space<hbm>>
    %dma_wait3A_837 = arith.constant 0 : i32
    %dma_wait3A_838 = tpu.memref_slice %arg2[%dma_wait3A_833, %multiple_of3A_640, %dma_wait3A_837] : memref<4x2048x1024xf32, #tpu.memory_space<hbm>> -> memref<1x8x1024xf32, #tpu.memory_space<hbm>>
    %dma_wait3A_839 = tpu.memref_squeeze %dma_wait3A_838 : memref<1x8x1024xf32, #tpu.memory_space<hbm>> -> memref<8x1024xf32, #tpu.memory_space<hbm>>
    tpu.wait_dma2 semaphore(%arg29 : memref<!tpu.dma_semaphore, #tpu.memory_space<semaphore_mem>>) src(%dma_wait3A_839 : memref<8x1024xf32, #tpu.memory_space<hbm>>) dst(%arg15 : memref<8x1024xf32, #tpu.memory_space<vmem>>)
    %dma_wait3A_840 = arith.constant 3 : i32
    %dma_wait3A_841 = arith.constant 0 : i32
    %dma_wait3A_842 = tpu.memref_slice %arg2[%dma_wait3A_840, %multiple_of3A_657, %dma_wait3A_841] : memref<4x2048x1024xf32, #tpu.memory_space<hbm>> -> memref<1x8x1024xf32, #tpu.memory_space<hbm>>
    %dma_wait3A_843 = tpu.memref_squeeze %dma_wait3A_842 : memref<1x8x1024xf32, #tpu.memory_space<hbm>> -> memref<8x1024xf32, #tpu.memory_space<hbm>>
    %dma_wait3A_844 = arith.constant 0 : i32
    %dma_wait3A_845 = tpu.memref_slice %arg2[%dma_wait3A_840, %multiple_of3A_657, %dma_wait3A_844] : memref<4x2048x1024xf32, #tpu.memory_space<hbm>> -> memref<1x8x1024xf32, #tpu.memory_space<hbm>>
    %dma_wait3A_846 = tpu.memref_squeeze %dma_wait3A_845 : memref<1x8x1024xf32, #tpu.memory_space<hbm>> -> memref<8x1024xf32, #tpu.memory_space<hbm>>
    tpu.wait_dma2 semaphore(%arg32 : memref<!tpu.dma_semaphore, #tpu.memory_space<semaphore_mem>>) src(%dma_wait3A_846 : memref<8x1024xf32, #tpu.memory_space<hbm>>) dst(%arg18 : memref<8x1024xf32, #tpu.memory_space<vmem>>)
    %parallel_loop3A_847 = arith.constant 0 : i32
    %parallel_loop3A_848 = arith.constant 512 : i32
    %parallel_loop3A_849 = arith.constant 1 : i32
    scf.for %parallel_loop3A_1199 = %parallel_loop3A_847 to %parallel_loop3A_848 step %parallel_loop3A_849  : i32 {
      %parallel_loop3A_1200 = arith.constant 64 : i32
      %parallel_loop3A_1201 = arith.divsi %parallel_loop3A_1199, %parallel_loop3A_1200 : i32
      %parallel_loop3A_1202 = arith.constant 0 : i32
      %parallel_loop3A_1203 = arith.cmpi sgt, %parallel_loop3A_1199, %parallel_loop3A_1202 : i32
      %parallel_loop3A_1204 = arith.extui %parallel_loop3A_1203 : i1 to i32
      %parallel_loop3A_1205 = arith.constant 0 : i32
      %parallel_loop3A_1206 = arith.cmpi slt, %parallel_loop3A_1199, %parallel_loop3A_1205 : i32
      %parallel_loop3A_1207 = arith.extui %parallel_loop3A_1206 : i1 to i32
      %parallel_loop3A_1208 = arith.subi %parallel_loop3A_1204, %parallel_loop3A_1207 : i32
      %parallel_loop3A_1209 = arith.constant 0 : i32
      %parallel_loop3A_1210 = arith.cmpi sgt, %parallel_loop3A_1200, %parallel_loop3A_1209 : i32
      %parallel_loop3A_1211 = arith.extui %parallel_loop3A_1210 : i1 to i32
      %parallel_loop3A_1212 = arith.constant 0 : i32
      %parallel_loop3A_1213 = arith.cmpi slt, %parallel_loop3A_1200, %parallel_loop3A_1212 : i32
      %parallel_loop3A_1214 = arith.extui %parallel_loop3A_1213 : i1 to i32
      %parallel_loop3A_1215 = arith.subi %parallel_loop3A_1211, %parallel_loop3A_1214 : i32
      %parallel_loop3A_1216 = arith.cmpi ne, %parallel_loop3A_1208, %parallel_loop3A_1215 : i32
      %parallel_loop3A_1217 = arith.remsi %parallel_loop3A_1199, %parallel_loop3A_1200 : i32
      %parallel_loop3A_1218 = arith.constant 0 : i32
      %parallel_loop3A_1219 = arith.cmpi ne, %parallel_loop3A_1217, %parallel_loop3A_1218 : i32
      %parallel_loop3A_1220 = arith.andi %parallel_loop3A_1216, %parallel_loop3A_1219 : i1
      %parallel_loop3A_1221 = arith.constant 1 : i32
      %parallel_loop3A_1222 = arith.subi %parallel_loop3A_1201, %parallel_loop3A_1221 : i32
      %parallel_loop3A_1223 = arith.select %parallel_loop3A_1220, %parallel_loop3A_1222, %parallel_loop3A_1201 : i32
      %parallel_loop3A_1224 = arith.constant 64 : i32
      %parallel_loop3A_1225 = arith.constant 0 : i32
      %parallel_loop3A_1226 = arith.cmpi eq, %parallel_loop3A_1224, %parallel_loop3A_1225 : i32
      %parallel_loop3A_1227 = arith.constant 1 : i32
      %parallel_loop3A_1228 = arith.select %parallel_loop3A_1226, %parallel_loop3A_1227, %parallel_loop3A_1224 : i32
      %parallel_loop3A_1229 = arith.remsi %parallel_loop3A_1199, %parallel_loop3A_1228 : i32
      %parallel_loop3A_1230 = arith.constant 0 : i32
      %parallel_loop3A_1231 = arith.cmpi ne, %parallel_loop3A_1229, %parallel_loop3A_1230 : i32
      %parallel_loop3A_1232 = arith.constant 0 : i32
      %parallel_loop3A_1233 = arith.cmpi slt, %parallel_loop3A_1229, %parallel_loop3A_1232 : i32
      %parallel_loop3A_1234 = arith.constant 0 : i32
      %parallel_loop3A_1235 = arith.cmpi slt, %parallel_loop3A_1228, %parallel_loop3A_1234 : i32
      %parallel_loop3A_1236 = arith.xori %parallel_loop3A_1233, %parallel_loop3A_1235 : i1
      %parallel_loop3A_1237 = arith.andi %parallel_loop3A_1236, %parallel_loop3A_1231 : i1
      %parallel_loop3A_1238 = arith.addi %parallel_loop3A_1229, %parallel_loop3A_1228 : i32
      %parallel_loop3A_1239 = arith.select %parallel_loop3A_1237, %parallel_loop3A_1238, %parallel_loop3A_1229 : i32
      %parallel_loop3A_1240 = arith.constant 16 : i32
      %parallel_loop3A_1241 = arith.muli %parallel_loop3A_1239, %parallel_loop3A_1240 : i32
      %parallel_loop3A_1242 = arith.index_cast %parallel_loop3A_1223 : i32 to index
      %parallel_loop3A_1243 = arith.index_cast %parallel_loop3A_1241 : i32 to index
      %parallel_loop3A_1244 = tpu.vector_load %arg6[%parallel_loop3A_1242, %parallel_loop3A_1243] {strides = array<i32>} : memref<8x1024xf32, #tpu.memory_space<vmem>>, vector<1x16xf32>,
      %parallel_loop3A_1245 = vector.shape_cast %parallel_loop3A_1244 : vector<1x16xf32> to vector<16xf32>
      %parallel_loop3A_1246 = arith.index_cast %parallel_loop3A_1223 : i32 to index
      %parallel_loop3A_1247 = arith.index_cast %parallel_loop3A_1241 : i32 to index
      %parallel_loop3A_1248 = tpu.vector_load %arg9[%parallel_loop3A_1246, %parallel_loop3A_1247] {strides = array<i32>} : memref<8x1024xf32, #tpu.memory_space<vmem>>, vector<1x16xf32>,
      %parallel_loop3A_1249 = vector.shape_cast %parallel_loop3A_1248 : vector<1x16xf32> to vector<16xf32>
      %parallel_loop3A_1250 = arith.addf %parallel_loop3A_1249, %parallel_loop3A_1245 : vector<16xf32>
      %parallel_loop3A_1251 = arith.index_cast %parallel_loop3A_1223 : i32 to index
      %parallel_loop3A_1252 = arith.index_cast %parallel_loop3A_1241 : i32 to index
      %parallel_loop3A_1253 = tpu.vector_load %arg9[%parallel_loop3A_1251, %parallel_loop3A_1252] {strides = array<i32>} : memref<8x1024xf32, #tpu.memory_space<vmem>>, vector<1x16xf32>,
      %parallel_loop3A_1254 = vector.shape_cast %parallel_loop3A_1253 : vector<1x16xf32> to vector<16xf32>
      %parallel_loop3A_1255 = vector.shape_cast %parallel_loop3A_1250 : vector<16xf32> to vector<1x16xf32>
      tpu.vector_store %arg9[%parallel_loop3A_1251, %parallel_loop3A_1252], %parallel_loop3A_1255 {strides = array<i32>} : memref<8x1024xf32, #tpu.memory_space<vmem>>, vector<1x16xf32>,
      %parallel_loop3A_1256 = arith.index_cast %parallel_loop3A_1223 : i32 to index
      %parallel_loop3A_1257 = arith.index_cast %parallel_loop3A_1241 : i32 to index
      %parallel_loop3A_1258 = tpu.vector_load %arg12[%parallel_loop3A_1256, %parallel_loop3A_1257] {strides = array<i32>} : memref<8x1024xf32, #tpu.memory_space<vmem>>, vector<1x16xf32>,
      %parallel_loop3A_1259 = vector.shape_cast %parallel_loop3A_1258 : vector<1x16xf32> to vector<16xf32>
      %parallel_loop3A_1260 = arith.addf %parallel_loop3A_1259, %parallel_loop3A_1245 : vector<16xf32>
      %parallel_loop3A_1261 = arith.index_cast %parallel_loop3A_1223 : i32 to index
      %parallel_loop3A_1262 = arith.index_cast %parallel_loop3A_1241 : i32 to index
      %parallel_loop3A_1263 = tpu.vector_load %arg12[%parallel_loop3A_1261, %parallel_loop3A_1262] {strides = array<i32>} : memref<8x1024xf32, #tpu.memory_space<vmem>>, vector<1x16xf32>,
      %parallel_loop3A_1264 = vector.shape_cast %parallel_loop3A_1263 : vector<1x16xf32> to vector<16xf32>
      %parallel_loop3A_1265 = vector.shape_cast %parallel_loop3A_1260 : vector<16xf32> to vector<1x16xf32>
      tpu.vector_store %arg12[%parallel_loop3A_1261, %parallel_loop3A_1262], %parallel_loop3A_1265 {strides = array<i32>} : memref<8x1024xf32, #tpu.memory_space<vmem>>, vector<1x16xf32>,
      %parallel_loop3A_1266 = arith.index_cast %parallel_loop3A_1223 : i32 to index
      %parallel_loop3A_1267 = arith.index_cast %parallel_loop3A_1241 : i32 to index
      %parallel_loop3A_1268 = tpu.vector_load %arg15[%parallel_loop3A_1266, %parallel_loop3A_1267] {strides = array<i32>} : memref<8x1024xf32, #tpu.memory_space<vmem>>, vector<1x16xf32>,
      %parallel_loop3A_1269 = vector.shape_cast %parallel_loop3A_1268 : vector<1x16xf32> to vector<16xf32>
      %parallel_loop3A_1270 = arith.addf %parallel_loop3A_1269, %parallel_loop3A_1245 : vector<16xf32>
      %parallel_loop3A_1271 = arith.index_cast %parallel_loop3A_1223 : i32 to index
      %parallel_loop3A_1272 = arith.index_cast %parallel_loop3A_1241 : i32 to index
      %parallel_loop3A_1273 = tpu.vector_load %arg15[%parallel_loop3A_1271, %parallel_loop3A_1272] {strides = array<i32>} : memref<8x1024xf32, #tpu.memory_space<vmem>>, vector<1x16xf32>,
      %parallel_loop3A_1274 = vector.shape_cast %parallel_loop3A_1273 : vector<1x16xf32> to vector<16xf32>
      %parallel_loop3A_1275 = vector.shape_cast %parallel_loop3A_1270 : vector<16xf32> to vector<1x16xf32>
      tpu.vector_store %arg15[%parallel_loop3A_1271, %parallel_loop3A_1272], %parallel_loop3A_1275 {strides = array<i32>} : memref<8x1024xf32, #tpu.memory_space<vmem>>, vector<1x16xf32>,
      %parallel_loop3A_1276 = arith.index_cast %parallel_loop3A_1223 : i32 to index
      %parallel_loop3A_1277 = arith.index_cast %parallel_loop3A_1241 : i32 to index
      %parallel_loop3A_1278 = tpu.vector_load %arg18[%parallel_loop3A_1276, %parallel_loop3A_1277] {strides = array<i32>} : memref<8x1024xf32, #tpu.memory_space<vmem>>, vector<1x16xf32>,
      %parallel_loop3A_1279 = vector.shape_cast %parallel_loop3A_1278 : vector<1x16xf32> to vector<16xf32>
      %parallel_loop3A_1280 = arith.addf %parallel_loop3A_1279, %parallel_loop3A_1245 : vector<16xf32>
      %parallel_loop3A_1281 = arith.index_cast %parallel_loop3A_1223 : i32 to index
      %parallel_loop3A_1282 = arith.index_cast %parallel_loop3A_1241 : i32 to index
      %parallel_loop3A_1283 = tpu.vector_load %arg18[%parallel_loop3A_1281, %parallel_loop3A_1282] {strides = array<i32>} : memref<8x1024xf32, #tpu.memory_space<vmem>>, vector<1x16xf32>,
      %parallel_loop3A_1284 = vector.shape_cast %parallel_loop3A_1283 : vector<1x16xf32> to vector<16xf32>
      %parallel_loop3A_1285 = vector.shape_cast %parallel_loop3A_1280 : vector<16xf32> to vector<1x16xf32>
      tpu.vector_store %arg18[%parallel_loop3A_1281, %parallel_loop3A_1282], %parallel_loop3A_1285 {strides = array<i32>} : memref<8x1024xf32, #tpu.memory_space<vmem>>, vector<1x16xf32>,
    } {sc.loop_unroll_factor = 4 : i64, sc.parallel_access}
    %add3A_850 = arith.constant 40 : i32
    %add3A_851 = arith.addi %mul3A_2, %add3A_850 : i32
    %multiple_of3A_852 = tpu.assume_multiple %add3A_851, 8 : i32
    %dma_start3A_853 = arith.constant 0 : i32
    %dma_start3A_854 = arith.constant 0 : i32
    %dma_start3A_855 = tpu.memref_slice %arg4[%dma_start3A_853, %multiple_of3A_852, %dma_start3A_854] : memref<4x2048x1024xf32, #tpu.memory_space<hbm>> -> memref<1x8x1024xf32, #tpu.memory_space<hbm>>
    %dma_start3A_856 = tpu.memref_squeeze %dma_start3A_855 : memref<1x8x1024xf32, #tpu.memory_space<hbm>> -> memref<8x1024xf32, #tpu.memory_space<hbm>>
    %dma_start3A_857 = arith.constant 0 : i32
    %dma_start3A_858 = tpu.memref_slice %arg4[%dma_start3A_853, %multiple_of3A_852, %dma_start3A_857] : memref<4x2048x1024xf32, #tpu.memory_space<hbm>> -> memref<1x8x1024xf32, #tpu.memory_space<hbm>>
    %dma_start3A_859 = tpu.memref_squeeze %dma_start3A_858 : memref<1x8x1024xf32, #tpu.memory_space<hbm>> -> memref<8x1024xf32, #tpu.memory_space<hbm>>
    tpu.enqueue_dma source(%arg9 : memref<8x1024xf32, #tpu.memory_space<vmem>>) target(%dma_start3A_859 : memref<8x1024xf32, #tpu.memory_space<hbm>>) target_semaphore(%arg35 : memref<!tpu.dma_semaphore, #tpu.memory_space<semaphore_mem>>)
    %add3A_860 = arith.constant 40 : i32
    %add3A_861 = arith.addi %mul3A_2, %add3A_860 : i32
    %multiple_of3A_862 = tpu.assume_multiple %add3A_861, 8 : i32
    %dma_start3A_863 = arith.constant 1 : i32
    %dma_start3A_864 = arith.constant 0 : i32
    %dma_start3A_865 = tpu.memref_slice %arg4[%dma_start3A_863, %multiple_of3A_862, %dma_start3A_864] : memref<4x2048x1024xf32, #tpu.memory_space<hbm>> -> memref<1x8x1024xf32, #tpu.memory_space<hbm>>
    %dma_start3A_866 = tpu.memref_squeeze %dma_start3A_865 : memref<1x8x1024xf32, #tpu.memory_space<hbm>> -> memref<8x1024xf32, #tpu.memory_space<hbm>>
    %dma_start3A_867 = arith.constant 0 : i32
    %dma_start3A_868 = tpu.memref_slice %arg4[%dma_start3A_863, %multiple_of3A_862, %dma_start3A_867] : memref<4x2048x1024xf32, #tpu.memory_space<hbm>> -> memref<1x8x1024xf32, #tpu.memory_space<hbm>>
    %dma_start3A_869 = tpu.memref_squeeze %dma_start3A_868 : memref<1x8x1024xf32, #tpu.memory_space<hbm>> -> memref<8x1024xf32, #tpu.memory_space<hbm>>
    tpu.enqueue_dma source(%arg12 : memref<8x1024xf32, #tpu.memory_space<vmem>>) target(%dma_start3A_869 : memref<8x1024xf32, #tpu.memory_space<hbm>>) target_semaphore(%arg38 : memref<!tpu.dma_semaphore, #tpu.memory_space<semaphore_mem>>)
    %add3A_870 = arith.constant 40 : i32
    %add3A_871 = arith.addi %mul3A_2, %add3A_870 : i32
    %multiple_of3A_872 = tpu.assume_multiple %add3A_871, 8 : i32
    %dma_start3A_873 = arith.constant 2 : i32
    %dma_start3A_874 = arith.constant 0 : i32
    %dma_start3A_875 = tpu.memref_slice %arg4[%dma_start3A_873, %multiple_of3A_872, %dma_start3A_874] : memref<4x2048x1024xf32, #tpu.memory_space<hbm>> -> memref<1x8x1024xf32, #tpu.memory_space<hbm>>
    %dma_start3A_876 = tpu.memref_squeeze %dma_start3A_875 : memref<1x8x1024xf32, #tpu.memory_space<hbm>> -> memref<8x1024xf32, #tpu.memory_space<hbm>>
    %dma_start3A_877 = arith.constant 0 : i32
    %dma_start3A_878 = tpu.memref_slice %arg4[%dma_start3A_873, %multiple_of3A_872, %dma_start3A_877] : memref<4x2048x1024xf32, #tpu.memory_space<hbm>> -> memref<1x8x1024xf32, #tpu.memory_space<hbm>>
    %dma_start3A_879 = tpu.memref_squeeze %dma_start3A_878 : memref<1x8x1024xf32, #tpu.memory_space<hbm>> -> memref<8x1024xf32, #tpu.memory_space<hbm>>
    tpu.enqueue_dma source(%arg15 : memref<8x1024xf32, #tpu.memory_space<vmem>>) target(%dma_start3A_879 : memref<8x1024xf32, #tpu.memory_space<hbm>>) target_semaphore(%arg41 : memref<!tpu.dma_semaphore, #tpu.memory_space<semaphore_mem>>)
    %add3A_880 = arith.constant 40 : i32
    %add3A_881 = arith.addi %mul3A_2, %add3A_880 : i32
    %multiple_of3A_882 = tpu.assume_multiple %add3A_881, 8 : i32
    %dma_start3A_883 = arith.constant 3 : i32
    %dma_start3A_884 = arith.constant 0 : i32
    %dma_start3A_885 = tpu.memref_slice %arg4[%dma_start3A_883, %multiple_of3A_882, %dma_start3A_884] : memref<4x2048x1024xf32, #tpu.memory_space<hbm>> -> memref<1x8x1024xf32, #tpu.memory_space<hbm>>
    %dma_start3A_886 = tpu.memref_squeeze %dma_start3A_885 : memref<1x8x1024xf32, #tpu.memory_space<hbm>> -> memref<8x1024xf32, #tpu.memory_space<hbm>>
    %dma_start3A_887 = arith.constant 0 : i32
    %dma_start3A_888 = tpu.memref_slice %arg4[%dma_start3A_883, %multiple_of3A_882, %dma_start3A_887] : memref<4x2048x1024xf32, #tpu.memory_space<hbm>> -> memref<1x8x1024xf32, #tpu.memory_space<hbm>>
    %dma_start3A_889 = tpu.memref_squeeze %dma_start3A_888 : memref<1x8x1024xf32, #tpu.memory_space<hbm>> -> memref<8x1024xf32, #tpu.memory_space<hbm>>
    tpu.enqueue_dma source(%arg18 : memref<8x1024xf32, #tpu.memory_space<vmem>>) target(%dma_start3A_889 : memref<8x1024xf32, #tpu.memory_space<hbm>>) target_semaphore(%arg44 : memref<!tpu.dma_semaphore, #tpu.memory_space<semaphore_mem>>)
    %add3A_890 = arith.constant 56 : i32
    %add3A_891 = arith.addi %mul3A_2, %add3A_890 : i32
    %multiple_of3A_892 = tpu.assume_multiple %add3A_891, 8 : i32
    %dma_start3A_893 = arith.constant 0 : i32
    %dma_start3A_894 = tpu.memref_slice %arg3[%multiple_of3A_892, %dma_start3A_893] : memref<2048x1024xf32, #tpu.memory_space<hbm>> -> memref<8x1024xf32, #tpu.memory_space<hbm>>
    %dma_start3A_895 = arith.constant 0 : i32
    %dma_start3A_896 = tpu.memref_slice %arg3[%multiple_of3A_892, %dma_start3A_895] : memref<2048x1024xf32, #tpu.memory_space<hbm>> -> memref<8x1024xf32, #tpu.memory_space<hbm>>
    tpu.enqueue_dma source(%dma_start3A_896 : memref<8x1024xf32, #tpu.memory_space<hbm>>) target(%arg6 : memref<8x1024xf32, #tpu.memory_space<vmem>>) target_semaphore(%arg20 : memref<!tpu.dma_semaphore, #tpu.memory_space<semaphore_mem>>)
    %dma_wait3A_897 = arith.constant 0 : i32
    %dma_wait3A_898 = arith.constant 0 : i32
    %dma_wait3A_899 = tpu.memref_slice %arg4[%dma_wait3A_897, %multiple_of3A_702, %dma_wait3A_898] : memref<4x2048x1024xf32, #tpu.memory_space<hbm>> -> memref<1x8x1024xf32, #tpu.memory_space<hbm>>
    %dma_wait3A_900 = tpu.memref_squeeze %dma_wait3A_899 : memref<1x8x1024xf32, #tpu.memory_space<hbm>> -> memref<8x1024xf32, #tpu.memory_space<hbm>>
    %dma_wait3A_901 = arith.constant 0 : i32
    %dma_wait3A_902 = tpu.memref_slice %arg4[%dma_wait3A_897, %multiple_of3A_702, %dma_wait3A_901] : memref<4x2048x1024xf32, #tpu.memory_space<hbm>> -> memref<1x8x1024xf32, #tpu.memory_space<hbm>>
    %dma_wait3A_903 = tpu.memref_squeeze %dma_wait3A_902 : memref<1x8x1024xf32, #tpu.memory_space<hbm>> -> memref<8x1024xf32, #tpu.memory_space<hbm>>
    tpu.wait_dma2 semaphore(%arg34 : memref<!tpu.dma_semaphore, #tpu.memory_space<semaphore_mem>>) src(%arg8 : memref<8x1024xf32, #tpu.memory_space<vmem>>) dst(%dma_wait3A_903 : memref<8x1024xf32, #tpu.memory_space<hbm>>)
    %add3A_904 = arith.constant 56 : i32
    %add3A_905 = arith.addi %mul3A_2, %add3A_904 : i32
    %multiple_of3A_906 = tpu.assume_multiple %add3A_905, 8 : i32
    %dma_start3A_907 = arith.constant 0 : i32
    %dma_start3A_908 = arith.constant 0 : i32
    %dma_start3A_909 = tpu.memref_slice %arg2[%dma_start3A_907, %multiple_of3A_906, %dma_start3A_908] : memref<4x2048x1024xf32, #tpu.memory_space<hbm>> -> memref<1x8x1024xf32, #tpu.memory_space<hbm>>
    %dma_start3A_910 = tpu.memref_squeeze %dma_start3A_909 : memref<1x8x1024xf32, #tpu.memory_space<hbm>> -> memref<8x1024xf32, #tpu.memory_space<hbm>>
    %dma_start3A_911 = arith.constant 0 : i32
    %dma_start3A_912 = tpu.memref_slice %arg2[%dma_start3A_907, %multiple_of3A_906, %dma_start3A_911] : memref<4x2048x1024xf32, #tpu.memory_space<hbm>> -> memref<1x8x1024xf32, #tpu.memory_space<hbm>>
    %dma_start3A_913 = tpu.memref_squeeze %dma_start3A_912 : memref<1x8x1024xf32, #tpu.memory_space<hbm>> -> memref<8x1024xf32, #tpu.memory_space<hbm>>
    tpu.enqueue_dma source(%dma_start3A_913 : memref<8x1024xf32, #tpu.memory_space<hbm>>) target(%arg8 : memref<8x1024xf32, #tpu.memory_space<vmem>>) target_semaphore(%arg22 : memref<!tpu.dma_semaphore, #tpu.memory_space<semaphore_mem>>)
    %dma_wait3A_914 = arith.constant 1 : i32
    %dma_wait3A_915 = arith.constant 0 : i32
    %dma_wait3A_916 = tpu.memref_slice %arg4[%dma_wait3A_914, %multiple_of3A_712, %dma_wait3A_915] : memref<4x2048x1024xf32, #tpu.memory_space<hbm>> -> memref<1x8x1024xf32, #tpu.memory_space<hbm>>
    %dma_wait3A_917 = tpu.memref_squeeze %dma_wait3A_916 : memref<1x8x1024xf32, #tpu.memory_space<hbm>> -> memref<8x1024xf32, #tpu.memory_space<hbm>>
    %dma_wait3A_918 = arith.constant 0 : i32
    %dma_wait3A_919 = tpu.memref_slice %arg4[%dma_wait3A_914, %multiple_of3A_712, %dma_wait3A_918] : memref<4x2048x1024xf32, #tpu.memory_space<hbm>> -> memref<1x8x1024xf32, #tpu.memory_space<hbm>>
    %dma_wait3A_920 = tpu.memref_squeeze %dma_wait3A_919 : memref<1x8x1024xf32, #tpu.memory_space<hbm>> -> memref<8x1024xf32, #tpu.memory_space<hbm>>
    tpu.wait_dma2 semaphore(%arg37 : memref<!tpu.dma_semaphore, #tpu.memory_space<semaphore_mem>>) src(%arg11 : memref<8x1024xf32, #tpu.memory_space<vmem>>) dst(%dma_wait3A_920 : memref<8x1024xf32, #tpu.memory_space<hbm>>)
    %add3A_921 = arith.constant 56 : i32
    %add3A_922 = arith.addi %mul3A_2, %add3A_921 : i32
    %multiple_of3A_923 = tpu.assume_multiple %add3A_922, 8 : i32
    %dma_start3A_924 = arith.constant 1 : i32
    %dma_start3A_925 = arith.constant 0 : i32
    %dma_start3A_926 = tpu.memref_slice %arg2[%dma_start3A_924, %multiple_of3A_923, %dma_start3A_925] : memref<4x2048x1024xf32, #tpu.memory_space<hbm>> -> memref<1x8x1024xf32, #tpu.memory_space<hbm>>
    %dma_start3A_927 = tpu.memref_squeeze %dma_start3A_926 : memref<1x8x1024xf32, #tpu.memory_space<hbm>> -> memref<8x1024xf32, #tpu.memory_space<hbm>>
    %dma_start3A_928 = arith.constant 0 : i32
    %dma_start3A_929 = tpu.memref_slice %arg2[%dma_start3A_924, %multiple_of3A_923, %dma_start3A_928] : memref<4x2048x1024xf32, #tpu.memory_space<hbm>> -> memref<1x8x1024xf32, #tpu.memory_space<hbm>>
    %dma_start3A_930 = tpu.memref_squeeze %dma_start3A_929 : memref<1x8x1024xf32, #tpu.memory_space<hbm>> -> memref<8x1024xf32, #tpu.memory_space<hbm>>
    tpu.enqueue_dma source(%dma_start3A_930 : memref<8x1024xf32, #tpu.memory_space<hbm>>) target(%arg11 : memref<8x1024xf32, #tpu.memory_space<vmem>>) target_semaphore(%arg25 : memref<!tpu.dma_semaphore, #tpu.memory_space<semaphore_mem>>)
    %dma_wait3A_931 = arith.constant 2 : i32
    %dma_wait3A_932 = arith.constant 0 : i32
    %dma_wait3A_933 = tpu.memref_slice %arg4[%dma_wait3A_931, %multiple_of3A_722, %dma_wait3A_932] : memref<4x2048x1024xf32, #tpu.memory_space<hbm>> -> memref<1x8x1024xf32, #tpu.memory_space<hbm>>
    %dma_wait3A_934 = tpu.memref_squeeze %dma_wait3A_933 : memref<1x8x1024xf32, #tpu.memory_space<hbm>> -> memref<8x1024xf32, #tpu.memory_space<hbm>>
    %dma_wait3A_935 = arith.constant 0 : i32
    %dma_wait3A_936 = tpu.memref_slice %arg4[%dma_wait3A_931, %multiple_of3A_722, %dma_wait3A_935] : memref<4x2048x1024xf32, #tpu.memory_space<hbm>> -> memref<1x8x1024xf32, #tpu.memory_space<hbm>>
    %dma_wait3A_937 = tpu.memref_squeeze %dma_wait3A_936 : memref<1x8x1024xf32, #tpu.memory_space<hbm>> -> memref<8x1024xf32, #tpu.memory_space<hbm>>
    tpu.wait_dma2 semaphore(%arg40 : memref<!tpu.dma_semaphore, #tpu.memory_space<semaphore_mem>>) src(%arg14 : memref<8x1024xf32, #tpu.memory_space<vmem>>) dst(%dma_wait3A_937 : memref<8x1024xf32, #tpu.memory_space<hbm>>)
    %add3A_938 = arith.constant 56 : i32
    %add3A_939 = arith.addi %mul3A_2, %add3A_938 : i32
    %multiple_of3A_940 = tpu.assume_multiple %add3A_939, 8 : i32
    %dma_start3A_941 = arith.constant 2 : i32
    %dma_start3A_942 = arith.constant 0 : i32
    %dma_start3A_943 = tpu.memref_slice %arg2[%dma_start3A_941, %multiple_of3A_940, %dma_start3A_942] : memref<4x2048x1024xf32, #tpu.memory_space<hbm>> -> memref<1x8x1024xf32, #tpu.memory_space<hbm>>
    %dma_start3A_944 = tpu.memref_squeeze %dma_start3A_943 : memref<1x8x1024xf32, #tpu.memory_space<hbm>> -> memref<8x1024xf32, #tpu.memory_space<hbm>>
    %dma_start3A_945 = arith.constant 0 : i32
    %dma_start3A_946 = tpu.memref_slice %arg2[%dma_start3A_941, %multiple_of3A_940, %dma_start3A_945] : memref<4x2048x1024xf32, #tpu.memory_space<hbm>> -> memref<1x8x1024xf32, #tpu.memory_space<hbm>>
    %dma_start3A_947 = tpu.memref_squeeze %dma_start3A_946 : memref<1x8x1024xf32, #tpu.memory_space<hbm>> -> memref<8x1024xf32, #tpu.memory_space<hbm>>
    tpu.enqueue_dma source(%dma_start3A_947 : memref<8x1024xf32, #tpu.memory_space<hbm>>) target(%arg14 : memref<8x1024xf32, #tpu.memory_space<vmem>>) target_semaphore(%arg28 : memref<!tpu.dma_semaphore, #tpu.memory_space<semaphore_mem>>)
    %dma_wait3A_948 = arith.constant 3 : i32
    %dma_wait3A_949 = arith.constant 0 : i32
    %dma_wait3A_950 = tpu.memref_slice %arg4[%dma_wait3A_948, %multiple_of3A_732, %dma_wait3A_949] : memref<4x2048x1024xf32, #tpu.memory_space<hbm>> -> memref<1x8x1024xf32, #tpu.memory_space<hbm>>
    %dma_wait3A_951 = tpu.memref_squeeze %dma_wait3A_950 : memref<1x8x1024xf32, #tpu.memory_space<hbm>> -> memref<8x1024xf32, #tpu.memory_space<hbm>>
    %dma_wait3A_952 = arith.constant 0 : i32
    %dma_wait3A_953 = tpu.memref_slice %arg4[%dma_wait3A_948, %multiple_of3A_732, %dma_wait3A_952] : memref<4x2048x1024xf32, #tpu.memory_space<hbm>> -> memref<1x8x1024xf32, #tpu.memory_space<hbm>>
    %dma_wait3A_954 = tpu.memref_squeeze %dma_wait3A_953 : memref<1x8x1024xf32, #tpu.memory_space<hbm>> -> memref<8x1024xf32, #tpu.memory_space<hbm>>
    tpu.wait_dma2 semaphore(%arg43 : memref<!tpu.dma_semaphore, #tpu.memory_space<semaphore_mem>>) src(%arg17 : memref<8x1024xf32, #tpu.memory_space<vmem>>) dst(%dma_wait3A_954 : memref<8x1024xf32, #tpu.memory_space<hbm>>)
    %add3A_955 = arith.constant 56 : i32
    %add3A_956 = arith.addi %mul3A_2, %add3A_955 : i32
    %multiple_of3A_957 = tpu.assume_multiple %add3A_956, 8 : i32
    %dma_start3A_958 = arith.constant 3 : i32
    %dma_start3A_959 = arith.constant 0 : i32
    %dma_start3A_960 = tpu.memref_slice %arg2[%dma_start3A_958, %multiple_of3A_957, %dma_start3A_959] : memref<4x2048x1024xf32, #tpu.memory_space<hbm>> -> memref<1x8x1024xf32, #tpu.memory_space<hbm>>
    %dma_start3A_961 = tpu.memref_squeeze %dma_start3A_960 : memref<1x8x1024xf32, #tpu.memory_space<hbm>> -> memref<8x1024xf32, #tpu.memory_space<hbm>>
    %dma_start3A_962 = arith.constant 0 : i32
    %dma_start3A_963 = tpu.memref_slice %arg2[%dma_start3A_958, %multiple_of3A_957, %dma_start3A_962] : memref<4x2048x1024xf32, #tpu.memory_space<hbm>> -> memref<1x8x1024xf32, #tpu.memory_space<hbm>>
    %dma_start3A_964 = tpu.memref_squeeze %dma_start3A_963 : memref<1x8x1024xf32, #tpu.memory_space<hbm>> -> memref<8x1024xf32, #tpu.memory_space<hbm>>
    tpu.enqueue_dma source(%dma_start3A_964 : memref<8x1024xf32, #tpu.memory_space<hbm>>) target(%arg17 : memref<8x1024xf32, #tpu.memory_space<vmem>>) target_semaphore(%arg31 : memref<!tpu.dma_semaphore, #tpu.memory_space<semaphore_mem>>)
    %dma_wait3A_965 = arith.constant 0 : i32
    %dma_wait3A_966 = tpu.memref_slice %arg3[%multiple_of3A_742, %dma_wait3A_965] : memref<2048x1024xf32, #tpu.memory_space<hbm>> -> memref<8x1024xf32, #tpu.memory_space<hbm>>
    %dma_wait3A_967 = arith.constant 0 : i32
    %dma_wait3A_968 = tpu.memref_slice %arg3[%multiple_of3A_742, %dma_wait3A_967] : memref<2048x1024xf32, #tpu.memory_space<hbm>> -> memref<8x1024xf32, #tpu.memory_space<hbm>>
    tpu.wait_dma2 semaphore(%arg19 : memref<!tpu.dma_semaphore, #tpu.memory_space<semaphore_mem>>) src(%dma_wait3A_968 : memref<8x1024xf32, #tpu.memory_space<hbm>>) dst(%arg5 : memref<8x1024xf32, #tpu.memory_space<vmem>>)
    %dma_wait3A_969 = arith.constant 0 : i32
    %dma_wait3A_970 = arith.constant 0 : i32
    %dma_wait3A_971 = tpu.memref_slice %arg2[%dma_wait3A_969, %multiple_of3A_756, %dma_wait3A_970] : memref<4x2048x1024xf32, #tpu.memory_space<hbm>> -> memref<1x8x1024xf32, #tpu.memory_space<hbm>>
    %dma_wait3A_972 = tpu.memref_squeeze %dma_wait3A_971 : memref<1x8x1024xf32, #tpu.memory_space<hbm>> -> memref<8x1024xf32, #tpu.memory_space<hbm>>
    %dma_wait3A_973 = arith.constant 0 : i32
    %dma_wait3A_974 = tpu.memref_slice %arg2[%dma_wait3A_969, %multiple_of3A_756, %dma_wait3A_973] : memref<4x2048x1024xf32, #tpu.memory_space<hbm>> -> memref<1x8x1024xf32, #tpu.memory_space<hbm>>
    %dma_wait3A_975 = tpu.memref_squeeze %dma_wait3A_974 : memref<1x8x1024xf32, #tpu.memory_space<hbm>> -> memref<8x1024xf32, #tpu.memory_space<hbm>>
    tpu.wait_dma2 semaphore(%arg21 : memref<!tpu.dma_semaphore, #tpu.memory_space<semaphore_mem>>) src(%dma_wait3A_975 : memref<8x1024xf32, #tpu.memory_space<hbm>>) dst(%arg7 : memref<8x1024xf32, #tpu.memory_space<vmem>>)
    %dma_wait3A_976 = arith.constant 1 : i32
    %dma_wait3A_977 = arith.constant 0 : i32
    %dma_wait3A_978 = tpu.memref_slice %arg2[%dma_wait3A_976, %multiple_of3A_773, %dma_wait3A_977] : memref<4x2048x1024xf32, #tpu.memory_space<hbm>> -> memref<1x8x1024xf32, #tpu.memory_space<hbm>>
    %dma_wait3A_979 = tpu.memref_squeeze %dma_wait3A_978 : memref<1x8x1024xf32, #tpu.memory_space<hbm>> -> memref<8x1024xf32, #tpu.memory_space<hbm>>
    %dma_wait3A_980 = arith.constant 0 : i32
    %dma_wait3A_981 = tpu.memref_slice %arg2[%dma_wait3A_976, %multiple_of3A_773, %dma_wait3A_980] : memref<4x2048x1024xf32, #tpu.memory_space<hbm>> -> memref<1x8x1024xf32, #tpu.memory_space<hbm>>
    %dma_wait3A_982 = tpu.memref_squeeze %dma_wait3A_981 : memref<1x8x1024xf32, #tpu.memory_space<hbm>> -> memref<8x1024xf32, #tpu.memory_space<hbm>>
    tpu.wait_dma2 semaphore(%arg24 : memref<!tpu.dma_semaphore, #tpu.memory_space<semaphore_mem>>) src(%dma_wait3A_982 : memref<8x1024xf32, #tpu.memory_space<hbm>>) dst(%arg10 : memref<8x1024xf32, #tpu.memory_space<vmem>>)
    %dma_wait3A_983 = arith.constant 2 : i32
    %dma_wait3A_984 = arith.constant 0 : i32
    %dma_wait3A_985 = tpu.memref_slice %arg2[%dma_wait3A_983, %multiple_of3A_790, %dma_wait3A_984] : memref<4x2048x1024xf32, #tpu.memory_space<hbm>> -> memref<1x8x1024xf32, #tpu.memory_space<hbm>>
    %dma_wait3A_986 = tpu.memref_squeeze %dma_wait3A_985 : memref<1x8x1024xf32, #tpu.memory_space<hbm>> -> memref<8x1024xf32, #tpu.memory_space<hbm>>
    %dma_wait3A_987 = arith.constant 0 : i32
    %dma_wait3A_988 = tpu.memref_slice %arg2[%dma_wait3A_983, %multiple_of3A_790, %dma_wait3A_987] : memref<4x2048x1024xf32, #tpu.memory_space<hbm>> -> memref<1x8x1024xf32, #tpu.memory_space<hbm>>
    %dma_wait3A_989 = tpu.memref_squeeze %dma_wait3A_988 : memref<1x8x1024xf32, #tpu.memory_space<hbm>> -> memref<8x1024xf32, #tpu.memory_space<hbm>>
    tpu.wait_dma2 semaphore(%arg27 : memref<!tpu.dma_semaphore, #tpu.memory_space<semaphore_mem>>) src(%dma_wait3A_989 : memref<8x1024xf32, #tpu.memory_space<hbm>>) dst(%arg13 : memref<8x1024xf32, #tpu.memory_space<vmem>>)
    %dma_wait3A_990 = arith.constant 3 : i32
    %dma_wait3A_991 = arith.constant 0 : i32
    %dma_wait3A_992 = tpu.memref_slice %arg2[%dma_wait3A_990, %multiple_of3A_807, %dma_wait3A_991] : memref<4x2048x1024xf32, #tpu.memory_space<hbm>> -> memref<1x8x1024xf32, #tpu.memory_space<hbm>>
    %dma_wait3A_993 = tpu.memref_squeeze %dma_wait3A_992 : memref<1x8x1024xf32, #tpu.memory_space<hbm>> -> memref<8x1024xf32, #tpu.memory_space<hbm>>
    %dma_wait3A_994 = arith.constant 0 : i32
    %dma_wait3A_995 = tpu.memref_slice %arg2[%dma_wait3A_990, %multiple_of3A_807, %dma_wait3A_994] : memref<4x2048x1024xf32, #tpu.memory_space<hbm>> -> memref<1x8x1024xf32, #tpu.memory_space<hbm>>
    %dma_wait3A_996 = tpu.memref_squeeze %dma_wait3A_995 : memref<1x8x1024xf32, #tpu.memory_space<hbm>> -> memref<8x1024xf32, #tpu.memory_space<hbm>>
    tpu.wait_dma2 semaphore(%arg30 : memref<!tpu.dma_semaphore, #tpu.memory_space<semaphore_mem>>) src(%dma_wait3A_996 : memref<8x1024xf32, #tpu.memory_space<hbm>>) dst(%arg16 : memref<8x1024xf32, #tpu.memory_space<vmem>>)
    %parallel_loop3A_997 = arith.constant 0 : i32
    %parallel_loop3A_998 = arith.constant 512 : i32
    %parallel_loop3A_999 = arith.constant 1 : i32
    scf.for %parallel_loop3A_1199 = %parallel_loop3A_997 to %parallel_loop3A_998 step %parallel_loop3A_999  : i32 {
      %parallel_loop3A_1200 = arith.constant 64 : i32
      %parallel_loop3A_1201 = arith.divsi %parallel_loop3A_1199, %parallel_loop3A_1200 : i32
      %parallel_loop3A_1202 = arith.constant 0 : i32
      %parallel_loop3A_1203 = arith.cmpi sgt, %parallel_loop3A_1199, %parallel_loop3A_1202 : i32
      %parallel_loop3A_1204 = arith.extui %parallel_loop3A_1203 : i1 to i32
      %parallel_loop3A_1205 = arith.constant 0 : i32
      %parallel_loop3A_1206 = arith.cmpi slt, %parallel_loop3A_1199, %parallel_loop3A_1205 : i32
      %parallel_loop3A_1207 = arith.extui %parallel_loop3A_1206 : i1 to i32
      %parallel_loop3A_1208 = arith.subi %parallel_loop3A_1204, %parallel_loop3A_1207 : i32
      %parallel_loop3A_1209 = arith.constant 0 : i32
      %parallel_loop3A_1210 = arith.cmpi sgt, %parallel_loop3A_1200, %parallel_loop3A_1209 : i32
      %parallel_loop3A_1211 = arith.extui %parallel_loop3A_1210 : i1 to i32
      %parallel_loop3A_1212 = arith.constant 0 : i32
      %parallel_loop3A_1213 = arith.cmpi slt, %parallel_loop3A_1200, %parallel_loop3A_1212 : i32
      %parallel_loop3A_1214 = arith.extui %parallel_loop3A_1213 : i1 to i32
      %parallel_loop3A_1215 = arith.subi %parallel_loop3A_1211, %parallel_loop3A_1214 : i32
      %parallel_loop3A_1216 = arith.cmpi ne, %parallel_loop3A_1208, %parallel_loop3A_1215 : i32
      %parallel_loop3A_1217 = arith.remsi %parallel_loop3A_1199, %parallel_loop3A_1200 : i32
      %parallel_loop3A_1218 = arith.constant 0 : i32
      %parallel_loop3A_1219 = arith.cmpi ne, %parallel_loop3A_1217, %parallel_loop3A_1218 : i32
      %parallel_loop3A_1220 = arith.andi %parallel_loop3A_1216, %parallel_loop3A_1219 : i1
      %parallel_loop3A_1221 = arith.constant 1 : i32
      %parallel_loop3A_1222 = arith.subi %parallel_loop3A_1201, %parallel_loop3A_1221 : i32
      %parallel_loop3A_1223 = arith.select %parallel_loop3A_1220, %parallel_loop3A_1222, %parallel_loop3A_1201 : i32
      %parallel_loop3A_1224 = arith.constant 64 : i32
      %parallel_loop3A_1225 = arith.constant 0 : i32
      %parallel_loop3A_1226 = arith.cmpi eq, %parallel_loop3A_1224, %parallel_loop3A_1225 : i32
      %parallel_loop3A_1227 = arith.constant 1 : i32
      %parallel_loop3A_1228 = arith.select %parallel_loop3A_1226, %parallel_loop3A_1227, %parallel_loop3A_1224 : i32
      %parallel_loop3A_1229 = arith.remsi %parallel_loop3A_1199, %parallel_loop3A_1228 : i32
      %parallel_loop3A_1230 = arith.constant 0 : i32
      %parallel_loop3A_1231 = arith.cmpi ne, %parallel_loop3A_1229, %parallel_loop3A_1230 : i32
      %parallel_loop3A_1232 = arith.constant 0 : i32
      %parallel_loop3A_1233 = arith.cmpi slt, %parallel_loop3A_1229, %parallel_loop3A_1232 : i32
      %parallel_loop3A_1234 = arith.constant 0 : i32
      %parallel_loop3A_1235 = arith.cmpi slt, %parallel_loop3A_1228, %parallel_loop3A_1234 : i32
      %parallel_loop3A_1236 = arith.xori %parallel_loop3A_1233, %parallel_loop3A_1235 : i1
      %parallel_loop3A_1237 = arith.andi %parallel_loop3A_1236, %parallel_loop3A_1231 : i1
      %parallel_loop3A_1238 = arith.addi %parallel_loop3A_1229, %parallel_loop3A_1228 : i32
      %parallel_loop3A_1239 = arith.select %parallel_loop3A_1237, %parallel_loop3A_1238, %parallel_loop3A_1229 : i32
      %parallel_loop3A_1240 = arith.constant 16 : i32
      %parallel_loop3A_1241 = arith.muli %parallel_loop3A_1239, %parallel_loop3A_1240 : i32
      %parallel_loop3A_1242 = arith.index_cast %parallel_loop3A_1223 : i32 to index
      %parallel_loop3A_1243 = arith.index_cast %parallel_loop3A_1241 : i32 to index
      %parallel_loop3A_1244 = tpu.vector_load %arg5[%parallel_loop3A_1242, %parallel_loop3A_1243] {strides = array<i32>} : memref<8x1024xf32, #tpu.memory_space<vmem>>, vector<1x16xf32>,
      %parallel_loop3A_1245 = vector.shape_cast %parallel_loop3A_1244 : vector<1x16xf32> to vector<16xf32>
      %parallel_loop3A_1246 = arith.index_cast %parallel_loop3A_1223 : i32 to index
      %parallel_loop3A_1247 = arith.index_cast %parallel_loop3A_1241 : i32 to index
      %parallel_loop3A_1248 = tpu.vector_load %arg7[%parallel_loop3A_1246, %parallel_loop3A_1247] {strides = array<i32>} : memref<8x1024xf32, #tpu.memory_space<vmem>>, vector<1x16xf32>,
      %parallel_loop3A_1249 = vector.shape_cast %parallel_loop3A_1248 : vector<1x16xf32> to vector<16xf32>
      %parallel_loop3A_1250 = arith.addf %parallel_loop3A_1249, %parallel_loop3A_1245 : vector<16xf32>
      %parallel_loop3A_1251 = arith.index_cast %parallel_loop3A_1223 : i32 to index
      %parallel_loop3A_1252 = arith.index_cast %parallel_loop3A_1241 : i32 to index
      %parallel_loop3A_1253 = tpu.vector_load %arg7[%parallel_loop3A_1251, %parallel_loop3A_1252] {strides = array<i32>} : memref<8x1024xf32, #tpu.memory_space<vmem>>, vector<1x16xf32>,
      %parallel_loop3A_1254 = vector.shape_cast %parallel_loop3A_1253 : vector<1x16xf32> to vector<16xf32>
      %parallel_loop3A_1255 = vector.shape_cast %parallel_loop3A_1250 : vector<16xf32> to vector<1x16xf32>
      tpu.vector_store %arg7[%parallel_loop3A_1251, %parallel_loop3A_1252], %parallel_loop3A_1255 {strides = array<i32>} : memref<8x1024xf32, #tpu.memory_space<vmem>>, vector<1x16xf32>,
      %parallel_loop3A_1256 = arith.index_cast %parallel_loop3A_1223 : i32 to index
      %parallel_loop3A_1257 = arith.index_cast %parallel_loop3A_1241 : i32 to index
      %parallel_loop3A_1258 = tpu.vector_load %arg10[%parallel_loop3A_1256, %parallel_loop3A_1257] {strides = array<i32>} : memref<8x1024xf32, #tpu.memory_space<vmem>>, vector<1x16xf32>,
      %parallel_loop3A_1259 = vector.shape_cast %parallel_loop3A_1258 : vector<1x16xf32> to vector<16xf32>
      %parallel_loop3A_1260 = arith.addf %parallel_loop3A_1259, %parallel_loop3A_1245 : vector<16xf32>
      %parallel_loop3A_1261 = arith.index_cast %parallel_loop3A_1223 : i32 to index
      %parallel_loop3A_1262 = arith.index_cast %parallel_loop3A_1241 : i32 to index
      %parallel_loop3A_1263 = tpu.vector_load %arg10[%parallel_loop3A_1261, %parallel_loop3A_1262] {strides = array<i32>} : memref<8x1024xf32, #tpu.memory_space<vmem>>, vector<1x16xf32>,
      %parallel_loop3A_1264 = vector.shape_cast %parallel_loop3A_1263 : vector<1x16xf32> to vector<16xf32>
      %parallel_loop3A_1265 = vector.shape_cast %parallel_loop3A_1260 : vector<16xf32> to vector<1x16xf32>
      tpu.vector_store %arg10[%parallel_loop3A_1261, %parallel_loop3A_1262], %parallel_loop3A_1265 {strides = array<i32>} : memref<8x1024xf32, #tpu.memory_space<vmem>>, vector<1x16xf32>,
      %parallel_loop3A_1266 = arith.index_cast %parallel_loop3A_1223 : i32 to index
      %parallel_loop3A_1267 = arith.index_cast %parallel_loop3A_1241 : i32 to index
      %parallel_loop3A_1268 = tpu.vector_load %arg13[%parallel_loop3A_1266, %parallel_loop3A_1267] {strides = array<i32>} : memref<8x1024xf32, #tpu.memory_space<vmem>>, vector<1x16xf32>,
      %parallel_loop3A_1269 = vector.shape_cast %parallel_loop3A_1268 : vector<1x16xf32> to vector<16xf32>
      %parallel_loop3A_1270 = arith.addf %parallel_loop3A_1269, %parallel_loop3A_1245 : vector<16xf32>
      %parallel_loop3A_1271 = arith.index_cast %parallel_loop3A_1223 : i32 to index
      %parallel_loop3A_1272 = arith.index_cast %parallel_loop3A_1241 : i32 to index
      %parallel_loop3A_1273 = tpu.vector_load %arg13[%parallel_loop3A_1271, %parallel_loop3A_1272] {strides = array<i32>} : memref<8x1024xf32, #tpu.memory_space<vmem>>, vector<1x16xf32>,
      %parallel_loop3A_1274 = vector.shape_cast %parallel_loop3A_1273 : vector<1x16xf32> to vector<16xf32>
      %parallel_loop3A_1275 = vector.shape_cast %parallel_loop3A_1270 : vector<16xf32> to vector<1x16xf32>
      tpu.vector_store %arg13[%parallel_loop3A_1271, %parallel_loop3A_1272], %parallel_loop3A_1275 {strides = array<i32>} : memref<8x1024xf32, #tpu.memory_space<vmem>>, vector<1x16xf32>,
      %parallel_loop3A_1276 = arith.index_cast %parallel_loop3A_1223 : i32 to index
      %parallel_loop3A_1277 = arith.index_cast %parallel_loop3A_1241 : i32 to index
      %parallel_loop3A_1278 = tpu.vector_load %arg16[%parallel_loop3A_1276, %parallel_loop3A_1277] {strides = array<i32>} : memref<8x1024xf32, #tpu.memory_space<vmem>>, vector<1x16xf32>,
      %parallel_loop3A_1279 = vector.shape_cast %parallel_loop3A_1278 : vector<1x16xf32> to vector<16xf32>
      %parallel_loop3A_1280 = arith.addf %parallel_loop3A_1279, %parallel_loop3A_1245 : vector<16xf32>
      %parallel_loop3A_1281 = arith.index_cast %parallel_loop3A_1223 : i32 to index
      %parallel_loop3A_1282 = arith.index_cast %parallel_loop3A_1241 : i32 to index
      %parallel_loop3A_1283 = tpu.vector_load %arg16[%parallel_loop3A_1281, %parallel_loop3A_1282] {strides = array<i32>} : memref<8x1024xf32, #tpu.memory_space<vmem>>, vector<1x16xf32>,
      %parallel_loop3A_1284 = vector.shape_cast %parallel_loop3A_1283 : vector<1x16xf32> to vector<16xf32>
      %parallel_loop3A_1285 = vector.shape_cast %parallel_loop3A_1280 : vector<16xf32> to vector<1x16xf32>
      tpu.vector_store %arg16[%parallel_loop3A_1281, %parallel_loop3A_1282], %parallel_loop3A_1285 {strides = array<i32>} : memref<8x1024xf32, #tpu.memory_space<vmem>>, vector<1x16xf32>,
    } {sc.loop_unroll_factor = 4 : i64, sc.parallel_access}
    %add3A_1000 = arith.constant 48 : i32
    %add3A_1001 = arith.addi %mul3A_2, %add3A_1000 : i32
    %multiple_of3A_1002 = tpu.assume_multiple %add3A_1001, 8 : i32
    %dma_start3A_1003 = arith.constant 0 : i32
    %dma_start3A_1004 = arith.constant 0 : i32
    %dma_start3A_1005 = tpu.memref_slice %arg4[%dma_start3A_1003, %multiple_of3A_1002, %dma_start3A_1004] : memref<4x2048x1024xf32, #tpu.memory_space<hbm>> -> memref<1x8x1024xf32, #tpu.memory_space<hbm>>
    %dma_start3A_1006 = tpu.memref_squeeze %dma_start3A_1005 : memref<1x8x1024xf32, #tpu.memory_space<hbm>> -> memref<8x1024xf32, #tpu.memory_space<hbm>>
    %dma_start3A_1007 = arith.constant 0 : i32
    %dma_start3A_1008 = tpu.memref_slice %arg4[%dma_start3A_1003, %multiple_of3A_1002, %dma_start3A_1007] : memref<4x2048x1024xf32, #tpu.memory_space<hbm>> -> memref<1x8x1024xf32, #tpu.memory_space<hbm>>
    %dma_start3A_1009 = tpu.memref_squeeze %dma_start3A_1008 : memref<1x8x1024xf32, #tpu.memory_space<hbm>> -> memref<8x1024xf32, #tpu.memory_space<hbm>>
    tpu.enqueue_dma source(%arg7 : memref<8x1024xf32, #tpu.memory_space<vmem>>) target(%dma_start3A_1009 : memref<8x1024xf32, #tpu.memory_space<hbm>>) target_semaphore(%arg33 : memref<!tpu.dma_semaphore, #tpu.memory_space<semaphore_mem>>)
    %add3A_1010 = arith.constant 48 : i32
    %add3A_1011 = arith.addi %mul3A_2, %add3A_1010 : i32
    %multiple_of3A_1012 = tpu.assume_multiple %add3A_1011, 8 : i32
    %dma_start3A_1013 = arith.constant 1 : i32
    %dma_start3A_1014 = arith.constant 0 : i32
    %dma_start3A_1015 = tpu.memref_slice %arg4[%dma_start3A_1013, %multiple_of3A_1012, %dma_start3A_1014] : memref<4x2048x1024xf32, #tpu.memory_space<hbm>> -> memref<1x8x1024xf32, #tpu.memory_space<hbm>>
    %dma_start3A_1016 = tpu.memref_squeeze %dma_start3A_1015 : memref<1x8x1024xf32, #tpu.memory_space<hbm>> -> memref<8x1024xf32, #tpu.memory_space<hbm>>
    %dma_start3A_1017 = arith.constant 0 : i32
    %dma_start3A_1018 = tpu.memref_slice %arg4[%dma_start3A_1013, %multiple_of3A_1012, %dma_start3A_1017] : memref<4x2048x1024xf32, #tpu.memory_space<hbm>> -> memref<1x8x1024xf32, #tpu.memory_space<hbm>>
    %dma_start3A_1019 = tpu.memref_squeeze %dma_start3A_1018 : memref<1x8x1024xf32, #tpu.memory_space<hbm>> -> memref<8x1024xf32, #tpu.memory_space<hbm>>
    tpu.enqueue_dma source(%arg10 : memref<8x1024xf32, #tpu.memory_space<vmem>>) target(%dma_start3A_1019 : memref<8x1024xf32, #tpu.memory_space<hbm>>) target_semaphore(%arg36 : memref<!tpu.dma_semaphore, #tpu.memory_space<semaphore_mem>>)
    %add3A_1020 = arith.constant 48 : i32
    %add3A_1021 = arith.addi %mul3A_2, %add3A_1020 : i32
    %multiple_of3A_1022 = tpu.assume_multiple %add3A_1021, 8 : i32
    %dma_start3A_1023 = arith.constant 2 : i32
    %dma_start3A_1024 = arith.constant 0 : i32
    %dma_start3A_1025 = tpu.memref_slice %arg4[%dma_start3A_1023, %multiple_of3A_1022, %dma_start3A_1024] : memref<4x2048x1024xf32, #tpu.memory_space<hbm>> -> memref<1x8x1024xf32, #tpu.memory_space<hbm>>
    %dma_start3A_1026 = tpu.memref_squeeze %dma_start3A_1025 : memref<1x8x1024xf32, #tpu.memory_space<hbm>> -> memref<8x1024xf32, #tpu.memory_space<hbm>>
    %dma_start3A_1027 = arith.constant 0 : i32
    %dma_start3A_1028 = tpu.memref_slice %arg4[%dma_start3A_1023, %multiple_of3A_1022, %dma_start3A_1027] : memref<4x2048x1024xf32, #tpu.memory_space<hbm>> -> memref<1x8x1024xf32, #tpu.memory_space<hbm>>
    %dma_start3A_1029 = tpu.memref_squeeze %dma_start3A_1028 : memref<1x8x1024xf32, #tpu.memory_space<hbm>> -> memref<8x1024xf32, #tpu.memory_space<hbm>>
    tpu.enqueue_dma source(%arg13 : memref<8x1024xf32, #tpu.memory_space<vmem>>) target(%dma_start3A_1029 : memref<8x1024xf32, #tpu.memory_space<hbm>>) target_semaphore(%arg39 : memref<!tpu.dma_semaphore, #tpu.memory_space<semaphore_mem>>)
    %add3A_1030 = arith.constant 48 : i32
    %add3A_1031 = arith.addi %mul3A_2, %add3A_1030 : i32
    %multiple_of3A_1032 = tpu.assume_multiple %add3A_1031, 8 : i32
    %dma_start3A_1033 = arith.constant 3 : i32
    %dma_start3A_1034 = arith.constant 0 : i32
    %dma_start3A_1035 = tpu.memref_slice %arg4[%dma_start3A_1033, %multiple_of3A_1032, %dma_start3A_1034] : memref<4x2048x1024xf32, #tpu.memory_space<hbm>> -> memref<1x8x1024xf32, #tpu.memory_space<hbm>>
    %dma_start3A_1036 = tpu.memref_squeeze %dma_start3A_1035 : memref<1x8x1024xf32, #tpu.memory_space<hbm>> -> memref<8x1024xf32, #tpu.memory_space<hbm>>
    %dma_start3A_1037 = arith.constant 0 : i32
    %dma_start3A_1038 = tpu.memref_slice %arg4[%dma_start3A_1033, %multiple_of3A_1032, %dma_start3A_1037] : memref<4x2048x1024xf32, #tpu.memory_space<hbm>> -> memref<1x8x1024xf32, #tpu.memory_space<hbm>>
    %dma_start3A_1039 = tpu.memref_squeeze %dma_start3A_1038 : memref<1x8x1024xf32, #tpu.memory_space<hbm>> -> memref<8x1024xf32, #tpu.memory_space<hbm>>
    tpu.enqueue_dma source(%arg16 : memref<8x1024xf32, #tpu.memory_space<vmem>>) target(%dma_start3A_1039 : memref<8x1024xf32, #tpu.memory_space<hbm>>) target_semaphore(%arg42 : memref<!tpu.dma_semaphore, #tpu.memory_space<semaphore_mem>>)
    %dma_wait3A_1040 = arith.constant 0 : i32
    %dma_wait3A_1041 = tpu.memref_slice %arg3[%multiple_of3A_892, %dma_wait3A_1040] : memref<2048x1024xf32, #tpu.memory_space<hbm>> -> memref<8x1024xf32, #tpu.memory_space<hbm>>
    %dma_wait3A_1042 = arith.constant 0 : i32
    %dma_wait3A_1043 = tpu.memref_slice %arg3[%multiple_of3A_892, %dma_wait3A_1042] : memref<2048x1024xf32, #tpu.memory_space<hbm>> -> memref<8x1024xf32, #tpu.memory_space<hbm>>
    tpu.wait_dma2 semaphore(%arg20 : memref<!tpu.dma_semaphore, #tpu.memory_space<semaphore_mem>>) src(%dma_wait3A_1043 : memref<8x1024xf32, #tpu.memory_space<hbm>>) dst(%arg6 : memref<8x1024xf32, #tpu.memory_space<vmem>>)
    %dma_wait3A_1044 = arith.constant 0 : i32
    %dma_wait3A_1045 = arith.constant 0 : i32
    %dma_wait3A_1046 = tpu.memref_slice %arg2[%dma_wait3A_1044, %multiple_of3A_906, %dma_wait3A_1045] : memref<4x2048x1024xf32, #tpu.memory_space<hbm>> -> memref<1x8x1024xf32, #tpu.memory_space<hbm>>
    %dma_wait3A_1047 = tpu.memref_squeeze %dma_wait3A_1046 : memref<1x8x1024xf32, #tpu.memory_space<hbm>> -> memref<8x1024xf32, #tpu.memory_space<hbm>>
    %dma_wait3A_1048 = arith.constant 0 : i32
    %dma_wait3A_1049 = tpu.memref_slice %arg2[%dma_wait3A_1044, %multiple_of3A_906, %dma_wait3A_1048] : memref<4x2048x1024xf32, #tpu.memory_space<hbm>> -> memref<1x8x1024xf32, #tpu.memory_space<hbm>>
    %dma_wait3A_1050 = tpu.memref_squeeze %dma_wait3A_1049 : memref<1x8x1024xf32, #tpu.memory_space<hbm>> -> memref<8x1024xf32, #tpu.memory_space<hbm>>
    tpu.wait_dma2 semaphore(%arg22 : memref<!tpu.dma_semaphore, #tpu.memory_space<semaphore_mem>>) src(%dma_wait3A_1050 : memref<8x1024xf32, #tpu.memory_space<hbm>>) dst(%arg8 : memref<8x1024xf32, #tpu.memory_space<vmem>>)
    %dma_wait3A_1051 = arith.constant 1 : i32
    %dma_wait3A_1052 = arith.constant 0 : i32
    %dma_wait3A_1053 = tpu.memref_slice %arg2[%dma_wait3A_1051, %multiple_of3A_923, %dma_wait3A_1052] : memref<4x2048x1024xf32, #tpu.memory_space<hbm>> -> memref<1x8x1024xf32, #tpu.memory_space<hbm>>
    %dma_wait3A_1054 = tpu.memref_squeeze %dma_wait3A_1053 : memref<1x8x1024xf32, #tpu.memory_space<hbm>> -> memref<8x1024xf32, #tpu.memory_space<hbm>>
    %dma_wait3A_1055 = arith.constant 0 : i32
    %dma_wait3A_1056 = tpu.memref_slice %arg2[%dma_wait3A_1051, %multiple_of3A_923, %dma_wait3A_1055] : memref<4x2048x1024xf32, #tpu.memory_space<hbm>> -> memref<1x8x1024xf32, #tpu.memory_space<hbm>>
    %dma_wait3A_1057 = tpu.memref_squeeze %dma_wait3A_1056 : memref<1x8x1024xf32, #tpu.memory_space<hbm>> -> memref<8x1024xf32, #tpu.memory_space<hbm>>
    tpu.wait_dma2 semaphore(%arg25 : memref<!tpu.dma_semaphore, #tpu.memory_space<semaphore_mem>>) src(%dma_wait3A_1057 : memref<8x1024xf32, #tpu.memory_space<hbm>>) dst(%arg11 : memref<8x1024xf32, #tpu.memory_space<vmem>>)
    %dma_wait3A_1058 = arith.constant 2 : i32
    %dma_wait3A_1059 = arith.constant 0 : i32
    %dma_wait3A_1060 = tpu.memref_slice %arg2[%dma_wait3A_1058, %multiple_of3A_940, %dma_wait3A_1059] : memref<4x2048x1024xf32, #tpu.memory_space<hbm>> -> memref<1x8x1024xf32, #tpu.memory_space<hbm>>
    %dma_wait3A_1061 = tpu.memref_squeeze %dma_wait3A_1060 : memref<1x8x1024xf32, #tpu.memory_space<hbm>> -> memref<8x1024xf32, #tpu.memory_space<hbm>>
    %dma_wait3A_1062 = arith.constant 0 : i32
    %dma_wait3A_1063 = tpu.memref_slice %arg2[%dma_wait3A_1058, %multiple_of3A_940, %dma_wait3A_1062] : memref<4x2048x1024xf32, #tpu.memory_space<hbm>> -> memref<1x8x1024xf32, #tpu.memory_space<hbm>>
    %dma_wait3A_1064 = tpu.memref_squeeze %dma_wait3A_1063 : memref<1x8x1024xf32, #tpu.memory_space<hbm>> -> memref<8x1024xf32, #tpu.memory_space<hbm>>
    tpu.wait_dma2 semaphore(%arg28 : memref<!tpu.dma_semaphore, #tpu.memory_space<semaphore_mem>>) src(%dma_wait3A_1064 : memref<8x1024xf32, #tpu.memory_space<hbm>>) dst(%arg14 : memref<8x1024xf32, #tpu.memory_space<vmem>>)
    %dma_wait3A_1065 = arith.constant 3 : i32
    %dma_wait3A_1066 = arith.constant 0 : i32
    %dma_wait3A_1067 = tpu.memref_slice %arg2[%dma_wait3A_1065, %multiple_of3A_957, %dma_wait3A_1066] : memref<4x2048x1024xf32, #tpu.memory_space<hbm>> -> memref<1x8x1024xf32, #tpu.memory_space<hbm>>
    %dma_wait3A_1068 = tpu.memref_squeeze %dma_wait3A_1067 : memref<1x8x1024xf32, #tpu.memory_space<hbm>> -> memref<8x1024xf32, #tpu.memory_space<hbm>>
    %dma_wait3A_1069 = arith.constant 0 : i32
    %dma_wait3A_1070 = tpu.memref_slice %arg2[%dma_wait3A_1065, %multiple_of3A_957, %dma_wait3A_1069] : memref<4x2048x1024xf32, #tpu.memory_space<hbm>> -> memref<1x8x1024xf32, #tpu.memory_space<hbm>>
    %dma_wait3A_1071 = tpu.memref_squeeze %dma_wait3A_1070 : memref<1x8x1024xf32, #tpu.memory_space<hbm>> -> memref<8x1024xf32, #tpu.memory_space<hbm>>
    tpu.wait_dma2 semaphore(%arg31 : memref<!tpu.dma_semaphore, #tpu.memory_space<semaphore_mem>>) src(%dma_wait3A_1071 : memref<8x1024xf32, #tpu.memory_space<hbm>>) dst(%arg17 : memref<8x1024xf32, #tpu.memory_space<vmem>>)
    %parallel_loop3A_1072 = arith.constant 0 : i32
    %parallel_loop3A_1073 = arith.constant 512 : i32
    %parallel_loop3A_1074 = arith.constant 1 : i32
    scf.for %parallel_loop3A_1199 = %parallel_loop3A_1072 to %parallel_loop3A_1073 step %parallel_loop3A_1074  : i32 {
      %parallel_loop3A_1200 = arith.constant 64 : i32
      %parallel_loop3A_1201 = arith.divsi %parallel_loop3A_1199, %parallel_loop3A_1200 : i32
      %parallel_loop3A_1202 = arith.constant 0 : i32
      %parallel_loop3A_1203 = arith.cmpi sgt, %parallel_loop3A_1199, %parallel_loop3A_1202 : i32
      %parallel_loop3A_1204 = arith.extui %parallel_loop3A_1203 : i1 to i32
      %parallel_loop3A_1205 = arith.constant 0 : i32
      %parallel_loop3A_1206 = arith.cmpi slt, %parallel_loop3A_1199, %parallel_loop3A_1205 : i32
      %parallel_loop3A_1207 = arith.extui %parallel_loop3A_1206 : i1 to i32
      %parallel_loop3A_1208 = arith.subi %parallel_loop3A_1204, %parallel_loop3A_1207 : i32
      %parallel_loop3A_1209 = arith.constant 0 : i32
      %parallel_loop3A_1210 = arith.cmpi sgt, %parallel_loop3A_1200, %parallel_loop3A_1209 : i32
      %parallel_loop3A_1211 = arith.extui %parallel_loop3A_1210 : i1 to i32
      %parallel_loop3A_1212 = arith.constant 0 : i32
      %parallel_loop3A_1213 = arith.cmpi slt, %parallel_loop3A_1200, %parallel_loop3A_1212 : i32
      %parallel_loop3A_1214 = arith.extui %parallel_loop3A_1213 : i1 to i32
      %parallel_loop3A_1215 = arith.subi %parallel_loop3A_1211, %parallel_loop3A_1214 : i32
      %parallel_loop3A_1216 = arith.cmpi ne, %parallel_loop3A_1208, %parallel_loop3A_1215 : i32
      %parallel_loop3A_1217 = arith.remsi %parallel_loop3A_1199, %parallel_loop3A_1200 : i32
      %parallel_loop3A_1218 = arith.constant 0 : i32
      %parallel_loop3A_1219 = arith.cmpi ne, %parallel_loop3A_1217, %parallel_loop3A_1218 : i32
      %parallel_loop3A_1220 = arith.andi %parallel_loop3A_1216, %parallel_loop3A_1219 : i1
      %parallel_loop3A_1221 = arith.constant 1 : i32
      %parallel_loop3A_1222 = arith.subi %parallel_loop3A_1201, %parallel_loop3A_1221 : i32
      %parallel_loop3A_1223 = arith.select %parallel_loop3A_1220, %parallel_loop3A_1222, %parallel_loop3A_1201 : i32
      %parallel_loop3A_1224 = arith.constant 64 : i32
      %parallel_loop3A_1225 = arith.constant 0 : i32
      %parallel_loop3A_1226 = arith.cmpi eq, %parallel_loop3A_1224, %parallel_loop3A_1225 : i32
      %parallel_loop3A_1227 = arith.constant 1 : i32
      %parallel_loop3A_1228 = arith.select %parallel_loop3A_1226, %parallel_loop3A_1227, %parallel_loop3A_1224 : i32
      %parallel_loop3A_1229 = arith.remsi %parallel_loop3A_1199, %parallel_loop3A_1228 : i32
      %parallel_loop3A_1230 = arith.constant 0 : i32
      %parallel_loop3A_1231 = arith.cmpi ne, %parallel_loop3A_1229, %parallel_loop3A_1230 : i32
      %parallel_loop3A_1232 = arith.constant 0 : i32
      %parallel_loop3A_1233 = arith.cmpi slt, %parallel_loop3A_1229, %parallel_loop3A_1232 : i32
      %parallel_loop3A_1234 = arith.constant 0 : i32
      %parallel_loop3A_1235 = arith.cmpi slt, %parallel_loop3A_1228, %parallel_loop3A_1234 : i32
      %parallel_loop3A_1236 = arith.xori %parallel_loop3A_1233, %parallel_loop3A_1235 : i1
      %parallel_loop3A_1237 = arith.andi %parallel_loop3A_1236, %parallel_loop3A_1231 : i1
      %parallel_loop3A_1238 = arith.addi %parallel_loop3A_1229, %parallel_loop3A_1228 : i32
      %parallel_loop3A_1239 = arith.select %parallel_loop3A_1237, %parallel_loop3A_1238, %parallel_loop3A_1229 : i32
      %parallel_loop3A_1240 = arith.constant 16 : i32
      %parallel_loop3A_1241 = arith.muli %parallel_loop3A_1239, %parallel_loop3A_1240 : i32
      %parallel_loop3A_1242 = arith.index_cast %parallel_loop3A_1223 : i32 to index
      %parallel_loop3A_1243 = arith.index_cast %parallel_loop3A_1241 : i32 to index
      %parallel_loop3A_1244 = tpu.vector_load %arg6[%parallel_loop3A_1242, %parallel_loop3A_1243] {strides = array<i32>} : memref<8x1024xf32, #tpu.memory_space<vmem>>, vector<1x16xf32>,
      %parallel_loop3A_1245 = vector.shape_cast %parallel_loop3A_1244 : vector<1x16xf32> to vector<16xf32>
      %parallel_loop3A_1246 = arith.index_cast %parallel_loop3A_1223 : i32 to index
      %parallel_loop3A_1247 = arith.index_cast %parallel_loop3A_1241 : i32 to index
      %parallel_loop3A_1248 = tpu.vector_load %arg8[%parallel_loop3A_1246, %parallel_loop3A_1247] {strides = array<i32>} : memref<8x1024xf32, #tpu.memory_space<vmem>>, vector<1x16xf32>,
      %parallel_loop3A_1249 = vector.shape_cast %parallel_loop3A_1248 : vector<1x16xf32> to vector<16xf32>
      %parallel_loop3A_1250 = arith.addf %parallel_loop3A_1249, %parallel_loop3A_1245 : vector<16xf32>
      %parallel_loop3A_1251 = arith.index_cast %parallel_loop3A_1223 : i32 to index
      %parallel_loop3A_1252 = arith.index_cast %parallel_loop3A_1241 : i32 to index
      %parallel_loop3A_1253 = tpu.vector_load %arg8[%parallel_loop3A_1251, %parallel_loop3A_1252] {strides = array<i32>} : memref<8x1024xf32, #tpu.memory_space<vmem>>, vector<1x16xf32>,
      %parallel_loop3A_1254 = vector.shape_cast %parallel_loop3A_1253 : vector<1x16xf32> to vector<16xf32>
      %parallel_loop3A_1255 = vector.shape_cast %parallel_loop3A_1250 : vector<16xf32> to vector<1x16xf32>
      tpu.vector_store %arg8[%parallel_loop3A_1251, %parallel_loop3A_1252], %parallel_loop3A_1255 {strides = array<i32>} : memref<8x1024xf32, #tpu.memory_space<vmem>>, vector<1x16xf32>,
      %parallel_loop3A_1256 = arith.index_cast %parallel_loop3A_1223 : i32 to index
      %parallel_loop3A_1257 = arith.index_cast %parallel_loop3A_1241 : i32 to index
      %parallel_loop3A_1258 = tpu.vector_load %arg11[%parallel_loop3A_1256, %parallel_loop3A_1257] {strides = array<i32>} : memref<8x1024xf32, #tpu.memory_space<vmem>>, vector<1x16xf32>,
      %parallel_loop3A_1259 = vector.shape_cast %parallel_loop3A_1258 : vector<1x16xf32> to vector<16xf32>
      %parallel_loop3A_1260 = arith.addf %parallel_loop3A_1259, %parallel_loop3A_1245 : vector<16xf32>
      %parallel_loop3A_1261 = arith.index_cast %parallel_loop3A_1223 : i32 to index
      %parallel_loop3A_1262 = arith.index_cast %parallel_loop3A_1241 : i32 to index
      %parallel_loop3A_1263 = tpu.vector_load %arg11[%parallel_loop3A_1261, %parallel_loop3A_1262] {strides = array<i32>} : memref<8x1024xf32, #tpu.memory_space<vmem>>, vector<1x16xf32>,
      %parallel_loop3A_1264 = vector.shape_cast %parallel_loop3A_1263 : vector<1x16xf32> to vector<16xf32>
      %parallel_loop3A_1265 = vector.shape_cast %parallel_loop3A_1260 : vector<16xf32> to vector<1x16xf32>
      tpu.vector_store %arg11[%parallel_loop3A_1261, %parallel_loop3A_1262], %parallel_loop3A_1265 {strides = array<i32>} : memref<8x1024xf32, #tpu.memory_space<vmem>>, vector<1x16xf32>,
      %parallel_loop3A_1266 = arith.index_cast %parallel_loop3A_1223 : i32 to index
      %parallel_loop3A_1267 = arith.index_cast %parallel_loop3A_1241 : i32 to index
      %parallel_loop3A_1268 = tpu.vector_load %arg14[%parallel_loop3A_1266, %parallel_loop3A_1267] {strides = array<i32>} : memref<8x1024xf32, #tpu.memory_space<vmem>>, vector<1x16xf32>,
      %parallel_loop3A_1269 = vector.shape_cast %parallel_loop3A_1268 : vector<1x16xf32> to vector<16xf32>
      %parallel_loop3A_1270 = arith.addf %parallel_loop3A_1269, %parallel_loop3A_1245 : vector<16xf32>
      %parallel_loop3A_1271 = arith.index_cast %parallel_loop3A_1223 : i32 to index
      %parallel_loop3A_1272 = arith.index_cast %parallel_loop3A_1241 : i32 to index
      %parallel_loop3A_1273 = tpu.vector_load %arg14[%parallel_loop3A_1271, %parallel_loop3A_1272] {strides = array<i32>} : memref<8x1024xf32, #tpu.memory_space<vmem>>, vector<1x16xf32>,
      %parallel_loop3A_1274 = vector.shape_cast %parallel_loop3A_1273 : vector<1x16xf32> to vector<16xf32>
      %parallel_loop3A_1275 = vector.shape_cast %parallel_loop3A_1270 : vector<16xf32> to vector<1x16xf32>
      tpu.vector_store %arg14[%parallel_loop3A_1271, %parallel_loop3A_1272], %parallel_loop3A_1275 {strides = array<i32>} : memref<8x1024xf32, #tpu.memory_space<vmem>>, vector<1x16xf32>,
      %parallel_loop3A_1276 = arith.index_cast %parallel_loop3A_1223 : i32 to index
      %parallel_loop3A_1277 = arith.index_cast %parallel_loop3A_1241 : i32 to index
      %parallel_loop3A_1278 = tpu.vector_load %arg17[%parallel_loop3A_1276, %parallel_loop3A_1277] {strides = array<i32>} : memref<8x1024xf32, #tpu.memory_space<vmem>>, vector<1x16xf32>,
      %parallel_loop3A_1279 = vector.shape_cast %parallel_loop3A_1278 : vector<1x16xf32> to vector<16xf32>
      %parallel_loop3A_1280 = arith.addf %parallel_loop3A_1279, %parallel_loop3A_1245 : vector<16xf32>
      %parallel_loop3A_1281 = arith.index_cast %parallel_loop3A_1223 : i32 to index
      %parallel_loop3A_1282 = arith.index_cast %parallel_loop3A_1241 : i32 to index
      %parallel_loop3A_1283 = tpu.vector_load %arg17[%parallel_loop3A_1281, %parallel_loop3A_1282] {strides = array<i32>} : memref<8x1024xf32, #tpu.memory_space<vmem>>, vector<1x16xf32>,
      %parallel_loop3A_1284 = vector.shape_cast %parallel_loop3A_1283 : vector<1x16xf32> to vector<16xf32>
      %parallel_loop3A_1285 = vector.shape_cast %parallel_loop3A_1280 : vector<16xf32> to vector<1x16xf32>
      tpu.vector_store %arg17[%parallel_loop3A_1281, %parallel_loop3A_1282], %parallel_loop3A_1285 {strides = array<i32>} : memref<8x1024xf32, #tpu.memory_space<vmem>>, vector<1x16xf32>,
    } {sc.loop_unroll_factor = 4 : i64, sc.parallel_access}
    %add3A_1075 = arith.constant 56 : i32
    %add3A_1076 = arith.addi %mul3A_2, %add3A_1075 : i32
    %multiple_of3A_1077 = tpu.assume_multiple %add3A_1076, 8 : i32
    %dma_start3A_1078 = arith.constant 0 : i32
    %dma_start3A_1079 = arith.constant 0 : i32
    %dma_start3A_1080 = tpu.memref_slice %arg4[%dma_start3A_1078, %multiple_of3A_1077, %dma_start3A_1079] : memref<4x2048x1024xf32, #tpu.memory_space<hbm>> -> memref<1x8x1024xf32, #tpu.memory_space<hbm>>
    %dma_start3A_1081 = tpu.memref_squeeze %dma_start3A_1080 : memref<1x8x1024xf32, #tpu.memory_space<hbm>> -> memref<8x1024xf32, #tpu.memory_space<hbm>>
    %dma_start3A_1082 = arith.constant 0 : i32
    %dma_start3A_1083 = tpu.memref_slice %arg4[%dma_start3A_1078, %multiple_of3A_1077, %dma_start3A_1082] : memref<4x2048x1024xf32, #tpu.memory_space<hbm>> -> memref<1x8x1024xf32, #tpu.memory_space<hbm>>
    %dma_start3A_1084 = tpu.memref_squeeze %dma_start3A_1083 : memref<1x8x1024xf32, #tpu.memory_space<hbm>> -> memref<8x1024xf32, #tpu.memory_space<hbm>>
    tpu.enqueue_dma source(%arg8 : memref<8x1024xf32, #tpu.memory_space<vmem>>) target(%dma_start3A_1084 : memref<8x1024xf32, #tpu.memory_space<hbm>>) target_semaphore(%arg34 : memref<!tpu.dma_semaphore, #tpu.memory_space<semaphore_mem>>)
    %add3A_1085 = arith.constant 56 : i32
    %add3A_1086 = arith.addi %mul3A_2, %add3A_1085 : i32
    %multiple_of3A_1087 = tpu.assume_multiple %add3A_1086, 8 : i32
    %dma_start3A_1088 = arith.constant 1 : i32
    %dma_start3A_1089 = arith.constant 0 : i32
    %dma_start3A_1090 = tpu.memref_slice %arg4[%dma_start3A_1088, %multiple_of3A_1087, %dma_start3A_1089] : memref<4x2048x1024xf32, #tpu.memory_space<hbm>> -> memref<1x8x1024xf32, #tpu.memory_space<hbm>>
    %dma_start3A_1091 = tpu.memref_squeeze %dma_start3A_1090 : memref<1x8x1024xf32, #tpu.memory_space<hbm>> -> memref<8x1024xf32, #tpu.memory_space<hbm>>
    %dma_start3A_1092 = arith.constant 0 : i32
    %dma_start3A_1093 = tpu.memref_slice %arg4[%dma_start3A_1088, %multiple_of3A_1087, %dma_start3A_1092] : memref<4x2048x1024xf32, #tpu.memory_space<hbm>> -> memref<1x8x1024xf32, #tpu.memory_space<hbm>>
    %dma_start3A_1094 = tpu.memref_squeeze %dma_start3A_1093 : memref<1x8x1024xf32, #tpu.memory_space<hbm>> -> memref<8x1024xf32, #tpu.memory_space<hbm>>
    tpu.enqueue_dma source(%arg11 : memref<8x1024xf32, #tpu.memory_space<vmem>>) target(%dma_start3A_1094 : memref<8x1024xf32, #tpu.memory_space<hbm>>) target_semaphore(%arg37 : memref<!tpu.dma_semaphore, #tpu.memory_space<semaphore_mem>>)
    %add3A_1095 = arith.constant 56 : i32
    %add3A_1096 = arith.addi %mul3A_2, %add3A_1095 : i32
    %multiple_of3A_1097 = tpu.assume_multiple %add3A_1096, 8 : i32
    %dma_start3A_1098 = arith.constant 2 : i32
    %dma_start3A_1099 = arith.constant 0 : i32
    %dma_start3A_1100 = tpu.memref_slice %arg4[%dma_start3A_1098, %multiple_of3A_1097, %dma_start3A_1099] : memref<4x2048x1024xf32, #tpu.memory_space<hbm>> -> memref<1x8x1024xf32, #tpu.memory_space<hbm>>
    %dma_start3A_1101 = tpu.memref_squeeze %dma_start3A_1100 : memref<1x8x1024xf32, #tpu.memory_space<hbm>> -> memref<8x1024xf32, #tpu.memory_space<hbm>>
    %dma_start3A_1102 = arith.constant 0 : i32
    %dma_start3A_1103 = tpu.memref_slice %arg4[%dma_start3A_1098, %multiple_of3A_1097, %dma_start3A_1102] : memref<4x2048x1024xf32, #tpu.memory_space<hbm>> -> memref<1x8x1024xf32, #tpu.memory_space<hbm>>
    %dma_start3A_1104 = tpu.memref_squeeze %dma_start3A_1103 : memref<1x8x1024xf32, #tpu.memory_space<hbm>> -> memref<8x1024xf32, #tpu.memory_space<hbm>>
    tpu.enqueue_dma source(%arg14 : memref<8x1024xf32, #tpu.memory_space<vmem>>) target(%dma_start3A_1104 : memref<8x1024xf32, #tpu.memory_space<hbm>>) target_semaphore(%arg40 : memref<!tpu.dma_semaphore, #tpu.memory_space<semaphore_mem>>)
    %add3A_1105 = arith.constant 56 : i32
    %add3A_1106 = arith.addi %mul3A_2, %add3A_1105 : i32
    %multiple_of3A_1107 = tpu.assume_multiple %add3A_1106, 8 : i32
    %dma_start3A_1108 = arith.constant 3 : i32
    %dma_start3A_1109 = arith.constant 0 : i32
    %dma_start3A_1110 = tpu.memref_slice %arg4[%dma_start3A_1108, %multiple_of3A_1107, %dma_start3A_1109] : memref<4x2048x1024xf32, #tpu.memory_space<hbm>> -> memref<1x8x1024xf32, #tpu.memory_space<hbm>>
    %dma_start3A_1111 = tpu.memref_squeeze %dma_start3A_1110 : memref<1x8x1024xf32, #tpu.memory_space<hbm>> -> memref<8x1024xf32, #tpu.memory_space<hbm>>
    %dma_start3A_1112 = arith.constant 0 : i32
    %dma_start3A_1113 = tpu.memref_slice %arg4[%dma_start3A_1108, %multiple_of3A_1107, %dma_start3A_1112] : memref<4x2048x1024xf32, #tpu.memory_space<hbm>> -> memref<1x8x1024xf32, #tpu.memory_space<hbm>>
    %dma_start3A_1114 = tpu.memref_squeeze %dma_start3A_1113 : memref<1x8x1024xf32, #tpu.memory_space<hbm>> -> memref<8x1024xf32, #tpu.memory_space<hbm>>
    tpu.enqueue_dma source(%arg17 : memref<8x1024xf32, #tpu.memory_space<vmem>>) target(%dma_start3A_1114 : memref<8x1024xf32, #tpu.memory_space<hbm>>) target_semaphore(%arg43 : memref<!tpu.dma_semaphore, #tpu.memory_space<semaphore_mem>>)
    %dma_wait3A_1115 = arith.constant 0 : i32
    %dma_wait3A_1116 = arith.constant 0 : i32
    %dma_wait3A_1117 = tpu.memref_slice %arg4[%dma_wait3A_1115, %multiple_of3A_852, %dma_wait3A_1116] : memref<4x2048x1024xf32, #tpu.memory_space<hbm>> -> memref<1x8x1024xf32, #tpu.memory_space<hbm>>
    %dma_wait3A_1118 = tpu.memref_squeeze %dma_wait3A_1117 : memref<1x8x1024xf32, #tpu.memory_space<hbm>> -> memref<8x1024xf32, #tpu.memory_space<hbm>>
    %dma_wait3A_1119 = arith.constant 0 : i32
    %dma_wait3A_1120 = tpu.memref_slice %arg4[%dma_wait3A_1115, %multiple_of3A_852, %dma_wait3A_1119] : memref<4x2048x1024xf32, #tpu.memory_space<hbm>> -> memref<1x8x1024xf32, #tpu.memory_space<hbm>>
    %dma_wait3A_1121 = tpu.memref_squeeze %dma_wait3A_1120 : memref<1x8x1024xf32, #tpu.memory_space<hbm>> -> memref<8x1024xf32, #tpu.memory_space<hbm>>
    tpu.wait_dma2 semaphore(%arg35 : memref<!tpu.dma_semaphore, #tpu.memory_space<semaphore_mem>>) src(%arg9 : memref<8x1024xf32, #tpu.memory_space<vmem>>) dst(%dma_wait3A_1121 : memref<8x1024xf32, #tpu.memory_space<hbm>>)
    %dma_wait3A_1122 = arith.constant 1 : i32
    %dma_wait3A_1123 = arith.constant 0 : i32
    %dma_wait3A_1124 = tpu.memref_slice %arg4[%dma_wait3A_1122, %multiple_of3A_862, %dma_wait3A_1123] : memref<4x2048x1024xf32, #tpu.memory_space<hbm>> -> memref<1x8x1024xf32, #tpu.memory_space<hbm>>
    %dma_wait3A_1125 = tpu.memref_squeeze %dma_wait3A_1124 : memref<1x8x1024xf32, #tpu.memory_space<hbm>> -> memref<8x1024xf32, #tpu.memory_space<hbm>>
    %dma_wait3A_1126 = arith.constant 0 : i32
    %dma_wait3A_1127 = tpu.memref_slice %arg4[%dma_wait3A_1122, %multiple_of3A_862, %dma_wait3A_1126] : memref<4x2048x1024xf32, #tpu.memory_space<hbm>> -> memref<1x8x1024xf32, #tpu.memory_space<hbm>>
    %dma_wait3A_1128 = tpu.memref_squeeze %dma_wait3A_1127 : memref<1x8x1024xf32, #tpu.memory_space<hbm>> -> memref<8x1024xf32, #tpu.memory_space<hbm>>
    tpu.wait_dma2 semaphore(%arg38 : memref<!tpu.dma_semaphore, #tpu.memory_space<semaphore_mem>>) src(%arg12 : memref<8x1024xf32, #tpu.memory_space<vmem>>) dst(%dma_wait3A_1128 : memref<8x1024xf32, #tpu.memory_space<hbm>>)
    %dma_wait3A_1129 = arith.constant 2 : i32
    %dma_wait3A_1130 = arith.constant 0 : i32
    %dma_wait3A_1131 = tpu.memref_slice %arg4[%dma_wait3A_1129, %multiple_of3A_872, %dma_wait3A_1130] : memref<4x2048x1024xf32, #tpu.memory_space<hbm>> -> memref<1x8x1024xf32, #tpu.memory_space<hbm>>
    %dma_wait3A_1132 = tpu.memref_squeeze %dma_wait3A_1131 : memref<1x8x1024xf32, #tpu.memory_space<hbm>> -> memref<8x1024xf32, #tpu.memory_space<hbm>>
    %dma_wait3A_1133 = arith.constant 0 : i32
    %dma_wait3A_1134 = tpu.memref_slice %arg4[%dma_wait3A_1129, %multiple_of3A_872, %dma_wait3A_1133] : memref<4x2048x1024xf32, #tpu.memory_space<hbm>> -> memref<1x8x1024xf32, #tpu.memory_space<hbm>>
    %dma_wait3A_1135 = tpu.memref_squeeze %dma_wait3A_1134 : memref<1x8x1024xf32, #tpu.memory_space<hbm>> -> memref<8x1024xf32, #tpu.memory_space<hbm>>
    tpu.wait_dma2 semaphore(%arg41 : memref<!tpu.dma_semaphore, #tpu.memory_space<semaphore_mem>>) src(%arg15 : memref<8x1024xf32, #tpu.memory_space<vmem>>) dst(%dma_wait3A_1135 : memref<8x1024xf32, #tpu.memory_space<hbm>>)
    %dma_wait3A_1136 = arith.constant 3 : i32
    %dma_wait3A_1137 = arith.constant 0 : i32
    %dma_wait3A_1138 = tpu.memref_slice %arg4[%dma_wait3A_1136, %multiple_of3A_882, %dma_wait3A_1137] : memref<4x2048x1024xf32, #tpu.memory_space<hbm>> -> memref<1x8x1024xf32, #tpu.memory_space<hbm>>
    %dma_wait3A_1139 = tpu.memref_squeeze %dma_wait3A_1138 : memref<1x8x1024xf32, #tpu.memory_space<hbm>> -> memref<8x1024xf32, #tpu.memory_space<hbm>>
    %dma_wait3A_1140 = arith.constant 0 : i32
    %dma_wait3A_1141 = tpu.memref_slice %arg4[%dma_wait3A_1136, %multiple_of3A_882, %dma_wait3A_1140] : memref<4x2048x1024xf32, #tpu.memory_space<hbm>> -> memref<1x8x1024xf32, #tpu.memory_space<hbm>>
    %dma_wait3A_1142 = tpu.memref_squeeze %dma_wait3A_1141 : memref<1x8x1024xf32, #tpu.memory_space<hbm>> -> memref<8x1024xf32, #tpu.memory_space<hbm>>
    tpu.wait_dma2 semaphore(%arg44 : memref<!tpu.dma_semaphore, #tpu.memory_space<semaphore_mem>>) src(%arg18 : memref<8x1024xf32, #tpu.memory_space<vmem>>) dst(%dma_wait3A_1142 : memref<8x1024xf32, #tpu.memory_space<hbm>>)
    %dma_wait3A_1143 = arith.constant 0 : i32
    %dma_wait3A_1144 = arith.constant 0 : i32
    %dma_wait3A_1145 = tpu.memref_slice %arg4[%dma_wait3A_1143, %multiple_of3A_1002, %dma_wait3A_1144] : memref<4x2048x1024xf32, #tpu.memory_space<hbm>> -> memref<1x8x1024xf32, #tpu.memory_space<hbm>>
    %dma_wait3A_1146 = tpu.memref_squeeze %dma_wait3A_1145 : memref<1x8x1024xf32, #tpu.memory_space<hbm>> -> memref<8x1024xf32, #tpu.memory_space<hbm>>
    %dma_wait3A_1147 = arith.constant 0 : i32
    %dma_wait3A_1148 = tpu.memref_slice %arg4[%dma_wait3A_1143, %multiple_of3A_1002, %dma_wait3A_1147] : memref<4x2048x1024xf32, #tpu.memory_space<hbm>> -> memref<1x8x1024xf32, #tpu.memory_space<hbm>>
    %dma_wait3A_1149 = tpu.memref_squeeze %dma_wait3A_1148 : memref<1x8x1024xf32, #tpu.memory_space<hbm>> -> memref<8x1024xf32, #tpu.memory_space<hbm>>
    tpu.wait_dma2 semaphore(%arg33 : memref<!tpu.dma_semaphore, #tpu.memory_space<semaphore_mem>>) src(%arg7 : memref<8x1024xf32, #tpu.memory_space<vmem>>) dst(%dma_wait3A_1149 : memref<8x1024xf32, #tpu.memory_space<hbm>>)
    %dma_wait3A_1150 = arith.constant 1 : i32
    %dma_wait3A_1151 = arith.constant 0 : i32
    %dma_wait3A_1152 = tpu.memref_slice %arg4[%dma_wait3A_1150, %multiple_of3A_1012, %dma_wait3A_1151] : memref<4x2048x1024xf32, #tpu.memory_space<hbm>> -> memref<1x8x1024xf32, #tpu.memory_space<hbm>>
    %dma_wait3A_1153 = tpu.memref_squeeze %dma_wait3A_1152 : memref<1x8x1024xf32, #tpu.memory_space<hbm>> -> memref<8x1024xf32, #tpu.memory_space<hbm>>
    %dma_wait3A_1154 = arith.constant 0 : i32
    %dma_wait3A_1155 = tpu.memref_slice %arg4[%dma_wait3A_1150, %multiple_of3A_1012, %dma_wait3A_1154] : memref<4x2048x1024xf32, #tpu.memory_space<hbm>> -> memref<1x8x1024xf32, #tpu.memory_space<hbm>>
    %dma_wait3A_1156 = tpu.memref_squeeze %dma_wait3A_1155 : memref<1x8x1024xf32, #tpu.memory_space<hbm>> -> memref<8x1024xf32, #tpu.memory_space<hbm>>
    tpu.wait_dma2 semaphore(%arg36 : memref<!tpu.dma_semaphore, #tpu.memory_space<semaphore_mem>>) src(%arg10 : memref<8x1024xf32, #tpu.memory_space<vmem>>) dst(%dma_wait3A_1156 : memref<8x1024xf32, #tpu.memory_space<hbm>>)
    %dma_wait3A_1157 = arith.constant 2 : i32
    %dma_wait3A_1158 = arith.constant 0 : i32
    %dma_wait3A_1159 = tpu.memref_slice %arg4[%dma_wait3A_1157, %multiple_of3A_1022, %dma_wait3A_1158] : memref<4x2048x1024xf32, #tpu.memory_space<hbm>> -> memref<1x8x1024xf32, #tpu.memory_space<hbm>>
    %dma_wait3A_1160 = tpu.memref_squeeze %dma_wait3A_1159 : memref<1x8x1024xf32, #tpu.memory_space<hbm>> -> memref<8x1024xf32, #tpu.memory_space<hbm>>
    %dma_wait3A_1161 = arith.constant 0 : i32
    %dma_wait3A_1162 = tpu.memref_slice %arg4[%dma_wait3A_1157, %multiple_of3A_1022, %dma_wait3A_1161] : memref<4x2048x1024xf32, #tpu.memory_space<hbm>> -> memref<1x8x1024xf32, #tpu.memory_space<hbm>>
    %dma_wait3A_1163 = tpu.memref_squeeze %dma_wait3A_1162 : memref<1x8x1024xf32, #tpu.memory_space<hbm>> -> memref<8x1024xf32, #tpu.memory_space<hbm>>
    tpu.wait_dma2 semaphore(%arg39 : memref<!tpu.dma_semaphore, #tpu.memory_space<semaphore_mem>>) src(%arg13 : memref<8x1024xf32, #tpu.memory_space<vmem>>) dst(%dma_wait3A_1163 : memref<8x1024xf32, #tpu.memory_space<hbm>>)
    %dma_wait3A_1164 = arith.constant 3 : i32
    %dma_wait3A_1165 = arith.constant 0 : i32
    %dma_wait3A_1166 = tpu.memref_slice %arg4[%dma_wait3A_1164, %multiple_of3A_1032, %dma_wait3A_1165] : memref<4x2048x1024xf32, #tpu.memory_space<hbm>> -> memref<1x8x1024xf32, #tpu.memory_space<hbm>>
    %dma_wait3A_1167 = tpu.memref_squeeze %dma_wait3A_1166 : memref<1x8x1024xf32, #tpu.memory_space<hbm>> -> memref<8x1024xf32, #tpu.memory_space<hbm>>
    %dma_wait3A_1168 = arith.constant 0 : i32
    %dma_wait3A_1169 = tpu.memref_slice %arg4[%dma_wait3A_1164, %multiple_of3A_1032, %dma_wait3A_1168] : memref<4x2048x1024xf32, #tpu.memory_space<hbm>> -> memref<1x8x1024xf32, #tpu.memory_space<hbm>>
    %dma_wait3A_1170 = tpu.memref_squeeze %dma_wait3A_1169 : memref<1x8x1024xf32, #tpu.memory_space<hbm>> -> memref<8x1024xf32, #tpu.memory_space<hbm>>
    tpu.wait_dma2 semaphore(%arg42 : memref<!tpu.dma_semaphore, #tpu.memory_space<semaphore_mem>>) src(%arg16 : memref<8x1024xf32, #tpu.memory_space<vmem>>) dst(%dma_wait3A_1170 : memref<8x1024xf32, #tpu.memory_space<hbm>>)
    %dma_wait3A_1171 = arith.constant 0 : i32
    %dma_wait3A_1172 = arith.constant 0 : i32
    %dma_wait3A_1173 = tpu.memref_slice %arg4[%dma_wait3A_1171, %multiple_of3A_1077, %dma_wait3A_1172] : memref<4x2048x1024xf32, #tpu.memory_space<hbm>> -> memref<1x8x1024xf32, #tpu.memory_space<hbm>>
    %dma_wait3A_1174 = tpu.memref_squeeze %dma_wait3A_1173 : memref<1x8x1024xf32, #tpu.memory_space<hbm>> -> memref<8x1024xf32, #tpu.memory_space<hbm>>
    %dma_wait3A_1175 = arith.constant 0 : i32
    %dma_wait3A_1176 = tpu.memref_slice %arg4[%dma_wait3A_1171, %multiple_of3A_1077, %dma_wait3A_1175] : memref<4x2048x1024xf32, #tpu.memory_space<hbm>> -> memref<1x8x1024xf32, #tpu.memory_space<hbm>>
    %dma_wait3A_1177 = tpu.memref_squeeze %dma_wait3A_1176 : memref<1x8x1024xf32, #tpu.memory_space<hbm>> -> memref<8x1024xf32, #tpu.memory_space<hbm>>
    tpu.wait_dma2 semaphore(%arg34 : memref<!tpu.dma_semaphore, #tpu.memory_space<semaphore_mem>>) src(%arg8 : memref<8x1024xf32, #tpu.memory_space<vmem>>) dst(%dma_wait3A_1177 : memref<8x1024xf32, #tpu.memory_space<hbm>>)
    %dma_wait3A_1178 = arith.constant 1 : i32
    %dma_wait3A_1179 = arith.constant 0 : i32
    %dma_wait3A_1180 = tpu.memref_slice %arg4[%dma_wait3A_1178, %multiple_of3A_1087, %dma_wait3A_1179] : memref<4x2048x1024xf32, #tpu.memory_space<hbm>> -> memref<1x8x1024xf32, #tpu.memory_space<hbm>>
    %dma_wait3A_1181 = tpu.memref_squeeze %dma_wait3A_1180 : memref<1x8x1024xf32, #tpu.memory_space<hbm>> -> memref<8x1024xf32, #tpu.memory_space<hbm>>
    %dma_wait3A_1182 = arith.constant 0 : i32
    %dma_wait3A_1183 = tpu.memref_slice %arg4[%dma_wait3A_1178, %multiple_of3A_1087, %dma_wait3A_1182] : memref<4x2048x1024xf32, #tpu.memory_space<hbm>> -> memref<1x8x1024xf32, #tpu.memory_space<hbm>>
    %dma_wait3A_1184 = tpu.memref_squeeze %dma_wait3A_1183 : memref<1x8x1024xf32, #tpu.memory_space<hbm>> -> memref<8x1024xf32, #tpu.memory_space<hbm>>
    tpu.wait_dma2 semaphore(%arg37 : memref<!tpu.dma_semaphore, #tpu.memory_space<semaphore_mem>>) src(%arg11 : memref<8x1024xf32, #tpu.memory_space<vmem>>) dst(%dma_wait3A_1184 : memref<8x1024xf32, #tpu.memory_space<hbm>>)
    %dma_wait3A_1185 = arith.constant 2 : i32
    %dma_wait3A_1186 = arith.constant 0 : i32
    %dma_wait3A_1187 = tpu.memref_slice %arg4[%dma_wait3A_1185, %multiple_of3A_1097, %dma_wait3A_1186] : memref<4x2048x1024xf32, #tpu.memory_space<hbm>> -> memref<1x8x1024xf32, #tpu.memory_space<hbm>>
    %dma_wait3A_1188 = tpu.memref_squeeze %dma_wait3A_1187 : memref<1x8x1024xf32, #tpu.memory_space<hbm>> -> memref<8x1024xf32, #tpu.memory_space<hbm>>
    %dma_wait3A_1189 = arith.constant 0 : i32
    %dma_wait3A_1190 = tpu.memref_slice %arg4[%dma_wait3A_1185, %multiple_of3A_1097, %dma_wait3A_1189] : memref<4x2048x1024xf32, #tpu.memory_space<hbm>> -> memref<1x8x1024xf32, #tpu.memory_space<hbm>>
    %dma_wait3A_1191 = tpu.memref_squeeze %dma_wait3A_1190 : memref<1x8x1024xf32, #tpu.memory_space<hbm>> -> memref<8x1024xf32, #tpu.memory_space<hbm>>
    tpu.wait_dma2 semaphore(%arg40 : memref<!tpu.dma_semaphore, #tpu.memory_space<semaphore_mem>>) src(%arg14 : memref<8x1024xf32, #tpu.memory_space<vmem>>) dst(%dma_wait3A_1191 : memref<8x1024xf32, #tpu.memory_space<hbm>>)
    %dma_wait3A_1192 = arith.constant 3 : i32
    %dma_wait3A_1193 = arith.constant 0 : i32
    %dma_wait3A_1194 = tpu.memref_slice %arg4[%dma_wait3A_1192, %multiple_of3A_1107, %dma_wait3A_1193] : memref<4x2048x1024xf32, #tpu.memory_space<hbm>> -> memref<1x8x1024xf32, #tpu.memory_space<hbm>>
    %dma_wait3A_1195 = tpu.memref_squeeze %dma_wait3A_1194 : memref<1x8x1024xf32, #tpu.memory_space<hbm>> -> memref<8x1024xf32, #tpu.memory_space<hbm>>
    %dma_wait3A_1196 = arith.constant 0 : i32
    %dma_wait3A_1197 = tpu.memref_slice %arg4[%dma_wait3A_1192, %multiple_of3A_1107, %dma_wait3A_1196] : memref<4x2048x1024xf32, #tpu.memory_space<hbm>> -> memref<1x8x1024xf32, #tpu.memory_space<hbm>>
    %dma_wait3A_1198 = tpu.memref_squeeze %dma_wait3A_1197 : memref<1x8x1024xf32, #tpu.memory_space<hbm>> -> memref<8x1024xf32, #tpu.memory_space<hbm>>
    tpu.wait_dma2 semaphore(%arg43 : memref<!tpu.dma_semaphore, #tpu.memory_space<semaphore_mem>>) src(%arg17 : memref<8x1024xf32, #tpu.memory_space<vmem>>) dst(%dma_wait3A_1198 : memref<8x1024xf32, #tpu.memory_space<hbm>>)
    return
  }
}

</mosaic_0001>

<sc_bundles>
// kernel: kernel.3.cloned.1.call-start
scs
__scs_entry_jumppad:
0x0: {  	(pc) =	sbr.rel $0x88, $3  }
0x1: {  	(tag) =	ssettag $0x0;
	lr =	simm.s32 $0x1  }
0x2: {  	[smem:$0x3F9F] =	sst lr;
	_ =	strace $0xD0000000  }
0x3: {  	_ = 	snop  }
0x4: {  	_ = 	snop  }
0x5: {  	_ = 	snop  }
0x6: {  	_ = 	snop  }
0x7: {  	_ = 	snop  }
__scs_overlays_trampoline_lowered:
0x8: {  	[smem:$0x3FAE] =	sst s0  }
0x9: {  	[smem:$0x3FAF] =	sst s1  }
0xa: {  	[smem:$0x3FB0] =	sst s2  }
0xb: {  	[smem:$0x3FB1] =	sst s3  }
0xc: {  	[smem:$0x3FB2] =	sst s4  }
0xd: {  	[smem:$0x3FB3] =	sst s5  }
0xe: {  	[smem:$0x3FB4] =	sst s6  }
0xf: {  	[smem:$0x3FB5] =	sst s7  }
0x10: {  	[smem:$0x3FB6] =	sst s8  }
0x11: {  	[smem:$0x3FB7] =	sst s9;
	s0 =	simm.s32 @!p0 $0x0  }
0x12: {  	s1 =	sld [smem:$0x3F9D];
	s0 =	simm.s32 @p0 $0x1  }
0x13: {  	[smem:$0x3FB8] =	sst s0;
	s0 =	simm.s32 @!p1 $0x0  }
0x14: {  	s2 =	sld [smem:$0x3F9C];
	s0 =	simm.s32 @p1 $0x1  }
0x15: {  	[smem:$0x3FB9] =	sst s0;
	s0 =	simm.s32 @!p2 $0x0  }
0x16: {  	s3 =	sld [smem:$0x3FDB];
	s0 =	simm.s32 @p2 $0x1  }
0x17: {  	s4 =	simm.s32 $0x1BF5;
	[smem:$0x3FBB] =	sst s0  }
0x18: {  	s0 =	sld [smem:$0x3F9E];
	_ =	swait.ge [sflag:s4], $0x0  }
0x19: {  	s7 =	sld [smem:$0x3F9F]  }
0x1a: {  	s8 =	sadd.s32 $0xFFFFE003, lr  }
0x1b: {  	s9 =	sadd.s32 $0xFFFFFEF7, lr;
	s5 =	simm.s32 $0xFFFFFFFF;
	p2 =	slt.u32 s8, $0xFFFFF086  }
0x1c: {  	p1 =	slt.u32 s9, $0xF7A;
	s5 =	simm.s32 @!p2 $0x0  }
0x1d: {  	s5 =	simm.s32 @p1 $0x1;
	p0 =	seq.s32 s7, s2  }
0x1e: {  	s7 =	smul.u32 @!p0 $0xF7A, s2;
	p2 =	seq.s32 @!p0 s5, $0x0  }
0x1f: {  	s9 =	smul.u32 $0xF7A, s1;
	s8 =	simm.s32 @!p0 $0x1BF5;
	p2 =	por !p2, p0  }
0x20: {  	[sflag:s8] =	ssyncset.s32 @!p0 $0xFFFFF086;
	s6 =	sadd.s32 @!p0 s3, s7;
	s7 =	simm.s32 @!p0 $0x108  }
0x21: {  	s3 =	sadd.s32 s3, s9;
	s6 =	sadd.s32 @!p0 $0x88, s6;
	s7 =	simm.s32 @p2 $0x1082  }
0x22: {  	[simem:s7], [sflag:s8] =	dma.local @!p0 [hbm:s6], $0xF7A  }
0x23: {  	s9 =	sor.u32 $0xD0000000, s2;
	s6 =	simm.s32 $0x108;
	_ =	swait.ge @!p0 [sflag:s8], $0x0  }
0x24: {  	s3 =	sadd.s32 $0x88, s3;
	s6 =	simm.s32 @!p1 $0x1082;
	[sflag:s4] =	ssyncset.s32 $0xFFFFF086  }
0x25: {  	[simem:s6], [sflag:s4] =	dma.local [hbm:s3], $0xF7A  }
0x26: {  	[smem:$0x3F9F] =	sst s1;
	(tag) =	ssettag s2;
	_ =	strace s9  }
0x27: {  	s1 =	sld [smem:$0x3FAF]  }
0x28: {  	s2 =	sld [smem:$0x3FB0]  }
0x29: {  	s4 =	sld [smem:$0x3FB2]  }
0x2a: {  	p0 =	seq.s32 s5, $0x0;
	s5 =	sld [smem:$0x3FB3]  }
0x2b: {  	s6 =	sld [smem:$0x3FB4]  }
0x2c: {  	s7 =	sld [smem:$0x3FB5]  }
0x2d: {  	s3 =	simm.s32 $0x108;
	s8 =	sld [smem:$0x3FB6]  }
0x2e: {  	s3 =	simm.s32 @!p0 $0x1082;
	s9 =	sld [smem:$0x3FB7]  }
0x2f: {  	lr =	sadd.s32 s0, s3;
	s0 =	sld [smem:$0x3FAE]  }
0x30: {  	s3 =	sld [smem:$0x3FB1]  }
0x31: {  	[smem:$0x3FBA] =	sst s10  }
0x32: {  	s10 =	sld [smem:$0x3FB8];
	_ =	sdelay $0x3  }
0x33: {  	p0 =	seq.s32 s10, $0x1;
	s10 =	sld [smem:$0x3FBA];
	_ =	sdelay $0x3  }
0x34: {  	[smem:$0x3FBA] =	sst s10  }
0x35: {  	s10 =	sld [smem:$0x3FB9];
	_ =	sdelay $0x3  }
0x36: {  	p1 =	seq.s32 s10, $0x1;
	s10 =	sld [smem:$0x3FBA];
	_ =	sdelay $0x3  }
0x37: {  	[smem:$0x3FBA] =	sst s10  }
0x38: {  	s10 =	sld [smem:$0x3FBB]  }
0x39: {  	_ = 	snop;
	(pc) =	sbr.ind lr, $3  }
0x3a: {  	_ = 	snop  }
0x3b: {  	_ = 	snop  }
0x3c: {  	p2 =	seq.s32 s10, $0x1;
	s10 =	sld [smem:$0x3FBA]  }
0x3d: {  	_ =	shalt  }
0x3e: {  	_ =	shalt  }
0x3f: {  	_ =	shalt  }
0x40: {  	_ =	shalt  }
0x41: {  	_ =	shalt  }
0x42: {  	_ =	shalt  }
0x43: {  	_ =	shalt  }
0x44: {  	_ =	shalt  }
0x45: {  	_ =	shalt  }
0x46: {  	_ =	shalt  }
0x47: {  	_ =	shalt  }
0x48: {  	_ =	shalt  }
0x49: {  	_ =	shalt  }
0x4a: {  	_ =	shalt  }
0x4b: {  	_ =	shalt  }
0x4c: {  	_ =	shalt  }
0x4d: {  	_ =	shalt  }
0x4e: {  	_ =	shalt  }
0x4f: {  	_ =	shalt  }
0x50: {  	_ =	shalt  }
0x51: {  	_ =	shalt  }
0x52: {  	_ =	shalt  }
0x53: {  	_ =	shalt  }
0x54: {  	_ =	shalt  }
0x55: {  	_ =	shalt  }
0x56: {  	_ =	shalt  }
0x57: {  	_ =	shalt  }
0x58: {  	_ =	shalt  }
0x59: {  	_ =	shalt  }
0x5a: {  	_ =	shalt  }
0x5b: {  	_ =	shalt  }
0x5c: {  	_ =	shalt  }
0x5d: {  	_ =	shalt  }
0x5e: {  	_ =	shalt  }
0x5f: {  	_ =	shalt  }
0x60: {  	_ =	shalt  }
0x61: {  	_ =	shalt  }
0x62: {  	_ =	shalt  }
0x63: {  	_ =	shalt  }
0x64: {  	_ =	shalt  }
0x65: {  	_ =	shalt  }
0x66: {  	_ =	shalt  }
0x67: {  	_ =	shalt  }
0x68: {  	_ =	shalt  }
0x69: {  	_ =	shalt  }
0x6a: {  	_ =	shalt  }
0x6b: {  	_ =	shalt  }
0x6c: {  	_ =	shalt  }
0x6d: {  	_ =	shalt  }
0x6e: {  	_ =	shalt  }
0x6f: {  	_ =	shalt  }
0x70: {  	_ =	shalt  }
0x71: {  	_ =	shalt  }
0x72: {  	_ =	shalt  }
0x73: {  	_ =	shalt  }
0x74: {  	_ =	shalt  }
0x75: {  	_ =	shalt  }
0x76: {  	_ =	shalt  }
0x77: {  	_ =	shalt  }
0x78: {  	_ =	shalt  }
0x79: {  	_ =	shalt  }
0x7a: {  	_ =	shalt  }
0x7b: {  	_ =	shalt  }
0x7c: {  	_ =	shalt  }
0x7d: {  	_ =	shalt  }
0x7e: {  	_ =	shalt  }
0x7f: {  	_ =	shalt  }
0x80: {  	_ =	shalt  }
0x81: {  	_ =	shalt  }
0x82: {  	_ =	shalt  }
0x83: {  	_ =	shalt  }
0x84: {  	_ =	shalt  }
0x85: {  	_ =	shalt  }
0x86: {  	_ =	shalt  }
0x87: {  	_ =	shalt  }
.Lfunc_end0:
.L_simem_size_0:
called_computation_lowered:
.L_overlay_start_0:
0x88: {  	s2 =	sld [smem:$0x3FD9]  }
0x89: {  	s3 =	sld [smem:$0x3FFE];
	_ =	sdelay $0x1  }
0x8a: {  	s1 =	srdreg.scid  }
0x8b: {  	s0 =	sand.u32 $0x1, s1  }
0x8c: {  	s18 =	sshll.u32 s0, $0xA;
	s2 =	sadd.s32 s3, s2  }
0x8d: {  	s2 =	sadd.s32 s2, s18  }
0x8e: {  	[smem:$0x3FC6] =	sst s2  }
0x8f: {  	_ = 	snop  }
0x90: {  	s2 =	sld [smem:$0x3FC9]  }
0x91: {  	s19 =	sld [smem:$0x3FC8]  }
0x92: {  	s4 =	sld [smem:$0x3FD0];
	(tm) =	ssettm $0x1  }
0x93: {  	s5 =	sld [smem:$0x3FFB];
	_ =	sdelay $0x3  }
0x94: {  	_ =	strace s5  }
0x95: {  	s5 =	sld [smem:$0x3FFC];
	_ =	sdelay $0x3  }
0x96: {  	_ =	strace s5  }
0x97: {  	s5 =	sld [smem:$0x3FFD];
	_ =	sdelay $0x3  }
0x98: {  	_ =	strace s5  }
0x99: {  	_ =	strace $0x8FFFFFFF  }
0x9a: {  	s20 =	sld [smem:$0x3FDB];
	_ =	sdelay $0x1  }
0x9b: {  	s6 =	simm.s32 $_scs_section_size  }
0x9c: {  	s7 =	simm.s32 $_size__tile_overlayer_lowered;
	s8 =	simm.s32 $_tile_overlayer_lowered  }
0x9d: {  	s23 =	simm.s32 $0x1BFF;
	s22 =	sshll.u32 s8, $0x1;
	s5 =	sadd.s32 s6, s20  }
0x9e: {  	s9 =	simm.s32 $0x0;
	s21 =	sshll.u32 s7, $0x1;
	s7 =	sadd.s32 s22, s5  }
0x9f: {  	[timem:s9], [sflag:s23] =	dma.local [hbm:s7], s21  }
0xa0: {  	_ =	swait.ge [sflag:s23], s21  }
0xa1: {  	s6 =	ssub.s32 $0x0, s21;
	[sflag:s23] =	ssyncset.done $0x0  }
0xa2: {  	[sflag:s23] =	ssyncadd.s32 s6;
	_ =	sdelay $0x1  }
0xa3: {  	s24 =	simm.s32 $0x1B8B  }
0xa4: {  	_ =	swait.ge [sflag:s24], $0x1  }
0xa5: {  	[sflag:s24] =	ssyncset.done $0x0  }
0xa6: {  	s25 =	simm.s32 $0x1B8E;
	[sflag:s24] =	ssyncadd.s32 $0xFFFFFFFF  }
0xa7: {  	s26 =	simm.s32 $execute0_lowered;
	[smem:$0x3FD2] =	sst s25  }
0xa8: {  	s6 =	sshll.u32 s26, $0x1;
	_ =	strace $0x80000046;
	[dreg:$0x1] =	wrdreg $0xFFFFFFFF  }
0xa9: {  	s28 =	simm.s32 $_size_execute0_lowered;
	s5 =	sadd.s32 s5, s6;
	[dreg:$0x0] =	wrdreg $0x0  }
0xaa: {  	s6 =	sshll.u32 s28, $0x1;
	[dreg:$0x2] =	wrdreg s5  }
0xab: {  	[dreg:$0x3] =	wrdreg s6  }
0xac: {  	[dreg:$0x4] =	wrdreg $0xC0  }
0xad: {  	_ =	task [dreg:s9], $0x5FFFF  }
0xae: {  	[dreg:$0x1] =	wrdreg $0xFFFFFFFF  }
0xaf: {  	[dreg:$0x0] =	wrdreg $0x60  }
0xb0: {  	[dreg:$0x2] =	wrdreg s2  }
0xb1: {  	[dreg:$0x3] =	wrdreg s19  }
0xb2: {  	[dreg:$0x4] =	wrdreg s4  }
0xb3: {  	[dreg:$0x5] =	wrdreg $0x9  }
0xb4: {  	_ =	task.clear_ibuf [dreg:s9], $0x6FFFF;
	_ =	strace $0x90000046  }
0xb5: {  	s29 =	simm.s32 $0x9;
	_ =	strace $0x80000048  }
0xb6: {  	_ =	swait.ge [sflag:s29], $0x1  }
0xb7: {  	[sflag:s29] =	ssyncadd.s32 $0xFFFFFFFF  }
0xb8: {  	_ =	strace $0x90000048  }
0xb9: {  	_ =	sfence  }
0xba: {  	s30 =	sld [smem:$0x0];
	_ =	sdelay $0x2  }
0xbb: {  	s31 =	sshll.u32 s1, $0xD;
	s1 =	sshrl.u32 s1, $0x2  }
0xbc: {  	s3 =	sand.u32 $0x4000, s31;
	s1 =	sadd.s32 s1, s30  }
0xbd: {  	s0 =	sor.u32 s3, s0;
	s1 =	sshll.u32 s1, $0x11  }
0xbe: {  	s0 =	sor.u32 s1, s0  }
0xbf: {  	s0 =	sadd.s32 $0x8F2B, s0  }
0xc0: {  	[sflag:s0] =	ssyncadd.remote.s32 $0x1  }
0xc1: {  	_ =	sfence.sel $0xFFFF  }
0xc2: {  	[dreg:$0x0] =	wrdreg $0xFFFFFFFF;
	(pc) =	sbr.abs _section_cstart, $3  }
0xc3: {  	[dreg:$0x1] =	wrdreg $0xFFFFFFFF  }
0xc4: {  	_ =	task.clear_ibuf [dreg:s9], $0x2FFFF;
	_ =	strace $0x9FFFFFFF  }
0xc5: {  	(tm) =	ssettm $0x7FFFFFFF  }
tec
execute0_lowered:
.L_overlay_start_1:
0x0: {  	(tag) =	ssettag $0x1  }
0x1: {  	s0 =	srdreg.scid  }
0x2: {  	s2 =	rddreg [dreg:$0x0];
	s3 =	stileid.u32;
	s1 =	sand.u32 $0x1, s0  }
0x3: {  	s5 =	rddreg [dreg:$0x1];
	s3 =	sshll.u32 s3, $0xE;
	s4 =	sshll.u32 s1, $0xD  }
0x4: {  	s0 =	rddreg [dreg:$0x2];
	s4 =	sor.u32 s4, s3  }
0x5: {  	s6 =	ssub.s32 $0x2, s1;
	s1 =	simm.s32 $0x0;
	s7 =	sor.u32 $0x40000, s4  }
0x6: {  	[smem:$0x7FF] =	sst s1;
	s26 =	sor.u32 $0x80000, s4;
	s25 =	sadd.s32 s2, s7  }
0x7: {  	s8 =	sor.u32 $0xC0000, s4;
	s10 =	sadd.s32 s2, s26;
	[dreg:$0x4] =	wrdreg s25  }
0x8: {  	s9 =	sor.u32 $0x400, s4;
	s13 =	sadd.s32 s2, s8;
	[dreg:$0x5] =	wrdreg s10  }
0x9: {  	s14 =	sadd.s32 s5, s9;
	[dreg:$0x6] =	wrdreg s13  }
0xa: {  	s16 =	sor.u32 $0x40400, s4;
	s15 =	sadd.s32 s2, s9;
	[dreg:$0x7] =	wrdreg s14  }
0xb: {  	s11 =	sor.u32 $0x80400, s4;
	s12 =	sadd.s32 s2, s16;
	[dreg:$0x8] =	wrdreg s15  }
0xc: {  	s17 =	sadd.s32 s2, s11;
	[dreg:$0x9] =	wrdreg s12  }
0xd: {  	s24 =	sshrl.u32 s6, $0x1;
	s7 =	sadd.s32 s0, s7;
	[dreg:$0xa] =	wrdreg s17  }
0xe: {  	s3 =	ssub.s32 s6, s24;
	s6 =	sadd.s32 s0, s26;
	[dreg:$0xc] =	wrdreg s7  }
0xf: {  	s19 =	sor.u32 $0x800, s4;
	s20 =	sadd.s32 s0, s8;
	[dreg:$0xd] =	wrdreg s6  }
0x10: {  	s21 =	sadd.s32 s5, s19;
	[dreg:$0xe] =	wrdreg s20  }
0x11: {  	s22 =	sadd.s32 s2, s19;
	[dreg:$0xf] =	wrdreg s21  }
0x12: {  	s24 =	sadd.s32 s0, s9;
	[dreg:$0x10] =	wrdreg s22  }
0x13: {  	s18 =	sor.u32 $0xC0400, s4;
	s26 =	sadd.s32 s0, s11;
	[dreg:$0x11] =	wrdreg s24  }
0x14: {  	s9 =	sadd.s32 s0, s18;
	[dreg:$0x13] =	wrdreg s26  }
0x15: {  	s13 =	sadd.s32 s2, s18;
	[dreg:$0x14] =	wrdreg s9  }
0x16: {  	s25 =	sadd.s32 s0, s16;
	[dreg:$0xb] =	wrdreg s13  }
0x17: {  	s23 =	sor.u32 $0x40800, s4;
	s7 =	sadd.s32 s0, s19;
	[dreg:$0x12] =	wrdreg s25  }
0x18: {  	s10 =	sadd.s32 s2, s23;
	[dreg:$0x15] =	wrdreg s7  }
0x19: {  	s11 =	sor.u32 $0x80800, s4;
	s6 =	sadd.s32 s0, s23;
	[dreg:$0x16] =	wrdreg s10  }
0x1a: {  	s12 =	sadd.s32 s2, s11;
	[dreg:$0x17] =	wrdreg s6  }
0x1b: {  	s15 =	sor.u32 $0xC00, s4;
	[dreg:$0x18] =	wrdreg s12;
	s7 =	sadd.s32 s0, s11  }
0x1c: {  	s16 =	sadd.s32 s5, s15;
	[dreg:$0x19] =	wrdreg s7  }
0x1d: {  	s17 =	sadd.s32 s2, s15;
	[dreg:$0x1c] =	wrdreg s16  }
0x1e: {  	s19 =	sor.u32 $0x40C00, s4;
	s18 =	sadd.s32 s0, s15;
	[dreg:$0x1d] =	wrdreg s17  }
0x1f: {  	s20 =	sor.u32 $0x80C00, s4;
	s21 =	sadd.s32 s2, s19;
	[dreg:$0x1e] =	wrdreg s18  }
0x20: {  	s22 =	sadd.s32 s2, s20;
	[dreg:$0x1f] =	wrdreg s21  }
0x21: {  	s24 =	sor.u32 $0xC0C00, s4;
	s23 =	sadd.s32 s0, s20;
	[smem:$0x7D2] =	sst s22  }
0x22: {  	s13 =	sor.u32 $0xC0800, s4;
	s26 =	sadd.s32 s2, s24;
	[smem:$0x7D3] =	sst s23  }
0x23: {  	s14 =	sadd.s32 s2, s13;
	[smem:$0x7D4] =	sst s26  }
0x24: {  	s25 =	sor.u32 $0x1000, s4;
	s6 =	sadd.s32 s0, s13;
	[dreg:$0x1a] =	wrdreg s14  }
0x25: {  	s9 =	sadd.s32 s5, s25;
	[dreg:$0x1b] =	wrdreg s6  }
0x26: {  	s10 =	sadd.s32 s2, s25;
	[smem:$0x7D6] =	sst s9  }
0x27: {  	s12 =	sor.u32 $0x41000, s4;
	s11 =	sadd.s32 s0, s25;
	[smem:$0x7D7] =	sst s10  }
0x28: {  	s13 =	sadd.s32 s2, s12;
	[smem:$0x7D8] =	sst s11  }
0x29: {  	s16 =	sor.u32 $0xC1000, s4;
	s6 =	sadd.s32 s0, s19;
	[smem:$0x7D9] =	sst s13  }
0x2a: {  	s18 =	sor.u32 $0x1400, s4;
	s17 =	sadd.s32 s2, s16;
	[smem:$0x7D1] =	sst s6  }
0x2b: {  	s19 =	sadd.s32 s5, s18;
	[smem:$0x7DD] =	sst s17  }
0x2c: {  	s21 =	sor.u32 $0x41400, s4;
	s20 =	sadd.s32 s2, s18;
	[smem:$0x7DF] =	sst s19  }
0x2d: {  	s22 =	sadd.s32 s2, s21;
	[smem:$0x7E0] =	sst s20  }
0x2e: {  	s25 =	sor.u32 $0xC1400, s4;
	s7 =	sadd.s32 s0, s21;
	[smem:$0x7E2] =	sst s22  }
0x2f: {  	s26 =	sadd.s32 s2, s25;
	[smem:$0x7E3] =	sst s7  }
0x30: {  	s8 =	sadd.s32 s0, s25;
	[smem:$0x7E6] =	sst s26  }
0x31: {  	s9 =	sadd.s32 s5, s4;
	[smem:$0x7E7] =	sst s8  }
0x32: {  	s14 =	sor.u32 $0x81000, s4;
	s6 =	sadd.s32 s0, s24;
	[smem:$0x7E8] =	sst s9  }
0x33: {  	s23 =	sor.u32 $0x81400, s4;
	s15 =	sadd.s32 s2, s14;
	[smem:$0x7D5] =	sst s6  }
0x34: {  	s24 =	sadd.s32 s2, s23;
	[smem:$0x7DB] =	sst s15  }
0x35: {  	s28 =	simm.s32 $0x9;
	s19 =	sadd.s32 s2, s4;
	[smem:$0x7E4] =	sst s24  }
0x36: {  	s10 =	sor.u32 $0x1800, s4;
	s20 =	sadd.s32 s0, s4;
	[smem:$0x7EB] =	sst s19  }
0x37: {  	s21 =	sor.u32 $0x41800, s4;
	s26 =	sadd.s32 s2, s10;
	[smem:$0x7EC] =	sst s20  }
0x38: {  	s29 =	simm.s32 $0xC;
	s13 =	sadd.s32 s2, s21;
	[smem:$0x7ED] =	sst s26  }
0x39: {  	s30 =	simm.s32 $0x10;
	s6 =	sadd.s32 s0, s12;
	[smem:$0x7EE] =	sst s13  }
0x3a: {  	s31 =	simm.s32 $0x13;
	s19 =	sadd.s32 s0, s10;
	[smem:$0x7DA] =	sst s6  }
0x3b: {  	s22 =	sor.u32 $0x81800, s4;
	s20 =	sadd.s32 s0, s21;
	[smem:$0x7F5] =	sst s19  }
0x3c: {  	s11 =	sor.u32 $0x1C00, s4;
	s21 =	sadd.s32 s0, s22;
	[smem:$0x7F6] =	sst s20  }
0x3d: {  	s25 =	sor.u32 $0x81C00, s4;
	s6 =	sadd.s32 s0, s14;
	[smem:$0x7F7] =	sst s21  }
0x3e: {  	s24 =	sor.u32 $0x41C00, s4;
	s14 =	sadd.s32 s2, s22;
	[smem:$0x7DC] =	sst s6  }
0x3f: {  	s7 =	simm.s32 $0xD;
	s17 =	sadd.s32 s2, s24;
	[smem:$0x7EF] =	sst s14  }
0x40: {  	s8 =	simm.s32 $0xF;
	s24 =	sadd.s32 s0, s24;
	[smem:$0x7F2] =	sst s17  }
0x41: {  	s9 =	simm.s32 $0x12;
	s6 =	sadd.s32 s0, s16;
	[smem:$0x7FA] =	sst s24  }
0x42: {  	s26 =	smax.u32 s3, $0x1;
	s16 =	sadd.s32 s2, s11;
	[smem:$0x7DE] =	sst s6  }
0x43: {  	s3 =	simm.s32 $0x2;
	s6 =	sadd.s32 s0, s18;
	[smem:$0x7F1] =	sst s16  }
0x44: {  	s20 =	simm.s32 $0x0;
	s18 =	sadd.s32 s5, s10;
	[smem:$0x7E1] =	sst s6  }
0x45: {  	s14 =	simm.s32 $0x6000;
	s5 =	sadd.s32 s5, s11;
	[smem:$0x7E9] =	sst s18  }
0x46: {  	s24 =	simm.s32 $0x1;
	s6 =	sadd.s32 s0, s23;
	[smem:$0x7EA] =	sst s5  }
0x47: {  	s17 =	simm.s32 $0xC000;
	s18 =	sadd.s32 s2, s25;
	[smem:$0x7E5] =	sst s6  }
0x48: {  	s23 =	sor.u32 $0xC1800, s4;
	s25 =	sadd.s32 s0, s25;
	[smem:$0x7F3] =	sst s18  }
0x49: {  	s4 =	sor.u32 $0xC1C00, s4;
	s15 =	sadd.s32 s2, s23;
	[smem:$0x7FB] =	sst s25  }
0x4a: {  	s10 =	simm.s32 $0x15;
	s2 =	sadd.s32 s2, s4;
	[smem:$0x7F0] =	sst s15  }
0x4b: {  	s5 =	simm.s32 $0x7;
	s22 =	sadd.s32 s0, s23;
	[smem:$0x7F4] =	sst s2  }
0x4c: {  	s23 =	sadd.s32 s0, s11;
	s0 =	sadd.s32 s0, s4;
	[smem:$0x7F8] =	sst s22  }
0x4d: {  	s25 =	simm.s32 $0x3;
	s4 =	simm.s32 $0x4;
	[smem:$0x7F9] =	sst s23  }
0x4e: {  	s6 =	simm.s32 $0xA;
	s11 =	simm.s32 $0x18;
	[smem:$0x7FC] =	sst s0  }
0x4f: {  	s15 =	simm.s32 $0xC000;
	s0 =	simm.s32 $0x16;
	s2 =	simm.s32 $0x19  }
0x50: {  	_ =	strace $0x80000047;
	[smem:$0x7FD] =	sst s26;
	s26 =	simm.s32 $0x6  }
.LBB2_1:
0x51: {  	s12 =	sld [smem:$0x7E8];
	_ =	sdelay $0x1  }
0x52: {  	s18 =	sld [smem:$0x7EB]  }
0x53: {  	[tilespmem:s1], [sflag:$0x1] =	stream.linear.gather [hbm4b:s12+s1], $0x2000, $0x38;
	[tilespmem:$0x1C000] =	vst v63  }
0x54: {  	s13 =	simm.s32 $0x4000  }
0x55: {  	[tilespmem:s13], [sflag:$0x3] =	stream.linear.gather [hbm4b:s18+s1], $0x2000, $0x38;
	[tilespmem:$0x1C000] =	vst v63  }
0x56: {  	s19 =	rddreg [dreg:$0x4];
	s21 =	simm.s32 $0xA000  }
0x57: {  	[tilespmem:s21], [sflag:$0x6] =	stream.linear.gather [hbm4b:s19+s1], $0x2000, $0x38;
	[tilespmem:$0x1C000] =	vst v63  }
0x58: {  	s22 =	rddreg [dreg:$0x5];
	s23 =	simm.s32 $0x10000  }
0x59: {  	[tilespmem:s23], [sflag:$0x9] =	stream.linear.gather [hbm4b:s22+s1], $0x2000, $0x38;
	[tilespmem:$0x1C000] =	vst v63  }
0x5a: {  	s16 =	rddreg [dreg:$0x6];
	s18 =	simm.s32 $0x16000  }
0x5b: {  	[tilespmem:s18], [sflag:$0xC] =	stream.linear.gather [hbm4b:s16+s1], $0x2000, $0x38;
	[tilespmem:$0x1C000] =	vst v63  }
0x5c: {  	s19 =	rddreg [dreg:$0x7];
	s21 =	simm.s32 $0x2000  }
0x5d: {  	[tilespmem:s21], [sflag:$0x2] =	stream.linear.gather [hbm4b:s19+s1], $0x2000, $0x38;
	[tilespmem:$0x1C000] =	vst v63  }
0x5e: {  	s22 =	rddreg [dreg:$0x8]  }
0x5f: {  	[tilespmem:s14], [sflag:$0x4] =	stream.linear.gather [hbm4b:s22+s1], $0x2000, $0x38;
	[tilespmem:$0x1C000] =	vst v63  }
0x60: {  	s14 =	rddreg [dreg:$0x9]  }
0x61: {  	[tilespmem:s15], [sflag:$0x7] =	stream.linear.gather [hbm4b:s14+s1], $0x2000, $0x38;
	[tilespmem:$0x1C000] =	vst v63  }
0x62: {  	s23 =	simm.s32 $0x12000;
	s18 =	rddreg [dreg:$0xa]  }
0x63: {  	[tilespmem:s23], [sflag:$0xA] =	stream.linear.gather [hbm4b:s18+s1], $0x2000, $0x38;
	[tilespmem:$0x1C000] =	vst v63  }
0x64: {  	s19 =	simm.s32 $0x18000;
	s21 =	rddreg [dreg:$0xb]  }
0x65: {  	[tilespmem:s19], [sflag:$0xD] =	stream.linear.gather [hbm4b:s21+s1], $0x2000, $0x38;
	[tilespmem:$0x1C000] =	vst v63  }
0x66: {  	_ =	swait.ge [sflag:s24], $0x2000  }
0x67: {  	[sflag:s24] =	ssyncset.done $0x0  }
0x68: {  	[sflag:s24] =	ssyncadd.s32 $0xFFFFE000  }
0x69: {  	_ =	swait.ge [sflag:s25], $0x2000  }
0x6a: {  	[sflag:s25] =	ssyncset.done $0x0  }
0x6b: {  	[sflag:s25] =	ssyncadd.s32 $0xFFFFE000  }
0x6c: {  	_ =	swait.ge [sflag:s26], $0x2000  }
0x6d: {  	[sflag:s26] =	ssyncset.done $0x0  }
0x6e: {  	[sflag:s26] =	ssyncadd.s32 $0xFFFFE000  }
0x6f: {  	_ =	swait.ge [sflag:s28], $0x2000  }
0x70: {  	[sflag:s28] =	ssyncset.done $0x0  }
0x71: {  	[sflag:s28] =	ssyncadd.s32 $0xFFFFE000  }
0x72: {  	s22 =	sand.u32 $0x1C00, s1;
	s23 =	sand.u32 $0x380, s1;
	_ =	swait.ge [sflag:s29], $0x2000  }
0x73: {  	s12 =	sor.u32 s23, s22;
	s21 =	sand.u32 $0x40, s1;
	[sflag:s29] =	ssyncset.done $0x0  }
0x74: {  	s21 =	sor.u32 s21, s12;
	[sflag:s29] =	ssyncadd.s32 $0xFFFFE000  }
0x75: {  	v0 =	vld [tilespmem:s21+$0x30]  }
0x76: {  	v1 =	vld [tilespmem:s21+$0x16030]  }
0x77: {  	v2 =	vld [tilespmem:s21+$0x0]  }
0x78: {  	v3 =	vld [tilespmem:s21+$0x4000]  }
0x79: {  	v4 =	vld [tilespmem:s21+$0xA000]  }
0x7a: {  	v8 =	vld [tilespmem:s21+$0x10]  }
0x7b: {  	v9 =	vld [tilespmem:s21+$0xA010];
	_ =	sdelay $0x1  }
0x7c: {  	v5 =	vld [tilespmem:s21+$0x10000]  }
0x7d: {  	v6 =	vld [tilespmem:s21+$0x16000];
	v1 =	vadd.f32 v1, v0  }
0x7e: {  	v7 =	vld [tilespmem:s21+$0x4010];
	v3 =	vadd.f32 v3, v2  }
0x7f: {  	v9 =	vadd.f32 v9, v8;
	[tilespmem:s21+$0x16030] =	vst v1;
	v1 =	vadd.f32 v4, v2;
	v4 =	vld [tilespmem:s21+$0x10010]  }
0x80: {  	v10 =	vld [tilespmem:s21+$0x16010];
	[tilespmem:s21+$0x4000] =	vst v3  }
0x81: {  	v3 =	vadd.f32 v5, v2;
	v5 =	vld [tilespmem:s21+$0x4020];
	[tilespmem:s21+$0xA010] =	vst v9  }
0x82: {  	v2 =	vadd.f32 v6, v2;
	[tilespmem:s21+$0xA000] =	vst v1;
	v1 =	vld [tilespmem:s21+$0x20]  }
0x83: {  	v6 =	vadd.f32 v7, v8;
	[tilespmem:s21+$0x10000] =	vst v3;
	v3 =	vld [tilespmem:s21+$0xA020]  }
0x84: {  	s13 =	simm.s32 $0x0;
	s16 =	simm.s32 $0x6000;
	s18 =	simm.s32 $0x18000;
	[tilespmem:s21+$0x16000] =	vst v2;
	v2 =	vld [tilespmem:s21+$0x10020];
	v7 =	vadd.f32 v4, v8  }
0x85: {  	s22 =	simm.s32 $0x0;
	s23 =	simm.s32 $0x200;
	s12 =	simm.s32 $0x8;
	[tilespmem:s21+$0x4010] =	vst v6;
	v6 =	vadd.f32 v10, v8;
	v4 =	vld [tilespmem:s21+$0x16020]  }
.LBB2_2:
0x86: {  	s14 =	sand.u32 $0x1C00, s23;
	s19 =	sand.u32 $0x380, s12;
	[tilespmem:s21+$0x10010] =	vst v7;
	v7 =	vld [tilespmem:s21+$0x4030];
	s13 =	sadd.s32 $0x40, s13  }
0x87: {  	s22 =	sadd.s32 $0x4, s22;
	s15 =	sand.u32 $0x40, s13;
	s14 =	sor.u32 s19, s14;
	[tilespmem:s21+$0x16010] =	vst v6;
	v5 =	vadd.f32 v5, v1;
	v6 =	vld [tilespmem:s21+$0xA030]  }
0x88: {  	p0 =	slt.u32 s22, $0x1FC;
	s14 =	sor.u32 s15, s14;
	v3 =	vadd.f32 v3, v1;
	v8 =	vld [tilespmem:s21+$0x10030]  }
0x89: {  	v9 =	vld [tilespmem:s14+$0x30];
	[tilespmem:s21+$0x4020] =	vst v5;
	v2 =	vadd.f32 v2, v1  }
0x8a: {  	v5 =	vld [tilespmem:s14+$0x16030];
	[tilespmem:s21+$0xA020] =	vst v3;
	v1 =	vadd.f32 v4, v1  }
0x8b: {  	v3 =	vld [tilespmem:s14+$0x0];
	[tilespmem:s21+$0x10020] =	vst v2;
	v2 =	vadd.f32 v7, v0  }
0x8c: {  	v4 =	vld [tilespmem:s14+$0x4000];
	[tilespmem:s21+$0x16020] =	vst v1;
	v1 =	vadd.f32 v6, v0  }
0x8d: {  	v6 =	vld [tilespmem:s14+$0xA000];
	[tilespmem:s21+$0x4030] =	vst v2;
	v2 =	vadd.f32 v8, v0  }
0x8e: {  	v7 =	vld [tilespmem:s14+$0x10000];
	[tilespmem:s21+$0xA030] =	vst v1;
	v0 =	vmov v9  }
0x8f: {  	v1 =	vld [tilespmem:s14+$0x16000];
	v5 =	vadd.f32 v5, v0;
	[tilespmem:s21+$0x10030] =	vst v2;
	s21 =	smov.u32 s14  }
0x90: {  	v8 =	vld [tilespmem:s21+$0x10]  }
0x91: {  	v2 =	vadd.f32 v4, v3;
	v4 =	vld [tilespmem:s21+$0x4010];
	[tilespmem:s21+$0x16030] =	vst v5  }
0x92: {  	v5 =	vadd.f32 v6, v3;
	v6 =	vld [tilespmem:s21+$0xA010]  }
0x93: {  	[tilespmem:s21+$0x4000] =	vst v2;
	v2 =	vadd.f32 v7, v3;
	v7 =	vld [tilespmem:s21+$0x10010]  }
0x94: {  	[tilespmem:s21+$0xA000] =	vst v5;
	v3 =	vadd.f32 v1, v3;
	v9 =	vld [tilespmem:s21+$0x16010]  }
.Ltmp0:
0x95: {  	[tilespmem:s21+$0x10000] =	vst v2;
	v1 =	vld [tilespmem:s21+$0x20];
	(pc) =	sbr.rel @p0 .LBB2_2-.Ltmp0, $4  }
0x96: {  	[tilespmem:s21+$0x16000] =	vst v3;
	v2 =	vadd.f32 v4, v8;
	v5 =	vld [tilespmem:s21+$0x4020]  }
0x97: {  	v4 =	vadd.f32 v6, v8;
	v3 =	vld [tilespmem:s21+$0xA020]  }
0x98: {  	[tilespmem:s21+$0x4010] =	vst v2;
	v7 =	vadd.f32 v7, v8;
	v2 =	vld [tilespmem:s21+$0x10020]  }
0x99: {  	s23 =	sadd.s32 $0x200, s23;
	s12 =	sadd.s32 $0x8, s12;
	[tilespmem:s21+$0xA010] =	vst v4;
	v6 =	vadd.f32 v9, v8;
	v4 =	vld [tilespmem:s21+$0x16020]  }
0x9a: {  	v8 =	vld [tilespmem:s21+$0x4030]  }
0x9b: {  	[tilespmem:s21+$0x10010] =	vst v7;
	v7 =	vld [tilespmem:s21+$0xA030];
	v5 =	vadd.f32 v5, v1  }
0x9c: {  	[tilespmem:s21+$0x16010] =	vst v6;
	v6 =	vld [tilespmem:s21+$0x10030];
	v3 =	vadd.f32 v3, v1  }
0x9d: {  	[tilespmem:s21+$0x4020] =	vst v5;
	v2 =	vadd.f32 v2, v1  }
0x9e: {  	[tilespmem:s21+$0xA020] =	vst v3;
	v1 =	vadd.f32 v4, v1  }
0x9f: {  	[tilespmem:s21+$0x10020] =	vst v2;
	v2 =	vadd.f32 v8, v0  }
0xa0: {  	[tilespmem:s21+$0x16020] =	vst v1;
	v1 =	vadd.f32 v7, v0  }
0xa1: {  	v0 =	vadd.f32 v6, v0;
	[tilespmem:s21+$0x4030] =	vst v2  }
0xa2: {  	[tilespmem:s21+$0xA030] =	vst v1  }
0xa3: {  	[tilespmem:s21+$0x10030] =	vst v0  }
0xa4: {  	s12 =	sld [smem:$0x7EC];
	_ =	sdelay $0x1  }
0xa5: {  	s13 =	simm.s32 $0x4000;
	s21 =	simm.s32 $0x0  }
0xa6: {  	[hbm4b:s12+s21] =	stream.linear.scatter [tilespmem:s13], [sflag:$0xF], $0x2000, $0x38;
	[tilespmem:$0x1C000] =	vst v63  }
0xa7: {  	s14 =	simm.s32 $0xA000;
	s13 =	rddreg [dreg:$0xc]  }
0xa8: {  	[hbm4b:s13+s21] =	stream.linear.scatter [tilespmem:s14], [sflag:$0x12], $0x2000, $0x38;
	[tilespmem:$0x1C000] =	vst v63  }
0xa9: {  	s19 =	simm.s32 $0x10000;
	s15 =	rddreg [dreg:$0xd]  }
0xaa: {  	[hbm4b:s15+s21] =	stream.linear.scatter [tilespmem:s19], [sflag:$0x15], $0x2000, $0x38;
	[tilespmem:$0x1C000] =	vst v63  }
0xab: {  	s23 =	simm.s32 $0x16000;
	s22 =	rddreg [dreg:$0xe]  }
0xac: {  	[hbm4b:s22+s21] =	stream.linear.scatter [tilespmem:s23], [sflag:$0x18], $0x2000, $0x38;
	[tilespmem:$0x1C000] =	vst v63  }
0xad: {  	s14 =	rddreg [dreg:$0xf]  }
0xae: {  	[tilespmem:s21], [sflag:$0x1] =	stream.linear.gather [hbm4b:s14+s21], $0x2000, $0x38;
	[tilespmem:$0x1C000] =	vst v63  }
0xaf: {  	s15 =	rddreg [dreg:$0x10];
	s19 =	simm.s32 $0x8000  }
0xb0: {  	[tilespmem:s19], [sflag:$0x5] =	stream.linear.gather [hbm4b:s15+s21], $0x2000, $0x38;
	[tilespmem:$0x1C000] =	vst v63  }
0xb1: {  	s22 =	rddreg [dreg:$0x16];
	s23 =	simm.s32 $0xE000  }
0xb2: {  	[tilespmem:s23], [sflag:$0x8] =	stream.linear.gather [hbm4b:s22+s21], $0x2000, $0x38;
	[tilespmem:$0x1C000] =	vst v63  }
0xb3: {  	s13 =	rddreg [dreg:$0x18];
	s14 =	simm.s32 $0x14000  }
0xb4: {  	[tilespmem:s14], [sflag:$0xB] =	stream.linear.gather [hbm4b:s13+s21], $0x2000, $0x38;
	[tilespmem:$0x1C000] =	vst v63  }
0xb5: {  	s15 =	rddreg [dreg:$0x1a];
	s19 =	simm.s32 $0x1A000  }
0xb6: {  	[tilespmem:s19], [sflag:$0xE] =	stream.linear.gather [hbm4b:s15+s21], $0x2000, $0x38;
	[tilespmem:$0x1C000] =	vst v63  }
0xb7: {  	_ =	swait.ge [sflag:s3], $0x2000  }
0xb8: {  	[sflag:s3] =	ssyncset.done $0x0  }
0xb9: {  	[sflag:s3] =	ssyncadd.s32 $0xFFFFE000  }
0xba: {  	_ =	swait.ge [sflag:s4], $0x2000  }
0xbb: {  	[sflag:s4] =	ssyncset.done $0x0  }
0xbc: {  	[sflag:s4] =	ssyncadd.s32 $0xFFFFE000  }
0xbd: {  	_ =	swait.ge [sflag:s5], $0x2000  }
0xbe: {  	[sflag:s5] =	ssyncset.done $0x0  }
0xbf: {  	[sflag:s5] =	ssyncadd.s32 $0xFFFFE000  }
0xc0: {  	_ =	swait.ge [sflag:s6], $0x2000  }
0xc1: {  	[sflag:s6] =	ssyncset.done $0x0  }
0xc2: {  	[sflag:s6] =	ssyncadd.s32 $0xFFFFE000  }
0xc3: {  	s22 =	sand.u32 $0x1C00, s21;
	s23 =	sand.u32 $0x380, s21;
	_ =	swait.ge [sflag:s7], $0x2000  }
0xc4: {  	s12 =	sor.u32 s23, s22;
	s14 =	sand.u32 $0x40, s21;
	[sflag:s7] =	ssyncset.done $0x0  }
0xc5: {  	s22 =	sor.u32 s14, s12;
	[sflag:s7] =	ssyncadd.s32 $0xFFFFE000  }
0xc6: {  	v0 =	vld [tilespmem:s22+$0x2030]  }
0xc7: {  	v1 =	vld [tilespmem:s22+$0x18030]  }
0xc8: {  	v2 =	vld [tilespmem:s22+$0x2000]  }
0xc9: {  	v3 =	vld [tilespmem:s22+$0x6000]  }
0xca: {  	v4 =	vld [tilespmem:s22+$0xC000]  }
0xcb: {  	v8 =	vld [tilespmem:s22+$0x2010]  }
0xcc: {  	v9 =	vld [tilespmem:s22+$0xC010];
	_ =	sdelay $0x1  }
0xcd: {  	v5 =	vld [tilespmem:s22+$0x12000]  }
0xce: {  	v6 =	vld [tilespmem:s22+$0x18000];
	v1 =	vadd.f32 v1, v0  }
0xcf: {  	v7 =	vld [tilespmem:s22+$0x6010];
	v3 =	vadd.f32 v3, v2  }
0xd0: {  	v9 =	vadd.f32 v9, v8;
	[tilespmem:s22+$0x18030] =	vst v1;
	v1 =	vadd.f32 v4, v2;
	v4 =	vld [tilespmem:s22+$0x12010]  }
0xd1: {  	v10 =	vld [tilespmem:s22+$0x18010];
	[tilespmem:s22+$0x6000] =	vst v3  }
0xd2: {  	v3 =	vadd.f32 v5, v2;
	v5 =	vld [tilespmem:s22+$0x6020];
	[tilespmem:s22+$0xC010] =	vst v9  }
0xd3: {  	v2 =	vadd.f32 v6, v2;
	[tilespmem:s22+$0xC000] =	vst v1;
	v1 =	vld [tilespmem:s22+$0x2020]  }
0xd4: {  	v6 =	vadd.f32 v7, v8;
	[tilespmem:s22+$0x12000] =	vst v3;
	v3 =	vld [tilespmem:s22+$0xC020]  }
0xd5: {  	[tilespmem:s22+$0x18000] =	vst v2;
	v2 =	vld [tilespmem:s22+$0x12020];
	v7 =	vadd.f32 v4, v8  }
0xd6: {  	s23 =	simm.s32 $0x0;
	s13 =	simm.s32 $0x8;
	s12 =	simm.s32 $0x200;
	[tilespmem:s22+$0x6010] =	vst v6;
	v6 =	vadd.f32 v10, v8;
	v4 =	vld [tilespmem:s22+$0x18020]  }
.LBB2_4:
0xd7: {  	s14 =	sand.u32 $0x1C00, s12;
	s15 =	sand.u32 $0x380, s13;
	[tilespmem:s22+$0x12010] =	vst v7;
	v7 =	vld [tilespmem:s22+$0x6030];
	s21 =	sadd.s32 $0x40, s21  }
0xd8: {  	s23 =	sadd.s32 $0x4, s23;
	s19 =	sand.u32 $0x40, s21;
	s14 =	sor.u32 s15, s14;
	[tilespmem:s22+$0x18010] =	vst v6;
	v5 =	vadd.f32 v5, v1;
	v6 =	vld [tilespmem:s22+$0xC030]  }
0xd9: {  	p0 =	slt.u32 s23, $0x1FC;
	s14 =	sor.u32 s19, s14;
	v3 =	vadd.f32 v3, v1;
	v8 =	vld [tilespmem:s22+$0x12030]  }
0xda: {  	v9 =	vld [tilespmem:s14+$0x2030];
	[tilespmem:s22+$0x6020] =	vst v5;
	v2 =	vadd.f32 v2, v1  }
0xdb: {  	v5 =	vld [tilespmem:s14+$0x18030];
	[tilespmem:s22+$0xC020] =	vst v3;
	v1 =	vadd.f32 v4, v1  }
0xdc: {  	v3 =	vld [tilespmem:s14+$0x2000];
	[tilespmem:s22+$0x12020] =	vst v2;
	v2 =	vadd.f32 v7, v0  }
0xdd: {  	v4 =	vld [tilespmem:s14+$0x6000];
	[tilespmem:s22+$0x18020] =	vst v1;
	v1 =	vadd.f32 v6, v0  }
0xde: {  	v6 =	vld [tilespmem:s14+$0xC000];
	[tilespmem:s22+$0x6030] =	vst v2;
	v2 =	vadd.f32 v8, v0  }
0xdf: {  	v7 =	vld [tilespmem:s14+$0x12000];
	[tilespmem:s22+$0xC030] =	vst v1;
	v0 =	vmov v9  }
0xe0: {  	v1 =	vld [tilespmem:s14+$0x18000];
	v5 =	vadd.f32 v5, v0;
	[tilespmem:s22+$0x12030] =	vst v2;
	s22 =	smov.u32 s14  }
0xe1: {  	v8 =	vld [tilespmem:s22+$0x2010]  }
0xe2: {  	v2 =	vadd.f32 v4, v3;
	v4 =	vld [tilespmem:s22+$0x6010];
	[tilespmem:s22+$0x18030] =	vst v5  }
0xe3: {  	v5 =	vadd.f32 v6, v3;
	v6 =	vld [tilespmem:s22+$0xC010]  }
0xe4: {  	[tilespmem:s22+$0x6000] =	vst v2;
	v2 =	vadd.f32 v7, v3;
	v7 =	vld [tilespmem:s22+$0x12010]  }
0xe5: {  	[tilespmem:s22+$0xC000] =	vst v5;
	v3 =	vadd.f32 v1, v3;
	v9 =	vld [tilespmem:s22+$0x18010]  }
.Ltmp1:
0xe6: {  	[tilespmem:s22+$0x12000] =	vst v2;
	v1 =	vld [tilespmem:s22+$0x2020];
	(pc) =	sbr.rel @p0 .LBB2_4-.Ltmp1, $4  }
0xe7: {  	[tilespmem:s22+$0x18000] =	vst v3;
	v2 =	vadd.f32 v4, v8;
	v5 =	vld [tilespmem:s22+$0x6020]  }
0xe8: {  	v4 =	vadd.f32 v6, v8;
	v3 =	vld [tilespmem:s22+$0xC020]  }
0xe9: {  	[tilespmem:s22+$0x6010] =	vst v2;
	v7 =	vadd.f32 v7, v8;
	v2 =	vld [tilespmem:s22+$0x12020]  }
0xea: {  	s12 =	sadd.s32 $0x200, s12;
	s13 =	sadd.s32 $0x8, s13;
	[tilespmem:s22+$0xC010] =	vst v4;
	v6 =	vadd.f32 v9, v8;
	v4 =	vld [tilespmem:s22+$0x18020]  }
0xeb: {  	v8 =	vld [tilespmem:s22+$0x6030]  }
0xec: {  	[tilespmem:s22+$0x12010] =	vst v7;
	v7 =	vld [tilespmem:s22+$0xC030];
	v5 =	vadd.f32 v5, v1  }
0xed: {  	[tilespmem:s22+$0x18010] =	vst v6;
	v6 =	vld [tilespmem:s22+$0x12030];
	v3 =	vadd.f32 v3, v1  }
0xee: {  	[tilespmem:s22+$0x6020] =	vst v5;
	v2 =	vadd.f32 v2, v1  }
0xef: {  	[tilespmem:s22+$0xC020] =	vst v3;
	v1 =	vadd.f32 v4, v1  }
0xf0: {  	[tilespmem:s22+$0x12020] =	vst v2;
	v2 =	vadd.f32 v8, v0  }
0xf1: {  	[tilespmem:s22+$0x18020] =	vst v1;
	v1 =	vadd.f32 v7, v0  }
0xf2: {  	v0 =	vadd.f32 v6, v0;
	[tilespmem:s22+$0x6030] =	vst v2  }
0xf3: {  	[tilespmem:s22+$0xC030] =	vst v1  }
0xf4: {  	[tilespmem:s22+$0x12030] =	vst v0  }
0xf5: {  	s21 =	simm.s32 $0x0;
	s12 =	rddreg [dreg:$0x11]  }
0xf6: {  	[hbm4b:s12+s21] =	stream.linear.scatter [tilespmem:s16], [sflag:$0x10], $0x2000, $0x38;
	[tilespmem:$0x1C000] =	vst v63  }
0xf7: {  	s22 =	rddreg [dreg:$0x12]  }
0xf8: {  	[hbm4b:s22+s21] =	stream.linear.scatter [tilespmem:s17], [sflag:$0x13], $0x2000, $0x38;
	[tilespmem:$0x1C000] =	vst v63  }
0xf9: {  	s13 =	simm.s32 $0x12000;
	s23 =	rddreg [dreg:$0x13]  }
0xfa: {  	[hbm4b:s23+s21] =	stream.linear.scatter [tilespmem:s13], [sflag:$0x16], $0x2000, $0x38;
	[tilespmem:$0x1C000] =	vst v63  }
0xfb: {  	s14 =	rddreg [dreg:$0x14]  }
0xfc: {  	[hbm4b:s14+s21] =	stream.linear.scatter [tilespmem:s18], [sflag:$0x19], $0x2000, $0x38;
	[tilespmem:$0x1C000] =	vst v63  }
0xfd: {  	s19 =	simm.s32 $0x2000;
	s15 =	rddreg [dreg:$0x1c]  }
0xfe: {  	[tilespmem:s19], [sflag:$0x2] =	stream.linear.gather [hbm4b:s15+s21], $0x2000, $0x38;
	[tilespmem:$0x1C000] =	vst v63  }
0xff: {  	_ =	swait.ge [sflag:s8], $0x2000  }
0x100: {  	[sflag:s8] =	ssyncset.done $0x0  }
0x101: {  	s23 =	simm.s32 $0x4000;
	s22 =	rddreg [dreg:$0x1d];
	[sflag:s8] =	ssyncadd.s32 $0xFFFFE000  }
0x102: {  	[tilespmem:s23], [sflag:$0x3] =	stream.linear.gather [hbm4b:s22+s21], $0x2000, $0x38;
	[tilespmem:$0x1C000] =	vst v63  }
0x103: {  	_ =	swait.ge [sflag:s9], $0x2000  }
0x104: {  	[sflag:s9] =	ssyncset.done $0x0  }
0x105: {  	s14 =	simm.s32 $0xA000;
	s13 =	rddreg [dreg:$0x1f];
	[sflag:s9] =	ssyncadd.s32 $0xFFFFE000  }
0x106: {  	[tilespmem:s14], [sflag:$0x6] =	stream.linear.gather [hbm4b:s13+s21], $0x2000, $0x38;
	[tilespmem:$0x1C000] =	vst v63  }
0x107: {  	_ =	swait.ge [sflag:s10], $0x2000  }
0x108: {  	s15 =	sld [smem:$0x7D2]  }
0x109: {  	[sflag:s10] =	ssyncset.done $0x0  }
0x10a: {  	s19 =	simm.s32 $0x10000;
	[sflag:s10] =	ssyncadd.s32 $0xFFFFE000  }
0x10b: {  	[tilespmem:s19], [sflag:$0x9] =	stream.linear.gather [hbm4b:s15+s21], $0x2000, $0x38;
	[tilespmem:$0x1C000] =	vst v63  }
0x10c: {  	_ =	swait.ge [sflag:s11], $0x2000  }
0x10d: {  	s22 =	sld [smem:$0x7D4]  }
0x10e: {  	[sflag:s11] =	ssyncset.done $0x0  }
0x10f: {  	s23 =	simm.s32 $0x16000;
	[sflag:s11] =	ssyncadd.s32 $0xFFFFE000  }
0x110: {  	[tilespmem:s23], [sflag:$0xC] =	stream.linear.gather [hbm4b:s22+s21], $0x2000, $0x38;
	[tilespmem:$0x1C000] =	vst v63  }
0x111: {  	_ =	swait.ge [sflag:s24], $0x2000  }
0x112: {  	[sflag:s24] =	ssyncset.done $0x0  }
0x113: {  	s14 =	simm.s32 $0x5;
	[sflag:s24] =	ssyncadd.s32 $0xFFFFE000  }
0x114: {  	_ =	swait.ge [sflag:s14], $0x2000  }
0x115: {  	[sflag:s14] =	ssyncset.done $0x0  }
0x116: {  	s15 =	simm.s32 $0x8;
	[sflag:s14] =	ssyncadd.s32 $0xFFFFE000  }
0x117: {  	_ =	swait.ge [sflag:s15], $0x2000  }
0x118: {  	[sflag:s15] =	ssyncset.done $0x0  }
0x119: {  	s19 =	simm.s32 $0xB;
	[sflag:s15] =	ssyncadd.s32 $0xFFFFE000  }
0x11a: {  	_ =	swait.ge [sflag:s19], $0x2000  }
0x11b: {  	[sflag:s19] =	ssyncset.done $0x0  }
0x11c: {  	s15 =	simm.s32 $0xE;
	[sflag:s19] =	ssyncadd.s32 $0xFFFFE000  }
0x11d: {  	s22 =	sand.u32 $0x1C00, s21;
	s23 =	sand.u32 $0x380, s21;
	_ =	swait.ge [sflag:s15], $0x2000  }
0x11e: {  	s12 =	sor.u32 s23, s22;
	s14 =	sand.u32 $0x40, s21;
	[sflag:s15] =	ssyncset.done $0x0  }
0x11f: {  	s22 =	sor.u32 s14, s12;
	[sflag:s15] =	ssyncadd.s32 $0xFFFFE000  }
0x120: {  	v0 =	vld [tilespmem:s22+$0x30]  }
0x121: {  	v1 =	vld [tilespmem:s22+$0x1A030]  }
0x122: {  	v2 =	vld [tilespmem:s22+$0x0]  }
0x123: {  	v3 =	vld [tilespmem:s22+$0x8000]  }
0x124: {  	v4 =	vld [tilespmem:s22+$0xE000]  }
0x125: {  	v8 =	vld [tilespmem:s22+$0x10]  }
0x126: {  	v9 =	vld [tilespmem:s22+$0xE010];
	_ =	sdelay $0x1  }
0x127: {  	v5 =	vld [tilespmem:s22+$0x14000]  }
0x128: {  	v6 =	vld [tilespmem:s22+$0x1A000];
	v1 =	vadd.f32 v1, v0  }
0x129: {  	v7 =	vld [tilespmem:s22+$0x8010];
	v3 =	vadd.f32 v3, v2  }
0x12a: {  	v9 =	vadd.f32 v9, v8;
	[tilespmem:s22+$0x1A030] =	vst v1;
	v1 =	vadd.f32 v4, v2;
	v4 =	vld [tilespmem:s22+$0x14010]  }
0x12b: {  	v10 =	vld [tilespmem:s22+$0x1A010];
	[tilespmem:s22+$0x8000] =	vst v3  }
0x12c: {  	v3 =	vadd.f32 v5, v2;
	v5 =	vld [tilespmem:s22+$0x8020];
	[tilespmem:s22+$0xE010] =	vst v9  }
0x12d: {  	v2 =	vadd.f32 v6, v2;
	[tilespmem:s22+$0xE000] =	vst v1;
	v1 =	vld [tilespmem:s22+$0x20]  }
0x12e: {  	v6 =	vadd.f32 v7, v8;
	[tilespmem:s22+$0x14000] =	vst v3;
	v3 =	vld [tilespmem:s22+$0xE020]  }
0x12f: {  	[tilespmem:s22+$0x1A000] =	vst v2;
	v2 =	vld [tilespmem:s22+$0x14020];
	v7 =	vadd.f32 v4, v8  }
0x130: {  	s13 =	simm.s32 $0x8;
	s23 =	simm.s32 $0x0;
	s12 =	simm.s32 $0x200;
	[tilespmem:s22+$0x8010] =	vst v6;
	v6 =	vadd.f32 v10, v8;
	v4 =	vld [tilespmem:s22+$0x1A020]  }
.LBB2_6:
0x131: {  	s14 =	sand.u32 $0x1C00, s12;
	s15 =	sand.u32 $0x380, s13;
	[tilespmem:s22+$0x14010] =	vst v7;
	v7 =	vld [tilespmem:s22+$0x8030];
	s21 =	sadd.s32 $0x40, s21  }
0x132: {  	s23 =	sadd.s32 $0x4, s23;
	s19 =	sand.u32 $0x40, s21;
	s14 =	sor.u32 s15, s14;
	[tilespmem:s22+$0x1A010] =	vst v6;
	v5 =	vadd.f32 v5, v1;
	v6 =	vld [tilespmem:s22+$0xE030]  }
0x133: {  	p0 =	slt.u32 s23, $0x1FC;
	s14 =	sor.u32 s19, s14;
	v3 =	vadd.f32 v3, v1;
	v8 =	vld [tilespmem:s22+$0x14030]  }
0x134: {  	v9 =	vld [tilespmem:s14+$0x30];
	[tilespmem:s22+$0x8020] =	vst v5;
	v2 =	vadd.f32 v2, v1  }
0x135: {  	v5 =	vld [tilespmem:s14+$0x1A030];
	[tilespmem:s22+$0xE020] =	vst v3;
	v1 =	vadd.f32 v4, v1  }
0x136: {  	v3 =	vld [tilespmem:s14+$0x0];
	[tilespmem:s22+$0x14020] =	vst v2;
	v2 =	vadd.f32 v7, v0  }
0x137: {  	v4 =	vld [tilespmem:s14+$0x8000];
	[tilespmem:s22+$0x1A020] =	vst v1;
	v1 =	vadd.f32 v6, v0  }
0x138: {  	v6 =	vld [tilespmem:s14+$0xE000];
	[tilespmem:s22+$0x8030] =	vst v2;
	v2 =	vadd.f32 v8, v0  }
0x139: {  	v7 =	vld [tilespmem:s14+$0x14000];
	[tilespmem:s22+$0xE030] =	vst v1;
	v0 =	vmov v9  }
0x13a: {  	v1 =	vld [tilespmem:s14+$0x1A000];
	v5 =	vadd.f32 v5, v0;
	[tilespmem:s22+$0x14030] =	vst v2;
	s22 =	smov.u32 s14  }
0x13b: {  	v8 =	vld [tilespmem:s22+$0x10]  }
0x13c: {  	v2 =	vadd.f32 v4, v3;
	v4 =	vld [tilespmem:s22+$0x8010];
	[tilespmem:s22+$0x1A030] =	vst v5  }
0x13d: {  	v5 =	vadd.f32 v6, v3;
	v6 =	vld [tilespmem:s22+$0xE010]  }
0x13e: {  	[tilespmem:s22+$0x8000] =	vst v2;
	v2 =	vadd.f32 v7, v3;
	v7 =	vld [tilespmem:s22+$0x14010]  }
0x13f: {  	[tilespmem:s22+$0xE000] =	vst v5;
	v3 =	vadd.f32 v1, v3;
	v9 =	vld [tilespmem:s22+$0x1A010]  }
.Ltmp2:
0x140: {  	[tilespmem:s22+$0x14000] =	vst v2;
	v1 =	vld [tilespmem:s22+$0x20];
	(pc) =	sbr.rel @p0 .LBB2_6-.Ltmp2, $4  }
0x141: {  	[tilespmem:s22+$0x1A000] =	vst v3;
	v2 =	vadd.f32 v4, v8;
	v5 =	vld [tilespmem:s22+$0x8020]  }
0x142: {  	v4 =	vadd.f32 v6, v8;
	v3 =	vld [tilespmem:s22+$0xE020]  }
0x143: {  	[tilespmem:s22+$0x8010] =	vst v2;
	v7 =	vadd.f32 v7, v8;
	v2 =	vld [tilespmem:s22+$0x14020]  }
0x144: {  	s12 =	sadd.s32 $0x200, s12;
	s13 =	sadd.s32 $0x8, s13;
	[tilespmem:s22+$0xE010] =	vst v4;
	v6 =	vadd.f32 v9, v8;
	v4 =	vld [tilespmem:s22+$0x1A020]  }
0x145: {  	v8 =	vld [tilespmem:s22+$0x8030]  }
0x146: {  	[tilespmem:s22+$0x14010] =	vst v7;
	v7 =	vld [tilespmem:s22+$0xE030];
	v5 =	vadd.f32 v5, v1  }
0x147: {  	[tilespmem:s22+$0x1A010] =	vst v6;
	v6 =	vld [tilespmem:s22+$0x14030];
	v3 =	vadd.f32 v3, v1  }
0x148: {  	[tilespmem:s22+$0x8020] =	vst v5;
	v2 =	vadd.f32 v2, v1  }
0x149: {  	[tilespmem:s22+$0xE020] =	vst v3;
	v1 =	vadd.f32 v4, v1  }
0x14a: {  	[tilespmem:s22+$0x14020] =	vst v2;
	v2 =	vadd.f32 v8, v0  }
0x14b: {  	[tilespmem:s22+$0x1A020] =	vst v1;
	v1 =	vadd.f32 v7, v0  }
0x14c: {  	v0 =	vadd.f32 v6, v0;
	[tilespmem:s22+$0x8030] =	vst v2  }
0x14d: {  	[tilespmem:s22+$0xE030] =	vst v1  }
0x14e: {  	[tilespmem:s22+$0x14030] =	vst v0  }
0x14f: {  	s12 =	rddreg [dreg:$0x15]  }
0x150: {  	s21 =	simm.s32 $0x0;
	s13 =	simm.s32 $0x8000;
	s22 =	rddreg [dreg:$0x17]  }
0x151: {  	[hbm4b:s12+s21] =	stream.linear.scatter [tilespmem:s13], [sflag:$0x11], $0x2000, $0x38;
	[tilespmem:$0x1C000] =	vst v63  }
0x152: {  	s23 =	simm.s32 $0xE000;
	s15 =	rddreg [dreg:$0x1b]  }
0x153: {  	[hbm4b:s22+s21] =	stream.linear.scatter [tilespmem:s23], [sflag:$0x14], $0x2000, $0x38;
	[tilespmem:$0x1C000] =	vst v63  }
0x154: {  	s14 =	simm.s32 $0x14000;
	s13 =	rddreg [dreg:$0x19]  }
0x155: {  	[hbm4b:s13+s21] =	stream.linear.scatter [tilespmem:s14], [sflag:$0x17], $0x2000, $0x38;
	[tilespmem:$0x1C000] =	vst v63  }
0x156: {  	s19 =	simm.s32 $0x1A000;
	s22 =	sld [smem:$0x7D6]  }
0x157: {  	[hbm4b:s15+s21] =	stream.linear.scatter [tilespmem:s19], [sflag:$0x1A], $0x2000, $0x38;
	[tilespmem:$0x1C000] =	vst v63  }
0x158: {  	_ = 	snop  }
0x159: {  	[tilespmem:s21], [sflag:$0x1] =	stream.linear.gather [hbm4b:s22+s21], $0x2000, $0x38;
	[tilespmem:$0x1C000] =	vst v63  }
0x15a: {  	_ =	swait.ge [sflag:s30], $0x2000  }
0x15b: {  	s23 =	sld [smem:$0x7D7]  }
0x15c: {  	[sflag:s30] =	ssyncset.done $0x0  }
0x15d: {  	[sflag:s30] =	ssyncadd.s32 $0xFFFFE000  }
0x15e: {  	[tilespmem:s16], [sflag:$0x4] =	stream.linear.gather [hbm4b:s23+s21], $0x2000, $0x38;
	[tilespmem:$0x1C000] =	vst v63  }
0x15f: {  	_ =	swait.ge [sflag:s31], $0x2000  }
0x160: {  	s13 =	sld [smem:$0x7D9]  }
0x161: {  	[sflag:s31] =	ssyncset.done $0x0  }
0x162: {  	[sflag:s31] =	ssyncadd.s32 $0xFFFFE000  }
0x163: {  	[tilespmem:s17], [sflag:$0x7] =	stream.linear.gather [hbm4b:s13+s21], $0x2000, $0x38;
	[tilespmem:$0x1C000] =	vst v63  }
0x164: {  	_ =	swait.ge [sflag:s0], $0x2000  }
0x165: {  	s14 =	sld [smem:$0x7DB]  }
0x166: {  	[sflag:s0] =	ssyncset.done $0x0  }
0x167: {  	s15 =	simm.s32 $0x12000;
	[sflag:s0] =	ssyncadd.s32 $0xFFFFE000  }
0x168: {  	[tilespmem:s15], [sflag:$0xA] =	stream.linear.gather [hbm4b:s14+s21], $0x2000, $0x38;
	[tilespmem:$0x1C000] =	vst v63  }
0x169: {  	_ =	swait.ge [sflag:s2], $0x2000  }
0x16a: {  	s19 =	sld [smem:$0x7DD]  }
0x16b: {  	[sflag:s2] =	ssyncset.done $0x0  }
0x16c: {  	[sflag:s2] =	ssyncadd.s32 $0xFFFFE000  }
0x16d: {  	[tilespmem:s18], [sflag:$0xD] =	stream.linear.gather [hbm4b:s19+s21], $0x2000, $0x38;
	[tilespmem:$0x1C000] =	vst v63  }
0x16e: {  	_ =	swait.ge [sflag:s3], $0x2000  }
0x16f: {  	[sflag:s3] =	ssyncset.done $0x0  }
0x170: {  	[sflag:s3] =	ssyncadd.s32 $0xFFFFE000  }
0x171: {  	_ =	swait.ge [sflag:s25], $0x2000  }
0x172: {  	[sflag:s25] =	ssyncset.done $0x0  }
0x173: {  	[sflag:s25] =	ssyncadd.s32 $0xFFFFE000  }
0x174: {  	_ =	swait.ge [sflag:s26], $0x2000  }
0x175: {  	[sflag:s26] =	ssyncset.done $0x0  }
0x176: {  	[sflag:s26] =	ssyncadd.s32 $0xFFFFE000  }
0x177: {  	_ =	swait.ge [sflag:s28], $0x2000  }
0x178: {  	[sflag:s28] =	ssyncset.done $0x0  }
0x179: {  	[sflag:s28] =	ssyncadd.s32 $0xFFFFE000  }
0x17a: {  	s22 =	sand.u32 $0x1C00, s21;
	s23 =	sand.u32 $0x380, s21;
	_ =	swait.ge [sflag:s29], $0x2000  }
0x17b: {  	s12 =	sor.u32 s23, s22;
	s14 =	sand.u32 $0x40, s21;
	[sflag:s29] =	ssyncset.done $0x0  }
0x17c: {  	s22 =	sor.u32 s14, s12;
	[sflag:s29] =	ssyncadd.s32 $0xFFFFE000  }
0x17d: {  	v0 =	vld [tilespmem:s22+$0x2030]  }
0x17e: {  	v1 =	vld [tilespmem:s22+$0x16030]  }
0x17f: {  	v2 =	vld [tilespmem:s22+$0x2000]  }
0x180: {  	v3 =	vld [tilespmem:s22+$0x4000]  }
0x181: {  	v4 =	vld [tilespmem:s22+$0xA000]  }
0x182: {  	v8 =	vld [tilespmem:s22+$0x2010]  }
0x183: {  	v9 =	vld [tilespmem:s22+$0xA010];
	_ =	sdelay $0x1  }
0x184: {  	v5 =	vld [tilespmem:s22+$0x10000]  }
0x185: {  	v6 =	vld [tilespmem:s22+$0x16000];
	v1 =	vadd.f32 v1, v0  }
0x186: {  	v7 =	vld [tilespmem:s22+$0x4010];
	v3 =	vadd.f32 v3, v2  }
0x187: {  	v9 =	vadd.f32 v9, v8;
	[tilespmem:s22+$0x16030] =	vst v1;
	v1 =	vadd.f32 v4, v2;
	v4 =	vld [tilespmem:s22+$0x10010]  }
0x188: {  	v10 =	vld [tilespmem:s22+$0x16010];
	[tilespmem:s22+$0x4000] =	vst v3  }
0x189: {  	v3 =	vadd.f32 v5, v2;
	v5 =	vld [tilespmem:s22+$0x4020];
	[tilespmem:s22+$0xA010] =	vst v9  }
0x18a: {  	v2 =	vadd.f32 v6, v2;
	[tilespmem:s22+$0xA000] =	vst v1;
	v1 =	vld [tilespmem:s22+$0x2020]  }
0x18b: {  	v6 =	vadd.f32 v7, v8;
	[tilespmem:s22+$0x10000] =	vst v3;
	v3 =	vld [tilespmem:s22+$0xA020]  }
0x18c: {  	[tilespmem:s22+$0x16000] =	vst v2;
	v2 =	vld [tilespmem:s22+$0x10020];
	v7 =	vadd.f32 v4, v8  }
0x18d: {  	s23 =	simm.s32 $0x0;
	s13 =	simm.s32 $0x8;
	s12 =	simm.s32 $0x200;
	[tilespmem:s22+$0x4010] =	vst v6;
	v6 =	vadd.f32 v10, v8;
	v4 =	vld [tilespmem:s22+$0x16020]  }
.LBB2_8:
0x18e: {  	s14 =	sand.u32 $0x1C00, s12;
	s15 =	sand.u32 $0x380, s13;
	[tilespmem:s22+$0x10010] =	vst v7;
	v7 =	vld [tilespmem:s22+$0x4030];
	s21 =	sadd.s32 $0x40, s21  }
0x18f: {  	s23 =	sadd.s32 $0x4, s23;
	s19 =	sand.u32 $0x40, s21;
	s14 =	sor.u32 s15, s14;
	[tilespmem:s22+$0x16010] =	vst v6;
	v5 =	vadd.f32 v5, v1;
	v6 =	vld [tilespmem:s22+$0xA030]  }
0x190: {  	p0 =	slt.u32 s23, $0x1FC;
	s14 =	sor.u32 s19, s14;
	v3 =	vadd.f32 v3, v1;
	v8 =	vld [tilespmem:s22+$0x10030]  }
0x191: {  	v9 =	vld [tilespmem:s14+$0x2030];
	[tilespmem:s22+$0x4020] =	vst v5;
	v2 =	vadd.f32 v2, v1  }
0x192: {  	v5 =	vld [tilespmem:s14+$0x16030];
	[tilespmem:s22+$0xA020] =	vst v3;
	v1 =	vadd.f32 v4, v1  }
0x193: {  	v3 =	vld [tilespmem:s14+$0x2000];
	[tilespmem:s22+$0x10020] =	vst v2;
	v2 =	vadd.f32 v7, v0  }
0x194: {  	v4 =	vld [tilespmem:s14+$0x4000];
	[tilespmem:s22+$0x16020] =	vst v1;
	v1 =	vadd.f32 v6, v0  }
0x195: {  	v6 =	vld [tilespmem:s14+$0xA000];
	[tilespmem:s22+$0x4030] =	vst v2;
	v2 =	vadd.f32 v8, v0  }
0x196: {  	v7 =	vld [tilespmem:s14+$0x10000];
	[tilespmem:s22+$0xA030] =	vst v1;
	v0 =	vmov v9  }
0x197: {  	v1 =	vld [tilespmem:s14+$0x16000];
	v5 =	vadd.f32 v5, v0;
	[tilespmem:s22+$0x10030] =	vst v2;
	s22 =	smov.u32 s14  }
0x198: {  	v8 =	vld [tilespmem:s22+$0x2010]  }
0x199: {  	v2 =	vadd.f32 v4, v3;
	v4 =	vld [tilespmem:s22+$0x4010];
	[tilespmem:s22+$0x16030] =	vst v5  }
0x19a: {  	v5 =	vadd.f32 v6, v3;
	v6 =	vld [tilespmem:s22+$0xA010]  }
0x19b: {  	[tilespmem:s22+$0x4000] =	vst v2;
	v2 =	vadd.f32 v7, v3;
	v7 =	vld [tilespmem:s22+$0x10010]  }
0x19c: {  	[tilespmem:s22+$0xA000] =	vst v5;
	v3 =	vadd.f32 v1, v3;
	v9 =	vld [tilespmem:s22+$0x16010]  }
.Ltmp3:
0x19d: {  	[tilespmem:s22+$0x10000] =	vst v2;
	v1 =	vld [tilespmem:s22+$0x2020];
	(pc) =	sbr.rel @p0 .LBB2_8-.Ltmp3, $4  }
0x19e: {  	[tilespmem:s22+$0x16000] =	vst v3;
	v2 =	vadd.f32 v4, v8;
	v5 =	vld [tilespmem:s22+$0x4020]  }
0x19f: {  	v4 =	vadd.f32 v6, v8;
	v3 =	vld [tilespmem:s22+$0xA020]  }
0x1a0: {  	[tilespmem:s22+$0x4010] =	vst v2;
	v7 =	vadd.f32 v7, v8;
	v2 =	vld [tilespmem:s22+$0x10020]  }
0x1a1: {  	s12 =	sadd.s32 $0x200, s12;
	s13 =	sadd.s32 $0x8, s13;
	[tilespmem:s22+$0xA010] =	vst v4;
	v6 =	vadd.f32 v9, v8;
	v4 =	vld [tilespmem:s22+$0x16020]  }
0x1a2: {  	v8 =	vld [tilespmem:s22+$0x4030]  }
0x1a3: {  	[tilespmem:s22+$0x10010] =	vst v7;
	v7 =	vld [tilespmem:s22+$0xA030];
	v5 =	vadd.f32 v5, v1  }
0x1a4: {  	[tilespmem:s22+$0x16010] =	vst v6;
	v6 =	vld [tilespmem:s22+$0x10030];
	v3 =	vadd.f32 v3, v1  }
0x1a5: {  	[tilespmem:s22+$0x4020] =	vst v5;
	v2 =	vadd.f32 v2, v1  }
0x1a6: {  	[tilespmem:s22+$0xA020] =	vst v3;
	v1 =	vadd.f32 v4, v1  }
0x1a7: {  	[tilespmem:s22+$0x10020] =	vst v2;
	v2 =	vadd.f32 v8, v0  }
0x1a8: {  	[tilespmem:s22+$0x16020] =	vst v1;
	v1 =	vadd.f32 v7, v0  }
0x1a9: {  	v0 =	vadd.f32 v6, v0;
	[tilespmem:s22+$0x4030] =	vst v2  }
0x1aa: {  	[tilespmem:s22+$0xA030] =	vst v1  }
0x1ab: {  	[tilespmem:s22+$0x10030] =	vst v0  }
0x1ac: {  	s12 =	rddreg [dreg:$0x1e]  }
0x1ad: {  	s21 =	simm.s32 $0x0;
	s13 =	simm.s32 $0x4000;
	s22 =	sld [smem:$0x7D1]  }
0x1ae: {  	[hbm4b:s12+s21] =	stream.linear.scatter [tilespmem:s13], [sflag:$0xF], $0x2000, $0x38;
	[tilespmem:$0x1C000] =	vst v63  }
0x1af: {  	s23 =	simm.s32 $0xA000;
	s14 =	sld [smem:$0x7D3]  }
0x1b0: {  	[hbm4b:s22+s21] =	stream.linear.scatter [tilespmem:s23], [sflag:$0x12], $0x2000, $0x38;
	[tilespmem:$0x1C000] =	vst v63  }
0x1b1: {  	s15 =	simm.s32 $0x10000;
	s18 =	sld [smem:$0x7D5]  }
0x1b2: {  	[hbm4b:s14+s21] =	stream.linear.scatter [tilespmem:s15], [sflag:$0x15], $0x2000, $0x38;
	[tilespmem:$0x1C000] =	vst v63  }
0x1b3: {  	s19 =	simm.s32 $0x16000;
	s22 =	sld [smem:$0x7DF]  }
0x1b4: {  	[hbm4b:s18+s21] =	stream.linear.scatter [tilespmem:s19], [sflag:$0x18], $0x2000, $0x38;
	[tilespmem:$0x1C000] =	vst v63  }
0x1b5: {  	s13 =	simm.s32 $0x11;
	s23 =	simm.s32 $0x2000  }
0x1b6: {  	[tilespmem:s23], [sflag:$0x2] =	stream.linear.gather [hbm4b:s22+s21], $0x2000, $0x38;
	[tilespmem:$0x1C000] =	vst v63  }
0x1b7: {  	_ =	swait.ge [sflag:s13], $0x2000  }
0x1b8: {  	s14 =	sld [smem:$0x7E0]  }
0x1b9: {  	[sflag:s13] =	ssyncset.done $0x0  }
0x1ba: {  	s15 =	simm.s32 $0x8000;
	s18 =	simm.s32 $0x14;
	[sflag:s13] =	ssyncadd.s32 $0xFFFFE000  }
0x1bb: {  	[tilespmem:s15], [sflag:$0x5] =	stream.linear.gather [hbm4b:s14+s21], $0x2000, $0x38;
	[tilespmem:$0x1C000] =	vst v63  }
0x1bc: {  	_ =	swait.ge [sflag:s18], $0x2000  }
0x1bd: {  	s19 =	sld [smem:$0x7E2]  }
0x1be: {  	[sflag:s18] =	ssyncset.done $0x0  }
0x1bf: {  	s22 =	simm.s32 $0xE000;
	s23 =	simm.s32 $0x17;
	[sflag:s18] =	ssyncadd.s32 $0xFFFFE000  }
0x1c0: {  	[tilespmem:s22], [sflag:$0x8] =	stream.linear.gather [hbm4b:s19+s21], $0x2000, $0x38;
	[tilespmem:$0x1C000] =	vst v63  }
0x1c1: {  	_ =	swait.ge [sflag:s23], $0x2000  }
0x1c2: {  	s13 =	sld [smem:$0x7E4]  }
0x1c3: {  	[sflag:s23] =	ssyncset.done $0x0  }
0x1c4: {  	s14 =	simm.s32 $0x14000;
	s15 =	simm.s32 $0x1A;
	[sflag:s23] =	ssyncadd.s32 $0xFFFFE000  }
0x1c5: {  	[tilespmem:s14], [sflag:$0xB] =	stream.linear.gather [hbm4b:s13+s21], $0x2000, $0x38;
	[tilespmem:$0x1C000] =	vst v63  }
0x1c6: {  	_ =	swait.ge [sflag:s15], $0x2000  }
0x1c7: {  	s18 =	sld [smem:$0x7E6]  }
0x1c8: {  	[sflag:s15] =	ssyncset.done $0x0  }
0x1c9: {  	s19 =	simm.s32 $0x1A000;
	[sflag:s15] =	ssyncadd.s32 $0xFFFFE000  }
0x1ca: {  	[tilespmem:s19], [sflag:$0xE] =	stream.linear.gather [hbm4b:s18+s21], $0x2000, $0x38;
	[tilespmem:$0x1C000] =	vst v63  }
0x1cb: {  	_ =	swait.ge [sflag:s24], $0x2000  }
0x1cc: {  	[sflag:s24] =	ssyncset.done $0x0  }
0x1cd: {  	[sflag:s24] =	ssyncadd.s32 $0xFFFFE000  }
0x1ce: {  	_ =	swait.ge [sflag:s4], $0x2000  }
0x1cf: {  	[sflag:s4] =	ssyncset.done $0x0  }
0x1d0: {  	[sflag:s4] =	ssyncadd.s32 $0xFFFFE000  }
0x1d1: {  	_ =	swait.ge [sflag:s5], $0x2000  }
0x1d2: {  	[sflag:s5] =	ssyncset.done $0x0  }
0x1d3: {  	[sflag:s5] =	ssyncadd.s32 $0xFFFFE000  }
0x1d4: {  	_ =	swait.ge [sflag:s6], $0x2000  }
0x1d5: {  	[sflag:s6] =	ssyncset.done $0x0  }
0x1d6: {  	[sflag:s6] =	ssyncadd.s32 $0xFFFFE000  }
0x1d7: {  	s22 =	sand.u32 $0x1C00, s21;
	s23 =	sand.u32 $0x380, s21;
	_ =	swait.ge [sflag:s7], $0x2000  }
0x1d8: {  	s12 =	sor.u32 s23, s22;
	s14 =	sand.u32 $0x40, s21;
	[sflag:s7] =	ssyncset.done $0x0  }
0x1d9: {  	s22 =	sor.u32 s14, s12;
	[sflag:s7] =	ssyncadd.s32 $0xFFFFE000  }
0x1da: {  	v0 =	vld [tilespmem:s22+$0x30]  }
0x1db: {  	v1 =	vld [tilespmem:s22+$0x18030]  }
0x1dc: {  	v2 =	vld [tilespmem:s22+$0x0]  }
0x1dd: {  	v3 =	vld [tilespmem:s22+$0x6000]  }
0x1de: {  	v4 =	vld [tilespmem:s22+$0xC000]  }
0x1df: {  	v8 =	vld [tilespmem:s22+$0x10]  }
0x1e0: {  	v9 =	vld [tilespmem:s22+$0xC010];
	_ =	sdelay $0x1  }
0x1e1: {  	v5 =	vld [tilespmem:s22+$0x12000]  }
0x1e2: {  	v6 =	vld [tilespmem:s22+$0x18000];
	v1 =	vadd.f32 v1, v0  }
0x1e3: {  	v7 =	vld [tilespmem:s22+$0x6010];
	v3 =	vadd.f32 v3, v2  }
0x1e4: {  	v9 =	vadd.f32 v9, v8;
	[tilespmem:s22+$0x18030] =	vst v1;
	v1 =	vadd.f32 v4, v2;
	v4 =	vld [tilespmem:s22+$0x12010]  }
0x1e5: {  	v10 =	vld [tilespmem:s22+$0x18010];
	[tilespmem:s22+$0x6000] =	vst v3  }
0x1e6: {  	v3 =	vadd.f32 v5, v2;
	v5 =	vld [tilespmem:s22+$0x6020];
	[tilespmem:s22+$0xC010] =	vst v9  }
0x1e7: {  	v2 =	vadd.f32 v6, v2;
	[tilespmem:s22+$0xC000] =	vst v1;
	v1 =	vld [tilespmem:s22+$0x20]  }
0x1e8: {  	v6 =	vadd.f32 v7, v8;
	[tilespmem:s22+$0x12000] =	vst v3;
	v3 =	vld [tilespmem:s22+$0xC020]  }
0x1e9: {  	[tilespmem:s22+$0x18000] =	vst v2;
	v2 =	vld [tilespmem:s22+$0x12020];
	v7 =	vadd.f32 v4, v8  }
0x1ea: {  	s23 =	simm.s32 $0x0;
	s13 =	simm.s32 $0x8;
	s12 =	simm.s32 $0x200;
	[tilespmem:s22+$0x6010] =	vst v6;
	v6 =	vadd.f32 v10, v8;
	v4 =	vld [tilespmem:s22+$0x18020]  }
.LBB2_10:
0x1eb: {  	s14 =	sand.u32 $0x1C00, s12;
	s15 =	sand.u32 $0x380, s13;
	[tilespmem:s22+$0x12010] =	vst v7;
	v7 =	vld [tilespmem:s22+$0x6030];
	s21 =	sadd.s32 $0x40, s21  }
0x1ec: {  	s23 =	sadd.s32 $0x4, s23;
	s19 =	sand.u32 $0x40, s21;
	s14 =	sor.u32 s15, s14;
	[tilespmem:s22+$0x18010] =	vst v6;
	v5 =	vadd.f32 v5, v1;
	v6 =	vld [tilespmem:s22+$0xC030]  }
0x1ed: {  	p0 =	slt.u32 s23, $0x1FC;
	s14 =	sor.u32 s19, s14;
	v3 =	vadd.f32 v3, v1;
	v8 =	vld [tilespmem:s22+$0x12030]  }
0x1ee: {  	v9 =	vld [tilespmem:s14+$0x30];
	[tilespmem:s22+$0x6020] =	vst v5;
	v2 =	vadd.f32 v2, v1  }
0x1ef: {  	v5 =	vld [tilespmem:s14+$0x18030];
	[tilespmem:s22+$0xC020] =	vst v3;
	v1 =	vadd.f32 v4, v1  }
0x1f0: {  	v3 =	vld [tilespmem:s14+$0x0];
	[tilespmem:s22+$0x12020] =	vst v2;
	v2 =	vadd.f32 v7, v0  }
0x1f1: {  	v4 =	vld [tilespmem:s14+$0x6000];
	[tilespmem:s22+$0x18020] =	vst v1;
	v1 =	vadd.f32 v6, v0  }
0x1f2: {  	v6 =	vld [tilespmem:s14+$0xC000];
	[tilespmem:s22+$0x6030] =	vst v2;
	v2 =	vadd.f32 v8, v0  }
0x1f3: {  	v7 =	vld [tilespmem:s14+$0x12000];
	[tilespmem:s22+$0xC030] =	vst v1;
	v0 =	vmov v9  }
0x1f4: {  	v1 =	vld [tilespmem:s14+$0x18000];
	v5 =	vadd.f32 v5, v0;
	[tilespmem:s22+$0x12030] =	vst v2;
	s22 =	smov.u32 s14  }
0x1f5: {  	v8 =	vld [tilespmem:s22+$0x10]  }
0x1f6: {  	v2 =	vadd.f32 v4, v3;
	v4 =	vld [tilespmem:s22+$0x6010];
	[tilespmem:s22+$0x18030] =	vst v5  }
0x1f7: {  	v5 =	vadd.f32 v6, v3;
	v6 =	vld [tilespmem:s22+$0xC010]  }
0x1f8: {  	[tilespmem:s22+$0x6000] =	vst v2;
	v2 =	vadd.f32 v7, v3;
	v7 =	vld [tilespmem:s22+$0x12010]  }
0x1f9: {  	[tilespmem:s22+$0xC000] =	vst v5;
	v3 =	vadd.f32 v1, v3;
	v9 =	vld [tilespmem:s22+$0x18010]  }
.Ltmp4:
0x1fa: {  	[tilespmem:s22+$0x12000] =	vst v2;
	v1 =	vld [tilespmem:s22+$0x20];
	(pc) =	sbr.rel @p0 .LBB2_10-.Ltmp4, $4  }
0x1fb: {  	[tilespmem:s22+$0x18000] =	vst v3;
	v2 =	vadd.f32 v4, v8;
	v5 =	vld [tilespmem:s22+$0x6020]  }
0x1fc: {  	v4 =	vadd.f32 v6, v8;
	v3 =	vld [tilespmem:s22+$0xC020]  }
0x1fd: {  	[tilespmem:s22+$0x6010] =	vst v2;
	v7 =	vadd.f32 v7, v8;
	v2 =	vld [tilespmem:s22+$0x12020]  }
0x1fe: {  	s12 =	sadd.s32 $0x200, s12;
	s13 =	sadd.s32 $0x8, s13;
	[tilespmem:s22+$0xC010] =	vst v4;
	v6 =	vadd.f32 v9, v8;
	v4 =	vld [tilespmem:s22+$0x18020]  }
0x1ff: {  	v8 =	vld [tilespmem:s22+$0x6030]  }
0x200: {  	[tilespmem:s22+$0x12010] =	vst v7;
	v7 =	vld [tilespmem:s22+$0xC030];
	v5 =	vadd.f32 v5, v1  }
0x201: {  	[tilespmem:s22+$0x18010] =	vst v6;
	v6 =	vld [tilespmem:s22+$0x12030];
	v3 =	vadd.f32 v3, v1  }
0x202: {  	[tilespmem:s22+$0x6020] =	vst v5;
	v2 =	vadd.f32 v2, v1  }
0x203: {  	[tilespmem:s22+$0xC020] =	vst v3;
	v1 =	vadd.f32 v4, v1  }
0x204: {  	[tilespmem:s22+$0x12020] =	vst v2;
	v2 =	vadd.f32 v8, v0  }
0x205: {  	[tilespmem:s22+$0x18020] =	vst v1;
	v1 =	vadd.f32 v7, v0  }
0x206: {  	v0 =	vadd.f32 v6, v0;
	[tilespmem:s22+$0x6030] =	vst v2  }
0x207: {  	[tilespmem:s22+$0xC030] =	vst v1  }
0x208: {  	[tilespmem:s22+$0x12030] =	vst v0  }
0x209: {  	s12 =	sld [smem:$0x7D8];
	_ =	sdelay $0x1  }
0x20a: {  	s21 =	simm.s32 $0x0;
	s13 =	sld [smem:$0x7DA]  }
0x20b: {  	[hbm4b:s12+s21] =	stream.linear.scatter [tilespmem:s16], [sflag:$0x10], $0x2000, $0x38;
	[tilespmem:$0x1C000] =	vst v63  }
0x20c: {  	s14 =	sld [smem:$0x7DC]  }
0x20d: {  	[hbm4b:s13+s21] =	stream.linear.scatter [tilespmem:s17], [sflag:$0x13], $0x2000, $0x38;
	[tilespmem:$0x1C000] =	vst v63  }
0x20e: {  	s15 =	sld [smem:$0x7DE];
	s13 =	simm.s32 $0x12000  }
0x20f: {  	[hbm4b:s14+s21] =	stream.linear.scatter [tilespmem:s13], [sflag:$0x16], $0x2000, $0x38;
	[tilespmem:$0x1C000] =	vst v63  }
0x210: {  	s18 =	simm.s32 $0x18000;
	s19 =	sld [smem:$0x7E9]  }
0x211: {  	[hbm4b:s15+s21] =	stream.linear.scatter [tilespmem:s18], [sflag:$0x19], $0x2000, $0x38;
	[tilespmem:$0x1C000] =	vst v63  }
0x212: {  	_ = 	snop  }
0x213: {  	[tilespmem:s21], [sflag:$0x1] =	stream.linear.gather [hbm4b:s19+s21], $0x2000, $0x38;
	[tilespmem:$0x1C000] =	vst v63  }
0x214: {  	_ =	swait.ge [sflag:s8], $0x2000  }
0x215: {  	s22 =	sld [smem:$0x7ED]  }
0x216: {  	[sflag:s8] =	ssyncset.done $0x0  }
0x217: {  	s23 =	simm.s32 $0x4000;
	[sflag:s8] =	ssyncadd.s32 $0xFFFFE000  }
0x218: {  	[tilespmem:s23], [sflag:$0x3] =	stream.linear.gather [hbm4b:s22+s21], $0x2000, $0x38;
	[tilespmem:$0x1C000] =	vst v63  }
0x219: {  	_ =	swait.ge [sflag:s9], $0x2000  }
0x21a: {  	s13 =	sld [smem:$0x7EE]  }
0x21b: {  	[sflag:s9] =	ssyncset.done $0x0  }
0x21c: {  	s14 =	simm.s32 $0xA000;
	[sflag:s9] =	ssyncadd.s32 $0xFFFFE000  }
0x21d: {  	[tilespmem:s14], [sflag:$0x6] =	stream.linear.gather [hbm4b:s13+s21], $0x2000, $0x38;
	[tilespmem:$0x1C000] =	vst v63  }
0x21e: {  	_ =	swait.ge [sflag:s10], $0x2000  }
0x21f: {  	s15 =	sld [smem:$0x7EF]  }
0x220: {  	[sflag:s10] =	ssyncset.done $0x0  }
0x221: {  	s19 =	simm.s32 $0x10000;
	[sflag:s10] =	ssyncadd.s32 $0xFFFFE000  }
0x222: {  	[tilespmem:s19], [sflag:$0x9] =	stream.linear.gather [hbm4b:s15+s21], $0x2000, $0x38;
	[tilespmem:$0x1C000] =	vst v63  }
0x223: {  	_ =	swait.ge [sflag:s11], $0x2000  }
0x224: {  	s22 =	sld [smem:$0x7F0]  }
0x225: {  	[sflag:s11] =	ssyncset.done $0x0  }
0x226: {  	s23 =	simm.s32 $0x16000;
	[sflag:s11] =	ssyncadd.s32 $0xFFFFE000  }
0x227: {  	[tilespmem:s23], [sflag:$0xC] =	stream.linear.gather [hbm4b:s22+s21], $0x2000, $0x38;
	[tilespmem:$0x1C000] =	vst v63  }
0x228: {  	_ =	swait.ge [sflag:s3], $0x2000  }
0x229: {  	[sflag:s3] =	ssyncset.done $0x0  }
0x22a: {  	s14 =	simm.s32 $0x5;
	[sflag:s3] =	ssyncadd.s32 $0xFFFFE000  }
0x22b: {  	_ =	swait.ge [sflag:s14], $0x2000  }
0x22c: {  	[sflag:s14] =	ssyncset.done $0x0  }
0x22d: {  	s15 =	simm.s32 $0x8;
	[sflag:s14] =	ssyncadd.s32 $0xFFFFE000  }
0x22e: {  	_ =	swait.ge [sflag:s15], $0x2000  }
0x22f: {  	[sflag:s15] =	ssyncset.done $0x0  }
0x230: {  	s19 =	simm.s32 $0xB;
	[sflag:s15] =	ssyncadd.s32 $0xFFFFE000  }
0x231: {  	_ =	swait.ge [sflag:s19], $0x2000  }
0x232: {  	[sflag:s19] =	ssyncset.done $0x0  }
0x233: {  	s15 =	simm.s32 $0xE;
	[sflag:s19] =	ssyncadd.s32 $0xFFFFE000  }
0x234: {  	s22 =	sand.u32 $0x1C00, s21;
	s23 =	sand.u32 $0x380, s21;
	_ =	swait.ge [sflag:s15], $0x2000  }
0x235: {  	s12 =	sor.u32 s23, s22;
	s14 =	sand.u32 $0x40, s21;
	[sflag:s15] =	ssyncset.done $0x0  }
0x236: {  	s22 =	sor.u32 s14, s12;
	[sflag:s15] =	ssyncadd.s32 $0xFFFFE000  }
0x237: {  	v0 =	vld [tilespmem:s22+$0x2030]  }
0x238: {  	v1 =	vld [tilespmem:s22+$0x1A030]  }
0x239: {  	v2 =	vld [tilespmem:s22+$0x2000]  }
0x23a: {  	v3 =	vld [tilespmem:s22+$0x8000]  }
0x23b: {  	v4 =	vld [tilespmem:s22+$0xE000]  }
0x23c: {  	v8 =	vld [tilespmem:s22+$0x2010]  }
0x23d: {  	v9 =	vld [tilespmem:s22+$0xE010];
	_ =	sdelay $0x1  }
0x23e: {  	v5 =	vld [tilespmem:s22+$0x14000]  }
0x23f: {  	v6 =	vld [tilespmem:s22+$0x1A000];
	v1 =	vadd.f32 v1, v0  }
0x240: {  	v7 =	vld [tilespmem:s22+$0x8010];
	v3 =	vadd.f32 v3, v2  }
0x241: {  	v9 =	vadd.f32 v9, v8;
	[tilespmem:s22+$0x1A030] =	vst v1;
	v1 =	vadd.f32 v4, v2;
	v4 =	vld [tilespmem:s22+$0x14010]  }
0x242: {  	v10 =	vld [tilespmem:s22+$0x1A010];
	[tilespmem:s22+$0x8000] =	vst v3  }
0x243: {  	v3 =	vadd.f32 v5, v2;
	v5 =	vld [tilespmem:s22+$0x8020];
	[tilespmem:s22+$0xE010] =	vst v9  }
0x244: {  	v2 =	vadd.f32 v6, v2;
	[tilespmem:s22+$0xE000] =	vst v1;
	v1 =	vld [tilespmem:s22+$0x2020]  }
0x245: {  	v6 =	vadd.f32 v7, v8;
	[tilespmem:s22+$0x14000] =	vst v3;
	v3 =	vld [tilespmem:s22+$0xE020]  }
0x246: {  	[tilespmem:s22+$0x1A000] =	vst v2;
	v2 =	vld [tilespmem:s22+$0x14020];
	v7 =	vadd.f32 v4, v8  }
0x247: {  	s13 =	simm.s32 $0x8;
	s23 =	simm.s32 $0x0;
	s12 =	simm.s32 $0x200;
	[tilespmem:s22+$0x8010] =	vst v6;
	v6 =	vadd.f32 v10, v8;
	v4 =	vld [tilespmem:s22+$0x1A020]  }
.LBB2_12:
0x248: {  	s14 =	sand.u32 $0x1C00, s12;
	s15 =	sand.u32 $0x380, s13;
	[tilespmem:s22+$0x14010] =	vst v7;
	v7 =	vld [tilespmem:s22+$0x8030];
	s21 =	sadd.s32 $0x40, s21  }
0x249: {  	s23 =	sadd.s32 $0x4, s23;
	s19 =	sand.u32 $0x40, s21;
	s14 =	sor.u32 s15, s14;
	[tilespmem:s22+$0x1A010] =	vst v6;
	v5 =	vadd.f32 v5, v1;
	v6 =	vld [tilespmem:s22+$0xE030]  }
0x24a: {  	p0 =	slt.u32 s23, $0x1FC;
	s14 =	sor.u32 s19, s14;
	v3 =	vadd.f32 v3, v1;
	v8 =	vld [tilespmem:s22+$0x14030]  }
0x24b: {  	v9 =	vld [tilespmem:s14+$0x2030];
	[tilespmem:s22+$0x8020] =	vst v5;
	v2 =	vadd.f32 v2, v1  }
0x24c: {  	v5 =	vld [tilespmem:s14+$0x1A030];
	[tilespmem:s22+$0xE020] =	vst v3;
	v1 =	vadd.f32 v4, v1  }
0x24d: {  	v3 =	vld [tilespmem:s14+$0x2000];
	[tilespmem:s22+$0x14020] =	vst v2;
	v2 =	vadd.f32 v7, v0  }
0x24e: {  	v4 =	vld [tilespmem:s14+$0x8000];
	[tilespmem:s22+$0x1A020] =	vst v1;
	v1 =	vadd.f32 v6, v0  }
0x24f: {  	v6 =	vld [tilespmem:s14+$0xE000];
	[tilespmem:s22+$0x8030] =	vst v2;
	v2 =	vadd.f32 v8, v0  }
0x250: {  	v7 =	vld [tilespmem:s14+$0x14000];
	[tilespmem:s22+$0xE030] =	vst v1;
	v0 =	vmov v9  }
0x251: {  	v1 =	vld [tilespmem:s14+$0x1A000];
	v5 =	vadd.f32 v5, v0;
	[tilespmem:s22+$0x14030] =	vst v2;
	s22 =	smov.u32 s14  }
0x252: {  	v8 =	vld [tilespmem:s22+$0x2010]  }
0x253: {  	v2 =	vadd.f32 v4, v3;
	v4 =	vld [tilespmem:s22+$0x8010];
	[tilespmem:s22+$0x1A030] =	vst v5  }
0x254: {  	v5 =	vadd.f32 v6, v3;
	v6 =	vld [tilespmem:s22+$0xE010]  }
0x255: {  	[tilespmem:s22+$0x8000] =	vst v2;
	v2 =	vadd.f32 v7, v3;
	v7 =	vld [tilespmem:s22+$0x14010]  }
0x256: {  	[tilespmem:s22+$0xE000] =	vst v5;
	v3 =	vadd.f32 v1, v3;
	v9 =	vld [tilespmem:s22+$0x1A010]  }
.Ltmp5:
0x257: {  	[tilespmem:s22+$0x14000] =	vst v2;
	v1 =	vld [tilespmem:s22+$0x2020];
	(pc) =	sbr.rel @p0 .LBB2_12-.Ltmp5, $4  }
0x258: {  	[tilespmem:s22+$0x1A000] =	vst v3;
	v2 =	vadd.f32 v4, v8;
	v5 =	vld [tilespmem:s22+$0x8020]  }
0x259: {  	v4 =	vadd.f32 v6, v8;
	v3 =	vld [tilespmem:s22+$0xE020]  }
0x25a: {  	[tilespmem:s22+$0x8010] =	vst v2;
	v7 =	vadd.f32 v7, v8;
	v2 =	vld [tilespmem:s22+$0x14020]  }
0x25b: {  	s12 =	sadd.s32 $0x200, s12;
	s13 =	sadd.s32 $0x8, s13;
	[tilespmem:s22+$0xE010] =	vst v4;
	v6 =	vadd.f32 v9, v8;
	v4 =	vld [tilespmem:s22+$0x1A020]  }
0x25c: {  	v8 =	vld [tilespmem:s22+$0x8030]  }
0x25d: {  	[tilespmem:s22+$0x14010] =	vst v7;
	v7 =	vld [tilespmem:s22+$0xE030];
	v5 =	vadd.f32 v5, v1  }
0x25e: {  	[tilespmem:s22+$0x1A010] =	vst v6;
	v6 =	vld [tilespmem:s22+$0x14030];
	v3 =	vadd.f32 v3, v1  }
0x25f: {  	[tilespmem:s22+$0x8020] =	vst v5;
	v2 =	vadd.f32 v2, v1  }
0x260: {  	[tilespmem:s22+$0xE020] =	vst v3;
	v1 =	vadd.f32 v4, v1  }
0x261: {  	[tilespmem:s22+$0x14020] =	vst v2;
	v2 =	vadd.f32 v8, v0  }
0x262: {  	[tilespmem:s22+$0x1A020] =	vst v1;
	v1 =	vadd.f32 v7, v0  }
0x263: {  	v0 =	vadd.f32 v6, v0;
	[tilespmem:s22+$0x8030] =	vst v2  }
0x264: {  	[tilespmem:s22+$0xE030] =	vst v1  }
0x265: {  	[tilespmem:s22+$0x14030] =	vst v0  }
0x266: {  	s12 =	sld [smem:$0x7E1];
	_ =	sdelay $0x1  }
0x267: {  	s21 =	simm.s32 $0x0;
	s13 =	simm.s32 $0x8000;
	s22 =	sld [smem:$0x7E3]  }
0x268: {  	[hbm4b:s12+s21] =	stream.linear.scatter [tilespmem:s13], [sflag:$0x11], $0x2000, $0x38;
	[tilespmem:$0x1C000] =	vst v63  }
0x269: {  	s23 =	simm.s32 $0xE000;
	s13 =	sld [smem:$0x7E5]  }
0x26a: {  	[hbm4b:s22+s21] =	stream.linear.scatter [tilespmem:s23], [sflag:$0x14], $0x2000, $0x38;
	[tilespmem:$0x1C000] =	vst v63  }
0x26b: {  	s14 =	simm.s32 $0x14000;
	s15 =	sld [smem:$0x7E7]  }
0x26c: {  	[hbm4b:s13+s21] =	stream.linear.scatter [tilespmem:s14], [sflag:$0x17], $0x2000, $0x38;
	[tilespmem:$0x1C000] =	vst v63  }
0x26d: {  	s19 =	simm.s32 $0x1A000;
	s22 =	sld [smem:$0x7EA]  }
0x26e: {  	[hbm4b:s15+s21] =	stream.linear.scatter [tilespmem:s19], [sflag:$0x1A], $0x2000, $0x38;
	[tilespmem:$0x1C000] =	vst v63  }
0x26f: {  	s23 =	simm.s32 $0x2000  }
0x270: {  	[tilespmem:s23], [sflag:$0x2] =	stream.linear.gather [hbm4b:s22+s21], $0x2000, $0x38;
	[tilespmem:$0x1C000] =	vst v63  }
0x271: {  	_ =	swait.ge [sflag:s30], $0x2000  }
0x272: {  	s13 =	sld [smem:$0x7F1]  }
0x273: {  	[sflag:s30] =	ssyncset.done $0x0  }
0x274: {  	[sflag:s30] =	ssyncadd.s32 $0xFFFFE000  }
0x275: {  	[tilespmem:s16], [sflag:$0x4] =	stream.linear.gather [hbm4b:s13+s21], $0x2000, $0x38;
	[tilespmem:$0x1C000] =	vst v63  }
0x276: {  	_ =	swait.ge [sflag:s31], $0x2000  }
0x277: {  	s14 =	sld [smem:$0x7F2]  }
0x278: {  	[sflag:s31] =	ssyncset.done $0x0  }
0x279: {  	[sflag:s31] =	ssyncadd.s32 $0xFFFFE000  }
0x27a: {  	[tilespmem:s17], [sflag:$0x7] =	stream.linear.gather [hbm4b:s14+s21], $0x2000, $0x38;
	[tilespmem:$0x1C000] =	vst v63  }
0x27b: {  	_ =	swait.ge [sflag:s0], $0x2000  }
0x27c: {  	s15 =	sld [smem:$0x7F3]  }
0x27d: {  	[sflag:s0] =	ssyncset.done $0x0  }
0x27e: {  	s16 =	simm.s32 $0x12000;
	[sflag:s0] =	ssyncadd.s32 $0xFFFFE000  }
0x27f: {  	[tilespmem:s16], [sflag:$0xA] =	stream.linear.gather [hbm4b:s15+s21], $0x2000, $0x38;
	[tilespmem:$0x1C000] =	vst v63  }
0x280: {  	_ =	swait.ge [sflag:s2], $0x2000  }
0x281: {  	s19 =	sld [smem:$0x7F4]  }
0x282: {  	[sflag:s2] =	ssyncset.done $0x0  }
0x283: {  	[sflag:s2] =	ssyncadd.s32 $0xFFFFE000  }
0x284: {  	[tilespmem:s18], [sflag:$0xD] =	stream.linear.gather [hbm4b:s19+s21], $0x2000, $0x38;
	[tilespmem:$0x1C000] =	vst v63  }
0x285: {  	_ =	swait.ge [sflag:s24], $0x2000  }
0x286: {  	[sflag:s24] =	ssyncset.done $0x0  }
0x287: {  	[sflag:s24] =	ssyncadd.s32 $0xFFFFE000  }
0x288: {  	_ =	swait.ge [sflag:s25], $0x2000  }
0x289: {  	[sflag:s25] =	ssyncset.done $0x0  }
0x28a: {  	[sflag:s25] =	ssyncadd.s32 $0xFFFFE000  }
0x28b: {  	_ =	swait.ge [sflag:s26], $0x2000  }
0x28c: {  	[sflag:s26] =	ssyncset.done $0x0  }
0x28d: {  	[sflag:s26] =	ssyncadd.s32 $0xFFFFE000  }
0x28e: {  	_ =	swait.ge [sflag:s28], $0x2000  }
0x28f: {  	[sflag:s28] =	ssyncset.done $0x0  }
0x290: {  	[sflag:s28] =	ssyncadd.s32 $0xFFFFE000  }
0x291: {  	s22 =	sand.u32 $0x1C00, s21;
	s23 =	sand.u32 $0x380, s21;
	_ =	swait.ge [sflag:s29], $0x2000  }
0x292: {  	s12 =	sor.u32 s23, s22;
	s14 =	sand.u32 $0x40, s21;
	[sflag:s29] =	ssyncset.done $0x0  }
0x293: {  	s22 =	sor.u32 s14, s12;
	[sflag:s29] =	ssyncadd.s32 $0xFFFFE000  }
0x294: {  	v0 =	vld [tilespmem:s22+$0x30]  }
0x295: {  	v1 =	vld [tilespmem:s22+$0x16030]  }
0x296: {  	v2 =	vld [tilespmem:s22+$0x0]  }
0x297: {  	v3 =	vld [tilespmem:s22+$0x4000]  }
0x298: {  	v4 =	vld [tilespmem:s22+$0xA000]  }
0x299: {  	v8 =	vld [tilespmem:s22+$0x10]  }
0x29a: {  	v9 =	vld [tilespmem:s22+$0xA010];
	_ =	sdelay $0x1  }
0x29b: {  	v5 =	vld [tilespmem:s22+$0x10000]  }
0x29c: {  	v6 =	vld [tilespmem:s22+$0x16000];
	v1 =	vadd.f32 v1, v0  }
0x29d: {  	v7 =	vld [tilespmem:s22+$0x4010];
	v3 =	vadd.f32 v3, v2  }
0x29e: {  	v9 =	vadd.f32 v9, v8;
	[tilespmem:s22+$0x16030] =	vst v1;
	v1 =	vadd.f32 v4, v2;
	v4 =	vld [tilespmem:s22+$0x10010]  }
0x29f: {  	v10 =	vld [tilespmem:s22+$0x16010];
	[tilespmem:s22+$0x4000] =	vst v3  }
0x2a0: {  	v3 =	vadd.f32 v5, v2;
	v5 =	vld [tilespmem:s22+$0x4020];
	[tilespmem:s22+$0xA010] =	vst v9  }
0x2a1: {  	v2 =	vadd.f32 v6, v2;
	[tilespmem:s22+$0xA000] =	vst v1;
	v1 =	vld [tilespmem:s22+$0x20]  }
0x2a2: {  	v6 =	vadd.f32 v7, v8;
	[tilespmem:s22+$0x10000] =	vst v3;
	v3 =	vld [tilespmem:s22+$0xA020]  }
0x2a3: {  	[tilespmem:s22+$0x16000] =	vst v2;
	v2 =	vld [tilespmem:s22+$0x10020];
	v7 =	vadd.f32 v4, v8  }
0x2a4: {  	s23 =	simm.s32 $0x0;
	s13 =	simm.s32 $0x8;
	s12 =	simm.s32 $0x200;
	[tilespmem:s22+$0x4010] =	vst v6;
	v6 =	vadd.f32 v10, v8;
	v4 =	vld [tilespmem:s22+$0x16020]  }
.LBB2_14:
0x2a5: {  	s14 =	sand.u32 $0x1C00, s12;
	s15 =	sand.u32 $0x380, s13;
	[tilespmem:s22+$0x10010] =	vst v7;
	v7 =	vld [tilespmem:s22+$0x4030];
	s21 =	sadd.s32 $0x40, s21  }
0x2a6: {  	s23 =	sadd.s32 $0x4, s23;
	s19 =	sand.u32 $0x40, s21;
	s14 =	sor.u32 s15, s14;
	[tilespmem:s22+$0x16010] =	vst v6;
	v5 =	vadd.f32 v5, v1;
	v6 =	vld [tilespmem:s22+$0xA030]  }
0x2a7: {  	p0 =	slt.u32 s23, $0x1FC;
	s14 =	sor.u32 s19, s14;
	v3 =	vadd.f32 v3, v1;
	v8 =	vld [tilespmem:s22+$0x10030]  }
0x2a8: {  	v9 =	vld [tilespmem:s14+$0x30];
	[tilespmem:s22+$0x4020] =	vst v5;
	v2 =	vadd.f32 v2, v1  }
0x2a9: {  	v5 =	vld [tilespmem:s14+$0x16030];
	[tilespmem:s22+$0xA020] =	vst v3;
	v1 =	vadd.f32 v4, v1  }
0x2aa: {  	v3 =	vld [tilespmem:s14+$0x0];
	[tilespmem:s22+$0x10020] =	vst v2;
	v2 =	vadd.f32 v7, v0  }
0x2ab: {  	v4 =	vld [tilespmem:s14+$0x4000];
	[tilespmem:s22+$0x16020] =	vst v1;
	v1 =	vadd.f32 v6, v0  }
0x2ac: {  	v6 =	vld [tilespmem:s14+$0xA000];
	[tilespmem:s22+$0x4030] =	vst v2;
	v2 =	vadd.f32 v8, v0  }
0x2ad: {  	v7 =	vld [tilespmem:s14+$0x10000];
	[tilespmem:s22+$0xA030] =	vst v1;
	v0 =	vmov v9  }
0x2ae: {  	v1 =	vld [tilespmem:s14+$0x16000];
	v5 =	vadd.f32 v5, v0;
	[tilespmem:s22+$0x10030] =	vst v2;
	s22 =	smov.u32 s14  }
0x2af: {  	v8 =	vld [tilespmem:s22+$0x10]  }
0x2b0: {  	v2 =	vadd.f32 v4, v3;
	v4 =	vld [tilespmem:s22+$0x4010];
	[tilespmem:s22+$0x16030] =	vst v5  }
0x2b1: {  	v5 =	vadd.f32 v6, v3;
	v6 =	vld [tilespmem:s22+$0xA010]  }
0x2b2: {  	[tilespmem:s22+$0x4000] =	vst v2;
	v2 =	vadd.f32 v7, v3;
	v7 =	vld [tilespmem:s22+$0x10010]  }
0x2b3: {  	[tilespmem:s22+$0xA000] =	vst v5;
	v3 =	vadd.f32 v1, v3;
	v9 =	vld [tilespmem:s22+$0x16010]  }
.Ltmp6:
0x2b4: {  	[tilespmem:s22+$0x10000] =	vst v2;
	v1 =	vld [tilespmem:s22+$0x20];
	(pc) =	sbr.rel @p0 .LBB2_14-.Ltmp6, $4  }
0x2b5: {  	[tilespmem:s22+$0x16000] =	vst v3;
	v2 =	vadd.f32 v4, v8;
	v5 =	vld [tilespmem:s22+$0x4020]  }
0x2b6: {  	v4 =	vadd.f32 v6, v8;
	v3 =	vld [tilespmem:s22+$0xA020]  }
0x2b7: {  	[tilespmem:s22+$0x4010] =	vst v2;
	v7 =	vadd.f32 v7, v8;
	v2 =	vld [tilespmem:s22+$0x10020]  }
0x2b8: {  	s12 =	sadd.s32 $0x200, s12;
	s13 =	sadd.s32 $0x8, s13;
	[tilespmem:s22+$0xA010] =	vst v4;
	v6 =	vadd.f32 v9, v8;
	v4 =	vld [tilespmem:s22+$0x16020]  }
0x2b9: {  	v8 =	vld [tilespmem:s22+$0x4030]  }
0x2ba: {  	[tilespmem:s22+$0x10010] =	vst v7;
	v7 =	vld [tilespmem:s22+$0xA030];
	v5 =	vadd.f32 v5, v1  }
0x2bb: {  	[tilespmem:s22+$0x16010] =	vst v6;
	v6 =	vld [tilespmem:s22+$0x10030];
	v3 =	vadd.f32 v3, v1  }
0x2bc: {  	[tilespmem:s22+$0x4020] =	vst v5;
	v2 =	vadd.f32 v2, v1  }
0x2bd: {  	[tilespmem:s22+$0xA020] =	vst v3;
	v1 =	vadd.f32 v4, v1  }
0x2be: {  	[tilespmem:s22+$0x10020] =	vst v2;
	v2 =	vadd.f32 v8, v0  }
0x2bf: {  	[tilespmem:s22+$0x16020] =	vst v1;
	v1 =	vadd.f32 v7, v0  }
0x2c0: {  	v0 =	vadd.f32 v6, v0;
	[tilespmem:s22+$0x4030] =	vst v2  }
0x2c1: {  	[tilespmem:s22+$0xA030] =	vst v1  }
0x2c2: {  	[tilespmem:s22+$0x10030] =	vst v0  }
0x2c3: {  	s12 =	sld [smem:$0x7F5];
	_ =	sdelay $0x1  }
0x2c4: {  	s21 =	simm.s32 $0x0;
	s13 =	simm.s32 $0x4000;
	s22 =	sld [smem:$0x7F6]  }
0x2c5: {  	[hbm4b:s12+s21] =	stream.linear.scatter [tilespmem:s13], [sflag:$0xF], $0x2000, $0x38;
	[tilespmem:$0x1C000] =	vst v63  }
0x2c6: {  	s23 =	simm.s32 $0xA000;
	s13 =	sld [smem:$0x7F7]  }
0x2c7: {  	[hbm4b:s22+s21] =	stream.linear.scatter [tilespmem:s23], [sflag:$0x12], $0x2000, $0x38;
	[tilespmem:$0x1C000] =	vst v63  }
0x2c8: {  	s14 =	simm.s32 $0x10000;
	s15 =	sld [smem:$0x7F8]  }
0x2c9: {  	[hbm4b:s13+s21] =	stream.linear.scatter [tilespmem:s14], [sflag:$0x15], $0x2000, $0x38;
	[tilespmem:$0x1C000] =	vst v63  }
0x2ca: {  	s19 =	simm.s32 $0x16000  }
0x2cb: {  	[hbm4b:s15+s21] =	stream.linear.scatter [tilespmem:s19], [sflag:$0x18], $0x2000, $0x38;
	[tilespmem:$0x1C000] =	vst v63  }
0x2cc: {  	_ =	swait.ge [sflag:s3], $0x2000  }
0x2cd: {  	[sflag:s3] =	ssyncset.done $0x0  }
0x2ce: {  	[sflag:s3] =	ssyncadd.s32 $0xFFFFE000  }
0x2cf: {  	_ =	swait.ge [sflag:s4], $0x2000  }
0x2d0: {  	[sflag:s4] =	ssyncset.done $0x0  }
0x2d1: {  	[sflag:s4] =	ssyncadd.s32 $0xFFFFE000  }
0x2d2: {  	_ =	swait.ge [sflag:s5], $0x2000  }
0x2d3: {  	[sflag:s5] =	ssyncset.done $0x0  }
0x2d4: {  	[sflag:s5] =	ssyncadd.s32 $0xFFFFE000  }
0x2d5: {  	_ =	swait.ge [sflag:s6], $0x2000  }
0x2d6: {  	[sflag:s6] =	ssyncset.done $0x0  }
0x2d7: {  	[sflag:s6] =	ssyncadd.s32 $0xFFFFE000  }
0x2d8: {  	s22 =	sand.u32 $0x1C00, s21;
	s23 =	sand.u32 $0x380, s21;
	_ =	swait.ge [sflag:s7], $0x2000  }
0x2d9: {  	s12 =	sor.u32 s23, s22;
	s14 =	sand.u32 $0x40, s21;
	[sflag:s7] =	ssyncset.done $0x0  }
0x2da: {  	s22 =	sor.u32 s14, s12;
	[sflag:s7] =	ssyncadd.s32 $0xFFFFE000  }
0x2db: {  	v0 =	vld [tilespmem:s22+$0x2030]  }
0x2dc: {  	v1 =	vld [tilespmem:s22+$0x18030]  }
0x2dd: {  	v2 =	vld [tilespmem:s22+$0x2000]  }
0x2de: {  	v3 =	vld [tilespmem:s22+$0x6000]  }
0x2df: {  	v4 =	vld [tilespmem:s22+$0xC000]  }
0x2e0: {  	v8 =	vld [tilespmem:s22+$0x2010]  }
0x2e1: {  	v9 =	vld [tilespmem:s22+$0xC010];
	_ =	sdelay $0x1  }
0x2e2: {  	v5 =	vld [tilespmem:s22+$0x12000]  }
0x2e3: {  	v6 =	vld [tilespmem:s22+$0x18000];
	v1 =	vadd.f32 v1, v0  }
0x2e4: {  	v7 =	vld [tilespmem:s22+$0x6010];
	v3 =	vadd.f32 v3, v2  }
0x2e5: {  	v9 =	vadd.f32 v9, v8;
	[tilespmem:s22+$0x18030] =	vst v1;
	v1 =	vadd.f32 v4, v2;
	v4 =	vld [tilespmem:s22+$0x12010]  }
0x2e6: {  	v10 =	vld [tilespmem:s22+$0x18010];
	[tilespmem:s22+$0x6000] =	vst v3  }
0x2e7: {  	v3 =	vadd.f32 v5, v2;
	v5 =	vld [tilespmem:s22+$0x6020];
	[tilespmem:s22+$0xC010] =	vst v9  }
0x2e8: {  	v2 =	vadd.f32 v6, v2;
	[tilespmem:s22+$0xC000] =	vst v1;
	v1 =	vld [tilespmem:s22+$0x2020]  }
0x2e9: {  	v6 =	vadd.f32 v7, v8;
	[tilespmem:s22+$0x12000] =	vst v3;
	v3 =	vld [tilespmem:s22+$0xC020]  }
0x2ea: {  	[tilespmem:s22+$0x18000] =	vst v2;
	v2 =	vld [tilespmem:s22+$0x12020];
	v7 =	vadd.f32 v4, v8  }
0x2eb: {  	s23 =	simm.s32 $0x0;
	s13 =	simm.s32 $0x8;
	s12 =	simm.s32 $0x200;
	[tilespmem:s22+$0x6010] =	vst v6;
	v6 =	vadd.f32 v10, v8;
	v4 =	vld [tilespmem:s22+$0x18020]  }
.LBB2_16:
0x2ec: {  	s14 =	sand.u32 $0x1C00, s12;
	s15 =	sand.u32 $0x380, s13;
	[tilespmem:s22+$0x12010] =	vst v7;
	v7 =	vld [tilespmem:s22+$0x6030];
	s21 =	sadd.s32 $0x40, s21  }
0x2ed: {  	s23 =	sadd.s32 $0x4, s23;
	s19 =	sand.u32 $0x40, s21;
	s14 =	sor.u32 s15, s14;
	[tilespmem:s22+$0x18010] =	vst v6;
	v5 =	vadd.f32 v5, v1;
	v6 =	vld [tilespmem:s22+$0xC030]  }
0x2ee: {  	p0 =	slt.u32 s23, $0x1FC;
	s14 =	sor.u32 s19, s14;
	v3 =	vadd.f32 v3, v1;
	v8 =	vld [tilespmem:s22+$0x12030]  }
0x2ef: {  	v9 =	vld [tilespmem:s14+$0x2030];
	[tilespmem:s22+$0x6020] =	vst v5;
	v2 =	vadd.f32 v2, v1  }
0x2f0: {  	v5 =	vld [tilespmem:s14+$0x18030];
	[tilespmem:s22+$0xC020] =	vst v3;
	v1 =	vadd.f32 v4, v1  }
0x2f1: {  	v3 =	vld [tilespmem:s14+$0x2000];
	[tilespmem:s22+$0x12020] =	vst v2;
	v2 =	vadd.f32 v7, v0  }
0x2f2: {  	v4 =	vld [tilespmem:s14+$0x6000];
	[tilespmem:s22+$0x18020] =	vst v1;
	v1 =	vadd.f32 v6, v0  }
0x2f3: {  	v6 =	vld [tilespmem:s14+$0xC000];
	[tilespmem:s22+$0x6030] =	vst v2;
	v2 =	vadd.f32 v8, v0  }
0x2f4: {  	v7 =	vld [tilespmem:s14+$0x12000];
	[tilespmem:s22+$0xC030] =	vst v1;
	v0 =	vmov v9  }
0x2f5: {  	v1 =	vld [tilespmem:s14+$0x18000];
	v5 =	vadd.f32 v5, v0;
	[tilespmem:s22+$0x12030] =	vst v2;
	s22 =	smov.u32 s14  }
0x2f6: {  	v8 =	vld [tilespmem:s22+$0x2010]  }
0x2f7: {  	v2 =	vadd.f32 v4, v3;
	v4 =	vld [tilespmem:s22+$0x6010];
	[tilespmem:s22+$0x18030] =	vst v5  }
0x2f8: {  	v5 =	vadd.f32 v6, v3;
	v6 =	vld [tilespmem:s22+$0xC010]  }
0x2f9: {  	[tilespmem:s22+$0x6000] =	vst v2;
	v2 =	vadd.f32 v7, v3;
	v7 =	vld [tilespmem:s22+$0x12010]  }
0x2fa: {  	[tilespmem:s22+$0xC000] =	vst v5;
	v3 =	vadd.f32 v1, v3;
	v9 =	vld [tilespmem:s22+$0x18010]  }
.Ltmp7:
0x2fb: {  	[tilespmem:s22+$0x12000] =	vst v2;
	v1 =	vld [tilespmem:s22+$0x2020];
	(pc) =	sbr.rel @p0 .LBB2_16-.Ltmp7, $4  }
0x2fc: {  	[tilespmem:s22+$0x18000] =	vst v3;
	v2 =	vadd.f32 v4, v8;
	v5 =	vld [tilespmem:s22+$0x6020]  }
0x2fd: {  	v4 =	vadd.f32 v6, v8;
	v3 =	vld [tilespmem:s22+$0xC020]  }
0x2fe: {  	[tilespmem:s22+$0x6010] =	vst v2;
	v7 =	vadd.f32 v7, v8;
	v2 =	vld [tilespmem:s22+$0x12020]  }
0x2ff: {  	s12 =	sadd.s32 $0x200, s12;
	s13 =	sadd.s32 $0x8, s13;
	[tilespmem:s22+$0xC010] =	vst v4;
	v6 =	vadd.f32 v9, v8;
	v4 =	vld [tilespmem:s22+$0x18020]  }
0x300: {  	v8 =	vld [tilespmem:s22+$0x6030]  }
0x301: {  	[tilespmem:s22+$0x12010] =	vst v7;
	v58 =	vld [tilespmem:s22+$0xC030];
	v5 =	vadd.f32 v5, v1  }
0x302: {  	v59 =	vld [tilespmem:s22+$0x12030];
	[tilespmem:s22+$0x18010] =	vst v6;
	v3 =	vadd.f32 v3, v1  }
0x303: {  	[tilespmem:s22+$0x6020] =	vst v5;
	v2 =	vadd.f32 v2, v1  }
0x304: {  	[tilespmem:s22+$0xC020] =	vst v3;
	v60 =	vadd.f32 v4, v1  }
0x305: {  	[tilespmem:s22+$0x12020] =	vst v2;
	v61 =	vadd.f32 v8, v0  }
0x306: {  	v62 =	vadd.f32 v58, v0;
	[tilespmem:s22+$0x18020] =	vst v60  }
0x307: {  	v63 =	vadd.f32 v59, v0;
	[tilespmem:s22+$0x6030] =	vst v61  }
0x308: {  	[tilespmem:s22+$0xC030] =	vst v62  }
0x309: {  	[tilespmem:s22+$0x12030] =	vst v63  }
0x30a: {  	s12 =	sld [smem:$0x7F9];
	_ =	sdelay $0x1  }
0x30b: {  	s14 =	simm.s32 $0x6000;
	s23 =	sld [smem:$0x7FA]  }
0x30c: {  	[hbm4b:s12+s1] =	stream.linear.scatter [tilespmem:s14], [sflag:$0x10], $0x2000, $0x38;
	[tilespmem:$0x1C000] =	vst v63  }
0x30d: {  	s15 =	simm.s32 $0xC000;
	s13 =	sld [smem:$0x7FB]  }
0x30e: {  	[hbm4b:s23+s1] =	stream.linear.scatter [tilespmem:s15], [sflag:$0x13], $0x2000, $0x38;
	[tilespmem:$0x1C000] =	vst v63  }
0x30f: {  	_ = 	snop  }
0x310: {  	[hbm4b:s13+s1] =	stream.linear.scatter [tilespmem:s16], [sflag:$0x16], $0x2000, $0x38;
	[tilespmem:$0x1C000] =	vst v63  }
0x311: {  	s16 =	sld [smem:$0x7FC];
	_ =	sdelay $0x2  }
0x312: {  	[hbm4b:s16+s1] =	stream.linear.scatter [tilespmem:s18], [sflag:$0x19], $0x2000, $0x38;
	[tilespmem:$0x1C000] =	vst v63  }
0x313: {  	s18 =	simm.s32 $0x11  }
0x314: {  	_ =	swait.ge [sflag:s18], $0x2000  }
0x315: {  	[sflag:s18] =	ssyncset.done $0x0  }
0x316: {  	s19 =	simm.s32 $0x14;
	[sflag:s18] =	ssyncadd.s32 $0xFFFFE000  }
0x317: {  	_ =	swait.ge [sflag:s19], $0x2000  }
0x318: {  	[sflag:s19] =	ssyncset.done $0x0  }
0x319: {  	s21 =	simm.s32 $0x17;
	[sflag:s19] =	ssyncadd.s32 $0xFFFFE000  }
0x31a: {  	_ =	swait.ge [sflag:s21], $0x2000  }
0x31b: {  	[sflag:s21] =	ssyncset.done $0x0  }
0x31c: {  	s22 =	simm.s32 $0x1A;
	[sflag:s21] =	ssyncadd.s32 $0xFFFFE000  }
0x31d: {  	_ =	swait.ge [sflag:s22], $0x2000  }
0x31e: {  	[sflag:s22] =	ssyncset.done $0x0  }
0x31f: {  	[sflag:s22] =	ssyncadd.s32 $0xFFFFE000  }
0x320: {  	_ =	swait.ge [sflag:s8], $0x2000  }
0x321: {  	[sflag:s8] =	ssyncset.done $0x0  }
0x322: {  	[sflag:s8] =	ssyncadd.s32 $0xFFFFE000  }
0x323: {  	_ =	swait.ge [sflag:s9], $0x2000  }
0x324: {  	[sflag:s9] =	ssyncset.done $0x0  }
0x325: {  	[sflag:s9] =	ssyncadd.s32 $0xFFFFE000  }
0x326: {  	_ =	swait.ge [sflag:s10], $0x2000  }
0x327: {  	[sflag:s10] =	ssyncset.done $0x0  }
0x328: {  	[sflag:s10] =	ssyncadd.s32 $0xFFFFE000  }
0x329: {  	_ =	swait.ge [sflag:s11], $0x2000  }
0x32a: {  	[sflag:s11] =	ssyncset.done $0x0  }
0x32b: {  	[sflag:s11] =	ssyncadd.s32 $0xFFFFE000  }
0x32c: {  	_ =	swait.ge [sflag:s30], $0x2000  }
0x32d: {  	[sflag:s30] =	ssyncset.done $0x0  }
0x32e: {  	[sflag:s30] =	ssyncadd.s32 $0xFFFFE000  }
0x32f: {  	_ =	swait.ge [sflag:s31], $0x2000  }
0x330: {  	[sflag:s31] =	ssyncset.done $0x0  }
0x331: {  	[sflag:s31] =	ssyncadd.s32 $0xFFFFE000  }
0x332: {  	_ =	swait.ge [sflag:s0], $0x2000  }
0x333: {  	[sflag:s0] =	ssyncset.done $0x0  }
0x334: {  	[sflag:s0] =	ssyncadd.s32 $0xFFFFE000  }
0x335: {  	_ =	swait.ge [sflag:s2], $0x2000  }
0x336: {  	s23 =	sld [smem:$0x7FD];
	_ =	sdelay $0x1  }
0x337: {  	s20 =	sadd.s32 $0x1, s20  }
0x338: {  	p0 =	sne.s32 s20, s23  }
.Ltmp8:
0x339: {  	_ = 	snop;
	(pc) =	sbr.rel @p0 .LBB2_1-.Ltmp8, $3  }
0x33a: {  	_ =	sdelay $0x1  }
0x33b: {  	[sflag:s2] =	ssyncset.done $0x0  }
0x33c: {  	[sflag:s2] =	ssyncadd.s32 $0xFFFFE000  }
0x33d: {  	_ =	sfence.sel $0x180000  }
0x33e: {  	[bflag:$0x0] =	sbarrier.arrive $0xFFFF  }
0x33f: {  	_ =	strace $0x90000047  }
0x340: {  	s0 =	stileid.u32;
	[bflag:$0x2] =	sbarrier.arrive $0xFFFF  }
0x341: {  	p0 =	sne.s32 s0, $0x0;
	s0 =	rddreg [dreg:$0x3]  }
0x342: {  	s0 =	sadd.s32 @!p0 $0x100000, s0  }
0x343: {  	[sflag:s0] =	ssyncadd.tile.s32 @!p0 $0x1;
	_ =	shalt  }
.Lfunc_end2:
_tile_overlayer_lowered:
.L_overlay_start_2:
0x344: {  	(tag) =	ssettag $0x2  }
0x345: {  	s0 =	rddreg [dreg:$0x0];
	s2 =	stileid.u32  }
0x346: {  	s1 =	rddreg [dreg:$0x1];
	p0 =	sne.s32 s2, $0x0  }
0x347: {  	s3 =	rddreg [dreg:$0x2];
	[bflag:$0x3] =	sbarrier.arrive $0xFFFF;
	s2 =	simm.s32 @!p0 $0x1C1B  }
0x348: {  	[timem:s3], [sflag:s2] =	dma.local @!p0 [hbm:s0], s1  }
0x349: {  	s0 =	simm.s32 @!p0 $0x1B  }
0x34a: {  	_ =	swait.ge @!p0 [sflag:s0], s1  }
0x34b: {  	s1 =	ssub.s32 @!p0 $0x0, s1;
	[sflag:s0] =	ssyncset.done @!p0 $0x0  }
0x34c: {  	[sflag:s0] =	ssyncadd.s32 @!p0 s1  }
0x34d: {  	[bflag:$0x3] =	sbarrier.arrive $0xFFFF  }
0x34e: {  	_ =	shalt  }

</sc_bundles>
